<compile_context>
chip_gen: v7x
topology: tpu7x:2x2x1
jax: 0.10.2.dev20260603
libtpu: 0.0.44.dev20260713+nightly
codegen_flags: <defaults>
</compile_context>

<pallas_src>
import functools

import jax
import jax.numpy as jnp
from jax import lax
from jax.experimental import pallas as pl
from jax.experimental.pallas import tpu as pltpu
from jax.experimental.pallas import tpu_sc as plsc

N_NODES = 10000
N_EDGES = 320000
NC, NS = 2, 16
NW = NC * NS
EPW = N_EDGES // NW
CHUNK = 125
NCHUNKS_ALL = N_EDGES // CHUNK
NCHUNK = NCHUNKS_ALL // NW
NPAD = 10112
ROWS_PER_SUB = NPAD // NS
ZROWS = 128
CNTW = 16

_mesh = plsc.VectorSubcoreMesh(core_axis_name="c", subcore_axis_name="s")


def _zero_vmem(ref, rows, width):
    lanes = width // 16

    def body(i, carry):
        ref[i // lanes, pl.ds((i % lanes) * 16, 16)] = jnp.zeros((16,), jnp.float32)
        return carry

    lax.fori_loop(0, rows * lanes, body, 0)


def _clear_rows(zbuf, shared, s):
    base = s * ROWS_PER_SUB
    for k in range(ROWS_PER_SUB // ZROWS):
        pltpu.sync_copy(zbuf, shared.at[pl.ds(base + k * ZROWS, ZROWS)])
    rem = ROWS_PER_SUB % ZROWS
    if rem:
        pltpu.sync_copy(zbuf.at[pl.ds(0, rem)],
                        shared.at[pl.ds(base + (ROWS_PER_SUB // ZROWS) * ZROWS, rem)])


def _make_sc_agg(width, with_cnt=False, nbuf=4):

    out_types = [jax.ShapeDtypeStruct((NC, NPAD, width), jnp.float32)]
    scratch = (
        [
            pltpu.VMEM((NCHUNK, CHUNK), jnp.int32),
            pltpu.VMEM((NCHUNK, CHUNK), jnp.int32),
        ]
        + [pltpu.VMEM((CHUNK, width), jnp.float32)] * nbuf
        + [
            pltpu.VMEM((ZROWS, width), jnp.float32),
            pltpu.VMEM_SHARED((NPAD, width), jnp.float32),
        ]
        + [pltpu.SemaphoreType.DMA] * (2 * nbuf)
    )
    if with_cnt:
        out_types.append(jax.ShapeDtypeStruct((NC, NPAD, CNTW), jnp.float32))
        scratch += [
            pltpu.VMEM((CHUNK, CNTW), jnp.float32),
            pltpu.VMEM((ZROWS, CNTW), jnp.float32),
            pltpu.VMEM_SHARED((NPAD, CNTW), jnp.float32),
            pltpu.SemaphoreType.DMA,
        ]

    def body(y_hbm, ei_hbm, *rest):
        if with_cnt:
            out_hbm, cnt_hbm = rest[0], rest[1]
            rest = rest[2:]
        else:
            out_hbm = rest[0]
            rest = rest[1:]
        src_v, dst_v = rest[0], rest[1]
        rows = rest[2:2 + nbuf]
        zbuf, acc = rest[2 + nbuf], rest[3 + nbuf]
        gsems = rest[4 + nbuf:4 + 2 * nbuf]
        ssems = rest[4 + 2 * nbuf:4 + 3 * nbuf]
        if with_cnt:
            ones_v, zcnt, cntacc, csem = rest[4 + 3 * nbuf:]
        c = lax.axis_index("c")
        s = lax.axis_index("s")
        w = s * NC + c
        bufs = tuple(zip(rows, gsems, ssems))

        _zero_vmem(zbuf, ZROWS, width)
        _clear_rows(zbuf, acc, s)
        if with_cnt:
            _zero_vmem(zcnt, ZROWS, CNTW)
            _clear_rows(zcnt, cntacc, s)

            def ones_body(i, carry):
                ones_v[i, pl.ds(0, CNTW)] = jnp.ones((CNTW,), jnp.float32)
                return carry

            lax.fori_loop(0, CHUNK, ones_body, 0)
        plsc.subcore_barrier()

        pltpu.sync_copy(ei_hbm.at[0].at[pl.ds(w * NCHUNK, NCHUNK)], src_v)
        pltpu.sync_copy(ei_hbm.at[1].at[pl.ds(w * NCHUNK, NCHUNK)], dst_v)

        for b, (rb, gb, sb) in enumerate(bufs):
            pltpu.async_copy(y_hbm.at[src_v.at[b]], rb, gb)

        def consume(jj, rb, gb, sb):
            pltpu.make_async_copy(y_hbm.at[src_v.at[jj]], rb, gb).wait()
            pltpu.async_copy(rb, acc.at[dst_v.at[jj]], sb, add=True)
            if with_cnt:
                pltpu.async_copy(ones_v, cntacc.at[dst_v.at[jj]], csem, add=True)

        def step(t, carry):
            j = nbuf * t
            for b, (rb, gb, sb) in enumerate(bufs):
                consume(j + b, rb, gb, sb)
            for b, (rb, gb, sb) in enumerate(bufs):
                pltpu.make_async_copy(rb, acc.at[dst_v.at[j + b]], sb).wait()
                pltpu.async_copy(y_hbm.at[src_v.at[j + b + nbuf]], rb, gb)
            if with_cnt:
                for b in range(nbuf):
                    pltpu.make_async_copy(
                        ones_v, cntacc.at[dst_v.at[j + b]], csem).wait()
            return carry

        lax.fori_loop(0, NCHUNK // nbuf - 1, step, 0)

        jl = NCHUNK - nbuf
        for b, (rb, gb, sb) in enumerate(bufs):
            consume(jl + b, rb, gb, sb)
        for b, (rb, gb, sb) in enumerate(bufs):
            pltpu.make_async_copy(rb, acc.at[dst_v.at[jl + b]], sb).wait()
        if with_cnt:
            for b in range(nbuf):
                pltpu.make_async_copy(
                    ones_v, cntacc.at[dst_v.at[jl + b]], csem).wait()

        plsc.subcore_barrier()

        rs = pl.ds(s * ROWS_PER_SUB, ROWS_PER_SUB)
        pltpu.sync_copy(acc.at[rs], out_hbm.at[c].at[rs])
        if with_cnt:
            pltpu.sync_copy(cntacc.at[rs], cnt_hbm.at[c].at[rs])

    return pl.kernel(
        body,
        out_type=tuple(out_types) if with_cnt else out_types[0],
        mesh=_mesh,
        scratch_types=scratch,
        compiler_params=pltpu.CompilerParams(use_tc_tiling_on_sc=False),
    )


_sc_agg64 = _make_sc_agg(64, nbuf=4)
_sc_agg64_cnt = _make_sc_agg(64, with_cnt=True, nbuf=2)



_BR = 2000
AW = 64


def _tc_in_body(x_ref, wl_ref, wr_ref, b_ref, *out_refs):
    x = x_ref[...]
    y = jnp.dot(x, wl_ref[...], preferred_element_type=jnp.float32)
    for p, yr in enumerate(out_refs[:-1]):
        yr[...] = y[:, p * AW:(p + 1) * AW]
    out_refs[-1][...] = (
        jnp.dot(x, wr_ref[...], preferred_element_type=jnp.float32) + b_ref[...])


def _tc_in(x, wl, wr, b):
    d, h = wl.shape
    parts = h // AW
    grid = (N_NODES // _BR,)
    return pl.pallas_call(
        _tc_in_body,
        grid=grid,
        in_specs=[
            pl.BlockSpec((_BR, d), lambda i: (i, 0)),
            pl.BlockSpec((d, h), lambda i: (0, 0)),
            pl.BlockSpec((d, h), lambda i: (0, 0)),
            pl.BlockSpec((1, h), lambda i: (0, 0)),
        ],
        out_specs=[pl.BlockSpec((_BR, AW), lambda i: (i, 0))] * parts
                  + [pl.BlockSpec((_BR, h), lambda i: (i, 0))],
        out_shape=[jax.ShapeDtypeStruct((N_NODES, AW), jnp.float32)] * parts
                  + [jax.ShapeDtypeStruct((N_NODES, h), jnp.float32)],
    )(x, wl, wr, b.reshape(1, h))


def _mean_from_parts(agg_refs, cnt_ref):
    agg = jnp.concatenate([a[0] + a[1] for a in agg_refs], axis=1)
    cnt = cnt_ref[0, :, 0:1] + cnt_ref[1, :, 0:1]
    return agg / jnp.maximum(cnt, 1.0)


def _tc_mid_body(nparts, *refs):
    agg_refs = refs[:nparts]
    cnt_ref, z_ref, wl_ref, wr_ref, b_ref = refs[nparts:nparts + 5]
    out_refs = refs[nparts + 5:]
    h = jnp.maximum(_mean_from_parts(agg_refs, cnt_ref) + z_ref[...], 0.0)
    y = jnp.dot(h, wl_ref[...], preferred_element_type=jnp.float32)
    for p, yr in enumerate(out_refs[:-1]):
        yr[...] = y[:, p * AW:(p + 1) * AW]
    out_refs[-1][...] = (
        jnp.dot(h, wr_ref[...], preferred_element_type=jnp.float32) + b_ref[...])


def _tc_mid(agg_parts, cnt, z, wl, wr, b):
    d, h = wl.shape
    nparts = len(agg_parts)
    oparts = h // AW
    grid = (N_NODES // _BR,)
    return pl.pallas_call(
        functools.partial(_tc_mid_body, nparts),
        grid=grid,
        in_specs=[pl.BlockSpec((NC, _BR, AW), lambda i: (0, i, 0))] * nparts + [
            pl.BlockSpec((NC, _BR, CNTW), lambda i: (0, i, 0)),
            pl.BlockSpec((_BR, d), lambda i: (i, 0)),
            pl.BlockSpec((d, h), lambda i: (0, 0)),
            pl.BlockSpec((d, h), lambda i: (0, 0)),
            pl.BlockSpec((1, h), lambda i: (0, 0)),
        ],
        out_specs=[pl.BlockSpec((_BR, AW), lambda i: (i, 0))] * oparts
                  + [pl.BlockSpec((_BR, h), lambda i: (i, 0))],
        out_shape=[jax.ShapeDtypeStruct((N_NODES, AW), jnp.float32)] * oparts
                  + [jax.ShapeDtypeStruct((N_NODES, h), jnp.float32)],
    )(*agg_parts, cnt, z, wl, wr, b.reshape(1, h))


def _tc_out_body(agg_ref, cnt_ref, z_ref, o_ref):
    o_ref[...] = _mean_from_parts([agg_ref], cnt_ref) + z_ref[...]


def _tc_out(agg, cnt, z):
    h = z.shape[1]
    grid = (N_NODES // _BR,)
    return pl.pallas_call(
        _tc_out_body,
        grid=grid,
        in_specs=[
            pl.BlockSpec((NC, _BR, h), lambda i: (0, i, 0)),
            pl.BlockSpec((NC, _BR, CNTW), lambda i: (0, i, 0)),
            pl.BlockSpec((_BR, h), lambda i: (i, 0)),
        ],
        out_specs=pl.BlockSpec((_BR, h), lambda i: (i, 0)),
        out_shape=jax.ShapeDtypeStruct((N_NODES, h), jnp.float32),
    )(agg, cnt, z)


@jax.jit
def kernel(x, edge_index, Wl1, Wr1, b1, Wl2, Wr2, b2, Wl3, Wr3, b3):
    ei = edge_index.astype(jnp.int32).reshape(2, NCHUNKS_ALL, CHUNK)

    *y1, z1 = _tc_in(x, Wl1, Wr1, b1)
    agg1_lo, cnt = _sc_agg64_cnt(y1[0], ei)
    agg1 = [agg1_lo] + [_sc_agg64(yp, ei) for yp in y1[1:]]
    *y2, z2 = _tc_mid(agg1, cnt, z1, Wl2, Wr2, b2)
    agg2 = [_sc_agg64(yp, ei) for yp in y2]
    y3, z3 = _tc_mid(agg2, cnt, z2, Wl3, Wr3, b3)
    agg3 = _sc_agg64(y3, ei)
    return _tc_out(agg3, cnt, z3)

# --- scband reference (transcript-rebuilt; emitter-appended) ---
"""Pipeline reference for scband-graph-sage2-8761733284694 (READ-ONLY COPY).

The authoritative reference and input builder live on the scoring server;
editing this copy changes nothing except your own understanding.
"""

import jax, jax.numpy as jnp
import numpy as np

N_NODES = 10000
N_EDGES = 320000
D_IN = 128
H1 = 128
H2 = 128
N_CLASSES = 64


def _glorot(key, shape):
    fan_in, fan_out = shape[0], shape[1]
    limit = float(np.sqrt(6.0 / (fan_in + fan_out)))
    return jax.random.uniform(key, shape, dtype=jnp.float32, minval=-limit, maxval=limit)


def setup_inputs(seed: int = 0) -> dict:
    key = jax.random.key(seed)
    ks = jax.random.split(key, 12)
    x = jax.random.normal(ks[0], (N_NODES, D_IN), dtype=jnp.float32)
    edge_index = jax.random.randint(ks[1], (2, N_EDGES), 0, N_NODES, dtype=jnp.int64)
    # SAGEConv params: lin_l (applied to aggregated neighbors, with bias),
    # lin_r (applied to root/self features, no bias)
    Wl1 = _glorot(ks[2], (D_IN, H1)); Wr1 = _glorot(ks[3], (D_IN, H1)); b1 = jnp.zeros((H1,), jnp.float32)
    Wl2 = _glorot(ks[4], (H1, H2)); Wr2 = _glorot(ks[5], (H1, H2)); b2 = jnp.zeros((H2,), jnp.float32)
    Wl3 = _glorot(ks[6], (H2, N_CLASSES)); Wr3 = _glorot(ks[7], (H2, N_CLASSES)); b3 = jnp.zeros((N_CLASSES,), jnp.float32)
    return {"x": x, "edge_index": edge_index,
            "Wl1": Wl1, "Wr1": Wr1, "b1": b1,
            "Wl2": Wl2, "Wr2": Wr2, "b2": b2,
            "Wl3": Wl3, "Wr3": Wr3, "b3": b3}


def _sage_conv(x, src, dst, Wl, Wr, b):
    # mean aggregation of source features onto destination nodes
    msgs = jnp.take(x, src, axis=0)                      # gather [E, d]
    agg = jax.ops.segment_sum(msgs, dst, num_segments=N_NODES)  # scatter-add
    cnt = jax.ops.segment_sum(jnp.ones((src.shape[0],), jnp.float32), dst, num_segments=N_NODES)
    mean = agg / jnp.maximum(cnt, 1.0)[:, None]
    return mean @ Wl + x @ Wr + b


def reference(x, edge_index, Wl1, Wr1, b1, Wl2, Wr2, b2, Wl3, Wr3, b3):
    src = edge_index[0]
    dst = edge_index[1]
    h = _sage_conv(x, src, dst, Wl1, Wr1, b1)
    h = jax.nn.relu(h)
    # dropout p=0.5 is identity in eval mode (training=False)
    h = _sage_conv(h, src, dst, Wl2, Wr2, b2)
    h = jax.nn.relu(h)
    h = _sage_conv(h, src, dst, Wl3, Wr3, b3)
    return h

if __name__ == "__main__":
    import jax
    _d = setup_inputs()
    print(jax.jit(kernel)(*tuple(_d.values())))

</pallas_src>

<mosaic_0001>
#map = affine_map<(d0, d1) -> (0, 0)>
#map1 = affine_map<(d0, d1) -> (0, 0, 0)>
module attributes {stable_mosaic.version = 14 : i64} {
  func.func @body(%arg0: i32, %arg1: i32, %arg2: memref<10000x64xf32, #tpu.memory_space<hbm>>, %arg3: memref<2x2560x125xi32, #tpu.memory_space<hbm>>, %arg4: memref<2x10112x64xf32, #tpu.memory_space<hbm>>, %arg5: memref<2x10112x16xf32, #tpu.memory_space<hbm>>, %arg6: memref<80x125xi32, #tpu.memory_space<vmem>>, %arg7: memref<80x125xi32, #tpu.memory_space<vmem>>, %arg8: memref<125x64xf32, #tpu.memory_space<vmem>>, %arg9: memref<125x64xf32, #tpu.memory_space<vmem>>, %arg10: memref<128x64xf32, #tpu.memory_space<vmem>>, %arg11: memref<10112x64xf32, #tpu.memory_space<vmem_shared>>, %arg12: memref<!tpu.dma_semaphore, #tpu.memory_space<semaphore_mem>>, %arg13: memref<!tpu.dma_semaphore, #tpu.memory_space<semaphore_mem>>, %arg14: memref<!tpu.dma_semaphore, #tpu.memory_space<semaphore_mem>>, %arg15: memref<!tpu.dma_semaphore, #tpu.memory_space<semaphore_mem>>, %arg16: memref<125x16xf32, #tpu.memory_space<vmem>>, %arg17: memref<128x16xf32, #tpu.memory_space<vmem>>, %arg18: memref<10112x16xf32, #tpu.memory_space<vmem_shared>>, %arg19: memref<!tpu.dma_semaphore, #tpu.memory_space<semaphore_mem>>) attributes {dimension_semantics = [#tpu.dimension_semantics<core_parallel>, #tpu.dimension_semantics<subcore_parallel>], iteration_bounds = array<i64: 2, 16>, scalar_prefetch = 0 : i64, scratch_operands = 14 : i64, tpu.core_type = #tpu.core_type<sc_vector_subcore>, window_params = [{transform_indices = #map}, {transform_indices = #map1}, {transform_indices = #map1}, {transform_indices = #map1}]} {
    %mul3A = arith.constant 2 : i32
    %mul3A_0 = arith.muli %arg1, %mul3A : i32
    %add3A = arith.addi %mul3A_0, %arg0 : i32
    %scan3A = arith.constant 0 : i32
    %scan3A_1 = arith.constant 0 : i32
    %scan3A_2 = arith.constant 512 : i32
    %scan3A_3 = arith.addi %scan3A_1, %scan3A_2 : i32
    %scan3A_4 = arith.constant 1 : i32
    scf.for %scan3A_138 = %scan3A_1 to %scan3A_3 step %scan3A_4  : i32 {
      %broadcast_in_dim3A = arith.constant 0.000000e+00 : f32
      %broadcast_in_dim3A_139 = vector.broadcast %broadcast_in_dim3A : f32 to vector<16xf32>
      %jit3A = arith.constant 4 : i32
      %div3A = arith.divsi %scan3A_138, %jit3A : i32
      %sign3A = arith.constant 0 : i32
      %sign3A_140 = arith.cmpi sgt, %scan3A_138, %sign3A : i32
      %sign3A_141 = arith.extui %sign3A_140 : i1 to i32
      %sign3A_142 = arith.constant 0 : i32
      %sign3A_143 = arith.cmpi slt, %scan3A_138, %sign3A_142 : i32
      %sign3A_144 = arith.extui %sign3A_143 : i1 to i32
      %sign3A_145 = arith.subi %sign3A_141, %sign3A_144 : i32
      %sign3A_146 = arith.constant 0 : i32
      %sign3A_147 = arith.cmpi sgt, %jit3A, %sign3A_146 : i32
      %sign3A_148 = arith.extui %sign3A_147 : i1 to i32
      %sign3A_149 = arith.constant 0 : i32
      %sign3A_150 = arith.cmpi slt, %jit3A, %sign3A_149 : i32
      %sign3A_151 = arith.extui %sign3A_150 : i1 to i32
      %sign3A_152 = arith.subi %sign3A_148, %sign3A_151 : i32
      %ne3A = arith.cmpi ne, %sign3A_145, %sign3A_152 : i32
      %rem3A = arith.remsi %scan3A_138, %jit3A : i32
      %ne3A_153 = arith.constant 0 : i32
      %ne3A_154 = arith.cmpi ne, %rem3A, %ne3A_153 : i32
      %and3A = arith.andi %ne3A, %ne3A_154 : i1
      %sub3A = arith.constant 1 : i32
      %sub3A_155 = arith.subi %div3A, %sub3A : i32
      %select_n3A = arith.select %and3A, %sub3A_155, %div3A : i32
      %jit3A_156 = arith.constant 4 : i32
      %eq3A = arith.constant 0 : i32
      %eq3A_157 = arith.cmpi eq, %jit3A_156, %eq3A : i32
      %jit3A_158 = arith.constant 1 : i32
      %select_n3A_159 = arith.select %eq3A_157, %jit3A_158, %jit3A_156 : i32
      %rem3A_160 = arith.remsi %scan3A_138, %select_n3A_159 : i32
      %ne3A_161 = arith.constant 0 : i32
      %ne3A_162 = arith.cmpi ne, %rem3A_160, %ne3A_161 : i32
      %lt3A = arith.constant 0 : i32
      %lt3A_163 = arith.cmpi slt, %rem3A_160, %lt3A : i32
      %lt3A_164 = arith.constant 0 : i32
      %lt3A_165 = arith.cmpi slt, %select_n3A_159, %lt3A_164 : i32
      %ne3A_166 = arith.xori %lt3A_163, %lt3A_165 : i1
      %and3A_167 = arith.andi %ne3A_166, %ne3A_162 : i1
      %add3A_168 = arith.addi %rem3A_160, %select_n3A_159 : i32
      %select_n3A_169 = arith.select %and3A_167, %add3A_168, %rem3A_160 : i32
      %mul3A_170 = arith.constant 16 : i32
      %mul3A_171 = arith.muli %select_n3A_169, %mul3A_170 : i32
      %swap3A = arith.index_cast %select_n3A : i32 to index
      %swap3A_172 = arith.index_cast %mul3A_171 : i32 to index
      %swap3A_173 = tpu.vector_load %arg10[%swap3A, %swap3A_172] {strides = array<i32>} : memref<128x64xf32, #tpu.memory_space<vmem>>, vector<1x16xf32>,
      %swap3A_174 = vector.shape_cast %swap3A_173 : vector<1x16xf32> to vector<16xf32>
      %swap3A_175 = vector.shape_cast %broadcast_in_dim3A_139 : vector<16xf32> to vector<1x16xf32>
      tpu.vector_store %arg10[%swap3A, %swap3A_172], %swap3A_175 {strides = array<i32>} : memref<128x64xf32, #tpu.memory_space<vmem>>, vector<1x16xf32>,
    }
    %scan3A_5 = arith.constant 512 : i32
    %mul3A_6 = arith.constant 632 : i32
    %mul3A_7 = arith.muli %arg1, %mul3A_6 : i32
    %add3A_8 = arith.constant 0 : i32
    %add3A_9 = arith.addi %mul3A_7, %add3A_8 : i32
    "tpu.region"() ({
      %run_scoped3A_138 = tpu.sem_alloc : memref<!tpu.dma_semaphore, #tpu.memory_space<semaphore_mem>>
      %dma_start3A_139 = arith.constant 0 : i32
      %dma_start3A_140 = tpu.memref_slice %arg11[%add3A_9, %dma_start3A_139] : memref<10112x64xf32, #tpu.memory_space<vmem_shared>> -> memref<128x64xf32, #tpu.memory_space<vmem_shared>>
      %dma_start3A_141 = arith.constant 0 : i32
      %dma_start3A_142 = tpu.memref_slice %arg11[%add3A_9, %dma_start3A_141] : memref<10112x64xf32, #tpu.memory_space<vmem_shared>> -> memref<128x64xf32, #tpu.memory_space<vmem_shared>>
      tpu.enqueue_dma source(%arg10 : memref<128x64xf32, #tpu.memory_space<vmem>>) target(%dma_start3A_142 : memref<128x64xf32, #tpu.memory_space<vmem_shared>>) target_semaphore(%run_scoped3A_138 : memref<!tpu.dma_semaphore, #tpu.memory_space<semaphore_mem>>)
      %dma_wait3A_143 = arith.constant 0 : i32
      %dma_wait3A_144 = tpu.memref_slice %arg11[%add3A_9, %dma_wait3A_143] : memref<10112x64xf32, #tpu.memory_space<vmem_shared>> -> memref<128x64xf32, #tpu.memory_space<vmem_shared>>
      %dma_wait3A_145 = arith.constant 0 : i32
      %dma_wait3A_146 = tpu.memref_slice %arg11[%add3A_9, %dma_wait3A_145] : memref<10112x64xf32, #tpu.memory_space<vmem_shared>> -> memref<128x64xf32, #tpu.memory_space<vmem_shared>>
      tpu.wait_dma2 semaphore(%run_scoped3A_138 : memref<!tpu.dma_semaphore, #tpu.memory_space<semaphore_mem>>) src(%arg10 : memref<128x64xf32, #tpu.memory_space<vmem>>) dst(%dma_wait3A_146 : memref<128x64xf32, #tpu.memory_space<vmem_shared>>)
      tpu.yield
    }) : () -> ()
    %add3A_10 = arith.constant 128 : i32
    %add3A_11 = arith.addi %mul3A_7, %add3A_10 : i32
    "tpu.region"() ({
      %run_scoped3A_138 = tpu.sem_alloc : memref<!tpu.dma_semaphore, #tpu.memory_space<semaphore_mem>>
      %dma_start3A_139 = arith.constant 0 : i32
      %dma_start3A_140 = tpu.memref_slice %arg11[%add3A_11, %dma_start3A_139] : memref<10112x64xf32, #tpu.memory_space<vmem_shared>> -> memref<128x64xf32, #tpu.memory_space<vmem_shared>>
      %dma_start3A_141 = arith.constant 0 : i32
      %dma_start3A_142 = tpu.memref_slice %arg11[%add3A_11, %dma_start3A_141] : memref<10112x64xf32, #tpu.memory_space<vmem_shared>> -> memref<128x64xf32, #tpu.memory_space<vmem_shared>>
      tpu.enqueue_dma source(%arg10 : memref<128x64xf32, #tpu.memory_space<vmem>>) target(%dma_start3A_142 : memref<128x64xf32, #tpu.memory_space<vmem_shared>>) target_semaphore(%run_scoped3A_138 : memref<!tpu.dma_semaphore, #tpu.memory_space<semaphore_mem>>)
      %dma_wait3A_143 = arith.constant 0 : i32
      %dma_wait3A_144 = tpu.memref_slice %arg11[%add3A_11, %dma_wait3A_143] : memref<10112x64xf32, #tpu.memory_space<vmem_shared>> -> memref<128x64xf32, #tpu.memory_space<vmem_shared>>
      %dma_wait3A_145 = arith.constant 0 : i32
      %dma_wait3A_146 = tpu.memref_slice %arg11[%add3A_11, %dma_wait3A_145] : memref<10112x64xf32, #tpu.memory_space<vmem_shared>> -> memref<128x64xf32, #tpu.memory_space<vmem_shared>>
      tpu.wait_dma2 semaphore(%run_scoped3A_138 : memref<!tpu.dma_semaphore, #tpu.memory_space<semaphore_mem>>) src(%arg10 : memref<128x64xf32, #tpu.memory_space<vmem>>) dst(%dma_wait3A_146 : memref<128x64xf32, #tpu.memory_space<vmem_shared>>)
      tpu.yield
    }) : () -> ()
    %add3A_12 = arith.constant 256 : i32
    %add3A_13 = arith.addi %mul3A_7, %add3A_12 : i32
    "tpu.region"() ({
      %run_scoped3A_138 = tpu.sem_alloc : memref<!tpu.dma_semaphore, #tpu.memory_space<semaphore_mem>>
      %dma_start3A_139 = arith.constant 0 : i32
      %dma_start3A_140 = tpu.memref_slice %arg11[%add3A_13, %dma_start3A_139] : memref<10112x64xf32, #tpu.memory_space<vmem_shared>> -> memref<128x64xf32, #tpu.memory_space<vmem_shared>>
      %dma_start3A_141 = arith.constant 0 : i32
      %dma_start3A_142 = tpu.memref_slice %arg11[%add3A_13, %dma_start3A_141] : memref<10112x64xf32, #tpu.memory_space<vmem_shared>> -> memref<128x64xf32, #tpu.memory_space<vmem_shared>>
      tpu.enqueue_dma source(%arg10 : memref<128x64xf32, #tpu.memory_space<vmem>>) target(%dma_start3A_142 : memref<128x64xf32, #tpu.memory_space<vmem_shared>>) target_semaphore(%run_scoped3A_138 : memref<!tpu.dma_semaphore, #tpu.memory_space<semaphore_mem>>)
      %dma_wait3A_143 = arith.constant 0 : i32
      %dma_wait3A_144 = tpu.memref_slice %arg11[%add3A_13, %dma_wait3A_143] : memref<10112x64xf32, #tpu.memory_space<vmem_shared>> -> memref<128x64xf32, #tpu.memory_space<vmem_shared>>
      %dma_wait3A_145 = arith.constant 0 : i32
      %dma_wait3A_146 = tpu.memref_slice %arg11[%add3A_13, %dma_wait3A_145] : memref<10112x64xf32, #tpu.memory_space<vmem_shared>> -> memref<128x64xf32, #tpu.memory_space<vmem_shared>>
      tpu.wait_dma2 semaphore(%run_scoped3A_138 : memref<!tpu.dma_semaphore, #tpu.memory_space<semaphore_mem>>) src(%arg10 : memref<128x64xf32, #tpu.memory_space<vmem>>) dst(%dma_wait3A_146 : memref<128x64xf32, #tpu.memory_space<vmem_shared>>)
      tpu.yield
    }) : () -> ()
    %add3A_14 = arith.constant 384 : i32
    %add3A_15 = arith.addi %mul3A_7, %add3A_14 : i32
    "tpu.region"() ({
      %run_scoped3A_138 = tpu.sem_alloc : memref<!tpu.dma_semaphore, #tpu.memory_space<semaphore_mem>>
      %dma_start3A_139 = arith.constant 0 : i32
      %dma_start3A_140 = tpu.memref_slice %arg11[%add3A_15, %dma_start3A_139] : memref<10112x64xf32, #tpu.memory_space<vmem_shared>> -> memref<128x64xf32, #tpu.memory_space<vmem_shared>>
      %dma_start3A_141 = arith.constant 0 : i32
      %dma_start3A_142 = tpu.memref_slice %arg11[%add3A_15, %dma_start3A_141] : memref<10112x64xf32, #tpu.memory_space<vmem_shared>> -> memref<128x64xf32, #tpu.memory_space<vmem_shared>>
      tpu.enqueue_dma source(%arg10 : memref<128x64xf32, #tpu.memory_space<vmem>>) target(%dma_start3A_142 : memref<128x64xf32, #tpu.memory_space<vmem_shared>>) target_semaphore(%run_scoped3A_138 : memref<!tpu.dma_semaphore, #tpu.memory_space<semaphore_mem>>)
      %dma_wait3A_143 = arith.constant 0 : i32
      %dma_wait3A_144 = tpu.memref_slice %arg11[%add3A_15, %dma_wait3A_143] : memref<10112x64xf32, #tpu.memory_space<vmem_shared>> -> memref<128x64xf32, #tpu.memory_space<vmem_shared>>
      %dma_wait3A_145 = arith.constant 0 : i32
      %dma_wait3A_146 = tpu.memref_slice %arg11[%add3A_15, %dma_wait3A_145] : memref<10112x64xf32, #tpu.memory_space<vmem_shared>> -> memref<128x64xf32, #tpu.memory_space<vmem_shared>>
      tpu.wait_dma2 semaphore(%run_scoped3A_138 : memref<!tpu.dma_semaphore, #tpu.memory_space<semaphore_mem>>) src(%arg10 : memref<128x64xf32, #tpu.memory_space<vmem>>) dst(%dma_wait3A_146 : memref<128x64xf32, #tpu.memory_space<vmem_shared>>)
      tpu.yield
    }) : () -> ()
    %add3A_16 = arith.constant 512 : i32
    %add3A_17 = arith.addi %mul3A_7, %add3A_16 : i32
    "tpu.region"() ({
      %run_scoped3A_138 = tpu.sem_alloc : memref<!tpu.dma_semaphore, #tpu.memory_space<semaphore_mem>>
      %dma_start3A_139 = arith.constant 0 : i32
      %dma_start3A_140 = arith.constant 0 : i32
      %dma_start3A_141 = tpu.memref_slice %arg10[%dma_start3A_139, %dma_start3A_140] : memref<128x64xf32, #tpu.memory_space<vmem>> -> memref<120x64xf32, #tpu.memory_space<vmem>>
      %dma_start3A_142 = arith.constant 0 : i32
      %dma_start3A_143 = tpu.memref_slice %arg11[%add3A_17, %dma_start3A_142] : memref<10112x64xf32, #tpu.memory_space<vmem_shared>> -> memref<120x64xf32, #tpu.memory_space<vmem_shared>>
      %dma_start3A_144 = arith.constant 0 : i32
      %dma_start3A_145 = tpu.memref_slice %arg11[%add3A_17, %dma_start3A_144] : memref<10112x64xf32, #tpu.memory_space<vmem_shared>> -> memref<120x64xf32, #tpu.memory_space<vmem_shared>>
      %dma_start3A_146 = arith.constant 0 : i32
      %dma_start3A_147 = arith.constant 0 : i32
      %dma_start3A_148 = tpu.memref_slice %arg10[%dma_start3A_146, %dma_start3A_147] : memref<128x64xf32, #tpu.memory_space<vmem>> -> memref<120x64xf32, #tpu.memory_space<vmem>>
      tpu.enqueue_dma source(%dma_start3A_148 : memref<120x64xf32, #tpu.memory_space<vmem>>) target(%dma_start3A_145 : memref<120x64xf32, #tpu.memory_space<vmem_shared>>) target_semaphore(%run_scoped3A_138 : memref<!tpu.dma_semaphore, #tpu.memory_space<semaphore_mem>>)
      %dma_wait3A_149 = arith.constant 0 : i32
      %dma_wait3A_150 = arith.constant 0 : i32
      %dma_wait3A_151 = tpu.memref_slice %arg10[%dma_wait3A_149, %dma_wait3A_150] : memref<128x64xf32, #tpu.memory_space<vmem>> -> memref<120x64xf32, #tpu.memory_space<vmem>>
      %dma_wait3A_152 = arith.constant 0 : i32
      %dma_wait3A_153 = tpu.memref_slice %arg11[%add3A_17, %dma_wait3A_152] : memref<10112x64xf32, #tpu.memory_space<vmem_shared>> -> memref<120x64xf32, #tpu.memory_space<vmem_shared>>
      %dma_wait3A_154 = arith.constant 0 : i32
      %dma_wait3A_155 = tpu.memref_slice %arg11[%add3A_17, %dma_wait3A_154] : memref<10112x64xf32, #tpu.memory_space<vmem_shared>> -> memref<120x64xf32, #tpu.memory_space<vmem_shared>>
      %dma_wait3A_156 = arith.constant 0 : i32
      %dma_wait3A_157 = arith.constant 0 : i32
      %dma_wait3A_158 = tpu.memref_slice %arg10[%dma_wait3A_156, %dma_wait3A_157] : memref<128x64xf32, #tpu.memory_space<vmem>> -> memref<120x64xf32, #tpu.memory_space<vmem>>
      tpu.wait_dma2 semaphore(%run_scoped3A_138 : memref<!tpu.dma_semaphore, #tpu.memory_space<semaphore_mem>>) src(%dma_wait3A_158 : memref<120x64xf32, #tpu.memory_space<vmem>>) dst(%dma_wait3A_155 : memref<120x64xf32, #tpu.memory_space<vmem_shared>>)
      tpu.yield
    }) : () -> ()
    %scan3A_18 = arith.constant 0 : i32
    %scan3A_19 = arith.constant 0 : i32
    %scan3A_20 = arith.constant 128 : i32
    %scan3A_21 = arith.addi %scan3A_19, %scan3A_20 : i32
    %scan3A_22 = arith.constant 1 : i32
    scf.for %scan3A_138 = %scan3A_19 to %scan3A_21 step %scan3A_22  : i32 {
      %broadcast_in_dim3A = arith.constant 0.000000e+00 : f32
      %broadcast_in_dim3A_139 = vector.broadcast %broadcast_in_dim3A : f32 to vector<16xf32>
      %jit3A = arith.constant 1 : i32
      %div3A = arith.divsi %scan3A_138, %jit3A : i32
      %sign3A = arith.constant 0 : i32
      %sign3A_140 = arith.cmpi sgt, %scan3A_138, %sign3A : i32
      %sign3A_141 = arith.extui %sign3A_140 : i1 to i32
      %sign3A_142 = arith.constant 0 : i32
      %sign3A_143 = arith.cmpi slt, %scan3A_138, %sign3A_142 : i32
      %sign3A_144 = arith.extui %sign3A_143 : i1 to i32
      %sign3A_145 = arith.subi %sign3A_141, %sign3A_144 : i32
      %sign3A_146 = arith.constant 0 : i32
      %sign3A_147 = arith.cmpi sgt, %jit3A, %sign3A_146 : i32
      %sign3A_148 = arith.extui %sign3A_147 : i1 to i32
      %sign3A_149 = arith.constant 0 : i32
      %sign3A_150 = arith.cmpi slt, %jit3A, %sign3A_149 : i32
      %sign3A_151 = arith.extui %sign3A_150 : i1 to i32
      %sign3A_152 = arith.subi %sign3A_148, %sign3A_151 : i32
      %ne3A = arith.cmpi ne, %sign3A_145, %sign3A_152 : i32
      %rem3A = arith.remsi %scan3A_138, %jit3A : i32
      %ne3A_153 = arith.constant 0 : i32
      %ne3A_154 = arith.cmpi ne, %rem3A, %ne3A_153 : i32
      %and3A = arith.andi %ne3A, %ne3A_154 : i1
      %sub3A = arith.constant 1 : i32
      %sub3A_155 = arith.subi %div3A, %sub3A : i32
      %select_n3A = arith.select %and3A, %sub3A_155, %div3A : i32
      %jit3A_156 = arith.constant 1 : i32
      %eq3A = arith.constant 0 : i32
      %eq3A_157 = arith.cmpi eq, %jit3A_156, %eq3A : i32
      %jit3A_158 = arith.constant 1 : i32
      %select_n3A_159 = arith.select %eq3A_157, %jit3A_158, %jit3A_156 : i32
      %rem3A_160 = arith.remsi %scan3A_138, %select_n3A_159 : i32
      %ne3A_161 = arith.constant 0 : i32
      %ne3A_162 = arith.cmpi ne, %rem3A_160, %ne3A_161 : i32
      %lt3A = arith.constant 0 : i32
      %lt3A_163 = arith.cmpi slt, %rem3A_160, %lt3A : i32
      %lt3A_164 = arith.constant 0 : i32
      %lt3A_165 = arith.cmpi slt, %select_n3A_159, %lt3A_164 : i32
      %ne3A_166 = arith.xori %lt3A_163, %lt3A_165 : i1
      %and3A_167 = arith.andi %ne3A_166, %ne3A_162 : i1
      %add3A_168 = arith.addi %rem3A_160, %select_n3A_159 : i32
      %select_n3A_169 = arith.select %and3A_167, %add3A_168, %rem3A_160 : i32
      %mul3A_170 = arith.constant 16 : i32
      %mul3A_171 = arith.muli %select_n3A_169, %mul3A_170 : i32
      %swap3A = arith.index_cast %select_n3A : i32 to index
      %swap3A_172 = arith.index_cast %mul3A_171 : i32 to index
      %swap3A_173 = tpu.vector_load %arg17[%swap3A, %swap3A_172] {strides = array<i32>} : memref<128x16xf32, #tpu.memory_space<vmem>>, vector<1x16xf32>,
      %swap3A_174 = vector.shape_cast %swap3A_173 : vector<1x16xf32> to vector<16xf32>
      %swap3A_175 = vector.shape_cast %broadcast_in_dim3A_139 : vector<16xf32> to vector<1x16xf32>
      tpu.vector_store %arg17[%swap3A, %swap3A_172], %swap3A_175 {strides = array<i32>} : memref<128x16xf32, #tpu.memory_space<vmem>>, vector<1x16xf32>,
    }
    %scan3A_23 = arith.constant 128 : i32
    %mul3A_24 = arith.constant 632 : i32
    %mul3A_25 = arith.muli %arg1, %mul3A_24 : i32
    %add3A_26 = arith.constant 0 : i32
    %add3A_27 = arith.addi %mul3A_25, %add3A_26 : i32
    "tpu.region"() ({
      %run_scoped3A_138 = tpu.sem_alloc : memref<!tpu.dma_semaphore, #tpu.memory_space<semaphore_mem>>
      %dma_start3A_139 = arith.constant 0 : i32
      %dma_start3A_140 = tpu.memref_slice %arg18[%add3A_27, %dma_start3A_139] : memref<10112x16xf32, #tpu.memory_space<vmem_shared>> -> memref<128x16xf32, #tpu.memory_space<vmem_shared>>
      %dma_start3A_141 = arith.constant 0 : i32
      %dma_start3A_142 = tpu.memref_slice %arg18[%add3A_27, %dma_start3A_141] : memref<10112x16xf32, #tpu.memory_space<vmem_shared>> -> memref<128x16xf32, #tpu.memory_space<vmem_shared>>
      tpu.enqueue_dma source(%arg17 : memref<128x16xf32, #tpu.memory_space<vmem>>) target(%dma_start3A_142 : memref<128x16xf32, #tpu.memory_space<vmem_shared>>) target_semaphore(%run_scoped3A_138 : memref<!tpu.dma_semaphore, #tpu.memory_space<semaphore_mem>>)
      %dma_wait3A_143 = arith.constant 0 : i32
      %dma_wait3A_144 = tpu.memref_slice %arg18[%add3A_27, %dma_wait3A_143] : memref<10112x16xf32, #tpu.memory_space<vmem_shared>> -> memref<128x16xf32, #tpu.memory_space<vmem_shared>>
      %dma_wait3A_145 = arith.constant 0 : i32
      %dma_wait3A_146 = tpu.memref_slice %arg18[%add3A_27, %dma_wait3A_145] : memref<10112x16xf32, #tpu.memory_space<vmem_shared>> -> memref<128x16xf32, #tpu.memory_space<vmem_shared>>
      tpu.wait_dma2 semaphore(%run_scoped3A_138 : memref<!tpu.dma_semaphore, #tpu.memory_space<semaphore_mem>>) src(%arg17 : memref<128x16xf32, #tpu.memory_space<vmem>>) dst(%dma_wait3A_146 : memref<128x16xf32, #tpu.memory_space<vmem_shared>>)
      tpu.yield
    }) : () -> ()
    %add3A_28 = arith.constant 128 : i32
    %add3A_29 = arith.addi %mul3A_25, %add3A_28 : i32
    "tpu.region"() ({
      %run_scoped3A_138 = tpu.sem_alloc : memref<!tpu.dma_semaphore, #tpu.memory_space<semaphore_mem>>
      %dma_start3A_139 = arith.constant 0 : i32
      %dma_start3A_140 = tpu.memref_slice %arg18[%add3A_29, %dma_start3A_139] : memref<10112x16xf32, #tpu.memory_space<vmem_shared>> -> memref<128x16xf32, #tpu.memory_space<vmem_shared>>
      %dma_start3A_141 = arith.constant 0 : i32
      %dma_start3A_142 = tpu.memref_slice %arg18[%add3A_29, %dma_start3A_141] : memref<10112x16xf32, #tpu.memory_space<vmem_shared>> -> memref<128x16xf32, #tpu.memory_space<vmem_shared>>
      tpu.enqueue_dma source(%arg17 : memref<128x16xf32, #tpu.memory_space<vmem>>) target(%dma_start3A_142 : memref<128x16xf32, #tpu.memory_space<vmem_shared>>) target_semaphore(%run_scoped3A_138 : memref<!tpu.dma_semaphore, #tpu.memory_space<semaphore_mem>>)
      %dma_wait3A_143 = arith.constant 0 : i32
      %dma_wait3A_144 = tpu.memref_slice %arg18[%add3A_29, %dma_wait3A_143] : memref<10112x16xf32, #tpu.memory_space<vmem_shared>> -> memref<128x16xf32, #tpu.memory_space<vmem_shared>>
      %dma_wait3A_145 = arith.constant 0 : i32
      %dma_wait3A_146 = tpu.memref_slice %arg18[%add3A_29, %dma_wait3A_145] : memref<10112x16xf32, #tpu.memory_space<vmem_shared>> -> memref<128x16xf32, #tpu.memory_space<vmem_shared>>
      tpu.wait_dma2 semaphore(%run_scoped3A_138 : memref<!tpu.dma_semaphore, #tpu.memory_space<semaphore_mem>>) src(%arg17 : memref<128x16xf32, #tpu.memory_space<vmem>>) dst(%dma_wait3A_146 : memref<128x16xf32, #tpu.memory_space<vmem_shared>>)
      tpu.yield
    }) : () -> ()
    %add3A_30 = arith.constant 256 : i32
    %add3A_31 = arith.addi %mul3A_25, %add3A_30 : i32
    "tpu.region"() ({
      %run_scoped3A_138 = tpu.sem_alloc : memref<!tpu.dma_semaphore, #tpu.memory_space<semaphore_mem>>
      %dma_start3A_139 = arith.constant 0 : i32
      %dma_start3A_140 = tpu.memref_slice %arg18[%add3A_31, %dma_start3A_139] : memref<10112x16xf32, #tpu.memory_space<vmem_shared>> -> memref<128x16xf32, #tpu.memory_space<vmem_shared>>
      %dma_start3A_141 = arith.constant 0 : i32
      %dma_start3A_142 = tpu.memref_slice %arg18[%add3A_31, %dma_start3A_141] : memref<10112x16xf32, #tpu.memory_space<vmem_shared>> -> memref<128x16xf32, #tpu.memory_space<vmem_shared>>
      tpu.enqueue_dma source(%arg17 : memref<128x16xf32, #tpu.memory_space<vmem>>) target(%dma_start3A_142 : memref<128x16xf32, #tpu.memory_space<vmem_shared>>) target_semaphore(%run_scoped3A_138 : memref<!tpu.dma_semaphore, #tpu.memory_space<semaphore_mem>>)
      %dma_wait3A_143 = arith.constant 0 : i32
      %dma_wait3A_144 = tpu.memref_slice %arg18[%add3A_31, %dma_wait3A_143] : memref<10112x16xf32, #tpu.memory_space<vmem_shared>> -> memref<128x16xf32, #tpu.memory_space<vmem_shared>>
      %dma_wait3A_145 = arith.constant 0 : i32
      %dma_wait3A_146 = tpu.memref_slice %arg18[%add3A_31, %dma_wait3A_145] : memref<10112x16xf32, #tpu.memory_space<vmem_shared>> -> memref<128x16xf32, #tpu.memory_space<vmem_shared>>
      tpu.wait_dma2 semaphore(%run_scoped3A_138 : memref<!tpu.dma_semaphore, #tpu.memory_space<semaphore_mem>>) src(%arg17 : memref<128x16xf32, #tpu.memory_space<vmem>>) dst(%dma_wait3A_146 : memref<128x16xf32, #tpu.memory_space<vmem_shared>>)
      tpu.yield
    }) : () -> ()
    %add3A_32 = arith.constant 384 : i32
    %add3A_33 = arith.addi %mul3A_25, %add3A_32 : i32
    "tpu.region"() ({
      %run_scoped3A_138 = tpu.sem_alloc : memref<!tpu.dma_semaphore, #tpu.memory_space<semaphore_mem>>
      %dma_start3A_139 = arith.constant 0 : i32
      %dma_start3A_140 = tpu.memref_slice %arg18[%add3A_33, %dma_start3A_139] : memref<10112x16xf32, #tpu.memory_space<vmem_shared>> -> memref<128x16xf32, #tpu.memory_space<vmem_shared>>
      %dma_start3A_141 = arith.constant 0 : i32
      %dma_start3A_142 = tpu.memref_slice %arg18[%add3A_33, %dma_start3A_141] : memref<10112x16xf32, #tpu.memory_space<vmem_shared>> -> memref<128x16xf32, #tpu.memory_space<vmem_shared>>
      tpu.enqueue_dma source(%arg17 : memref<128x16xf32, #tpu.memory_space<vmem>>) target(%dma_start3A_142 : memref<128x16xf32, #tpu.memory_space<vmem_shared>>) target_semaphore(%run_scoped3A_138 : memref<!tpu.dma_semaphore, #tpu.memory_space<semaphore_mem>>)
      %dma_wait3A_143 = arith.constant 0 : i32
      %dma_wait3A_144 = tpu.memref_slice %arg18[%add3A_33, %dma_wait3A_143] : memref<10112x16xf32, #tpu.memory_space<vmem_shared>> -> memref<128x16xf32, #tpu.memory_space<vmem_shared>>
      %dma_wait3A_145 = arith.constant 0 : i32
      %dma_wait3A_146 = tpu.memref_slice %arg18[%add3A_33, %dma_wait3A_145] : memref<10112x16xf32, #tpu.memory_space<vmem_shared>> -> memref<128x16xf32, #tpu.memory_space<vmem_shared>>
      tpu.wait_dma2 semaphore(%run_scoped3A_138 : memref<!tpu.dma_semaphore, #tpu.memory_space<semaphore_mem>>) src(%arg17 : memref<128x16xf32, #tpu.memory_space<vmem>>) dst(%dma_wait3A_146 : memref<128x16xf32, #tpu.memory_space<vmem_shared>>)
      tpu.yield
    }) : () -> ()
    %add3A_34 = arith.constant 512 : i32
    %add3A_35 = arith.addi %mul3A_25, %add3A_34 : i32
    "tpu.region"() ({
      %run_scoped3A_138 = tpu.sem_alloc : memref<!tpu.dma_semaphore, #tpu.memory_space<semaphore_mem>>
      %dma_start3A_139 = arith.constant 0 : i32
      %dma_start3A_140 = arith.constant 0 : i32
      %dma_start3A_141 = tpu.memref_slice %arg17[%dma_start3A_139, %dma_start3A_140] : memref<128x16xf32, #tpu.memory_space<vmem>> -> memref<120x16xf32, #tpu.memory_space<vmem>>
      %dma_start3A_142 = arith.constant 0 : i32
      %dma_start3A_143 = tpu.memref_slice %arg18[%add3A_35, %dma_start3A_142] : memref<10112x16xf32, #tpu.memory_space<vmem_shared>> -> memref<120x16xf32, #tpu.memory_space<vmem_shared>>
      %dma_start3A_144 = arith.constant 0 : i32
      %dma_start3A_145 = tpu.memref_slice %arg18[%add3A_35, %dma_start3A_144] : memref<10112x16xf32, #tpu.memory_space<vmem_shared>> -> memref<120x16xf32, #tpu.memory_space<vmem_shared>>
      %dma_start3A_146 = arith.constant 0 : i32
      %dma_start3A_147 = arith.constant 0 : i32
      %dma_start3A_148 = tpu.memref_slice %arg17[%dma_start3A_146, %dma_start3A_147] : memref<128x16xf32, #tpu.memory_space<vmem>> -> memref<120x16xf32, #tpu.memory_space<vmem>>
      tpu.enqueue_dma source(%dma_start3A_148 : memref<120x16xf32, #tpu.memory_space<vmem>>) target(%dma_start3A_145 : memref<120x16xf32, #tpu.memory_space<vmem_shared>>) target_semaphore(%run_scoped3A_138 : memref<!tpu.dma_semaphore, #tpu.memory_space<semaphore_mem>>)
      %dma_wait3A_149 = arith.constant 0 : i32
      %dma_wait3A_150 = arith.constant 0 : i32
      %dma_wait3A_151 = tpu.memref_slice %arg17[%dma_wait3A_149, %dma_wait3A_150] : memref<128x16xf32, #tpu.memory_space<vmem>> -> memref<120x16xf32, #tpu.memory_space<vmem>>
      %dma_wait3A_152 = arith.constant 0 : i32
      %dma_wait3A_153 = tpu.memref_slice %arg18[%add3A_35, %dma_wait3A_152] : memref<10112x16xf32, #tpu.memory_space<vmem_shared>> -> memref<120x16xf32, #tpu.memory_space<vmem_shared>>
      %dma_wait3A_154 = arith.constant 0 : i32
      %dma_wait3A_155 = tpu.memref_slice %arg18[%add3A_35, %dma_wait3A_154] : memref<10112x16xf32, #tpu.memory_space<vmem_shared>> -> memref<120x16xf32, #tpu.memory_space<vmem_shared>>
      %dma_wait3A_156 = arith.constant 0 : i32
      %dma_wait3A_157 = arith.constant 0 : i32
      %dma_wait3A_158 = tpu.memref_slice %arg17[%dma_wait3A_156, %dma_wait3A_157] : memref<128x16xf32, #tpu.memory_space<vmem>> -> memref<120x16xf32, #tpu.memory_space<vmem>>
      tpu.wait_dma2 semaphore(%run_scoped3A_138 : memref<!tpu.dma_semaphore, #tpu.memory_space<semaphore_mem>>) src(%dma_wait3A_158 : memref<120x16xf32, #tpu.memory_space<vmem>>) dst(%dma_wait3A_155 : memref<120x16xf32, #tpu.memory_space<vmem_shared>>)
      tpu.yield
    }) : () -> ()
    %scan3A_36 = arith.constant 0 : i32
    %scan3A_37 = arith.constant 0 : i32
    %scan3A_38 = arith.constant 125 : i32
    %scan3A_39 = arith.addi %scan3A_37, %scan3A_38 : i32
    %scan3A_40 = arith.constant 1 : i32
    scf.for %scan3A_138 = %scan3A_37 to %scan3A_39 step %scan3A_40  : i32 {
      %broadcast_in_dim3A = arith.constant 1.000000e+00 : f32
      %broadcast_in_dim3A_139 = vector.broadcast %broadcast_in_dim3A : f32 to vector<16xf32>
      %swap3A = arith.index_cast %scan3A_138 : i32 to index
      %swap3A_140 = arith.constant 0 : index
      %swap3A_141 = tpu.vector_load %arg16[%swap3A, %swap3A_140] {strides = array<i32>} : memref<125x16xf32, #tpu.memory_space<vmem>>, vector<1x16xf32>,
      %swap3A_142 = vector.shape_cast %swap3A_141 : vector<1x16xf32> to vector<16xf32>
      %swap3A_143 = vector.shape_cast %broadcast_in_dim3A_139 : vector<16xf32> to vector<1x16xf32>
      tpu.vector_store %arg16[%swap3A, %swap3A_140], %swap3A_143 {strides = array<i32>} : memref<125x16xf32, #tpu.memory_space<vmem>>, vector<1x16xf32>,
    }
    %scan3A_41 = arith.constant 125 : i32
    %barrier3A = arith.constant 0 : index
    tpu.barrier barrier_id(%barrier3A)
    %mul3A_42 = arith.constant 80 : i32
    %mul3A_43 = arith.muli %add3A, %mul3A_42 : i32
    %run_scoped3A = arith.constant 0 : i32
    "tpu.region"() ({
      %run_scoped3A_138 = tpu.sem_alloc : memref<!tpu.dma_semaphore, #tpu.memory_space<semaphore_mem>>
      %dma_start3A_139 = arith.constant 0 : i32
      %dma_start3A_140 = arith.constant 0 : i32
      %dma_start3A_141 = tpu.memref_slice %arg3[%run_scoped3A, %dma_start3A_139, %dma_start3A_140] : memref<2x2560x125xi32, #tpu.memory_space<hbm>> -> memref<1x2560x125xi32, #tpu.memory_space<hbm>>
      %dma_start3A_142 = tpu.memref_squeeze %dma_start3A_141 : memref<1x2560x125xi32, #tpu.memory_space<hbm>> -> memref<2560x125xi32, #tpu.memory_space<hbm>>
      %dma_start3A_143 = arith.constant 0 : i32
      %dma_start3A_144 = tpu.memref_slice %dma_start3A_142[%mul3A_43, %dma_start3A_143] : memref<2560x125xi32, #tpu.memory_space<hbm>> -> memref<80x125xi32, #tpu.memory_space<hbm>>
      %dma_start3A_145 = arith.constant 0 : i32
      %dma_start3A_146 = arith.constant 0 : i32
      %dma_start3A_147 = tpu.memref_slice %arg3[%run_scoped3A, %dma_start3A_145, %dma_start3A_146] : memref<2x2560x125xi32, #tpu.memory_space<hbm>> -> memref<1x2560x125xi32, #tpu.memory_space<hbm>>
      %dma_start3A_148 = tpu.memref_squeeze %dma_start3A_147 : memref<1x2560x125xi32, #tpu.memory_space<hbm>> -> memref<2560x125xi32, #tpu.memory_space<hbm>>
      %dma_start3A_149 = arith.constant 0 : i32
      %dma_start3A_150 = tpu.memref_slice %dma_start3A_148[%mul3A_43, %dma_start3A_149] : memref<2560x125xi32, #tpu.memory_space<hbm>> -> memref<80x125xi32, #tpu.memory_space<hbm>>
      tpu.enqueue_dma source(%dma_start3A_150 : memref<80x125xi32, #tpu.memory_space<hbm>>) target(%arg6 : memref<80x125xi32, #tpu.memory_space<vmem>>) target_semaphore(%run_scoped3A_138 : memref<!tpu.dma_semaphore, #tpu.memory_space<semaphore_mem>>)
      %dma_wait3A_151 = arith.constant 0 : i32
      %dma_wait3A_152 = arith.constant 0 : i32
      %dma_wait3A_153 = tpu.memref_slice %arg3[%run_scoped3A, %dma_wait3A_151, %dma_wait3A_152] : memref<2x2560x125xi32, #tpu.memory_space<hbm>> -> memref<1x2560x125xi32, #tpu.memory_space<hbm>>
      %dma_wait3A_154 = tpu.memref_squeeze %dma_wait3A_153 : memref<1x2560x125xi32, #tpu.memory_space<hbm>> -> memref<2560x125xi32, #tpu.memory_space<hbm>>
      %dma_wait3A_155 = arith.constant 0 : i32
      %dma_wait3A_156 = tpu.memref_slice %dma_wait3A_154[%mul3A_43, %dma_wait3A_155] : memref<2560x125xi32, #tpu.memory_space<hbm>> -> memref<80x125xi32, #tpu.memory_space<hbm>>
      %dma_wait3A_157 = arith.constant 0 : i32
      %dma_wait3A_158 = arith.constant 0 : i32
      %dma_wait3A_159 = tpu.memref_slice %arg3[%run_scoped3A, %dma_wait3A_157, %dma_wait3A_158] : memref<2x2560x125xi32, #tpu.memory_space<hbm>> -> memref<1x2560x125xi32, #tpu.memory_space<hbm>>
      %dma_wait3A_160 = tpu.memref_squeeze %dma_wait3A_159 : memref<1x2560x125xi32, #tpu.memory_space<hbm>> -> memref<2560x125xi32, #tpu.memory_space<hbm>>
      %dma_wait3A_161 = arith.constant 0 : i32
      %dma_wait3A_162 = tpu.memref_slice %dma_wait3A_160[%mul3A_43, %dma_wait3A_161] : memref<2560x125xi32, #tpu.memory_space<hbm>> -> memref<80x125xi32, #tpu.memory_space<hbm>>
      tpu.wait_dma2 semaphore(%run_scoped3A_138 : memref<!tpu.dma_semaphore, #tpu.memory_space<semaphore_mem>>) src(%dma_wait3A_162 : memref<80x125xi32, #tpu.memory_space<hbm>>) dst(%arg6 : memref<80x125xi32, #tpu.memory_space<vmem>>)
      tpu.yield
    }) : () -> ()
    %mul3A_44 = arith.constant 80 : i32
    %mul3A_45 = arith.muli %add3A, %mul3A_44 : i32
    %run_scoped3A_46 = arith.constant 1 : i32
    "tpu.region"() ({
      %run_scoped3A_138 = tpu.sem_alloc : memref<!tpu.dma_semaphore, #tpu.memory_space<semaphore_mem>>
      %dma_start3A_139 = arith.constant 0 : i32
      %dma_start3A_140 = arith.constant 0 : i32
      %dma_start3A_141 = tpu.memref_slice %arg3[%run_scoped3A_46, %dma_start3A_139, %dma_start3A_140] : memref<2x2560x125xi32, #tpu.memory_space<hbm>> -> memref<1x2560x125xi32, #tpu.memory_space<hbm>>
      %dma_start3A_142 = tpu.memref_squeeze %dma_start3A_141 : memref<1x2560x125xi32, #tpu.memory_space<hbm>> -> memref<2560x125xi32, #tpu.memory_space<hbm>>
      %dma_start3A_143 = arith.constant 0 : i32
      %dma_start3A_144 = tpu.memref_slice %dma_start3A_142[%mul3A_45, %dma_start3A_143] : memref<2560x125xi32, #tpu.memory_space<hbm>> -> memref<80x125xi32, #tpu.memory_space<hbm>>
      %dma_start3A_145 = arith.constant 0 : i32
      %dma_start3A_146 = arith.constant 0 : i32
      %dma_start3A_147 = tpu.memref_slice %arg3[%run_scoped3A_46, %dma_start3A_145, %dma_start3A_146] : memref<2x2560x125xi32, #tpu.memory_space<hbm>> -> memref<1x2560x125xi32, #tpu.memory_space<hbm>>
      %dma_start3A_148 = tpu.memref_squeeze %dma_start3A_147 : memref<1x2560x125xi32, #tpu.memory_space<hbm>> -> memref<2560x125xi32, #tpu.memory_space<hbm>>
      %dma_start3A_149 = arith.constant 0 : i32
      %dma_start3A_150 = tpu.memref_slice %dma_start3A_148[%mul3A_45, %dma_start3A_149] : memref<2560x125xi32, #tpu.memory_space<hbm>> -> memref<80x125xi32, #tpu.memory_space<hbm>>
      tpu.enqueue_dma source(%dma_start3A_150 : memref<80x125xi32, #tpu.memory_space<hbm>>) target(%arg7 : memref<80x125xi32, #tpu.memory_space<vmem>>) target_semaphore(%run_scoped3A_138 : memref<!tpu.dma_semaphore, #tpu.memory_space<semaphore_mem>>)
      %dma_wait3A_151 = arith.constant 0 : i32
      %dma_wait3A_152 = arith.constant 0 : i32
      %dma_wait3A_153 = tpu.memref_slice %arg3[%run_scoped3A_46, %dma_wait3A_151, %dma_wait3A_152] : memref<2x2560x125xi32, #tpu.memory_space<hbm>> -> memref<1x2560x125xi32, #tpu.memory_space<hbm>>
      %dma_wait3A_154 = tpu.memref_squeeze %dma_wait3A_153 : memref<1x2560x125xi32, #tpu.memory_space<hbm>> -> memref<2560x125xi32, #tpu.memory_space<hbm>>
      %dma_wait3A_155 = arith.constant 0 : i32
      %dma_wait3A_156 = tpu.memref_slice %dma_wait3A_154[%mul3A_45, %dma_wait3A_155] : memref<2560x125xi32, #tpu.memory_space<hbm>> -> memref<80x125xi32, #tpu.memory_space<hbm>>
      %dma_wait3A_157 = arith.constant 0 : i32
      %dma_wait3A_158 = arith.constant 0 : i32
      %dma_wait3A_159 = tpu.memref_slice %arg3[%run_scoped3A_46, %dma_wait3A_157, %dma_wait3A_158] : memref<2x2560x125xi32, #tpu.memory_space<hbm>> -> memref<1x2560x125xi32, #tpu.memory_space<hbm>>
      %dma_wait3A_160 = tpu.memref_squeeze %dma_wait3A_159 : memref<1x2560x125xi32, #tpu.memory_space<hbm>> -> memref<2560x125xi32, #tpu.memory_space<hbm>>
      %dma_wait3A_161 = arith.constant 0 : i32
      %dma_wait3A_162 = tpu.memref_slice %dma_wait3A_160[%mul3A_45, %dma_wait3A_161] : memref<2560x125xi32, #tpu.memory_space<hbm>> -> memref<80x125xi32, #tpu.memory_space<hbm>>
      tpu.wait_dma2 semaphore(%run_scoped3A_138 : memref<!tpu.dma_semaphore, #tpu.memory_space<semaphore_mem>>) src(%dma_wait3A_162 : memref<80x125xi32, #tpu.memory_space<hbm>>) dst(%arg7 : memref<80x125xi32, #tpu.memory_space<vmem>>)
      tpu.yield
    }) : () -> ()
    %dma_start3A = arith.constant 0 : i32
    %dma_start3A_47 = arith.constant 0 : i32
    %dma_start3A_48 = tpu.memref_slice %arg6[%dma_start3A, %dma_start3A_47] : memref<80x125xi32, #tpu.memory_space<vmem>> -> memref<1x125xi32, #tpu.memory_space<vmem>>
    %dma_start3A_49 = tpu.memref_squeeze %dma_start3A_48 : memref<1x125xi32, #tpu.memory_space<vmem>> -> memref<125xi32, #tpu.memory_space<vmem>>
    %dma_start3A_50 = arith.constant 0 : i32
    %dma_start3A_51 = arith.constant 0 : i32
    %dma_start3A_52 = tpu.memref_slice %arg2[%dma_start3A_50, %dma_start3A_51] : memref<10000x64xf32, #tpu.memory_space<hbm>> -> memref<10000x64xf32, #tpu.memory_space<hbm>>
    tpu.enqueue_indirect_dma source(%dma_start3A_52 : memref<10000x64xf32, #tpu.memory_space<hbm>>) target(%arg8 : memref<125x64xf32, #tpu.memory_space<vmem>>) offsets(%dma_start3A_49 : memref<125xi32, #tpu.memory_space<vmem>>) semaphore(%arg12 : memref<!tpu.dma_semaphore, #tpu.memory_space<semaphore_mem>>)
    %dma_start3A_53 = arith.constant 1 : i32
    %dma_start3A_54 = arith.constant 0 : i32
    %dma_start3A_55 = tpu.memref_slice %arg6[%dma_start3A_53, %dma_start3A_54] : memref<80x125xi32, #tpu.memory_space<vmem>> -> memref<1x125xi32, #tpu.memory_space<vmem>>
    %dma_start3A_56 = tpu.memref_squeeze %dma_start3A_55 : memref<1x125xi32, #tpu.memory_space<vmem>> -> memref<125xi32, #tpu.memory_space<vmem>>
    %dma_start3A_57 = arith.constant 0 : i32
    %dma_start3A_58 = arith.constant 0 : i32
    %dma_start3A_59 = tpu.memref_slice %arg2[%dma_start3A_57, %dma_start3A_58] : memref<10000x64xf32, #tpu.memory_space<hbm>> -> memref<10000x64xf32, #tpu.memory_space<hbm>>
    tpu.enqueue_indirect_dma source(%dma_start3A_59 : memref<10000x64xf32, #tpu.memory_space<hbm>>) target(%arg9 : memref<125x64xf32, #tpu.memory_space<vmem>>) offsets(%dma_start3A_56 : memref<125xi32, #tpu.memory_space<vmem>>) semaphore(%arg13 : memref<!tpu.dma_semaphore, #tpu.memory_space<semaphore_mem>>)
    %scan3A_60 = arith.constant 0 : i32
    %scan3A_61 = arith.constant 0 : i32
    %scan3A_62 = arith.constant 39 : i32
    %scan3A_63 = arith.addi %scan3A_61, %scan3A_62 : i32
    %scan3A_64 = arith.constant 1 : i32
    scf.for %scan3A_138 = %scan3A_61 to %scan3A_63 step %scan3A_64  : i32 {
      %mul3A_139 = arith.constant 2 : i32
      %mul3A_140 = arith.muli %mul3A_139, %scan3A_138 : i32
      %add3A_141 = arith.constant 0 : i32
      %add3A_142 = arith.addi %mul3A_140, %add3A_141 : i32
      %dma_wait3A_143 = arith.constant 0 : i32
      %dma_wait3A_144 = tpu.memref_slice %arg6[%add3A_142, %dma_wait3A_143] : memref<80x125xi32, #tpu.memory_space<vmem>> -> memref<1x125xi32, #tpu.memory_space<vmem>>
      %dma_wait3A_145 = tpu.memref_squeeze %dma_wait3A_144 : memref<1x125xi32, #tpu.memory_space<vmem>> -> memref<125xi32, #tpu.memory_space<vmem>>
      %dma_wait3A_146 = arith.constant 0 : i32
      %dma_wait3A_147 = arith.constant 0 : i32
      %dma_wait3A_148 = tpu.memref_slice %arg2[%dma_wait3A_146, %dma_wait3A_147] : memref<10000x64xf32, #tpu.memory_space<hbm>> -> memref<10000x64xf32, #tpu.memory_space<hbm>>
      tpu.wait_indirect_dma semaphore(%arg12 : memref<!tpu.dma_semaphore, #tpu.memory_space<semaphore_mem>>) src(%dma_wait3A_148 : memref<10000x64xf32, #tpu.memory_space<hbm>>) dst(%arg8 : memref<125x64xf32, #tpu.memory_space<vmem>>)
      %dma_start3A_149 = arith.constant 0 : i32
      %dma_start3A_150 = tpu.memref_slice %arg7[%add3A_142, %dma_start3A_149] : memref<80x125xi32, #tpu.memory_space<vmem>> -> memref<1x125xi32, #tpu.memory_space<vmem>>
      %dma_start3A_151 = tpu.memref_squeeze %dma_start3A_150 : memref<1x125xi32, #tpu.memory_space<vmem>> -> memref<125xi32, #tpu.memory_space<vmem>>
      %dma_start3A_152 = arith.constant 0 : i32
      %dma_start3A_153 = arith.constant 0 : i32
      %dma_start3A_154 = tpu.memref_slice %arg11[%dma_start3A_152, %dma_start3A_153] : memref<10112x64xf32, #tpu.memory_space<vmem_shared>> -> memref<10112x64xf32, #tpu.memory_space<vmem_shared>>
      tpu.enqueue_indirect_dma source(%arg8 : memref<125x64xf32, #tpu.memory_space<vmem>>) target(%dma_start3A_154 : memref<10112x64xf32, #tpu.memory_space<vmem_shared>>) offsets(%dma_start3A_151 : memref<125xi32, #tpu.memory_space<vmem>>) semaphore(%arg14 : memref<!tpu.dma_semaphore, #tpu.memory_space<semaphore_mem>>) {add = true}
      %dma_start3A_155 = arith.constant 0 : i32
      %dma_start3A_156 = tpu.memref_slice %arg7[%add3A_142, %dma_start3A_155] : memref<80x125xi32, #tpu.memory_space<vmem>> -> memref<1x125xi32, #tpu.memory_space<vmem>>
      %dma_start3A_157 = tpu.memref_squeeze %dma_start3A_156 : memref<1x125xi32, #tpu.memory_space<vmem>> -> memref<125xi32, #tpu.memory_space<vmem>>
      %dma_start3A_158 = arith.constant 0 : i32
      %dma_start3A_159 = arith.constant 0 : i32
      %dma_start3A_160 = tpu.memref_slice %arg18[%dma_start3A_158, %dma_start3A_159] : memref<10112x16xf32, #tpu.memory_space<vmem_shared>> -> memref<10112x16xf32, #tpu.memory_space<vmem_shared>>
      tpu.enqueue_indirect_dma source(%arg16 : memref<125x16xf32, #tpu.memory_space<vmem>>) target(%dma_start3A_160 : memref<10112x16xf32, #tpu.memory_space<vmem_shared>>) offsets(%dma_start3A_157 : memref<125xi32, #tpu.memory_space<vmem>>) semaphore(%arg19 : memref<!tpu.dma_semaphore, #tpu.memory_space<semaphore_mem>>) {add = true}
      %add3A_161 = arith.constant 1 : i32
      %add3A_162 = arith.addi %mul3A_140, %add3A_161 : i32
      %dma_wait3A_163 = arith.constant 0 : i32
      %dma_wait3A_164 = tpu.memref_slice %arg6[%add3A_162, %dma_wait3A_163] : memref<80x125xi32, #tpu.memory_space<vmem>> -> memref<1x125xi32, #tpu.memory_space<vmem>>
      %dma_wait3A_165 = tpu.memref_squeeze %dma_wait3A_164 : memref<1x125xi32, #tpu.memory_space<vmem>> -> memref<125xi32, #tpu.memory_space<vmem>>
      %dma_wait3A_166 = arith.constant 0 : i32
      %dma_wait3A_167 = arith.constant 0 : i32
      %dma_wait3A_168 = tpu.memref_slice %arg2[%dma_wait3A_166, %dma_wait3A_167] : memref<10000x64xf32, #tpu.memory_space<hbm>> -> memref<10000x64xf32, #tpu.memory_space<hbm>>
      tpu.wait_indirect_dma semaphore(%arg13 : memref<!tpu.dma_semaphore, #tpu.memory_space<semaphore_mem>>) src(%dma_wait3A_168 : memref<10000x64xf32, #tpu.memory_space<hbm>>) dst(%arg9 : memref<125x64xf32, #tpu.memory_space<vmem>>)
      %dma_start3A_169 = arith.constant 0 : i32
      %dma_start3A_170 = tpu.memref_slice %arg7[%add3A_162, %dma_start3A_169] : memref<80x125xi32, #tpu.memory_space<vmem>> -> memref<1x125xi32, #tpu.memory_space<vmem>>
      %dma_start3A_171 = tpu.memref_squeeze %dma_start3A_170 : memref<1x125xi32, #tpu.memory_space<vmem>> -> memref<125xi32, #tpu.memory_space<vmem>>
      %dma_start3A_172 = arith.constant 0 : i32
      %dma_start3A_173 = arith.constant 0 : i32
      %dma_start3A_174 = tpu.memref_slice %arg11[%dma_start3A_172, %dma_start3A_173] : memref<10112x64xf32, #tpu.memory_space<vmem_shared>> -> memref<10112x64xf32, #tpu.memory_space<vmem_shared>>
      tpu.enqueue_indirect_dma source(%arg9 : memref<125x64xf32, #tpu.memory_space<vmem>>) target(%dma_start3A_174 : memref<10112x64xf32, #tpu.memory_space<vmem_shared>>) offsets(%dma_start3A_171 : memref<125xi32, #tpu.memory_space<vmem>>) semaphore(%arg15 : memref<!tpu.dma_semaphore, #tpu.memory_space<semaphore_mem>>) {add = true}
      %dma_start3A_175 = arith.constant 0 : i32
      %dma_start3A_176 = tpu.memref_slice %arg7[%add3A_162, %dma_start3A_175] : memref<80x125xi32, #tpu.memory_space<vmem>> -> memref<1x125xi32, #tpu.memory_space<vmem>>
      %dma_start3A_177 = tpu.memref_squeeze %dma_start3A_176 : memref<1x125xi32, #tpu.memory_space<vmem>> -> memref<125xi32, #tpu.memory_space<vmem>>
      %dma_start3A_178 = arith.constant 0 : i32
      %dma_start3A_179 = arith.constant 0 : i32
      %dma_start3A_180 = tpu.memref_slice %arg18[%dma_start3A_178, %dma_start3A_179] : memref<10112x16xf32, #tpu.memory_space<vmem_shared>> -> memref<10112x16xf32, #tpu.memory_space<vmem_shared>>
      tpu.enqueue_indirect_dma source(%arg16 : memref<125x16xf32, #tpu.memory_space<vmem>>) target(%dma_start3A_180 : memref<10112x16xf32, #tpu.memory_space<vmem_shared>>) offsets(%dma_start3A_177 : memref<125xi32, #tpu.memory_space<vmem>>) semaphore(%arg19 : memref<!tpu.dma_semaphore, #tpu.memory_space<semaphore_mem>>) {add = true}
      %add3A_181 = arith.constant 0 : i32
      %add3A_182 = arith.addi %mul3A_140, %add3A_181 : i32
      %dma_wait3A_183 = arith.constant 0 : i32
      %dma_wait3A_184 = tpu.memref_slice %arg7[%add3A_182, %dma_wait3A_183] : memref<80x125xi32, #tpu.memory_space<vmem>> -> memref<1x125xi32, #tpu.memory_space<vmem>>
      %dma_wait3A_185 = tpu.memref_squeeze %dma_wait3A_184 : memref<1x125xi32, #tpu.memory_space<vmem>> -> memref<125xi32, #tpu.memory_space<vmem>>
      %dma_wait3A_186 = arith.constant 0 : i32
      %dma_wait3A_187 = arith.constant 0 : i32
      %dma_wait3A_188 = tpu.memref_slice %arg11[%dma_wait3A_186, %dma_wait3A_187] : memref<10112x64xf32, #tpu.memory_space<vmem_shared>> -> memref<10112x64xf32, #tpu.memory_space<vmem_shared>>
      tpu.wait_indirect_dma semaphore(%arg14 : memref<!tpu.dma_semaphore, #tpu.memory_space<semaphore_mem>>) src(%arg8 : memref<125x64xf32, #tpu.memory_space<vmem>>) dst(%dma_wait3A_188 : memref<10112x64xf32, #tpu.memory_space<vmem_shared>>)
      %add3A_189 = arith.constant 0 : i32
      %add3A_190 = arith.addi %mul3A_140, %add3A_189 : i32
      %add3A_191 = arith.constant 2 : i32
      %add3A_192 = arith.addi %add3A_190, %add3A_191 : i32
      %dma_start3A_193 = arith.constant 0 : i32
      %dma_start3A_194 = tpu.memref_slice %arg6[%add3A_192, %dma_start3A_193] : memref<80x125xi32, #tpu.memory_space<vmem>> -> memref<1x125xi32, #tpu.memory_space<vmem>>
      %dma_start3A_195 = tpu.memref_squeeze %dma_start3A_194 : memref<1x125xi32, #tpu.memory_space<vmem>> -> memref<125xi32, #tpu.memory_space<vmem>>
      %dma_start3A_196 = arith.constant 0 : i32
      %dma_start3A_197 = arith.constant 0 : i32
      %dma_start3A_198 = tpu.memref_slice %arg2[%dma_start3A_196, %dma_start3A_197] : memref<10000x64xf32, #tpu.memory_space<hbm>> -> memref<10000x64xf32, #tpu.memory_space<hbm>>
      tpu.enqueue_indirect_dma source(%dma_start3A_198 : memref<10000x64xf32, #tpu.memory_space<hbm>>) target(%arg8 : memref<125x64xf32, #tpu.memory_space<vmem>>) offsets(%dma_start3A_195 : memref<125xi32, #tpu.memory_space<vmem>>) semaphore(%arg12 : memref<!tpu.dma_semaphore, #tpu.memory_space<semaphore_mem>>)
      %add3A_199 = arith.constant 1 : i32
      %add3A_200 = arith.addi %mul3A_140, %add3A_199 : i32
      %dma_wait3A_201 = arith.constant 0 : i32
      %dma_wait3A_202 = tpu.memref_slice %arg7[%add3A_200, %dma_wait3A_201] : memref<80x125xi32, #tpu.memory_space<vmem>> -> memref<1x125xi32, #tpu.memory_space<vmem>>
      %dma_wait3A_203 = tpu.memref_squeeze %dma_wait3A_202 : memref<1x125xi32, #tpu.memory_space<vmem>> -> memref<125xi32, #tpu.memory_space<vmem>>
      %dma_wait3A_204 = arith.constant 0 : i32
      %dma_wait3A_205 = arith.constant 0 : i32
      %dma_wait3A_206 = tpu.memref_slice %arg11[%dma_wait3A_204, %dma_wait3A_205] : memref<10112x64xf32, #tpu.memory_space<vmem_shared>> -> memref<10112x64xf32, #tpu.memory_space<vmem_shared>>
      tpu.wait_indirect_dma semaphore(%arg15 : memref<!tpu.dma_semaphore, #tpu.memory_space<semaphore_mem>>) src(%arg9 : memref<125x64xf32, #tpu.memory_space<vmem>>) dst(%dma_wait3A_206 : memref<10112x64xf32, #tpu.memory_space<vmem_shared>>)
      %add3A_207 = arith.constant 1 : i32
      %add3A_208 = arith.addi %mul3A_140, %add3A_207 : i32
      %add3A_209 = arith.constant 2 : i32
      %add3A_210 = arith.addi %add3A_208, %add3A_209 : i32
      %dma_start3A_211 = arith.constant 0 : i32
      %dma_start3A_212 = tpu.memref_slice %arg6[%add3A_210, %dma_start3A_211] : memref<80x125xi32, #tpu.memory_space<vmem>> -> memref<1x125xi32, #tpu.memory_space<vmem>>
      %dma_start3A_213 = tpu.memref_squeeze %dma_start3A_212 : memref<1x125xi32, #tpu.memory_space<vmem>> -> memref<125xi32, #tpu.memory_space<vmem>>
      %dma_start3A_214 = arith.constant 0 : i32
      %dma_start3A_215 = arith.constant 0 : i32
      %dma_start3A_216 = tpu.memref_slice %arg2[%dma_start3A_214, %dma_start3A_215] : memref<10000x64xf32, #tpu.memory_space<hbm>> -> memref<10000x64xf32, #tpu.memory_space<hbm>>
      tpu.enqueue_indirect_dma source(%dma_start3A_216 : memref<10000x64xf32, #tpu.memory_space<hbm>>) target(%arg9 : memref<125x64xf32, #tpu.memory_space<vmem>>) offsets(%dma_start3A_213 : memref<125xi32, #tpu.memory_space<vmem>>) semaphore(%arg13 : memref<!tpu.dma_semaphore, #tpu.memory_space<semaphore_mem>>)
      %add3A_217 = arith.constant 0 : i32
      %add3A_218 = arith.addi %mul3A_140, %add3A_217 : i32
      %dma_wait3A_219 = arith.constant 0 : i32
      %dma_wait3A_220 = tpu.memref_slice %arg7[%add3A_218, %dma_wait3A_219] : memref<80x125xi32, #tpu.memory_space<vmem>> -> memref<1x125xi32, #tpu.memory_space<vmem>>
      %dma_wait3A_221 = tpu.memref_squeeze %dma_wait3A_220 : memref<1x125xi32, #tpu.memory_space<vmem>> -> memref<125xi32, #tpu.memory_space<vmem>>
      %dma_wait3A_222 = arith.constant 0 : i32
      %dma_wait3A_223 = arith.constant 0 : i32
      %dma_wait3A_224 = tpu.memref_slice %arg18[%dma_wait3A_222, %dma_wait3A_223] : memref<10112x16xf32, #tpu.memory_space<vmem_shared>> -> memref<10112x16xf32, #tpu.memory_space<vmem_shared>>
      tpu.wait_indirect_dma semaphore(%arg19 : memref<!tpu.dma_semaphore, #tpu.memory_space<semaphore_mem>>) src(%arg16 : memref<125x16xf32, #tpu.memory_space<vmem>>) dst(%dma_wait3A_224 : memref<10112x16xf32, #tpu.memory_space<vmem_shared>>)
      %add3A_225 = arith.constant 1 : i32
      %add3A_226 = arith.addi %mul3A_140, %add3A_225 : i32
      %dma_wait3A_227 = arith.constant 0 : i32
      %dma_wait3A_228 = tpu.memref_slice %arg7[%add3A_226, %dma_wait3A_227] : memref<80x125xi32, #tpu.memory_space<vmem>> -> memref<1x125xi32, #tpu.memory_space<vmem>>
      %dma_wait3A_229 = tpu.memref_squeeze %dma_wait3A_228 : memref<1x125xi32, #tpu.memory_space<vmem>> -> memref<125xi32, #tpu.memory_space<vmem>>
      %dma_wait3A_230 = arith.constant 0 : i32
      %dma_wait3A_231 = arith.constant 0 : i32
      %dma_wait3A_232 = tpu.memref_slice %arg18[%dma_wait3A_230, %dma_wait3A_231] : memref<10112x16xf32, #tpu.memory_space<vmem_shared>> -> memref<10112x16xf32, #tpu.memory_space<vmem_shared>>
      tpu.wait_indirect_dma semaphore(%arg19 : memref<!tpu.dma_semaphore, #tpu.memory_space<semaphore_mem>>) src(%arg16 : memref<125x16xf32, #tpu.memory_space<vmem>>) dst(%dma_wait3A_232 : memref<10112x16xf32, #tpu.memory_space<vmem_shared>>)
    }
    %scan3A_65 = arith.constant 39 : i32
    %dma_wait3A = arith.constant 78 : i32
    %dma_wait3A_66 = arith.constant 0 : i32
    %dma_wait3A_67 = tpu.memref_slice %arg6[%dma_wait3A, %dma_wait3A_66] : memref<80x125xi32, #tpu.memory_space<vmem>> -> memref<1x125xi32, #tpu.memory_space<vmem>>
    %dma_wait3A_68 = tpu.memref_squeeze %dma_wait3A_67 : memref<1x125xi32, #tpu.memory_space<vmem>> -> memref<125xi32, #tpu.memory_space<vmem>>
    %dma_wait3A_69 = arith.constant 0 : i32
    %dma_wait3A_70 = arith.constant 0 : i32
    %dma_wait3A_71 = tpu.memref_slice %arg2[%dma_wait3A_69, %dma_wait3A_70] : memref<10000x64xf32, #tpu.memory_space<hbm>> -> memref<10000x64xf32, #tpu.memory_space<hbm>>
    tpu.wait_indirect_dma semaphore(%arg12 : memref<!tpu.dma_semaphore, #tpu.memory_space<semaphore_mem>>) src(%dma_wait3A_71 : memref<10000x64xf32, #tpu.memory_space<hbm>>) dst(%arg8 : memref<125x64xf32, #tpu.memory_space<vmem>>)
    %dma_start3A_72 = arith.constant 78 : i32
    %dma_start3A_73 = arith.constant 0 : i32
    %dma_start3A_74 = tpu.memref_slice %arg7[%dma_start3A_72, %dma_start3A_73] : memref<80x125xi32, #tpu.memory_space<vmem>> -> memref<1x125xi32, #tpu.memory_space<vmem>>
    %dma_start3A_75 = tpu.memref_squeeze %dma_start3A_74 : memref<1x125xi32, #tpu.memory_space<vmem>> -> memref<125xi32, #tpu.memory_space<vmem>>
    %dma_start3A_76 = arith.constant 0 : i32
    %dma_start3A_77 = arith.constant 0 : i32
    %dma_start3A_78 = tpu.memref_slice %arg11[%dma_start3A_76, %dma_start3A_77] : memref<10112x64xf32, #tpu.memory_space<vmem_shared>> -> memref<10112x64xf32, #tpu.memory_space<vmem_shared>>
    tpu.enqueue_indirect_dma source(%arg8 : memref<125x64xf32, #tpu.memory_space<vmem>>) target(%dma_start3A_78 : memref<10112x64xf32, #tpu.memory_space<vmem_shared>>) offsets(%dma_start3A_75 : memref<125xi32, #tpu.memory_space<vmem>>) semaphore(%arg14 : memref<!tpu.dma_semaphore, #tpu.memory_space<semaphore_mem>>) {add = true}
    %dma_start3A_79 = arith.constant 78 : i32
    %dma_start3A_80 = arith.constant 0 : i32
    %dma_start3A_81 = tpu.memref_slice %arg7[%dma_start3A_79, %dma_start3A_80] : memref<80x125xi32, #tpu.memory_space<vmem>> -> memref<1x125xi32, #tpu.memory_space<vmem>>
    %dma_start3A_82 = tpu.memref_squeeze %dma_start3A_81 : memref<1x125xi32, #tpu.memory_space<vmem>> -> memref<125xi32, #tpu.memory_space<vmem>>
    %dma_start3A_83 = arith.constant 0 : i32
    %dma_start3A_84 = arith.constant 0 : i32
    %dma_start3A_85 = tpu.memref_slice %arg18[%dma_start3A_83, %dma_start3A_84] : memref<10112x16xf32, #tpu.memory_space<vmem_shared>> -> memref<10112x16xf32, #tpu.memory_space<vmem_shared>>
    tpu.enqueue_indirect_dma source(%arg16 : memref<125x16xf32, #tpu.memory_space<vmem>>) target(%dma_start3A_85 : memref<10112x16xf32, #tpu.memory_space<vmem_shared>>) offsets(%dma_start3A_82 : memref<125xi32, #tpu.memory_space<vmem>>) semaphore(%arg19 : memref<!tpu.dma_semaphore, #tpu.memory_space<semaphore_mem>>) {add = true}
    %dma_wait3A_86 = arith.constant 79 : i32
    %dma_wait3A_87 = arith.constant 0 : i32
    %dma_wait3A_88 = tpu.memref_slice %arg6[%dma_wait3A_86, %dma_wait3A_87] : memref<80x125xi32, #tpu.memory_space<vmem>> -> memref<1x125xi32, #tpu.memory_space<vmem>>
    %dma_wait3A_89 = tpu.memref_squeeze %dma_wait3A_88 : memref<1x125xi32, #tpu.memory_space<vmem>> -> memref<125xi32, #tpu.memory_space<vmem>>
    %dma_wait3A_90 = arith.constant 0 : i32
    %dma_wait3A_91 = arith.constant 0 : i32
    %dma_wait3A_92 = tpu.memref_slice %arg2[%dma_wait3A_90, %dma_wait3A_91] : memref<10000x64xf32, #tpu.memory_space<hbm>> -> memref<10000x64xf32, #tpu.memory_space<hbm>>
    tpu.wait_indirect_dma semaphore(%arg13 : memref<!tpu.dma_semaphore, #tpu.memory_space<semaphore_mem>>) src(%dma_wait3A_92 : memref<10000x64xf32, #tpu.memory_space<hbm>>) dst(%arg9 : memref<125x64xf32, #tpu.memory_space<vmem>>)
    %dma_start3A_93 = arith.constant 79 : i32
    %dma_start3A_94 = arith.constant 0 : i32
    %dma_start3A_95 = tpu.memref_slice %arg7[%dma_start3A_93, %dma_start3A_94] : memref<80x125xi32, #tpu.memory_space<vmem>> -> memref<1x125xi32, #tpu.memory_space<vmem>>
    %dma_start3A_96 = tpu.memref_squeeze %dma_start3A_95 : memref<1x125xi32, #tpu.memory_space<vmem>> -> memref<125xi32, #tpu.memory_space<vmem>>
    %dma_start3A_97 = arith.constant 0 : i32
    %dma_start3A_98 = arith.constant 0 : i32
    %dma_start3A_99 = tpu.memref_slice %arg11[%dma_start3A_97, %dma_start3A_98] : memref<10112x64xf32, #tpu.memory_space<vmem_shared>> -> memref<10112x64xf32, #tpu.memory_space<vmem_shared>>
    tpu.enqueue_indirect_dma source(%arg9 : memref<125x64xf32, #tpu.memory_space<vmem>>) target(%dma_start3A_99 : memref<10112x64xf32, #tpu.memory_space<vmem_shared>>) offsets(%dma_start3A_96 : memref<125xi32, #tpu.memory_space<vmem>>) semaphore(%arg15 : memref<!tpu.dma_semaphore, #tpu.memory_space<semaphore_mem>>) {add = true}
    %dma_start3A_100 = arith.constant 79 : i32
    %dma_start3A_101 = arith.constant 0 : i32
    %dma_start3A_102 = tpu.memref_slice %arg7[%dma_start3A_100, %dma_start3A_101] : memref<80x125xi32, #tpu.memory_space<vmem>> -> memref<1x125xi32, #tpu.memory_space<vmem>>
    %dma_start3A_103 = tpu.memref_squeeze %dma_start3A_102 : memref<1x125xi32, #tpu.memory_space<vmem>> -> memref<125xi32, #tpu.memory_space<vmem>>
    %dma_start3A_104 = arith.constant 0 : i32
    %dma_start3A_105 = arith.constant 0 : i32
    %dma_start3A_106 = tpu.memref_slice %arg18[%dma_start3A_104, %dma_start3A_105] : memref<10112x16xf32, #tpu.memory_space<vmem_shared>> -> memref<10112x16xf32, #tpu.memory_space<vmem_shared>>
    tpu.enqueue_indirect_dma source(%arg16 : memref<125x16xf32, #tpu.memory_space<vmem>>) target(%dma_start3A_106 : memref<10112x16xf32, #tpu.memory_space<vmem_shared>>) offsets(%dma_start3A_103 : memref<125xi32, #tpu.memory_space<vmem>>) semaphore(%arg19 : memref<!tpu.dma_semaphore, #tpu.memory_space<semaphore_mem>>) {add = true}
    %dma_wait3A_107 = arith.constant 78 : i32
    %dma_wait3A_108 = arith.constant 0 : i32
    %dma_wait3A_109 = tpu.memref_slice %arg7[%dma_wait3A_107, %dma_wait3A_108] : memref<80x125xi32, #tpu.memory_space<vmem>> -> memref<1x125xi32, #tpu.memory_space<vmem>>
    %dma_wait3A_110 = tpu.memref_squeeze %dma_wait3A_109 : memref<1x125xi32, #tpu.memory_space<vmem>> -> memref<125xi32, #tpu.memory_space<vmem>>
    %dma_wait3A_111 = arith.constant 0 : i32
    %dma_wait3A_112 = arith.constant 0 : i32
    %dma_wait3A_113 = tpu.memref_slice %arg11[%dma_wait3A_111, %dma_wait3A_112] : memref<10112x64xf32, #tpu.memory_space<vmem_shared>> -> memref<10112x64xf32, #tpu.memory_space<vmem_shared>>
    tpu.wait_indirect_dma semaphore(%arg14 : memref<!tpu.dma_semaphore, #tpu.memory_space<semaphore_mem>>) src(%arg8 : memref<125x64xf32, #tpu.memory_space<vmem>>) dst(%dma_wait3A_113 : memref<10112x64xf32, #tpu.memory_space<vmem_shared>>)
    %dma_wait3A_114 = arith.constant 79 : i32
    %dma_wait3A_115 = arith.constant 0 : i32
    %dma_wait3A_116 = tpu.memref_slice %arg7[%dma_wait3A_114, %dma_wait3A_115] : memref<80x125xi32, #tpu.memory_space<vmem>> -> memref<1x125xi32, #tpu.memory_space<vmem>>
    %dma_wait3A_117 = tpu.memref_squeeze %dma_wait3A_116 : memref<1x125xi32, #tpu.memory_space<vmem>> -> memref<125xi32, #tpu.memory_space<vmem>>
    %dma_wait3A_118 = arith.constant 0 : i32
    %dma_wait3A_119 = arith.constant 0 : i32
    %dma_wait3A_120 = tpu.memref_slice %arg11[%dma_wait3A_118, %dma_wait3A_119] : memref<10112x64xf32, #tpu.memory_space<vmem_shared>> -> memref<10112x64xf32, #tpu.memory_space<vmem_shared>>
    tpu.wait_indirect_dma semaphore(%arg15 : memref<!tpu.dma_semaphore, #tpu.memory_space<semaphore_mem>>) src(%arg9 : memref<125x64xf32, #tpu.memory_space<vmem>>) dst(%dma_wait3A_120 : memref<10112x64xf32, #tpu.memory_space<vmem_shared>>)
    %dma_wait3A_121 = arith.constant 78 : i32
    %dma_wait3A_122 = arith.constant 0 : i32
    %dma_wait3A_123 = tpu.memref_slice %arg7[%dma_wait3A_121, %dma_wait3A_122] : memref<80x125xi32, #tpu.memory_space<vmem>> -> memref<1x125xi32, #tpu.memory_space<vmem>>
    %dma_wait3A_124 = tpu.memref_squeeze %dma_wait3A_123 : memref<1x125xi32, #tpu.memory_space<vmem>> -> memref<125xi32, #tpu.memory_space<vmem>>
    %dma_wait3A_125 = arith.constant 0 : i32
    %dma_wait3A_126 = arith.constant 0 : i32
    %dma_wait3A_127 = tpu.memref_slice %arg18[%dma_wait3A_125, %dma_wait3A_126] : memref<10112x16xf32, #tpu.memory_space<vmem_shared>> -> memref<10112x16xf32, #tpu.memory_space<vmem_shared>>
    tpu.wait_indirect_dma semaphore(%arg19 : memref<!tpu.dma_semaphore, #tpu.memory_space<semaphore_mem>>) src(%arg16 : memref<125x16xf32, #tpu.memory_space<vmem>>) dst(%dma_wait3A_127 : memref<10112x16xf32, #tpu.memory_space<vmem_shared>>)
    %dma_wait3A_128 = arith.constant 79 : i32
    %dma_wait3A_129 = arith.constant 0 : i32
    %dma_wait3A_130 = tpu.memref_slice %arg7[%dma_wait3A_128, %dma_wait3A_129] : memref<80x125xi32, #tpu.memory_space<vmem>> -> memref<1x125xi32, #tpu.memory_space<vmem>>
    %dma_wait3A_131 = tpu.memref_squeeze %dma_wait3A_130 : memref<1x125xi32, #tpu.memory_space<vmem>> -> memref<125xi32, #tpu.memory_space<vmem>>
    %dma_wait3A_132 = arith.constant 0 : i32
    %dma_wait3A_133 = arith.constant 0 : i32
    %dma_wait3A_134 = tpu.memref_slice %arg18[%dma_wait3A_132, %dma_wait3A_133] : memref<10112x16xf32, #tpu.memory_space<vmem_shared>> -> memref<10112x16xf32, #tpu.memory_space<vmem_shared>>
    tpu.wait_indirect_dma semaphore(%arg19 : memref<!tpu.dma_semaphore, #tpu.memory_space<semaphore_mem>>) src(%arg16 : memref<125x16xf32, #tpu.memory_space<vmem>>) dst(%dma_wait3A_134 : memref<10112x16xf32, #tpu.memory_space<vmem_shared>>)
    %barrier3A_135 = arith.constant 0 : index
    tpu.barrier barrier_id(%barrier3A_135)
    %mul3A_136 = arith.constant 632 : i32
    %mul3A_137 = arith.muli %arg1, %mul3A_136 : i32
    "tpu.region"() ({
      %run_scoped3A_138 = tpu.sem_alloc : memref<!tpu.dma_semaphore, #tpu.memory_space<semaphore_mem>>
      %dma_start3A_139 = arith.constant 0 : i32
      %dma_start3A_140 = arith.constant 0 : i32
      %dma_start3A_141 = tpu.memref_slice %arg4[%arg0, %dma_start3A_139, %dma_start3A_140] : memref<2x10112x64xf32, #tpu.memory_space<hbm>> -> memref<1x10112x64xf32, #tpu.memory_space<hbm>>
      %dma_start3A_142 = tpu.memref_squeeze %dma_start3A_141 : memref<1x10112x64xf32, #tpu.memory_space<hbm>> -> memref<10112x64xf32, #tpu.memory_space<hbm>>
      %dma_start3A_143 = arith.constant 0 : i32
      %dma_start3A_144 = tpu.memref_slice %dma_start3A_142[%mul3A_137, %dma_start3A_143] : memref<10112x64xf32, #tpu.memory_space<hbm>> -> memref<632x64xf32, #tpu.memory_space<hbm>>
      %dma_start3A_145 = arith.constant 0 : i32
      %dma_start3A_146 = tpu.memref_slice %arg11[%mul3A_137, %dma_start3A_145] : memref<10112x64xf32, #tpu.memory_space<vmem_shared>> -> memref<632x64xf32, #tpu.memory_space<vmem_shared>>
      tpu.enqueue_dma source(%dma_start3A_146 : memref<632x64xf32, #tpu.memory_space<vmem_shared>>) target(%dma_start3A_144 : memref<632x64xf32, #tpu.memory_space<hbm>>) target_semaphore(%run_scoped3A_138 : memref<!tpu.dma_semaphore, #tpu.memory_space<semaphore_mem>>)
      %dma_wait3A_147 = arith.constant 0 : i32
      %dma_wait3A_148 = arith.constant 0 : i32
      %dma_wait3A_149 = tpu.memref_slice %arg4[%arg0, %dma_wait3A_147, %dma_wait3A_148] : memref<2x10112x64xf32, #tpu.memory_space<hbm>> -> memref<1x10112x64xf32, #tpu.memory_space<hbm>>
      %dma_wait3A_150 = tpu.memref_squeeze %dma_wait3A_149 : memref<1x10112x64xf32, #tpu.memory_space<hbm>> -> memref<10112x64xf32, #tpu.memory_space<hbm>>
      %dma_wait3A_151 = arith.constant 0 : i32
      %dma_wait3A_152 = tpu.memref_slice %dma_wait3A_150[%mul3A_137, %dma_wait3A_151] : memref<10112x64xf32, #tpu.memory_space<hbm>> -> memref<632x64xf32, #tpu.memory_space<hbm>>
      %dma_wait3A_153 = arith.constant 0 : i32
      %dma_wait3A_154 = tpu.memref_slice %arg11[%mul3A_137, %dma_wait3A_153] : memref<10112x64xf32, #tpu.memory_space<vmem_shared>> -> memref<632x64xf32, #tpu.memory_space<vmem_shared>>
      tpu.wait_dma2 semaphore(%run_scoped3A_138 : memref<!tpu.dma_semaphore, #tpu.memory_space<semaphore_mem>>) src(%dma_wait3A_154 : memref<632x64xf32, #tpu.memory_space<vmem_shared>>) dst(%dma_wait3A_152 : memref<632x64xf32, #tpu.memory_space<hbm>>)
      tpu.yield
    }) : () -> ()
    "tpu.region"() ({
      %run_scoped3A_138 = tpu.sem_alloc : memref<!tpu.dma_semaphore, #tpu.memory_space<semaphore_mem>>
      %dma_start3A_139 = arith.constant 0 : i32
      %dma_start3A_140 = arith.constant 0 : i32
      %dma_start3A_141 = tpu.memref_slice %arg5[%arg0, %dma_start3A_139, %dma_start3A_140] : memref<2x10112x16xf32, #tpu.memory_space<hbm>> -> memref<1x10112x16xf32, #tpu.memory_space<hbm>>
      %dma_start3A_142 = tpu.memref_squeeze %dma_start3A_141 : memref<1x10112x16xf32, #tpu.memory_space<hbm>> -> memref<10112x16xf32, #tpu.memory_space<hbm>>
      %dma_start3A_143 = arith.constant 0 : i32
      %dma_start3A_144 = tpu.memref_slice %dma_start3A_142[%mul3A_137, %dma_start3A_143] : memref<10112x16xf32, #tpu.memory_space<hbm>> -> memref<632x16xf32, #tpu.memory_space<hbm>>
      %dma_start3A_145 = arith.constant 0 : i32
      %dma_start3A_146 = tpu.memref_slice %arg18[%mul3A_137, %dma_start3A_145] : memref<10112x16xf32, #tpu.memory_space<vmem_shared>> -> memref<632x16xf32, #tpu.memory_space<vmem_shared>>
      tpu.enqueue_dma source(%dma_start3A_146 : memref<632x16xf32, #tpu.memory_space<vmem_shared>>) target(%dma_start3A_144 : memref<632x16xf32, #tpu.memory_space<hbm>>) target_semaphore(%run_scoped3A_138 : memref<!tpu.dma_semaphore, #tpu.memory_space<semaphore_mem>>)
      %dma_wait3A_147 = arith.constant 0 : i32
      %dma_wait3A_148 = arith.constant 0 : i32
      %dma_wait3A_149 = tpu.memref_slice %arg5[%arg0, %dma_wait3A_147, %dma_wait3A_148] : memref<2x10112x16xf32, #tpu.memory_space<hbm>> -> memref<1x10112x16xf32, #tpu.memory_space<hbm>>
      %dma_wait3A_150 = tpu.memref_squeeze %dma_wait3A_149 : memref<1x10112x16xf32, #tpu.memory_space<hbm>> -> memref<10112x16xf32, #tpu.memory_space<hbm>>
      %dma_wait3A_151 = arith.constant 0 : i32
      %dma_wait3A_152 = tpu.memref_slice %dma_wait3A_150[%mul3A_137, %dma_wait3A_151] : memref<10112x16xf32, #tpu.memory_space<hbm>> -> memref<632x16xf32, #tpu.memory_space<hbm>>
      %dma_wait3A_153 = arith.constant 0 : i32
      %dma_wait3A_154 = tpu.memref_slice %arg18[%mul3A_137, %dma_wait3A_153] : memref<10112x16xf32, #tpu.memory_space<vmem_shared>> -> memref<632x16xf32, #tpu.memory_space<vmem_shared>>
      tpu.wait_dma2 semaphore(%run_scoped3A_138 : memref<!tpu.dma_semaphore, #tpu.memory_space<semaphore_mem>>) src(%dma_wait3A_154 : memref<632x16xf32, #tpu.memory_space<vmem_shared>>) dst(%dma_wait3A_152 : memref<632x16xf32, #tpu.memory_space<hbm>>)
      tpu.yield
    }) : () -> ()
    return
  }
}

#map = affine_map<(d0, d1) -> (0, 0)>
#map1 = affine_map<(d0, d1) -> (0, 0, 0)>
module attributes {stable_mosaic.version = 14 : i64} {
  func.func @body(%arg0: i32, %arg1: i32, %arg2: memref<10000x64xf32, #tpu.memory_space<hbm>>, %arg3: memref<2x2560x125xi32, #tpu.memory_space<hbm>>, %arg4: memref<2x10112x64xf32, #tpu.memory_space<hbm>>, %arg5: memref<80x125xi32, #tpu.memory_space<vmem>>, %arg6: memref<80x125xi32, #tpu.memory_space<vmem>>, %arg7: memref<125x64xf32, #tpu.memory_space<vmem>>, %arg8: memref<125x64xf32, #tpu.memory_space<vmem>>, %arg9: memref<125x64xf32, #tpu.memory_space<vmem>>, %arg10: memref<125x64xf32, #tpu.memory_space<vmem>>, %arg11: memref<128x64xf32, #tpu.memory_space<vmem>>, %arg12: memref<10112x64xf32, #tpu.memory_space<vmem_shared>>, %arg13: memref<!tpu.dma_semaphore, #tpu.memory_space<semaphore_mem>>, %arg14: memref<!tpu.dma_semaphore, #tpu.memory_space<semaphore_mem>>, %arg15: memref<!tpu.dma_semaphore, #tpu.memory_space<semaphore_mem>>, %arg16: memref<!tpu.dma_semaphore, #tpu.memory_space<semaphore_mem>>, %arg17: memref<!tpu.dma_semaphore, #tpu.memory_space<semaphore_mem>>, %arg18: memref<!tpu.dma_semaphore, #tpu.memory_space<semaphore_mem>>, %arg19: memref<!tpu.dma_semaphore, #tpu.memory_space<semaphore_mem>>, %arg20: memref<!tpu.dma_semaphore, #tpu.memory_space<semaphore_mem>>) attributes {dimension_semantics = [#tpu.dimension_semantics<core_parallel>, #tpu.dimension_semantics<subcore_parallel>], iteration_bounds = array<i64: 2, 16>, scalar_prefetch = 0 : i64, scratch_operands = 16 : i64, tpu.core_type = #tpu.core_type<sc_vector_subcore>, window_params = [{transform_indices = #map}, {transform_indices = #map1}, {transform_indices = #map1}]} {
    %mul3A = arith.constant 2 : i32
    %mul3A_0 = arith.muli %arg1, %mul3A : i32
    %add3A = arith.addi %mul3A_0, %arg0 : i32
    %scan3A = arith.constant 0 : i32
    %scan3A_1 = arith.constant 0 : i32
    %scan3A_2 = arith.constant 512 : i32
    %scan3A_3 = arith.addi %scan3A_1, %scan3A_2 : i32
    %scan3A_4 = arith.constant 1 : i32
    scf.for %scan3A_142 = %scan3A_1 to %scan3A_3 step %scan3A_4  : i32 {
      %broadcast_in_dim3A = arith.constant 0.000000e+00 : f32
      %broadcast_in_dim3A_143 = vector.broadcast %broadcast_in_dim3A : f32 to vector<16xf32>
      %jit3A = arith.constant 4 : i32
      %div3A = arith.divsi %scan3A_142, %jit3A : i32
      %sign3A = arith.constant 0 : i32
      %sign3A_144 = arith.cmpi sgt, %scan3A_142, %sign3A : i32
      %sign3A_145 = arith.extui %sign3A_144 : i1 to i32
      %sign3A_146 = arith.constant 0 : i32
      %sign3A_147 = arith.cmpi slt, %scan3A_142, %sign3A_146 : i32
      %sign3A_148 = arith.extui %sign3A_147 : i1 to i32
      %sign3A_149 = arith.subi %sign3A_145, %sign3A_148 : i32
      %sign3A_150 = arith.constant 0 : i32
      %sign3A_151 = arith.cmpi sgt, %jit3A, %sign3A_150 : i32
      %sign3A_152 = arith.extui %sign3A_151 : i1 to i32
      %sign3A_153 = arith.constant 0 : i32
      %sign3A_154 = arith.cmpi slt, %jit3A, %sign3A_153 : i32
      %sign3A_155 = arith.extui %sign3A_154 : i1 to i32
      %sign3A_156 = arith.subi %sign3A_152, %sign3A_155 : i32
      %ne3A = arith.cmpi ne, %sign3A_149, %sign3A_156 : i32
      %rem3A = arith.remsi %scan3A_142, %jit3A : i32
      %ne3A_157 = arith.constant 0 : i32
      %ne3A_158 = arith.cmpi ne, %rem3A, %ne3A_157 : i32
      %and3A = arith.andi %ne3A, %ne3A_158 : i1
      %sub3A = arith.constant 1 : i32
      %sub3A_159 = arith.subi %div3A, %sub3A : i32
      %select_n3A = arith.select %and3A, %sub3A_159, %div3A : i32
      %jit3A_160 = arith.constant 4 : i32
      %eq3A = arith.constant 0 : i32
      %eq3A_161 = arith.cmpi eq, %jit3A_160, %eq3A : i32
      %jit3A_162 = arith.constant 1 : i32
      %select_n3A_163 = arith.select %eq3A_161, %jit3A_162, %jit3A_160 : i32
      %rem3A_164 = arith.remsi %scan3A_142, %select_n3A_163 : i32
      %ne3A_165 = arith.constant 0 : i32
      %ne3A_166 = arith.cmpi ne, %rem3A_164, %ne3A_165 : i32
      %lt3A = arith.constant 0 : i32
      %lt3A_167 = arith.cmpi slt, %rem3A_164, %lt3A : i32
      %lt3A_168 = arith.constant 0 : i32
      %lt3A_169 = arith.cmpi slt, %select_n3A_163, %lt3A_168 : i32
      %ne3A_170 = arith.xori %lt3A_167, %lt3A_169 : i1
      %and3A_171 = arith.andi %ne3A_170, %ne3A_166 : i1
      %add3A_172 = arith.addi %rem3A_164, %select_n3A_163 : i32
      %select_n3A_173 = arith.select %and3A_171, %add3A_172, %rem3A_164 : i32
      %mul3A_174 = arith.constant 16 : i32
      %mul3A_175 = arith.muli %select_n3A_173, %mul3A_174 : i32
      %swap3A = arith.index_cast %select_n3A : i32 to index
      %swap3A_176 = arith.index_cast %mul3A_175 : i32 to index
      %swap3A_177 = tpu.vector_load %arg11[%swap3A, %swap3A_176] {strides = array<i32>} : memref<128x64xf32, #tpu.memory_space<vmem>>, vector<1x16xf32>,
      %swap3A_178 = vector.shape_cast %swap3A_177 : vector<1x16xf32> to vector<16xf32>
      %swap3A_179 = vector.shape_cast %broadcast_in_dim3A_143 : vector<16xf32> to vector<1x16xf32>
      tpu.vector_store %arg11[%swap3A, %swap3A_176], %swap3A_179 {strides = array<i32>} : memref<128x64xf32, #tpu.memory_space<vmem>>, vector<1x16xf32>,
    }
    %scan3A_5 = arith.constant 512 : i32
    %mul3A_6 = arith.constant 632 : i32
    %mul3A_7 = arith.muli %arg1, %mul3A_6 : i32
    %add3A_8 = arith.constant 0 : i32
    %add3A_9 = arith.addi %mul3A_7, %add3A_8 : i32
    "tpu.region"() ({
      %run_scoped3A_142 = tpu.sem_alloc : memref<!tpu.dma_semaphore, #tpu.memory_space<semaphore_mem>>
      %dma_start3A_143 = arith.constant 0 : i32
      %dma_start3A_144 = tpu.memref_slice %arg12[%add3A_9, %dma_start3A_143] : memref<10112x64xf32, #tpu.memory_space<vmem_shared>> -> memref<128x64xf32, #tpu.memory_space<vmem_shared>>
      %dma_start3A_145 = arith.constant 0 : i32
      %dma_start3A_146 = tpu.memref_slice %arg12[%add3A_9, %dma_start3A_145] : memref<10112x64xf32, #tpu.memory_space<vmem_shared>> -> memref<128x64xf32, #tpu.memory_space<vmem_shared>>
      tpu.enqueue_dma source(%arg11 : memref<128x64xf32, #tpu.memory_space<vmem>>) target(%dma_start3A_146 : memref<128x64xf32, #tpu.memory_space<vmem_shared>>) target_semaphore(%run_scoped3A_142 : memref<!tpu.dma_semaphore, #tpu.memory_space<semaphore_mem>>)
      %dma_wait3A_147 = arith.constant 0 : i32
      %dma_wait3A_148 = tpu.memref_slice %arg12[%add3A_9, %dma_wait3A_147] : memref<10112x64xf32, #tpu.memory_space<vmem_shared>> -> memref<128x64xf32, #tpu.memory_space<vmem_shared>>
      %dma_wait3A_149 = arith.constant 0 : i32
      %dma_wait3A_150 = tpu.memref_slice %arg12[%add3A_9, %dma_wait3A_149] : memref<10112x64xf32, #tpu.memory_space<vmem_shared>> -> memref<128x64xf32, #tpu.memory_space<vmem_shared>>
      tpu.wait_dma2 semaphore(%run_scoped3A_142 : memref<!tpu.dma_semaphore, #tpu.memory_space<semaphore_mem>>) src(%arg11 : memref<128x64xf32, #tpu.memory_space<vmem>>) dst(%dma_wait3A_150 : memref<128x64xf32, #tpu.memory_space<vmem_shared>>)
      tpu.yield
    }) : () -> ()
    %add3A_10 = arith.constant 128 : i32
    %add3A_11 = arith.addi %mul3A_7, %add3A_10 : i32
    "tpu.region"() ({
      %run_scoped3A_142 = tpu.sem_alloc : memref<!tpu.dma_semaphore, #tpu.memory_space<semaphore_mem>>
      %dma_start3A_143 = arith.constant 0 : i32
      %dma_start3A_144 = tpu.memref_slice %arg12[%add3A_11, %dma_start3A_143] : memref<10112x64xf32, #tpu.memory_space<vmem_shared>> -> memref<128x64xf32, #tpu.memory_space<vmem_shared>>
      %dma_start3A_145 = arith.constant 0 : i32
      %dma_start3A_146 = tpu.memref_slice %arg12[%add3A_11, %dma_start3A_145] : memref<10112x64xf32, #tpu.memory_space<vmem_shared>> -> memref<128x64xf32, #tpu.memory_space<vmem_shared>>
      tpu.enqueue_dma source(%arg11 : memref<128x64xf32, #tpu.memory_space<vmem>>) target(%dma_start3A_146 : memref<128x64xf32, #tpu.memory_space<vmem_shared>>) target_semaphore(%run_scoped3A_142 : memref<!tpu.dma_semaphore, #tpu.memory_space<semaphore_mem>>)
      %dma_wait3A_147 = arith.constant 0 : i32
      %dma_wait3A_148 = tpu.memref_slice %arg12[%add3A_11, %dma_wait3A_147] : memref<10112x64xf32, #tpu.memory_space<vmem_shared>> -> memref<128x64xf32, #tpu.memory_space<vmem_shared>>
      %dma_wait3A_149 = arith.constant 0 : i32
      %dma_wait3A_150 = tpu.memref_slice %arg12[%add3A_11, %dma_wait3A_149] : memref<10112x64xf32, #tpu.memory_space<vmem_shared>> -> memref<128x64xf32, #tpu.memory_space<vmem_shared>>
      tpu.wait_dma2 semaphore(%run_scoped3A_142 : memref<!tpu.dma_semaphore, #tpu.memory_space<semaphore_mem>>) src(%arg11 : memref<128x64xf32, #tpu.memory_space<vmem>>) dst(%dma_wait3A_150 : memref<128x64xf32, #tpu.memory_space<vmem_shared>>)
      tpu.yield
    }) : () -> ()
    %add3A_12 = arith.constant 256 : i32
    %add3A_13 = arith.addi %mul3A_7, %add3A_12 : i32
    "tpu.region"() ({
      %run_scoped3A_142 = tpu.sem_alloc : memref<!tpu.dma_semaphore, #tpu.memory_space<semaphore_mem>>
      %dma_start3A_143 = arith.constant 0 : i32
      %dma_start3A_144 = tpu.memref_slice %arg12[%add3A_13, %dma_start3A_143] : memref<10112x64xf32, #tpu.memory_space<vmem_shared>> -> memref<128x64xf32, #tpu.memory_space<vmem_shared>>
      %dma_start3A_145 = arith.constant 0 : i32
      %dma_start3A_146 = tpu.memref_slice %arg12[%add3A_13, %dma_start3A_145] : memref<10112x64xf32, #tpu.memory_space<vmem_shared>> -> memref<128x64xf32, #tpu.memory_space<vmem_shared>>
      tpu.enqueue_dma source(%arg11 : memref<128x64xf32, #tpu.memory_space<vmem>>) target(%dma_start3A_146 : memref<128x64xf32, #tpu.memory_space<vmem_shared>>) target_semaphore(%run_scoped3A_142 : memref<!tpu.dma_semaphore, #tpu.memory_space<semaphore_mem>>)
      %dma_wait3A_147 = arith.constant 0 : i32
      %dma_wait3A_148 = tpu.memref_slice %arg12[%add3A_13, %dma_wait3A_147] : memref<10112x64xf32, #tpu.memory_space<vmem_shared>> -> memref<128x64xf32, #tpu.memory_space<vmem_shared>>
      %dma_wait3A_149 = arith.constant 0 : i32
      %dma_wait3A_150 = tpu.memref_slice %arg12[%add3A_13, %dma_wait3A_149] : memref<10112x64xf32, #tpu.memory_space<vmem_shared>> -> memref<128x64xf32, #tpu.memory_space<vmem_shared>>
      tpu.wait_dma2 semaphore(%run_scoped3A_142 : memref<!tpu.dma_semaphore, #tpu.memory_space<semaphore_mem>>) src(%arg11 : memref<128x64xf32, #tpu.memory_space<vmem>>) dst(%dma_wait3A_150 : memref<128x64xf32, #tpu.memory_space<vmem_shared>>)
      tpu.yield
    }) : () -> ()
    %add3A_14 = arith.constant 384 : i32
    %add3A_15 = arith.addi %mul3A_7, %add3A_14 : i32
    "tpu.region"() ({
      %run_scoped3A_142 = tpu.sem_alloc : memref<!tpu.dma_semaphore, #tpu.memory_space<semaphore_mem>>
      %dma_start3A_143 = arith.constant 0 : i32
      %dma_start3A_144 = tpu.memref_slice %arg12[%add3A_15, %dma_start3A_143] : memref<10112x64xf32, #tpu.memory_space<vmem_shared>> -> memref<128x64xf32, #tpu.memory_space<vmem_shared>>
      %dma_start3A_145 = arith.constant 0 : i32
      %dma_start3A_146 = tpu.memref_slice %arg12[%add3A_15, %dma_start3A_145] : memref<10112x64xf32, #tpu.memory_space<vmem_shared>> -> memref<128x64xf32, #tpu.memory_space<vmem_shared>>
      tpu.enqueue_dma source(%arg11 : memref<128x64xf32, #tpu.memory_space<vmem>>) target(%dma_start3A_146 : memref<128x64xf32, #tpu.memory_space<vmem_shared>>) target_semaphore(%run_scoped3A_142 : memref<!tpu.dma_semaphore, #tpu.memory_space<semaphore_mem>>)
      %dma_wait3A_147 = arith.constant 0 : i32
      %dma_wait3A_148 = tpu.memref_slice %arg12[%add3A_15, %dma_wait3A_147] : memref<10112x64xf32, #tpu.memory_space<vmem_shared>> -> memref<128x64xf32, #tpu.memory_space<vmem_shared>>
      %dma_wait3A_149 = arith.constant 0 : i32
      %dma_wait3A_150 = tpu.memref_slice %arg12[%add3A_15, %dma_wait3A_149] : memref<10112x64xf32, #tpu.memory_space<vmem_shared>> -> memref<128x64xf32, #tpu.memory_space<vmem_shared>>
      tpu.wait_dma2 semaphore(%run_scoped3A_142 : memref<!tpu.dma_semaphore, #tpu.memory_space<semaphore_mem>>) src(%arg11 : memref<128x64xf32, #tpu.memory_space<vmem>>) dst(%dma_wait3A_150 : memref<128x64xf32, #tpu.memory_space<vmem_shared>>)
      tpu.yield
    }) : () -> ()
    %add3A_16 = arith.constant 512 : i32
    %add3A_17 = arith.addi %mul3A_7, %add3A_16 : i32
    "tpu.region"() ({
      %run_scoped3A_142 = tpu.sem_alloc : memref<!tpu.dma_semaphore, #tpu.memory_space<semaphore_mem>>
      %dma_start3A_143 = arith.constant 0 : i32
      %dma_start3A_144 = arith.constant 0 : i32
      %dma_start3A_145 = tpu.memref_slice %arg11[%dma_start3A_143, %dma_start3A_144] : memref<128x64xf32, #tpu.memory_space<vmem>> -> memref<120x64xf32, #tpu.memory_space<vmem>>
      %dma_start3A_146 = arith.constant 0 : i32
      %dma_start3A_147 = tpu.memref_slice %arg12[%add3A_17, %dma_start3A_146] : memref<10112x64xf32, #tpu.memory_space<vmem_shared>> -> memref<120x64xf32, #tpu.memory_space<vmem_shared>>
      %dma_start3A_148 = arith.constant 0 : i32
      %dma_start3A_149 = tpu.memref_slice %arg12[%add3A_17, %dma_start3A_148] : memref<10112x64xf32, #tpu.memory_space<vmem_shared>> -> memref<120x64xf32, #tpu.memory_space<vmem_shared>>
      %dma_start3A_150 = arith.constant 0 : i32
      %dma_start3A_151 = arith.constant 0 : i32
      %dma_start3A_152 = tpu.memref_slice %arg11[%dma_start3A_150, %dma_start3A_151] : memref<128x64xf32, #tpu.memory_space<vmem>> -> memref<120x64xf32, #tpu.memory_space<vmem>>
      tpu.enqueue_dma source(%dma_start3A_152 : memref<120x64xf32, #tpu.memory_space<vmem>>) target(%dma_start3A_149 : memref<120x64xf32, #tpu.memory_space<vmem_shared>>) target_semaphore(%run_scoped3A_142 : memref<!tpu.dma_semaphore, #tpu.memory_space<semaphore_mem>>)
      %dma_wait3A_153 = arith.constant 0 : i32
      %dma_wait3A_154 = arith.constant 0 : i32
      %dma_wait3A_155 = tpu.memref_slice %arg11[%dma_wait3A_153, %dma_wait3A_154] : memref<128x64xf32, #tpu.memory_space<vmem>> -> memref<120x64xf32, #tpu.memory_space<vmem>>
      %dma_wait3A_156 = arith.constant 0 : i32
      %dma_wait3A_157 = tpu.memref_slice %arg12[%add3A_17, %dma_wait3A_156] : memref<10112x64xf32, #tpu.memory_space<vmem_shared>> -> memref<120x64xf32, #tpu.memory_space<vmem_shared>>
      %dma_wait3A_158 = arith.constant 0 : i32
      %dma_wait3A_159 = tpu.memref_slice %arg12[%add3A_17, %dma_wait3A_158] : memref<10112x64xf32, #tpu.memory_space<vmem_shared>> -> memref<120x64xf32, #tpu.memory_space<vmem_shared>>
      %dma_wait3A_160 = arith.constant 0 : i32
      %dma_wait3A_161 = arith.constant 0 : i32
      %dma_wait3A_162 = tpu.memref_slice %arg11[%dma_wait3A_160, %dma_wait3A_161] : memref<128x64xf32, #tpu.memory_space<vmem>> -> memref<120x64xf32, #tpu.memory_space<vmem>>
      tpu.wait_dma2 semaphore(%run_scoped3A_142 : memref<!tpu.dma_semaphore, #tpu.memory_space<semaphore_mem>>) src(%dma_wait3A_162 : memref<120x64xf32, #tpu.memory_space<vmem>>) dst(%dma_wait3A_159 : memref<120x64xf32, #tpu.memory_space<vmem_shared>>)
      tpu.yield
    }) : () -> ()
    %barrier3A = arith.constant 0 : index
    tpu.barrier barrier_id(%barrier3A)
    %mul3A_18 = arith.constant 80 : i32
    %mul3A_19 = arith.muli %add3A, %mul3A_18 : i32
    %run_scoped3A = arith.constant 0 : i32
    "tpu.region"() ({
      %run_scoped3A_142 = tpu.sem_alloc : memref<!tpu.dma_semaphore, #tpu.memory_space<semaphore_mem>>
      %dma_start3A_143 = arith.constant 0 : i32
      %dma_start3A_144 = arith.constant 0 : i32
      %dma_start3A_145 = tpu.memref_slice %arg3[%run_scoped3A, %dma_start3A_143, %dma_start3A_144] : memref<2x2560x125xi32, #tpu.memory_space<hbm>> -> memref<1x2560x125xi32, #tpu.memory_space<hbm>>
      %dma_start3A_146 = tpu.memref_squeeze %dma_start3A_145 : memref<1x2560x125xi32, #tpu.memory_space<hbm>> -> memref<2560x125xi32, #tpu.memory_space<hbm>>
      %dma_start3A_147 = arith.constant 0 : i32
      %dma_start3A_148 = tpu.memref_slice %dma_start3A_146[%mul3A_19, %dma_start3A_147] : memref<2560x125xi32, #tpu.memory_space<hbm>> -> memref<80x125xi32, #tpu.memory_space<hbm>>
      %dma_start3A_149 = arith.constant 0 : i32
      %dma_start3A_150 = arith.constant 0 : i32
      %dma_start3A_151 = tpu.memref_slice %arg3[%run_scoped3A, %dma_start3A_149, %dma_start3A_150] : memref<2x2560x125xi32, #tpu.memory_space<hbm>> -> memref<1x2560x125xi32, #tpu.memory_space<hbm>>
      %dma_start3A_152 = tpu.memref_squeeze %dma_start3A_151 : memref<1x2560x125xi32, #tpu.memory_space<hbm>> -> memref<2560x125xi32, #tpu.memory_space<hbm>>
      %dma_start3A_153 = arith.constant 0 : i32
      %dma_start3A_154 = tpu.memref_slice %dma_start3A_152[%mul3A_19, %dma_start3A_153] : memref<2560x125xi32, #tpu.memory_space<hbm>> -> memref<80x125xi32, #tpu.memory_space<hbm>>
      tpu.enqueue_dma source(%dma_start3A_154 : memref<80x125xi32, #tpu.memory_space<hbm>>) target(%arg5 : memref<80x125xi32, #tpu.memory_space<vmem>>) target_semaphore(%run_scoped3A_142 : memref<!tpu.dma_semaphore, #tpu.memory_space<semaphore_mem>>)
      %dma_wait3A_155 = arith.constant 0 : i32
      %dma_wait3A_156 = arith.constant 0 : i32
      %dma_wait3A_157 = tpu.memref_slice %arg3[%run_scoped3A, %dma_wait3A_155, %dma_wait3A_156] : memref<2x2560x125xi32, #tpu.memory_space<hbm>> -> memref<1x2560x125xi32, #tpu.memory_space<hbm>>
      %dma_wait3A_158 = tpu.memref_squeeze %dma_wait3A_157 : memref<1x2560x125xi32, #tpu.memory_space<hbm>> -> memref<2560x125xi32, #tpu.memory_space<hbm>>
      %dma_wait3A_159 = arith.constant 0 : i32
      %dma_wait3A_160 = tpu.memref_slice %dma_wait3A_158[%mul3A_19, %dma_wait3A_159] : memref<2560x125xi32, #tpu.memory_space<hbm>> -> memref<80x125xi32, #tpu.memory_space<hbm>>
      %dma_wait3A_161 = arith.constant 0 : i32
      %dma_wait3A_162 = arith.constant 0 : i32
      %dma_wait3A_163 = tpu.memref_slice %arg3[%run_scoped3A, %dma_wait3A_161, %dma_wait3A_162] : memref<2x2560x125xi32, #tpu.memory_space<hbm>> -> memref<1x2560x125xi32, #tpu.memory_space<hbm>>
      %dma_wait3A_164 = tpu.memref_squeeze %dma_wait3A_163 : memref<1x2560x125xi32, #tpu.memory_space<hbm>> -> memref<2560x125xi32, #tpu.memory_space<hbm>>
      %dma_wait3A_165 = arith.constant 0 : i32
      %dma_wait3A_166 = tpu.memref_slice %dma_wait3A_164[%mul3A_19, %dma_wait3A_165] : memref<2560x125xi32, #tpu.memory_space<hbm>> -> memref<80x125xi32, #tpu.memory_space<hbm>>
      tpu.wait_dma2 semaphore(%run_scoped3A_142 : memref<!tpu.dma_semaphore, #tpu.memory_space<semaphore_mem>>) src(%dma_wait3A_166 : memref<80x125xi32, #tpu.memory_space<hbm>>) dst(%arg5 : memref<80x125xi32, #tpu.memory_space<vmem>>)
      tpu.yield
    }) : () -> ()
    %mul3A_20 = arith.constant 80 : i32
    %mul3A_21 = arith.muli %add3A, %mul3A_20 : i32
    %run_scoped3A_22 = arith.constant 1 : i32
    "tpu.region"() ({
      %run_scoped3A_142 = tpu.sem_alloc : memref<!tpu.dma_semaphore, #tpu.memory_space<semaphore_mem>>
      %dma_start3A_143 = arith.constant 0 : i32
      %dma_start3A_144 = arith.constant 0 : i32
      %dma_start3A_145 = tpu.memref_slice %arg3[%run_scoped3A_22, %dma_start3A_143, %dma_start3A_144] : memref<2x2560x125xi32, #tpu.memory_space<hbm>> -> memref<1x2560x125xi32, #tpu.memory_space<hbm>>
      %dma_start3A_146 = tpu.memref_squeeze %dma_start3A_145 : memref<1x2560x125xi32, #tpu.memory_space<hbm>> -> memref<2560x125xi32, #tpu.memory_space<hbm>>
      %dma_start3A_147 = arith.constant 0 : i32
      %dma_start3A_148 = tpu.memref_slice %dma_start3A_146[%mul3A_21, %dma_start3A_147] : memref<2560x125xi32, #tpu.memory_space<hbm>> -> memref<80x125xi32, #tpu.memory_space<hbm>>
      %dma_start3A_149 = arith.constant 0 : i32
      %dma_start3A_150 = arith.constant 0 : i32
      %dma_start3A_151 = tpu.memref_slice %arg3[%run_scoped3A_22, %dma_start3A_149, %dma_start3A_150] : memref<2x2560x125xi32, #tpu.memory_space<hbm>> -> memref<1x2560x125xi32, #tpu.memory_space<hbm>>
      %dma_start3A_152 = tpu.memref_squeeze %dma_start3A_151 : memref<1x2560x125xi32, #tpu.memory_space<hbm>> -> memref<2560x125xi32, #tpu.memory_space<hbm>>
      %dma_start3A_153 = arith.constant 0 : i32
      %dma_start3A_154 = tpu.memref_slice %dma_start3A_152[%mul3A_21, %dma_start3A_153] : memref<2560x125xi32, #tpu.memory_space<hbm>> -> memref<80x125xi32, #tpu.memory_space<hbm>>
      tpu.enqueue_dma source(%dma_start3A_154 : memref<80x125xi32, #tpu.memory_space<hbm>>) target(%arg6 : memref<80x125xi32, #tpu.memory_space<vmem>>) target_semaphore(%run_scoped3A_142 : memref<!tpu.dma_semaphore, #tpu.memory_space<semaphore_mem>>)
      %dma_wait3A_155 = arith.constant 0 : i32
      %dma_wait3A_156 = arith.constant 0 : i32
      %dma_wait3A_157 = tpu.memref_slice %arg3[%run_scoped3A_22, %dma_wait3A_155, %dma_wait3A_156] : memref<2x2560x125xi32, #tpu.memory_space<hbm>> -> memref<1x2560x125xi32, #tpu.memory_space<hbm>>
      %dma_wait3A_158 = tpu.memref_squeeze %dma_wait3A_157 : memref<1x2560x125xi32, #tpu.memory_space<hbm>> -> memref<2560x125xi32, #tpu.memory_space<hbm>>
      %dma_wait3A_159 = arith.constant 0 : i32
      %dma_wait3A_160 = tpu.memref_slice %dma_wait3A_158[%mul3A_21, %dma_wait3A_159] : memref<2560x125xi32, #tpu.memory_space<hbm>> -> memref<80x125xi32, #tpu.memory_space<hbm>>
      %dma_wait3A_161 = arith.constant 0 : i32
      %dma_wait3A_162 = arith.constant 0 : i32
      %dma_wait3A_163 = tpu.memref_slice %arg3[%run_scoped3A_22, %dma_wait3A_161, %dma_wait3A_162] : memref<2x2560x125xi32, #tpu.memory_space<hbm>> -> memref<1x2560x125xi32, #tpu.memory_space<hbm>>
      %dma_wait3A_164 = tpu.memref_squeeze %dma_wait3A_163 : memref<1x2560x125xi32, #tpu.memory_space<hbm>> -> memref<2560x125xi32, #tpu.memory_space<hbm>>
      %dma_wait3A_165 = arith.constant 0 : i32
      %dma_wait3A_166 = tpu.memref_slice %dma_wait3A_164[%mul3A_21, %dma_wait3A_165] : memref<2560x125xi32, #tpu.memory_space<hbm>> -> memref<80x125xi32, #tpu.memory_space<hbm>>
      tpu.wait_dma2 semaphore(%run_scoped3A_142 : memref<!tpu.dma_semaphore, #tpu.memory_space<semaphore_mem>>) src(%dma_wait3A_166 : memref<80x125xi32, #tpu.memory_space<hbm>>) dst(%arg6 : memref<80x125xi32, #tpu.memory_space<vmem>>)
      tpu.yield
    }) : () -> ()
    %dma_start3A = arith.constant 0 : i32
    %dma_start3A_23 = arith.constant 0 : i32
    %dma_start3A_24 = tpu.memref_slice %arg5[%dma_start3A, %dma_start3A_23] : memref<80x125xi32, #tpu.memory_space<vmem>> -> memref<1x125xi32, #tpu.memory_space<vmem>>
    %dma_start3A_25 = tpu.memref_squeeze %dma_start3A_24 : memref<1x125xi32, #tpu.memory_space<vmem>> -> memref<125xi32, #tpu.memory_space<vmem>>
    %dma_start3A_26 = arith.constant 0 : i32
    %dma_start3A_27 = arith.constant 0 : i32
    %dma_start3A_28 = tpu.memref_slice %arg2[%dma_start3A_26, %dma_start3A_27] : memref<10000x64xf32, #tpu.memory_space<hbm>> -> memref<10000x64xf32, #tpu.memory_space<hbm>>
    tpu.enqueue_indirect_dma source(%dma_start3A_28 : memref<10000x64xf32, #tpu.memory_space<hbm>>) target(%arg7 : memref<125x64xf32, #tpu.memory_space<vmem>>) offsets(%dma_start3A_25 : memref<125xi32, #tpu.memory_space<vmem>>) semaphore(%arg13 : memref<!tpu.dma_semaphore, #tpu.memory_space<semaphore_mem>>)
    %dma_start3A_29 = arith.constant 1 : i32
    %dma_start3A_30 = arith.constant 0 : i32
    %dma_start3A_31 = tpu.memref_slice %arg5[%dma_start3A_29, %dma_start3A_30] : memref<80x125xi32, #tpu.memory_space<vmem>> -> memref<1x125xi32, #tpu.memory_space<vmem>>
    %dma_start3A_32 = tpu.memref_squeeze %dma_start3A_31 : memref<1x125xi32, #tpu.memory_space<vmem>> -> memref<125xi32, #tpu.memory_space<vmem>>
    %dma_start3A_33 = arith.constant 0 : i32
    %dma_start3A_34 = arith.constant 0 : i32
    %dma_start3A_35 = tpu.memref_slice %arg2[%dma_start3A_33, %dma_start3A_34] : memref<10000x64xf32, #tpu.memory_space<hbm>> -> memref<10000x64xf32, #tpu.memory_space<hbm>>
    tpu.enqueue_indirect_dma source(%dma_start3A_35 : memref<10000x64xf32, #tpu.memory_space<hbm>>) target(%arg8 : memref<125x64xf32, #tpu.memory_space<vmem>>) offsets(%dma_start3A_32 : memref<125xi32, #tpu.memory_space<vmem>>) semaphore(%arg14 : memref<!tpu.dma_semaphore, #tpu.memory_space<semaphore_mem>>)
    %dma_start3A_36 = arith.constant 2 : i32
    %dma_start3A_37 = arith.constant 0 : i32
    %dma_start3A_38 = tpu.memref_slice %arg5[%dma_start3A_36, %dma_start3A_37] : memref<80x125xi32, #tpu.memory_space<vmem>> -> memref<1x125xi32, #tpu.memory_space<vmem>>
    %dma_start3A_39 = tpu.memref_squeeze %dma_start3A_38 : memref<1x125xi32, #tpu.memory_space<vmem>> -> memref<125xi32, #tpu.memory_space<vmem>>
    %dma_start3A_40 = arith.constant 0 : i32
    %dma_start3A_41 = arith.constant 0 : i32
    %dma_start3A_42 = tpu.memref_slice %arg2[%dma_start3A_40, %dma_start3A_41] : memref<10000x64xf32, #tpu.memory_space<hbm>> -> memref<10000x64xf32, #tpu.memory_space<hbm>>
    tpu.enqueue_indirect_dma source(%dma_start3A_42 : memref<10000x64xf32, #tpu.memory_space<hbm>>) target(%arg9 : memref<125x64xf32, #tpu.memory_space<vmem>>) offsets(%dma_start3A_39 : memref<125xi32, #tpu.memory_space<vmem>>) semaphore(%arg15 : memref<!tpu.dma_semaphore, #tpu.memory_space<semaphore_mem>>)
    %dma_start3A_43 = arith.constant 3 : i32
    %dma_start3A_44 = arith.constant 0 : i32
    %dma_start3A_45 = tpu.memref_slice %arg5[%dma_start3A_43, %dma_start3A_44] : memref<80x125xi32, #tpu.memory_space<vmem>> -> memref<1x125xi32, #tpu.memory_space<vmem>>
    %dma_start3A_46 = tpu.memref_squeeze %dma_start3A_45 : memref<1x125xi32, #tpu.memory_space<vmem>> -> memref<125xi32, #tpu.memory_space<vmem>>
    %dma_start3A_47 = arith.constant 0 : i32
    %dma_start3A_48 = arith.constant 0 : i32
    %dma_start3A_49 = tpu.memref_slice %arg2[%dma_start3A_47, %dma_start3A_48] : memref<10000x64xf32, #tpu.memory_space<hbm>> -> memref<10000x64xf32, #tpu.memory_space<hbm>>
    tpu.enqueue_indirect_dma source(%dma_start3A_49 : memref<10000x64xf32, #tpu.memory_space<hbm>>) target(%arg10 : memref<125x64xf32, #tpu.memory_space<vmem>>) offsets(%dma_start3A_46 : memref<125xi32, #tpu.memory_space<vmem>>) semaphore(%arg16 : memref<!tpu.dma_semaphore, #tpu.memory_space<semaphore_mem>>)
    %scan3A_50 = arith.constant 0 : i32
    %scan3A_51 = arith.constant 0 : i32
    %scan3A_52 = arith.constant 19 : i32
    %scan3A_53 = arith.addi %scan3A_51, %scan3A_52 : i32
    %scan3A_54 = arith.constant 1 : i32
    scf.for %scan3A_142 = %scan3A_51 to %scan3A_53 step %scan3A_54  : i32 {
      %mul3A_143 = arith.constant 4 : i32
      %mul3A_144 = arith.muli %mul3A_143, %scan3A_142 : i32
      %add3A_145 = arith.constant 0 : i32
      %add3A_146 = arith.addi %mul3A_144, %add3A_145 : i32
      %dma_wait3A_147 = arith.constant 0 : i32
      %dma_wait3A_148 = tpu.memref_slice %arg5[%add3A_146, %dma_wait3A_147] : memref<80x125xi32, #tpu.memory_space<vmem>> -> memref<1x125xi32, #tpu.memory_space<vmem>>
      %dma_wait3A_149 = tpu.memref_squeeze %dma_wait3A_148 : memref<1x125xi32, #tpu.memory_space<vmem>> -> memref<125xi32, #tpu.memory_space<vmem>>
      %dma_wait3A_150 = arith.constant 0 : i32
      %dma_wait3A_151 = arith.constant 0 : i32
      %dma_wait3A_152 = tpu.memref_slice %arg2[%dma_wait3A_150, %dma_wait3A_151] : memref<10000x64xf32, #tpu.memory_space<hbm>> -> memref<10000x64xf32, #tpu.memory_space<hbm>>
      tpu.wait_indirect_dma semaphore(%arg13 : memref<!tpu.dma_semaphore, #tpu.memory_space<semaphore_mem>>) src(%dma_wait3A_152 : memref<10000x64xf32, #tpu.memory_space<hbm>>) dst(%arg7 : memref<125x64xf32, #tpu.memory_space<vmem>>)
      %dma_start3A_153 = arith.constant 0 : i32
      %dma_start3A_154 = tpu.memref_slice %arg6[%add3A_146, %dma_start3A_153] : memref<80x125xi32, #tpu.memory_space<vmem>> -> memref<1x125xi32, #tpu.memory_space<vmem>>
      %dma_start3A_155 = tpu.memref_squeeze %dma_start3A_154 : memref<1x125xi32, #tpu.memory_space<vmem>> -> memref<125xi32, #tpu.memory_space<vmem>>
      %dma_start3A_156 = arith.constant 0 : i32
      %dma_start3A_157 = arith.constant 0 : i32
      %dma_start3A_158 = tpu.memref_slice %arg12[%dma_start3A_156, %dma_start3A_157] : memref<10112x64xf32, #tpu.memory_space<vmem_shared>> -> memref<10112x64xf32, #tpu.memory_space<vmem_shared>>
      tpu.enqueue_indirect_dma source(%arg7 : memref<125x64xf32, #tpu.memory_space<vmem>>) target(%dma_start3A_158 : memref<10112x64xf32, #tpu.memory_space<vmem_shared>>) offsets(%dma_start3A_155 : memref<125xi32, #tpu.memory_space<vmem>>) semaphore(%arg17 : memref<!tpu.dma_semaphore, #tpu.memory_space<semaphore_mem>>) {add = true}
      %add3A_159 = arith.constant 1 : i32
      %add3A_160 = arith.addi %mul3A_144, %add3A_159 : i32
      %dma_wait3A_161 = arith.constant 0 : i32
      %dma_wait3A_162 = tpu.memref_slice %arg5[%add3A_160, %dma_wait3A_161] : memref<80x125xi32, #tpu.memory_space<vmem>> -> memref<1x125xi32, #tpu.memory_space<vmem>>
      %dma_wait3A_163 = tpu.memref_squeeze %dma_wait3A_162 : memref<1x125xi32, #tpu.memory_space<vmem>> -> memref<125xi32, #tpu.memory_space<vmem>>
      %dma_wait3A_164 = arith.constant 0 : i32
      %dma_wait3A_165 = arith.constant 0 : i32
      %dma_wait3A_166 = tpu.memref_slice %arg2[%dma_wait3A_164, %dma_wait3A_165] : memref<10000x64xf32, #tpu.memory_space<hbm>> -> memref<10000x64xf32, #tpu.memory_space<hbm>>
      tpu.wait_indirect_dma semaphore(%arg14 : memref<!tpu.dma_semaphore, #tpu.memory_space<semaphore_mem>>) src(%dma_wait3A_166 : memref<10000x64xf32, #tpu.memory_space<hbm>>) dst(%arg8 : memref<125x64xf32, #tpu.memory_space<vmem>>)
      %dma_start3A_167 = arith.constant 0 : i32
      %dma_start3A_168 = tpu.memref_slice %arg6[%add3A_160, %dma_start3A_167] : memref<80x125xi32, #tpu.memory_space<vmem>> -> memref<1x125xi32, #tpu.memory_space<vmem>>
      %dma_start3A_169 = tpu.memref_squeeze %dma_start3A_168 : memref<1x125xi32, #tpu.memory_space<vmem>> -> memref<125xi32, #tpu.memory_space<vmem>>
      %dma_start3A_170 = arith.constant 0 : i32
      %dma_start3A_171 = arith.constant 0 : i32
      %dma_start3A_172 = tpu.memref_slice %arg12[%dma_start3A_170, %dma_start3A_171] : memref<10112x64xf32, #tpu.memory_space<vmem_shared>> -> memref<10112x64xf32, #tpu.memory_space<vmem_shared>>
      tpu.enqueue_indirect_dma source(%arg8 : memref<125x64xf32, #tpu.memory_space<vmem>>) target(%dma_start3A_172 : memref<10112x64xf32, #tpu.memory_space<vmem_shared>>) offsets(%dma_start3A_169 : memref<125xi32, #tpu.memory_space<vmem>>) semaphore(%arg18 : memref<!tpu.dma_semaphore, #tpu.memory_space<semaphore_mem>>) {add = true}
      %add3A_173 = arith.constant 2 : i32
      %add3A_174 = arith.addi %mul3A_144, %add3A_173 : i32
      %dma_wait3A_175 = arith.constant 0 : i32
      %dma_wait3A_176 = tpu.memref_slice %arg5[%add3A_174, %dma_wait3A_175] : memref<80x125xi32, #tpu.memory_space<vmem>> -> memref<1x125xi32, #tpu.memory_space<vmem>>
      %dma_wait3A_177 = tpu.memref_squeeze %dma_wait3A_176 : memref<1x125xi32, #tpu.memory_space<vmem>> -> memref<125xi32, #tpu.memory_space<vmem>>
      %dma_wait3A_178 = arith.constant 0 : i32
      %dma_wait3A_179 = arith.constant 0 : i32
      %dma_wait3A_180 = tpu.memref_slice %arg2[%dma_wait3A_178, %dma_wait3A_179] : memref<10000x64xf32, #tpu.memory_space<hbm>> -> memref<10000x64xf32, #tpu.memory_space<hbm>>
      tpu.wait_indirect_dma semaphore(%arg15 : memref<!tpu.dma_semaphore, #tpu.memory_space<semaphore_mem>>) src(%dma_wait3A_180 : memref<10000x64xf32, #tpu.memory_space<hbm>>) dst(%arg9 : memref<125x64xf32, #tpu.memory_space<vmem>>)
      %dma_start3A_181 = arith.constant 0 : i32
      %dma_start3A_182 = tpu.memref_slice %arg6[%add3A_174, %dma_start3A_181] : memref<80x125xi32, #tpu.memory_space<vmem>> -> memref<1x125xi32, #tpu.memory_space<vmem>>
      %dma_start3A_183 = tpu.memref_squeeze %dma_start3A_182 : memref<1x125xi32, #tpu.memory_space<vmem>> -> memref<125xi32, #tpu.memory_space<vmem>>
      %dma_start3A_184 = arith.constant 0 : i32
      %dma_start3A_185 = arith.constant 0 : i32
      %dma_start3A_186 = tpu.memref_slice %arg12[%dma_start3A_184, %dma_start3A_185] : memref<10112x64xf32, #tpu.memory_space<vmem_shared>> -> memref<10112x64xf32, #tpu.memory_space<vmem_shared>>
      tpu.enqueue_indirect_dma source(%arg9 : memref<125x64xf32, #tpu.memory_space<vmem>>) target(%dma_start3A_186 : memref<10112x64xf32, #tpu.memory_space<vmem_shared>>) offsets(%dma_start3A_183 : memref<125xi32, #tpu.memory_space<vmem>>) semaphore(%arg19 : memref<!tpu.dma_semaphore, #tpu.memory_space<semaphore_mem>>) {add = true}
      %add3A_187 = arith.constant 3 : i32
      %add3A_188 = arith.addi %mul3A_144, %add3A_187 : i32
      %dma_wait3A_189 = arith.constant 0 : i32
      %dma_wait3A_190 = tpu.memref_slice %arg5[%add3A_188, %dma_wait3A_189] : memref<80x125xi32, #tpu.memory_space<vmem>> -> memref<1x125xi32, #tpu.memory_space<vmem>>
      %dma_wait3A_191 = tpu.memref_squeeze %dma_wait3A_190 : memref<1x125xi32, #tpu.memory_space<vmem>> -> memref<125xi32, #tpu.memory_space<vmem>>
      %dma_wait3A_192 = arith.constant 0 : i32
      %dma_wait3A_193 = arith.constant 0 : i32
      %dma_wait3A_194 = tpu.memref_slice %arg2[%dma_wait3A_192, %dma_wait3A_193] : memref<10000x64xf32, #tpu.memory_space<hbm>> -> memref<10000x64xf32, #tpu.memory_space<hbm>>
      tpu.wait_indirect_dma semaphore(%arg16 : memref<!tpu.dma_semaphore, #tpu.memory_space<semaphore_mem>>) src(%dma_wait3A_194 : memref<10000x64xf32, #tpu.memory_space<hbm>>) dst(%arg10 : memref<125x64xf32, #tpu.memory_space<vmem>>)
      %dma_start3A_195 = arith.constant 0 : i32
      %dma_start3A_196 = tpu.memref_slice %arg6[%add3A_188, %dma_start3A_195] : memref<80x125xi32, #tpu.memory_space<vmem>> -> memref<1x125xi32, #tpu.memory_space<vmem>>
      %dma_start3A_197 = tpu.memref_squeeze %dma_start3A_196 : memref<1x125xi32, #tpu.memory_space<vmem>> -> memref<125xi32, #tpu.memory_space<vmem>>
      %dma_start3A_198 = arith.constant 0 : i32
      %dma_start3A_199 = arith.constant 0 : i32
      %dma_start3A_200 = tpu.memref_slice %arg12[%dma_start3A_198, %dma_start3A_199] : memref<10112x64xf32, #tpu.memory_space<vmem_shared>> -> memref<10112x64xf32, #tpu.memory_space<vmem_shared>>
      tpu.enqueue_indirect_dma source(%arg10 : memref<125x64xf32, #tpu.memory_space<vmem>>) target(%dma_start3A_200 : memref<10112x64xf32, #tpu.memory_space<vmem_shared>>) offsets(%dma_start3A_197 : memref<125xi32, #tpu.memory_space<vmem>>) semaphore(%arg20 : memref<!tpu.dma_semaphore, #tpu.memory_space<semaphore_mem>>) {add = true}
      %add3A_201 = arith.constant 0 : i32
      %add3A_202 = arith.addi %mul3A_144, %add3A_201 : i32
      %dma_wait3A_203 = arith.constant 0 : i32
      %dma_wait3A_204 = tpu.memref_slice %arg6[%add3A_202, %dma_wait3A_203] : memref<80x125xi32, #tpu.memory_space<vmem>> -> memref<1x125xi32, #tpu.memory_space<vmem>>
      %dma_wait3A_205 = tpu.memref_squeeze %dma_wait3A_204 : memref<1x125xi32, #tpu.memory_space<vmem>> -> memref<125xi32, #tpu.memory_space<vmem>>
      %dma_wait3A_206 = arith.constant 0 : i32
      %dma_wait3A_207 = arith.constant 0 : i32
      %dma_wait3A_208 = tpu.memref_slice %arg12[%dma_wait3A_206, %dma_wait3A_207] : memref<10112x64xf32, #tpu.memory_space<vmem_shared>> -> memref<10112x64xf32, #tpu.memory_space<vmem_shared>>
      tpu.wait_indirect_dma semaphore(%arg17 : memref<!tpu.dma_semaphore, #tpu.memory_space<semaphore_mem>>) src(%arg7 : memref<125x64xf32, #tpu.memory_space<vmem>>) dst(%dma_wait3A_208 : memref<10112x64xf32, #tpu.memory_space<vmem_shared>>)
      %add3A_209 = arith.constant 0 : i32
      %add3A_210 = arith.addi %mul3A_144, %add3A_209 : i32
      %add3A_211 = arith.constant 4 : i32
      %add3A_212 = arith.addi %add3A_210, %add3A_211 : i32
      %dma_start3A_213 = arith.constant 0 : i32
      %dma_start3A_214 = tpu.memref_slice %arg5[%add3A_212, %dma_start3A_213] : memref<80x125xi32, #tpu.memory_space<vmem>> -> memref<1x125xi32, #tpu.memory_space<vmem>>
      %dma_start3A_215 = tpu.memref_squeeze %dma_start3A_214 : memref<1x125xi32, #tpu.memory_space<vmem>> -> memref<125xi32, #tpu.memory_space<vmem>>
      %dma_start3A_216 = arith.constant 0 : i32
      %dma_start3A_217 = arith.constant 0 : i32
      %dma_start3A_218 = tpu.memref_slice %arg2[%dma_start3A_216, %dma_start3A_217] : memref<10000x64xf32, #tpu.memory_space<hbm>> -> memref<10000x64xf32, #tpu.memory_space<hbm>>
      tpu.enqueue_indirect_dma source(%dma_start3A_218 : memref<10000x64xf32, #tpu.memory_space<hbm>>) target(%arg7 : memref<125x64xf32, #tpu.memory_space<vmem>>) offsets(%dma_start3A_215 : memref<125xi32, #tpu.memory_space<vmem>>) semaphore(%arg13 : memref<!tpu.dma_semaphore, #tpu.memory_space<semaphore_mem>>)
      %add3A_219 = arith.constant 1 : i32
      %add3A_220 = arith.addi %mul3A_144, %add3A_219 : i32
      %dma_wait3A_221 = arith.constant 0 : i32
      %dma_wait3A_222 = tpu.memref_slice %arg6[%add3A_220, %dma_wait3A_221] : memref<80x125xi32, #tpu.memory_space<vmem>> -> memref<1x125xi32, #tpu.memory_space<vmem>>
      %dma_wait3A_223 = tpu.memref_squeeze %dma_wait3A_222 : memref<1x125xi32, #tpu.memory_space<vmem>> -> memref<125xi32, #tpu.memory_space<vmem>>
      %dma_wait3A_224 = arith.constant 0 : i32
      %dma_wait3A_225 = arith.constant 0 : i32
      %dma_wait3A_226 = tpu.memref_slice %arg12[%dma_wait3A_224, %dma_wait3A_225] : memref<10112x64xf32, #tpu.memory_space<vmem_shared>> -> memref<10112x64xf32, #tpu.memory_space<vmem_shared>>
      tpu.wait_indirect_dma semaphore(%arg18 : memref<!tpu.dma_semaphore, #tpu.memory_space<semaphore_mem>>) src(%arg8 : memref<125x64xf32, #tpu.memory_space<vmem>>) dst(%dma_wait3A_226 : memref<10112x64xf32, #tpu.memory_space<vmem_shared>>)
      %add3A_227 = arith.constant 1 : i32
      %add3A_228 = arith.addi %mul3A_144, %add3A_227 : i32
      %add3A_229 = arith.constant 4 : i32
      %add3A_230 = arith.addi %add3A_228, %add3A_229 : i32
      %dma_start3A_231 = arith.constant 0 : i32
      %dma_start3A_232 = tpu.memref_slice %arg5[%add3A_230, %dma_start3A_231] : memref<80x125xi32, #tpu.memory_space<vmem>> -> memref<1x125xi32, #tpu.memory_space<vmem>>
      %dma_start3A_233 = tpu.memref_squeeze %dma_start3A_232 : memref<1x125xi32, #tpu.memory_space<vmem>> -> memref<125xi32, #tpu.memory_space<vmem>>
      %dma_start3A_234 = arith.constant 0 : i32
      %dma_start3A_235 = arith.constant 0 : i32
      %dma_start3A_236 = tpu.memref_slice %arg2[%dma_start3A_234, %dma_start3A_235] : memref<10000x64xf32, #tpu.memory_space<hbm>> -> memref<10000x64xf32, #tpu.memory_space<hbm>>
      tpu.enqueue_indirect_dma source(%dma_start3A_236 : memref<10000x64xf32, #tpu.memory_space<hbm>>) target(%arg8 : memref<125x64xf32, #tpu.memory_space<vmem>>) offsets(%dma_start3A_233 : memref<125xi32, #tpu.memory_space<vmem>>) semaphore(%arg14 : memref<!tpu.dma_semaphore, #tpu.memory_space<semaphore_mem>>)
      %add3A_237 = arith.constant 2 : i32
      %add3A_238 = arith.addi %mul3A_144, %add3A_237 : i32
      %dma_wait3A_239 = arith.constant 0 : i32
      %dma_wait3A_240 = tpu.memref_slice %arg6[%add3A_238, %dma_wait3A_239] : memref<80x125xi32, #tpu.memory_space<vmem>> -> memref<1x125xi32, #tpu.memory_space<vmem>>
      %dma_wait3A_241 = tpu.memref_squeeze %dma_wait3A_240 : memref<1x125xi32, #tpu.memory_space<vmem>> -> memref<125xi32, #tpu.memory_space<vmem>>
      %dma_wait3A_242 = arith.constant 0 : i32
      %dma_wait3A_243 = arith.constant 0 : i32
      %dma_wait3A_244 = tpu.memref_slice %arg12[%dma_wait3A_242, %dma_wait3A_243] : memref<10112x64xf32, #tpu.memory_space<vmem_shared>> -> memref<10112x64xf32, #tpu.memory_space<vmem_shared>>
      tpu.wait_indirect_dma semaphore(%arg19 : memref<!tpu.dma_semaphore, #tpu.memory_space<semaphore_mem>>) src(%arg9 : memref<125x64xf32, #tpu.memory_space<vmem>>) dst(%dma_wait3A_244 : memref<10112x64xf32, #tpu.memory_space<vmem_shared>>)
      %add3A_245 = arith.constant 2 : i32
      %add3A_246 = arith.addi %mul3A_144, %add3A_245 : i32
      %add3A_247 = arith.constant 4 : i32
      %add3A_248 = arith.addi %add3A_246, %add3A_247 : i32
      %dma_start3A_249 = arith.constant 0 : i32
      %dma_start3A_250 = tpu.memref_slice %arg5[%add3A_248, %dma_start3A_249] : memref<80x125xi32, #tpu.memory_space<vmem>> -> memref<1x125xi32, #tpu.memory_space<vmem>>
      %dma_start3A_251 = tpu.memref_squeeze %dma_start3A_250 : memref<1x125xi32, #tpu.memory_space<vmem>> -> memref<125xi32, #tpu.memory_space<vmem>>
      %dma_start3A_252 = arith.constant 0 : i32
      %dma_start3A_253 = arith.constant 0 : i32
      %dma_start3A_254 = tpu.memref_slice %arg2[%dma_start3A_252, %dma_start3A_253] : memref<10000x64xf32, #tpu.memory_space<hbm>> -> memref<10000x64xf32, #tpu.memory_space<hbm>>
      tpu.enqueue_indirect_dma source(%dma_start3A_254 : memref<10000x64xf32, #tpu.memory_space<hbm>>) target(%arg9 : memref<125x64xf32, #tpu.memory_space<vmem>>) offsets(%dma_start3A_251 : memref<125xi32, #tpu.memory_space<vmem>>) semaphore(%arg15 : memref<!tpu.dma_semaphore, #tpu.memory_space<semaphore_mem>>)
      %add3A_255 = arith.constant 3 : i32
      %add3A_256 = arith.addi %mul3A_144, %add3A_255 : i32
      %dma_wait3A_257 = arith.constant 0 : i32
      %dma_wait3A_258 = tpu.memref_slice %arg6[%add3A_256, %dma_wait3A_257] : memref<80x125xi32, #tpu.memory_space<vmem>> -> memref<1x125xi32, #tpu.memory_space<vmem>>
      %dma_wait3A_259 = tpu.memref_squeeze %dma_wait3A_258 : memref<1x125xi32, #tpu.memory_space<vmem>> -> memref<125xi32, #tpu.memory_space<vmem>>
      %dma_wait3A_260 = arith.constant 0 : i32
      %dma_wait3A_261 = arith.constant 0 : i32
      %dma_wait3A_262 = tpu.memref_slice %arg12[%dma_wait3A_260, %dma_wait3A_261] : memref<10112x64xf32, #tpu.memory_space<vmem_shared>> -> memref<10112x64xf32, #tpu.memory_space<vmem_shared>>
      tpu.wait_indirect_dma semaphore(%arg20 : memref<!tpu.dma_semaphore, #tpu.memory_space<semaphore_mem>>) src(%arg10 : memref<125x64xf32, #tpu.memory_space<vmem>>) dst(%dma_wait3A_262 : memref<10112x64xf32, #tpu.memory_space<vmem_shared>>)
      %add3A_263 = arith.constant 3 : i32
      %add3A_264 = arith.addi %mul3A_144, %add3A_263 : i32
      %add3A_265 = arith.constant 4 : i32
      %add3A_266 = arith.addi %add3A_264, %add3A_265 : i32
      %dma_start3A_267 = arith.constant 0 : i32
      %dma_start3A_268 = tpu.memref_slice %arg5[%add3A_266, %dma_start3A_267] : memref<80x125xi32, #tpu.memory_space<vmem>> -> memref<1x125xi32, #tpu.memory_space<vmem>>
      %dma_start3A_269 = tpu.memref_squeeze %dma_start3A_268 : memref<1x125xi32, #tpu.memory_space<vmem>> -> memref<125xi32, #tpu.memory_space<vmem>>
      %dma_start3A_270 = arith.constant 0 : i32
      %dma_start3A_271 = arith.constant 0 : i32
      %dma_start3A_272 = tpu.memref_slice %arg2[%dma_start3A_270, %dma_start3A_271] : memref<10000x64xf32, #tpu.memory_space<hbm>> -> memref<10000x64xf32, #tpu.memory_space<hbm>>
      tpu.enqueue_indirect_dma source(%dma_start3A_272 : memref<10000x64xf32, #tpu.memory_space<hbm>>) target(%arg10 : memref<125x64xf32, #tpu.memory_space<vmem>>) offsets(%dma_start3A_269 : memref<125xi32, #tpu.memory_space<vmem>>) semaphore(%arg16 : memref<!tpu.dma_semaphore, #tpu.memory_space<semaphore_mem>>)
    }
    %scan3A_55 = arith.constant 19 : i32
    %dma_wait3A = arith.constant 76 : i32
    %dma_wait3A_56 = arith.constant 0 : i32
    %dma_wait3A_57 = tpu.memref_slice %arg5[%dma_wait3A, %dma_wait3A_56] : memref<80x125xi32, #tpu.memory_space<vmem>> -> memref<1x125xi32, #tpu.memory_space<vmem>>
    %dma_wait3A_58 = tpu.memref_squeeze %dma_wait3A_57 : memref<1x125xi32, #tpu.memory_space<vmem>> -> memref<125xi32, #tpu.memory_space<vmem>>
    %dma_wait3A_59 = arith.constant 0 : i32
    %dma_wait3A_60 = arith.constant 0 : i32
    %dma_wait3A_61 = tpu.memref_slice %arg2[%dma_wait3A_59, %dma_wait3A_60] : memref<10000x64xf32, #tpu.memory_space<hbm>> -> memref<10000x64xf32, #tpu.memory_space<hbm>>
    tpu.wait_indirect_dma semaphore(%arg13 : memref<!tpu.dma_semaphore, #tpu.memory_space<semaphore_mem>>) src(%dma_wait3A_61 : memref<10000x64xf32, #tpu.memory_space<hbm>>) dst(%arg7 : memref<125x64xf32, #tpu.memory_space<vmem>>)
    %dma_start3A_62 = arith.constant 76 : i32
    %dma_start3A_63 = arith.constant 0 : i32
    %dma_start3A_64 = tpu.memref_slice %arg6[%dma_start3A_62, %dma_start3A_63] : memref<80x125xi32, #tpu.memory_space<vmem>> -> memref<1x125xi32, #tpu.memory_space<vmem>>
    %dma_start3A_65 = tpu.memref_squeeze %dma_start3A_64 : memref<1x125xi32, #tpu.memory_space<vmem>> -> memref<125xi32, #tpu.memory_space<vmem>>
    %dma_start3A_66 = arith.constant 0 : i32
    %dma_start3A_67 = arith.constant 0 : i32
    %dma_start3A_68 = tpu.memref_slice %arg12[%dma_start3A_66, %dma_start3A_67] : memref<10112x64xf32, #tpu.memory_space<vmem_shared>> -> memref<10112x64xf32, #tpu.memory_space<vmem_shared>>
    tpu.enqueue_indirect_dma source(%arg7 : memref<125x64xf32, #tpu.memory_space<vmem>>) target(%dma_start3A_68 : memref<10112x64xf32, #tpu.memory_space<vmem_shared>>) offsets(%dma_start3A_65 : memref<125xi32, #tpu.memory_space<vmem>>) semaphore(%arg17 : memref<!tpu.dma_semaphore, #tpu.memory_space<semaphore_mem>>) {add = true}
    %dma_wait3A_69 = arith.constant 77 : i32
    %dma_wait3A_70 = arith.constant 0 : i32
    %dma_wait3A_71 = tpu.memref_slice %arg5[%dma_wait3A_69, %dma_wait3A_70] : memref<80x125xi32, #tpu.memory_space<vmem>> -> memref<1x125xi32, #tpu.memory_space<vmem>>
    %dma_wait3A_72 = tpu.memref_squeeze %dma_wait3A_71 : memref<1x125xi32, #tpu.memory_space<vmem>> -> memref<125xi32, #tpu.memory_space<vmem>>
    %dma_wait3A_73 = arith.constant 0 : i32
    %dma_wait3A_74 = arith.constant 0 : i32
    %dma_wait3A_75 = tpu.memref_slice %arg2[%dma_wait3A_73, %dma_wait3A_74] : memref<10000x64xf32, #tpu.memory_space<hbm>> -> memref<10000x64xf32, #tpu.memory_space<hbm>>
    tpu.wait_indirect_dma semaphore(%arg14 : memref<!tpu.dma_semaphore, #tpu.memory_space<semaphore_mem>>) src(%dma_wait3A_75 : memref<10000x64xf32, #tpu.memory_space<hbm>>) dst(%arg8 : memref<125x64xf32, #tpu.memory_space<vmem>>)
    %dma_start3A_76 = arith.constant 77 : i32
    %dma_start3A_77 = arith.constant 0 : i32
    %dma_start3A_78 = tpu.memref_slice %arg6[%dma_start3A_76, %dma_start3A_77] : memref<80x125xi32, #tpu.memory_space<vmem>> -> memref<1x125xi32, #tpu.memory_space<vmem>>
    %dma_start3A_79 = tpu.memref_squeeze %dma_start3A_78 : memref<1x125xi32, #tpu.memory_space<vmem>> -> memref<125xi32, #tpu.memory_space<vmem>>
    %dma_start3A_80 = arith.constant 0 : i32
    %dma_start3A_81 = arith.constant 0 : i32
    %dma_start3A_82 = tpu.memref_slice %arg12[%dma_start3A_80, %dma_start3A_81] : memref<10112x64xf32, #tpu.memory_space<vmem_shared>> -> memref<10112x64xf32, #tpu.memory_space<vmem_shared>>
    tpu.enqueue_indirect_dma source(%arg8 : memref<125x64xf32, #tpu.memory_space<vmem>>) target(%dma_start3A_82 : memref<10112x64xf32, #tpu.memory_space<vmem_shared>>) offsets(%dma_start3A_79 : memref<125xi32, #tpu.memory_space<vmem>>) semaphore(%arg18 : memref<!tpu.dma_semaphore, #tpu.memory_space<semaphore_mem>>) {add = true}
    %dma_wait3A_83 = arith.constant 78 : i32
    %dma_wait3A_84 = arith.constant 0 : i32
    %dma_wait3A_85 = tpu.memref_slice %arg5[%dma_wait3A_83, %dma_wait3A_84] : memref<80x125xi32, #tpu.memory_space<vmem>> -> memref<1x125xi32, #tpu.memory_space<vmem>>
    %dma_wait3A_86 = tpu.memref_squeeze %dma_wait3A_85 : memref<1x125xi32, #tpu.memory_space<vmem>> -> memref<125xi32, #tpu.memory_space<vmem>>
    %dma_wait3A_87 = arith.constant 0 : i32
    %dma_wait3A_88 = arith.constant 0 : i32
    %dma_wait3A_89 = tpu.memref_slice %arg2[%dma_wait3A_87, %dma_wait3A_88] : memref<10000x64xf32, #tpu.memory_space<hbm>> -> memref<10000x64xf32, #tpu.memory_space<hbm>>
    tpu.wait_indirect_dma semaphore(%arg15 : memref<!tpu.dma_semaphore, #tpu.memory_space<semaphore_mem>>) src(%dma_wait3A_89 : memref<10000x64xf32, #tpu.memory_space<hbm>>) dst(%arg9 : memref<125x64xf32, #tpu.memory_space<vmem>>)
    %dma_start3A_90 = arith.constant 78 : i32
    %dma_start3A_91 = arith.constant 0 : i32
    %dma_start3A_92 = tpu.memref_slice %arg6[%dma_start3A_90, %dma_start3A_91] : memref<80x125xi32, #tpu.memory_space<vmem>> -> memref<1x125xi32, #tpu.memory_space<vmem>>
    %dma_start3A_93 = tpu.memref_squeeze %dma_start3A_92 : memref<1x125xi32, #tpu.memory_space<vmem>> -> memref<125xi32, #tpu.memory_space<vmem>>
    %dma_start3A_94 = arith.constant 0 : i32
    %dma_start3A_95 = arith.constant 0 : i32
    %dma_start3A_96 = tpu.memref_slice %arg12[%dma_start3A_94, %dma_start3A_95] : memref<10112x64xf32, #tpu.memory_space<vmem_shared>> -> memref<10112x64xf32, #tpu.memory_space<vmem_shared>>
    tpu.enqueue_indirect_dma source(%arg9 : memref<125x64xf32, #tpu.memory_space<vmem>>) target(%dma_start3A_96 : memref<10112x64xf32, #tpu.memory_space<vmem_shared>>) offsets(%dma_start3A_93 : memref<125xi32, #tpu.memory_space<vmem>>) semaphore(%arg19 : memref<!tpu.dma_semaphore, #tpu.memory_space<semaphore_mem>>) {add = true}
    %dma_wait3A_97 = arith.constant 79 : i32
    %dma_wait3A_98 = arith.constant 0 : i32
    %dma_wait3A_99 = tpu.memref_slice %arg5[%dma_wait3A_97, %dma_wait3A_98] : memref<80x125xi32, #tpu.memory_space<vmem>> -> memref<1x125xi32, #tpu.memory_space<vmem>>
    %dma_wait3A_100 = tpu.memref_squeeze %dma_wait3A_99 : memref<1x125xi32, #tpu.memory_space<vmem>> -> memref<125xi32, #tpu.memory_space<vmem>>
    %dma_wait3A_101 = arith.constant 0 : i32
    %dma_wait3A_102 = arith.constant 0 : i32
    %dma_wait3A_103 = tpu.memref_slice %arg2[%dma_wait3A_101, %dma_wait3A_102] : memref<10000x64xf32, #tpu.memory_space<hbm>> -> memref<10000x64xf32, #tpu.memory_space<hbm>>
    tpu.wait_indirect_dma semaphore(%arg16 : memref<!tpu.dma_semaphore, #tpu.memory_space<semaphore_mem>>) src(%dma_wait3A_103 : memref<10000x64xf32, #tpu.memory_space<hbm>>) dst(%arg10 : memref<125x64xf32, #tpu.memory_space<vmem>>)
    %dma_start3A_104 = arith.constant 79 : i32
    %dma_start3A_105 = arith.constant 0 : i32
    %dma_start3A_106 = tpu.memref_slice %arg6[%dma_start3A_104, %dma_start3A_105] : memref<80x125xi32, #tpu.memory_space<vmem>> -> memref<1x125xi32, #tpu.memory_space<vmem>>
    %dma_start3A_107 = tpu.memref_squeeze %dma_start3A_106 : memref<1x125xi32, #tpu.memory_space<vmem>> -> memref<125xi32, #tpu.memory_space<vmem>>
    %dma_start3A_108 = arith.constant 0 : i32
    %dma_start3A_109 = arith.constant 0 : i32
    %dma_start3A_110 = tpu.memref_slice %arg12[%dma_start3A_108, %dma_start3A_109] : memref<10112x64xf32, #tpu.memory_space<vmem_shared>> -> memref<10112x64xf32, #tpu.memory_space<vmem_shared>>
    tpu.enqueue_indirect_dma source(%arg10 : memref<125x64xf32, #tpu.memory_space<vmem>>) target(%dma_start3A_110 : memref<10112x64xf32, #tpu.memory_space<vmem_shared>>) offsets(%dma_start3A_107 : memref<125xi32, #tpu.memory_space<vmem>>) semaphore(%arg20 : memref<!tpu.dma_semaphore, #tpu.memory_space<semaphore_mem>>) {add = true}
    %dma_wait3A_111 = arith.constant 76 : i32
    %dma_wait3A_112 = arith.constant 0 : i32
    %dma_wait3A_113 = tpu.memref_slice %arg6[%dma_wait3A_111, %dma_wait3A_112] : memref<80x125xi32, #tpu.memory_space<vmem>> -> memref<1x125xi32, #tpu.memory_space<vmem>>
    %dma_wait3A_114 = tpu.memref_squeeze %dma_wait3A_113 : memref<1x125xi32, #tpu.memory_space<vmem>> -> memref<125xi32, #tpu.memory_space<vmem>>
    %dma_wait3A_115 = arith.constant 0 : i32
    %dma_wait3A_116 = arith.constant 0 : i32
    %dma_wait3A_117 = tpu.memref_slice %arg12[%dma_wait3A_115, %dma_wait3A_116] : memref<10112x64xf32, #tpu.memory_space<vmem_shared>> -> memref<10112x64xf32, #tpu.memory_space<vmem_shared>>
    tpu.wait_indirect_dma semaphore(%arg17 : memref<!tpu.dma_semaphore, #tpu.memory_space<semaphore_mem>>) src(%arg7 : memref<125x64xf32, #tpu.memory_space<vmem>>) dst(%dma_wait3A_117 : memref<10112x64xf32, #tpu.memory_space<vmem_shared>>)
    %dma_wait3A_118 = arith.constant 77 : i32
    %dma_wait3A_119 = arith.constant 0 : i32
    %dma_wait3A_120 = tpu.memref_slice %arg6[%dma_wait3A_118, %dma_wait3A_119] : memref<80x125xi32, #tpu.memory_space<vmem>> -> memref<1x125xi32, #tpu.memory_space<vmem>>
    %dma_wait3A_121 = tpu.memref_squeeze %dma_wait3A_120 : memref<1x125xi32, #tpu.memory_space<vmem>> -> memref<125xi32, #tpu.memory_space<vmem>>
    %dma_wait3A_122 = arith.constant 0 : i32
    %dma_wait3A_123 = arith.constant 0 : i32
    %dma_wait3A_124 = tpu.memref_slice %arg12[%dma_wait3A_122, %dma_wait3A_123] : memref<10112x64xf32, #tpu.memory_space<vmem_shared>> -> memref<10112x64xf32, #tpu.memory_space<vmem_shared>>
    tpu.wait_indirect_dma semaphore(%arg18 : memref<!tpu.dma_semaphore, #tpu.memory_space<semaphore_mem>>) src(%arg8 : memref<125x64xf32, #tpu.memory_space<vmem>>) dst(%dma_wait3A_124 : memref<10112x64xf32, #tpu.memory_space<vmem_shared>>)
    %dma_wait3A_125 = arith.constant 78 : i32
    %dma_wait3A_126 = arith.constant 0 : i32
    %dma_wait3A_127 = tpu.memref_slice %arg6[%dma_wait3A_125, %dma_wait3A_126] : memref<80x125xi32, #tpu.memory_space<vmem>> -> memref<1x125xi32, #tpu.memory_space<vmem>>
    %dma_wait3A_128 = tpu.memref_squeeze %dma_wait3A_127 : memref<1x125xi32, #tpu.memory_space<vmem>> -> memref<125xi32, #tpu.memory_space<vmem>>
    %dma_wait3A_129 = arith.constant 0 : i32
    %dma_wait3A_130 = arith.constant 0 : i32
    %dma_wait3A_131 = tpu.memref_slice %arg12[%dma_wait3A_129, %dma_wait3A_130] : memref<10112x64xf32, #tpu.memory_space<vmem_shared>> -> memref<10112x64xf32, #tpu.memory_space<vmem_shared>>
    tpu.wait_indirect_dma semaphore(%arg19 : memref<!tpu.dma_semaphore, #tpu.memory_space<semaphore_mem>>) src(%arg9 : memref<125x64xf32, #tpu.memory_space<vmem>>) dst(%dma_wait3A_131 : memref<10112x64xf32, #tpu.memory_space<vmem_shared>>)
    %dma_wait3A_132 = arith.constant 79 : i32
    %dma_wait3A_133 = arith.constant 0 : i32
    %dma_wait3A_134 = tpu.memref_slice %arg6[%dma_wait3A_132, %dma_wait3A_133] : memref<80x125xi32, #tpu.memory_space<vmem>> -> memref<1x125xi32, #tpu.memory_space<vmem>>
    %dma_wait3A_135 = tpu.memref_squeeze %dma_wait3A_134 : memref<1x125xi32, #tpu.memory_space<vmem>> -> memref<125xi32, #tpu.memory_space<vmem>>
    %dma_wait3A_136 = arith.constant 0 : i32
    %dma_wait3A_137 = arith.constant 0 : i32
    %dma_wait3A_138 = tpu.memref_slice %arg12[%dma_wait3A_136, %dma_wait3A_137] : memref<10112x64xf32, #tpu.memory_space<vmem_shared>> -> memref<10112x64xf32, #tpu.memory_space<vmem_shared>>
    tpu.wait_indirect_dma semaphore(%arg20 : memref<!tpu.dma_semaphore, #tpu.memory_space<semaphore_mem>>) src(%arg10 : memref<125x64xf32, #tpu.memory_space<vmem>>) dst(%dma_wait3A_138 : memref<10112x64xf32, #tpu.memory_space<vmem_shared>>)
    %barrier3A_139 = arith.constant 0 : index
    tpu.barrier barrier_id(%barrier3A_139)
    %mul3A_140 = arith.constant 632 : i32
    %mul3A_141 = arith.muli %arg1, %mul3A_140 : i32
    "tpu.region"() ({
      %run_scoped3A_142 = tpu.sem_alloc : memref<!tpu.dma_semaphore, #tpu.memory_space<semaphore_mem>>
      %dma_start3A_143 = arith.constant 0 : i32
      %dma_start3A_144 = arith.constant 0 : i32
      %dma_start3A_145 = tpu.memref_slice %arg4[%arg0, %dma_start3A_143, %dma_start3A_144] : memref<2x10112x64xf32, #tpu.memory_space<hbm>> -> memref<1x10112x64xf32, #tpu.memory_space<hbm>>
      %dma_start3A_146 = tpu.memref_squeeze %dma_start3A_145 : memref<1x10112x64xf32, #tpu.memory_space<hbm>> -> memref<10112x64xf32, #tpu.memory_space<hbm>>
      %dma_start3A_147 = arith.constant 0 : i32
      %dma_start3A_148 = tpu.memref_slice %dma_start3A_146[%mul3A_141, %dma_start3A_147] : memref<10112x64xf32, #tpu.memory_space<hbm>> -> memref<632x64xf32, #tpu.memory_space<hbm>>
      %dma_start3A_149 = arith.constant 0 : i32
      %dma_start3A_150 = tpu.memref_slice %arg12[%mul3A_141, %dma_start3A_149] : memref<10112x64xf32, #tpu.memory_space<vmem_shared>> -> memref<632x64xf32, #tpu.memory_space<vmem_shared>>
      tpu.enqueue_dma source(%dma_start3A_150 : memref<632x64xf32, #tpu.memory_space<vmem_shared>>) target(%dma_start3A_148 : memref<632x64xf32, #tpu.memory_space<hbm>>) target_semaphore(%run_scoped3A_142 : memref<!tpu.dma_semaphore, #tpu.memory_space<semaphore_mem>>)
      %dma_wait3A_151 = arith.constant 0 : i32
      %dma_wait3A_152 = arith.constant 0 : i32
      %dma_wait3A_153 = tpu.memref_slice %arg4[%arg0, %dma_wait3A_151, %dma_wait3A_152] : memref<2x10112x64xf32, #tpu.memory_space<hbm>> -> memref<1x10112x64xf32, #tpu.memory_space<hbm>>
      %dma_wait3A_154 = tpu.memref_squeeze %dma_wait3A_153 : memref<1x10112x64xf32, #tpu.memory_space<hbm>> -> memref<10112x64xf32, #tpu.memory_space<hbm>>
      %dma_wait3A_155 = arith.constant 0 : i32
      %dma_wait3A_156 = tpu.memref_slice %dma_wait3A_154[%mul3A_141, %dma_wait3A_155] : memref<10112x64xf32, #tpu.memory_space<hbm>> -> memref<632x64xf32, #tpu.memory_space<hbm>>
      %dma_wait3A_157 = arith.constant 0 : i32
      %dma_wait3A_158 = tpu.memref_slice %arg12[%mul3A_141, %dma_wait3A_157] : memref<10112x64xf32, #tpu.memory_space<vmem_shared>> -> memref<632x64xf32, #tpu.memory_space<vmem_shared>>
      tpu.wait_dma2 semaphore(%run_scoped3A_142 : memref<!tpu.dma_semaphore, #tpu.memory_space<semaphore_mem>>) src(%dma_wait3A_158 : memref<632x64xf32, #tpu.memory_space<vmem_shared>>) dst(%dma_wait3A_156 : memref<632x64xf32, #tpu.memory_space<hbm>>)
      tpu.yield
    }) : () -> ()
    return
  }
}

#map = affine_map<(d0, d1) -> (0, 0)>
#map1 = affine_map<(d0, d1) -> (0, 0, 0)>
module attributes {stable_mosaic.version = 14 : i64} {
  func.func @body(%arg0: i32, %arg1: i32, %arg2: memref<10000x64xf32, #tpu.memory_space<hbm>>, %arg3: memref<2x2560x125xi32, #tpu.memory_space<hbm>>, %arg4: memref<2x10112x64xf32, #tpu.memory_space<hbm>>, %arg5: memref<80x125xi32, #tpu.memory_space<vmem>>, %arg6: memref<80x125xi32, #tpu.memory_space<vmem>>, %arg7: memref<125x64xf32, #tpu.memory_space<vmem>>, %arg8: memref<125x64xf32, #tpu.memory_space<vmem>>, %arg9: memref<125x64xf32, #tpu.memory_space<vmem>>, %arg10: memref<125x64xf32, #tpu.memory_space<vmem>>, %arg11: memref<128x64xf32, #tpu.memory_space<vmem>>, %arg12: memref<10112x64xf32, #tpu.memory_space<vmem_shared>>, %arg13: memref<!tpu.dma_semaphore, #tpu.memory_space<semaphore_mem>>, %arg14: memref<!tpu.dma_semaphore, #tpu.memory_space<semaphore_mem>>, %arg15: memref<!tpu.dma_semaphore, #tpu.memory_space<semaphore_mem>>, %arg16: memref<!tpu.dma_semaphore, #tpu.memory_space<semaphore_mem>>, %arg17: memref<!tpu.dma_semaphore, #tpu.memory_space<semaphore_mem>>, %arg18: memref<!tpu.dma_semaphore, #tpu.memory_space<semaphore_mem>>, %arg19: memref<!tpu.dma_semaphore, #tpu.memory_space<semaphore_mem>>, %arg20: memref<!tpu.dma_semaphore, #tpu.memory_space<semaphore_mem>>) attributes {dimension_semantics = [#tpu.dimension_semantics<core_parallel>, #tpu.dimension_semantics<subcore_parallel>], iteration_bounds = array<i64: 2, 16>, scalar_prefetch = 0 : i64, scratch_operands = 16 : i64, tpu.core_type = #tpu.core_type<sc_vector_subcore>, window_params = [{transform_indices = #map}, {transform_indices = #map1}, {transform_indices = #map1}]} {
    %mul3A = arith.constant 2 : i32
    %mul3A_0 = arith.muli %arg1, %mul3A : i32
    %add3A = arith.addi %mul3A_0, %arg0 : i32
    %scan3A = arith.constant 0 : i32
    %scan3A_1 = arith.constant 0 : i32
    %scan3A_2 = arith.constant 512 : i32
    %scan3A_3 = arith.addi %scan3A_1, %scan3A_2 : i32
    %scan3A_4 = arith.constant 1 : i32
    scf.for %scan3A_142 = %scan3A_1 to %scan3A_3 step %scan3A_4  : i32 {
      %broadcast_in_dim3A = arith.constant 0.000000e+00 : f32
      %broadcast_in_dim3A_143 = vector.broadcast %broadcast_in_dim3A : f32 to vector<16xf32>
      %jit3A = arith.constant 4 : i32
      %div3A = arith.divsi %scan3A_142, %jit3A : i32
      %sign3A = arith.constant 0 : i32
      %sign3A_144 = arith.cmpi sgt, %scan3A_142, %sign3A : i32
      %sign3A_145 = arith.extui %sign3A_144 : i1 to i32
      %sign3A_146 = arith.constant 0 : i32
      %sign3A_147 = arith.cmpi slt, %scan3A_142, %sign3A_146 : i32
      %sign3A_148 = arith.extui %sign3A_147 : i1 to i32
      %sign3A_149 = arith.subi %sign3A_145, %sign3A_148 : i32
      %sign3A_150 = arith.constant 0 : i32
      %sign3A_151 = arith.cmpi sgt, %jit3A, %sign3A_150 : i32
      %sign3A_152 = arith.extui %sign3A_151 : i1 to i32
      %sign3A_153 = arith.constant 0 : i32
      %sign3A_154 = arith.cmpi slt, %jit3A, %sign3A_153 : i32
      %sign3A_155 = arith.extui %sign3A_154 : i1 to i32
      %sign3A_156 = arith.subi %sign3A_152, %sign3A_155 : i32
      %ne3A = arith.cmpi ne, %sign3A_149, %sign3A_156 : i32
      %rem3A = arith.remsi %scan3A_142, %jit3A : i32
      %ne3A_157 = arith.constant 0 : i32
      %ne3A_158 = arith.cmpi ne, %rem3A, %ne3A_157 : i32
      %and3A = arith.andi %ne3A, %ne3A_158 : i1
      %sub3A = arith.constant 1 : i32
      %sub3A_159 = arith.subi %div3A, %sub3A : i32
      %select_n3A = arith.select %and3A, %sub3A_159, %div3A : i32
      %jit3A_160 = arith.constant 4 : i32
      %eq3A = arith.constant 0 : i32
      %eq3A_161 = arith.cmpi eq, %jit3A_160, %eq3A : i32
      %jit3A_162 = arith.constant 1 : i32
      %select_n3A_163 = arith.select %eq3A_161, %jit3A_162, %jit3A_160 : i32
      %rem3A_164 = arith.remsi %scan3A_142, %select_n3A_163 : i32
      %ne3A_165 = arith.constant 0 : i32
      %ne3A_166 = arith.cmpi ne, %rem3A_164, %ne3A_165 : i32
      %lt3A = arith.constant 0 : i32
      %lt3A_167 = arith.cmpi slt, %rem3A_164, %lt3A : i32
      %lt3A_168 = arith.constant 0 : i32
      %lt3A_169 = arith.cmpi slt, %select_n3A_163, %lt3A_168 : i32
      %ne3A_170 = arith.xori %lt3A_167, %lt3A_169 : i1
      %and3A_171 = arith.andi %ne3A_170, %ne3A_166 : i1
      %add3A_172 = arith.addi %rem3A_164, %select_n3A_163 : i32
      %select_n3A_173 = arith.select %and3A_171, %add3A_172, %rem3A_164 : i32
      %mul3A_174 = arith.constant 16 : i32
      %mul3A_175 = arith.muli %select_n3A_173, %mul3A_174 : i32
      %swap3A = arith.index_cast %select_n3A : i32 to index
      %swap3A_176 = arith.index_cast %mul3A_175 : i32 to index
      %swap3A_177 = tpu.vector_load %arg11[%swap3A, %swap3A_176] {strides = array<i32>} : memref<128x64xf32, #tpu.memory_space<vmem>>, vector<1x16xf32>,
      %swap3A_178 = vector.shape_cast %swap3A_177 : vector<1x16xf32> to vector<16xf32>
      %swap3A_179 = vector.shape_cast %broadcast_in_dim3A_143 : vector<16xf32> to vector<1x16xf32>
      tpu.vector_store %arg11[%swap3A, %swap3A_176], %swap3A_179 {strides = array<i32>} : memref<128x64xf32, #tpu.memory_space<vmem>>, vector<1x16xf32>,
    }
    %scan3A_5 = arith.constant 512 : i32
    %mul3A_6 = arith.constant 632 : i32
    %mul3A_7 = arith.muli %arg1, %mul3A_6 : i32
    %add3A_8 = arith.constant 0 : i32
    %add3A_9 = arith.addi %mul3A_7, %add3A_8 : i32
    "tpu.region"() ({
      %run_scoped3A_142 = tpu.sem_alloc : memref<!tpu.dma_semaphore, #tpu.memory_space<semaphore_mem>>
      %dma_start3A_143 = arith.constant 0 : i32
      %dma_start3A_144 = tpu.memref_slice %arg12[%add3A_9, %dma_start3A_143] : memref<10112x64xf32, #tpu.memory_space<vmem_shared>> -> memref<128x64xf32, #tpu.memory_space<vmem_shared>>
      %dma_start3A_145 = arith.constant 0 : i32
      %dma_start3A_146 = tpu.memref_slice %arg12[%add3A_9, %dma_start3A_145] : memref<10112x64xf32, #tpu.memory_space<vmem_shared>> -> memref<128x64xf32, #tpu.memory_space<vmem_shared>>
      tpu.enqueue_dma source(%arg11 : memref<128x64xf32, #tpu.memory_space<vmem>>) target(%dma_start3A_146 : memref<128x64xf32, #tpu.memory_space<vmem_shared>>) target_semaphore(%run_scoped3A_142 : memref<!tpu.dma_semaphore, #tpu.memory_space<semaphore_mem>>)
      %dma_wait3A_147 = arith.constant 0 : i32
      %dma_wait3A_148 = tpu.memref_slice %arg12[%add3A_9, %dma_wait3A_147] : memref<10112x64xf32, #tpu.memory_space<vmem_shared>> -> memref<128x64xf32, #tpu.memory_space<vmem_shared>>
      %dma_wait3A_149 = arith.constant 0 : i32
      %dma_wait3A_150 = tpu.memref_slice %arg12[%add3A_9, %dma_wait3A_149] : memref<10112x64xf32, #tpu.memory_space<vmem_shared>> -> memref<128x64xf32, #tpu.memory_space<vmem_shared>>
      tpu.wait_dma2 semaphore(%run_scoped3A_142 : memref<!tpu.dma_semaphore, #tpu.memory_space<semaphore_mem>>) src(%arg11 : memref<128x64xf32, #tpu.memory_space<vmem>>) dst(%dma_wait3A_150 : memref<128x64xf32, #tpu.memory_space<vmem_shared>>)
      tpu.yield
    }) : () -> ()
    %add3A_10 = arith.constant 128 : i32
    %add3A_11 = arith.addi %mul3A_7, %add3A_10 : i32
    "tpu.region"() ({
      %run_scoped3A_142 = tpu.sem_alloc : memref<!tpu.dma_semaphore, #tpu.memory_space<semaphore_mem>>
      %dma_start3A_143 = arith.constant 0 : i32
      %dma_start3A_144 = tpu.memref_slice %arg12[%add3A_11, %dma_start3A_143] : memref<10112x64xf32, #tpu.memory_space<vmem_shared>> -> memref<128x64xf32, #tpu.memory_space<vmem_shared>>
      %dma_start3A_145 = arith.constant 0 : i32
      %dma_start3A_146 = tpu.memref_slice %arg12[%add3A_11, %dma_start3A_145] : memref<10112x64xf32, #tpu.memory_space<vmem_shared>> -> memref<128x64xf32, #tpu.memory_space<vmem_shared>>
      tpu.enqueue_dma source(%arg11 : memref<128x64xf32, #tpu.memory_space<vmem>>) target(%dma_start3A_146 : memref<128x64xf32, #tpu.memory_space<vmem_shared>>) target_semaphore(%run_scoped3A_142 : memref<!tpu.dma_semaphore, #tpu.memory_space<semaphore_mem>>)
      %dma_wait3A_147 = arith.constant 0 : i32
      %dma_wait3A_148 = tpu.memref_slice %arg12[%add3A_11, %dma_wait3A_147] : memref<10112x64xf32, #tpu.memory_space<vmem_shared>> -> memref<128x64xf32, #tpu.memory_space<vmem_shared>>
      %dma_wait3A_149 = arith.constant 0 : i32
      %dma_wait3A_150 = tpu.memref_slice %arg12[%add3A_11, %dma_wait3A_149] : memref<10112x64xf32, #tpu.memory_space<vmem_shared>> -> memref<128x64xf32, #tpu.memory_space<vmem_shared>>
      tpu.wait_dma2 semaphore(%run_scoped3A_142 : memref<!tpu.dma_semaphore, #tpu.memory_space<semaphore_mem>>) src(%arg11 : memref<128x64xf32, #tpu.memory_space<vmem>>) dst(%dma_wait3A_150 : memref<128x64xf32, #tpu.memory_space<vmem_shared>>)
      tpu.yield
    }) : () -> ()
    %add3A_12 = arith.constant 256 : i32
    %add3A_13 = arith.addi %mul3A_7, %add3A_12 : i32
    "tpu.region"() ({
      %run_scoped3A_142 = tpu.sem_alloc : memref<!tpu.dma_semaphore, #tpu.memory_space<semaphore_mem>>
      %dma_start3A_143 = arith.constant 0 : i32
      %dma_start3A_144 = tpu.memref_slice %arg12[%add3A_13, %dma_start3A_143] : memref<10112x64xf32, #tpu.memory_space<vmem_shared>> -> memref<128x64xf32, #tpu.memory_space<vmem_shared>>
      %dma_start3A_145 = arith.constant 0 : i32
      %dma_start3A_146 = tpu.memref_slice %arg12[%add3A_13, %dma_start3A_145] : memref<10112x64xf32, #tpu.memory_space<vmem_shared>> -> memref<128x64xf32, #tpu.memory_space<vmem_shared>>
      tpu.enqueue_dma source(%arg11 : memref<128x64xf32, #tpu.memory_space<vmem>>) target(%dma_start3A_146 : memref<128x64xf32, #tpu.memory_space<vmem_shared>>) target_semaphore(%run_scoped3A_142 : memref<!tpu.dma_semaphore, #tpu.memory_space<semaphore_mem>>)
      %dma_wait3A_147 = arith.constant 0 : i32
      %dma_wait3A_148 = tpu.memref_slice %arg12[%add3A_13, %dma_wait3A_147] : memref<10112x64xf32, #tpu.memory_space<vmem_shared>> -> memref<128x64xf32, #tpu.memory_space<vmem_shared>>
      %dma_wait3A_149 = arith.constant 0 : i32
      %dma_wait3A_150 = tpu.memref_slice %arg12[%add3A_13, %dma_wait3A_149] : memref<10112x64xf32, #tpu.memory_space<vmem_shared>> -> memref<128x64xf32, #tpu.memory_space<vmem_shared>>
      tpu.wait_dma2 semaphore(%run_scoped3A_142 : memref<!tpu.dma_semaphore, #tpu.memory_space<semaphore_mem>>) src(%arg11 : memref<128x64xf32, #tpu.memory_space<vmem>>) dst(%dma_wait3A_150 : memref<128x64xf32, #tpu.memory_space<vmem_shared>>)
      tpu.yield
    }) : () -> ()
    %add3A_14 = arith.constant 384 : i32
    %add3A_15 = arith.addi %mul3A_7, %add3A_14 : i32
    "tpu.region"() ({
      %run_scoped3A_142 = tpu.sem_alloc : memref<!tpu.dma_semaphore, #tpu.memory_space<semaphore_mem>>
      %dma_start3A_143 = arith.constant 0 : i32
      %dma_start3A_144 = tpu.memref_slice %arg12[%add3A_15, %dma_start3A_143] : memref<10112x64xf32, #tpu.memory_space<vmem_shared>> -> memref<128x64xf32, #tpu.memory_space<vmem_shared>>
      %dma_start3A_145 = arith.constant 0 : i32
      %dma_start3A_146 = tpu.memref_slice %arg12[%add3A_15, %dma_start3A_145] : memref<10112x64xf32, #tpu.memory_space<vmem_shared>> -> memref<128x64xf32, #tpu.memory_space<vmem_shared>>
      tpu.enqueue_dma source(%arg11 : memref<128x64xf32, #tpu.memory_space<vmem>>) target(%dma_start3A_146 : memref<128x64xf32, #tpu.memory_space<vmem_shared>>) target_semaphore(%run_scoped3A_142 : memref<!tpu.dma_semaphore, #tpu.memory_space<semaphore_mem>>)
      %dma_wait3A_147 = arith.constant 0 : i32
      %dma_wait3A_148 = tpu.memref_slice %arg12[%add3A_15, %dma_wait3A_147] : memref<10112x64xf32, #tpu.memory_space<vmem_shared>> -> memref<128x64xf32, #tpu.memory_space<vmem_shared>>
      %dma_wait3A_149 = arith.constant 0 : i32
      %dma_wait3A_150 = tpu.memref_slice %arg12[%add3A_15, %dma_wait3A_149] : memref<10112x64xf32, #tpu.memory_space<vmem_shared>> -> memref<128x64xf32, #tpu.memory_space<vmem_shared>>
      tpu.wait_dma2 semaphore(%run_scoped3A_142 : memref<!tpu.dma_semaphore, #tpu.memory_space<semaphore_mem>>) src(%arg11 : memref<128x64xf32, #tpu.memory_space<vmem>>) dst(%dma_wait3A_150 : memref<128x64xf32, #tpu.memory_space<vmem_shared>>)
      tpu.yield
    }) : () -> ()
    %add3A_16 = arith.constant 512 : i32
    %add3A_17 = arith.addi %mul3A_7, %add3A_16 : i32
    "tpu.region"() ({
      %run_scoped3A_142 = tpu.sem_alloc : memref<!tpu.dma_semaphore, #tpu.memory_space<semaphore_mem>>
      %dma_start3A_143 = arith.constant 0 : i32
      %dma_start3A_144 = arith.constant 0 : i32
      %dma_start3A_145 = tpu.memref_slice %arg11[%dma_start3A_143, %dma_start3A_144] : memref<128x64xf32, #tpu.memory_space<vmem>> -> memref<120x64xf32, #tpu.memory_space<vmem>>
      %dma_start3A_146 = arith.constant 0 : i32
      %dma_start3A_147 = tpu.memref_slice %arg12[%add3A_17, %dma_start3A_146] : memref<10112x64xf32, #tpu.memory_space<vmem_shared>> -> memref<120x64xf32, #tpu.memory_space<vmem_shared>>
      %dma_start3A_148 = arith.constant 0 : i32
      %dma_start3A_149 = tpu.memref_slice %arg12[%add3A_17, %dma_start3A_148] : memref<10112x64xf32, #tpu.memory_space<vmem_shared>> -> memref<120x64xf32, #tpu.memory_space<vmem_shared>>
      %dma_start3A_150 = arith.constant 0 : i32
      %dma_start3A_151 = arith.constant 0 : i32
      %dma_start3A_152 = tpu.memref_slice %arg11[%dma_start3A_150, %dma_start3A_151] : memref<128x64xf32, #tpu.memory_space<vmem>> -> memref<120x64xf32, #tpu.memory_space<vmem>>
      tpu.enqueue_dma source(%dma_start3A_152 : memref<120x64xf32, #tpu.memory_space<vmem>>) target(%dma_start3A_149 : memref<120x64xf32, #tpu.memory_space<vmem_shared>>) target_semaphore(%run_scoped3A_142 : memref<!tpu.dma_semaphore, #tpu.memory_space<semaphore_mem>>)
      %dma_wait3A_153 = arith.constant 0 : i32
      %dma_wait3A_154 = arith.constant 0 : i32
      %dma_wait3A_155 = tpu.memref_slice %arg11[%dma_wait3A_153, %dma_wait3A_154] : memref<128x64xf32, #tpu.memory_space<vmem>> -> memref<120x64xf32, #tpu.memory_space<vmem>>
      %dma_wait3A_156 = arith.constant 0 : i32
      %dma_wait3A_157 = tpu.memref_slice %arg12[%add3A_17, %dma_wait3A_156] : memref<10112x64xf32, #tpu.memory_space<vmem_shared>> -> memref<120x64xf32, #tpu.memory_space<vmem_shared>>
      %dma_wait3A_158 = arith.constant 0 : i32
      %dma_wait3A_159 = tpu.memref_slice %arg12[%add3A_17, %dma_wait3A_158] : memref<10112x64xf32, #tpu.memory_space<vmem_shared>> -> memref<120x64xf32, #tpu.memory_space<vmem_shared>>
      %dma_wait3A_160 = arith.constant 0 : i32
      %dma_wait3A_161 = arith.constant 0 : i32
      %dma_wait3A_162 = tpu.memref_slice %arg11[%dma_wait3A_160, %dma_wait3A_161] : memref<128x64xf32, #tpu.memory_space<vmem>> -> memref<120x64xf32, #tpu.memory_space<vmem>>
      tpu.wait_dma2 semaphore(%run_scoped3A_142 : memref<!tpu.dma_semaphore, #tpu.memory_space<semaphore_mem>>) src(%dma_wait3A_162 : memref<120x64xf32, #tpu.memory_space<vmem>>) dst(%dma_wait3A_159 : memref<120x64xf32, #tpu.memory_space<vmem_shared>>)
      tpu.yield
    }) : () -> ()
    %barrier3A = arith.constant 0 : index
    tpu.barrier barrier_id(%barrier3A)
    %mul3A_18 = arith.constant 80 : i32
    %mul3A_19 = arith.muli %add3A, %mul3A_18 : i32
    %run_scoped3A = arith.constant 0 : i32
    "tpu.region"() ({
      %run_scoped3A_142 = tpu.sem_alloc : memref<!tpu.dma_semaphore, #tpu.memory_space<semaphore_mem>>
      %dma_start3A_143 = arith.constant 0 : i32
      %dma_start3A_144 = arith.constant 0 : i32
      %dma_start3A_145 = tpu.memref_slice %arg3[%run_scoped3A, %dma_start3A_143, %dma_start3A_144] : memref<2x2560x125xi32, #tpu.memory_space<hbm>> -> memref<1x2560x125xi32, #tpu.memory_space<hbm>>
      %dma_start3A_146 = tpu.memref_squeeze %dma_start3A_145 : memref<1x2560x125xi32, #tpu.memory_space<hbm>> -> memref<2560x125xi32, #tpu.memory_space<hbm>>
      %dma_start3A_147 = arith.constant 0 : i32
      %dma_start3A_148 = tpu.memref_slice %dma_start3A_146[%mul3A_19, %dma_start3A_147] : memref<2560x125xi32, #tpu.memory_space<hbm>> -> memref<80x125xi32, #tpu.memory_space<hbm>>
      %dma_start3A_149 = arith.constant 0 : i32
      %dma_start3A_150 = arith.constant 0 : i32
      %dma_start3A_151 = tpu.memref_slice %arg3[%run_scoped3A, %dma_start3A_149, %dma_start3A_150] : memref<2x2560x125xi32, #tpu.memory_space<hbm>> -> memref<1x2560x125xi32, #tpu.memory_space<hbm>>
      %dma_start3A_152 = tpu.memref_squeeze %dma_start3A_151 : memref<1x2560x125xi32, #tpu.memory_space<hbm>> -> memref<2560x125xi32, #tpu.memory_space<hbm>>
      %dma_start3A_153 = arith.constant 0 : i32
      %dma_start3A_154 = tpu.memref_slice %dma_start3A_152[%mul3A_19, %dma_start3A_153] : memref<2560x125xi32, #tpu.memory_space<hbm>> -> memref<80x125xi32, #tpu.memory_space<hbm>>
      tpu.enqueue_dma source(%dma_start3A_154 : memref<80x125xi32, #tpu.memory_space<hbm>>) target(%arg5 : memref<80x125xi32, #tpu.memory_space<vmem>>) target_semaphore(%run_scoped3A_142 : memref<!tpu.dma_semaphore, #tpu.memory_space<semaphore_mem>>)
      %dma_wait3A_155 = arith.constant 0 : i32
      %dma_wait3A_156 = arith.constant 0 : i32
      %dma_wait3A_157 = tpu.memref_slice %arg3[%run_scoped3A, %dma_wait3A_155, %dma_wait3A_156] : memref<2x2560x125xi32, #tpu.memory_space<hbm>> -> memref<1x2560x125xi32, #tpu.memory_space<hbm>>
      %dma_wait3A_158 = tpu.memref_squeeze %dma_wait3A_157 : memref<1x2560x125xi32, #tpu.memory_space<hbm>> -> memref<2560x125xi32, #tpu.memory_space<hbm>>
      %dma_wait3A_159 = arith.constant 0 : i32
      %dma_wait3A_160 = tpu.memref_slice %dma_wait3A_158[%mul3A_19, %dma_wait3A_159] : memref<2560x125xi32, #tpu.memory_space<hbm>> -> memref<80x125xi32, #tpu.memory_space<hbm>>
      %dma_wait3A_161 = arith.constant 0 : i32
      %dma_wait3A_162 = arith.constant 0 : i32
      %dma_wait3A_163 = tpu.memref_slice %arg3[%run_scoped3A, %dma_wait3A_161, %dma_wait3A_162] : memref<2x2560x125xi32, #tpu.memory_space<hbm>> -> memref<1x2560x125xi32, #tpu.memory_space<hbm>>
      %dma_wait3A_164 = tpu.memref_squeeze %dma_wait3A_163 : memref<1x2560x125xi32, #tpu.memory_space<hbm>> -> memref<2560x125xi32, #tpu.memory_space<hbm>>
      %dma_wait3A_165 = arith.constant 0 : i32
      %dma_wait3A_166 = tpu.memref_slice %dma_wait3A_164[%mul3A_19, %dma_wait3A_165] : memref<2560x125xi32, #tpu.memory_space<hbm>> -> memref<80x125xi32, #tpu.memory_space<hbm>>
      tpu.wait_dma2 semaphore(%run_scoped3A_142 : memref<!tpu.dma_semaphore, #tpu.memory_space<semaphore_mem>>) src(%dma_wait3A_166 : memref<80x125xi32, #tpu.memory_space<hbm>>) dst(%arg5 : memref<80x125xi32, #tpu.memory_space<vmem>>)
      tpu.yield
    }) : () -> ()
    %mul3A_20 = arith.constant 80 : i32
    %mul3A_21 = arith.muli %add3A, %mul3A_20 : i32
    %run_scoped3A_22 = arith.constant 1 : i32
    "tpu.region"() ({
      %run_scoped3A_142 = tpu.sem_alloc : memref<!tpu.dma_semaphore, #tpu.memory_space<semaphore_mem>>
      %dma_start3A_143 = arith.constant 0 : i32
      %dma_start3A_144 = arith.constant 0 : i32
      %dma_start3A_145 = tpu.memref_slice %arg3[%run_scoped3A_22, %dma_start3A_143, %dma_start3A_144] : memref<2x2560x125xi32, #tpu.memory_space<hbm>> -> memref<1x2560x125xi32, #tpu.memory_space<hbm>>
      %dma_start3A_146 = tpu.memref_squeeze %dma_start3A_145 : memref<1x2560x125xi32, #tpu.memory_space<hbm>> -> memref<2560x125xi32, #tpu.memory_space<hbm>>
      %dma_start3A_147 = arith.constant 0 : i32
      %dma_start3A_148 = tpu.memref_slice %dma_start3A_146[%mul3A_21, %dma_start3A_147] : memref<2560x125xi32, #tpu.memory_space<hbm>> -> memref<80x125xi32, #tpu.memory_space<hbm>>
      %dma_start3A_149 = arith.constant 0 : i32
      %dma_start3A_150 = arith.constant 0 : i32
      %dma_start3A_151 = tpu.memref_slice %arg3[%run_scoped3A_22, %dma_start3A_149, %dma_start3A_150] : memref<2x2560x125xi32, #tpu.memory_space<hbm>> -> memref<1x2560x125xi32, #tpu.memory_space<hbm>>
      %dma_start3A_152 = tpu.memref_squeeze %dma_start3A_151 : memref<1x2560x125xi32, #tpu.memory_space<hbm>> -> memref<2560x125xi32, #tpu.memory_space<hbm>>
      %dma_start3A_153 = arith.constant 0 : i32
      %dma_start3A_154 = tpu.memref_slice %dma_start3A_152[%mul3A_21, %dma_start3A_153] : memref<2560x125xi32, #tpu.memory_space<hbm>> -> memref<80x125xi32, #tpu.memory_space<hbm>>
      tpu.enqueue_dma source(%dma_start3A_154 : memref<80x125xi32, #tpu.memory_space<hbm>>) target(%arg6 : memref<80x125xi32, #tpu.memory_space<vmem>>) target_semaphore(%run_scoped3A_142 : memref<!tpu.dma_semaphore, #tpu.memory_space<semaphore_mem>>)
      %dma_wait3A_155 = arith.constant 0 : i32
      %dma_wait3A_156 = arith.constant 0 : i32
      %dma_wait3A_157 = tpu.memref_slice %arg3[%run_scoped3A_22, %dma_wait3A_155, %dma_wait3A_156] : memref<2x2560x125xi32, #tpu.memory_space<hbm>> -> memref<1x2560x125xi32, #tpu.memory_space<hbm>>
      %dma_wait3A_158 = tpu.memref_squeeze %dma_wait3A_157 : memref<1x2560x125xi32, #tpu.memory_space<hbm>> -> memref<2560x125xi32, #tpu.memory_space<hbm>>
      %dma_wait3A_159 = arith.constant 0 : i32
      %dma_wait3A_160 = tpu.memref_slice %dma_wait3A_158[%mul3A_21, %dma_wait3A_159] : memref<2560x125xi32, #tpu.memory_space<hbm>> -> memref<80x125xi32, #tpu.memory_space<hbm>>
      %dma_wait3A_161 = arith.constant 0 : i32
      %dma_wait3A_162 = arith.constant 0 : i32
      %dma_wait3A_163 = tpu.memref_slice %arg3[%run_scoped3A_22, %dma_wait3A_161, %dma_wait3A_162] : memref<2x2560x125xi32, #tpu.memory_space<hbm>> -> memref<1x2560x125xi32, #tpu.memory_space<hbm>>
      %dma_wait3A_164 = tpu.memref_squeeze %dma_wait3A_163 : memref<1x2560x125xi32, #tpu.memory_space<hbm>> -> memref<2560x125xi32, #tpu.memory_space<hbm>>
      %dma_wait3A_165 = arith.constant 0 : i32
      %dma_wait3A_166 = tpu.memref_slice %dma_wait3A_164[%mul3A_21, %dma_wait3A_165] : memref<2560x125xi32, #tpu.memory_space<hbm>> -> memref<80x125xi32, #tpu.memory_space<hbm>>
      tpu.wait_dma2 semaphore(%run_scoped3A_142 : memref<!tpu.dma_semaphore, #tpu.memory_space<semaphore_mem>>) src(%dma_wait3A_166 : memref<80x125xi32, #tpu.memory_space<hbm>>) dst(%arg6 : memref<80x125xi32, #tpu.memory_space<vmem>>)
      tpu.yield
    }) : () -> ()
    %dma_start3A = arith.constant 0 : i32
    %dma_start3A_23 = arith.constant 0 : i32
    %dma_start3A_24 = tpu.memref_slice %arg5[%dma_start3A, %dma_start3A_23] : memref<80x125xi32, #tpu.memory_space<vmem>> -> memref<1x125xi32, #tpu.memory_space<vmem>>
    %dma_start3A_25 = tpu.memref_squeeze %dma_start3A_24 : memref<1x125xi32, #tpu.memory_space<vmem>> -> memref<125xi32, #tpu.memory_space<vmem>>
    %dma_start3A_26 = arith.constant 0 : i32
    %dma_start3A_27 = arith.constant 0 : i32
    %dma_start3A_28 = tpu.memref_slice %arg2[%dma_start3A_26, %dma_start3A_27] : memref<10000x64xf32, #tpu.memory_space<hbm>> -> memref<10000x64xf32, #tpu.memory_space<hbm>>
    tpu.enqueue_indirect_dma source(%dma_start3A_28 : memref<10000x64xf32, #tpu.memory_space<hbm>>) target(%arg7 : memref<125x64xf32, #tpu.memory_space<vmem>>) offsets(%dma_start3A_25 : memref<125xi32, #tpu.memory_space<vmem>>) semaphore(%arg13 : memref<!tpu.dma_semaphore, #tpu.memory_space<semaphore_mem>>)
    %dma_start3A_29 = arith.constant 1 : i32
    %dma_start3A_30 = arith.constant 0 : i32
    %dma_start3A_31 = tpu.memref_slice %arg5[%dma_start3A_29, %dma_start3A_30] : memref<80x125xi32, #tpu.memory_space<vmem>> -> memref<1x125xi32, #tpu.memory_space<vmem>>
    %dma_start3A_32 = tpu.memref_squeeze %dma_start3A_31 : memref<1x125xi32, #tpu.memory_space<vmem>> -> memref<125xi32, #tpu.memory_space<vmem>>
    %dma_start3A_33 = arith.constant 0 : i32
    %dma_start3A_34 = arith.constant 0 : i32
    %dma_start3A_35 = tpu.memref_slice %arg2[%dma_start3A_33, %dma_start3A_34] : memref<10000x64xf32, #tpu.memory_space<hbm>> -> memref<10000x64xf32, #tpu.memory_space<hbm>>
    tpu.enqueue_indirect_dma source(%dma_start3A_35 : memref<10000x64xf32, #tpu.memory_space<hbm>>) target(%arg8 : memref<125x64xf32, #tpu.memory_space<vmem>>) offsets(%dma_start3A_32 : memref<125xi32, #tpu.memory_space<vmem>>) semaphore(%arg14 : memref<!tpu.dma_semaphore, #tpu.memory_space<semaphore_mem>>)
    %dma_start3A_36 = arith.constant 2 : i32
    %dma_start3A_37 = arith.constant 0 : i32
    %dma_start3A_38 = tpu.memref_slice %arg5[%dma_start3A_36, %dma_start3A_37] : memref<80x125xi32, #tpu.memory_space<vmem>> -> memref<1x125xi32, #tpu.memory_space<vmem>>
    %dma_start3A_39 = tpu.memref_squeeze %dma_start3A_38 : memref<1x125xi32, #tpu.memory_space<vmem>> -> memref<125xi32, #tpu.memory_space<vmem>>
    %dma_start3A_40 = arith.constant 0 : i32
    %dma_start3A_41 = arith.constant 0 : i32
    %dma_start3A_42 = tpu.memref_slice %arg2[%dma_start3A_40, %dma_start3A_41] : memref<10000x64xf32, #tpu.memory_space<hbm>> -> memref<10000x64xf32, #tpu.memory_space<hbm>>
    tpu.enqueue_indirect_dma source(%dma_start3A_42 : memref<10000x64xf32, #tpu.memory_space<hbm>>) target(%arg9 : memref<125x64xf32, #tpu.memory_space<vmem>>) offsets(%dma_start3A_39 : memref<125xi32, #tpu.memory_space<vmem>>) semaphore(%arg15 : memref<!tpu.dma_semaphore, #tpu.memory_space<semaphore_mem>>)
    %dma_start3A_43 = arith.constant 3 : i32
    %dma_start3A_44 = arith.constant 0 : i32
    %dma_start3A_45 = tpu.memref_slice %arg5[%dma_start3A_43, %dma_start3A_44] : memref<80x125xi32, #tpu.memory_space<vmem>> -> memref<1x125xi32, #tpu.memory_space<vmem>>
    %dma_start3A_46 = tpu.memref_squeeze %dma_start3A_45 : memref<1x125xi32, #tpu.memory_space<vmem>> -> memref<125xi32, #tpu.memory_space<vmem>>
    %dma_start3A_47 = arith.constant 0 : i32
    %dma_start3A_48 = arith.constant 0 : i32
    %dma_start3A_49 = tpu.memref_slice %arg2[%dma_start3A_47, %dma_start3A_48] : memref<10000x64xf32, #tpu.memory_space<hbm>> -> memref<10000x64xf32, #tpu.memory_space<hbm>>
    tpu.enqueue_indirect_dma source(%dma_start3A_49 : memref<10000x64xf32, #tpu.memory_space<hbm>>) target(%arg10 : memref<125x64xf32, #tpu.memory_space<vmem>>) offsets(%dma_start3A_46 : memref<125xi32, #tpu.memory_space<vmem>>) semaphore(%arg16 : memref<!tpu.dma_semaphore, #tpu.memory_space<semaphore_mem>>)
    %scan3A_50 = arith.constant 0 : i32
    %scan3A_51 = arith.constant 0 : i32
    %scan3A_52 = arith.constant 19 : i32
    %scan3A_53 = arith.addi %scan3A_51, %scan3A_52 : i32
    %scan3A_54 = arith.constant 1 : i32
    scf.for %scan3A_142 = %scan3A_51 to %scan3A_53 step %scan3A_54  : i32 {
      %mul3A_143 = arith.constant 4 : i32
      %mul3A_144 = arith.muli %mul3A_143, %scan3A_142 : i32
      %add3A_145 = arith.constant 0 : i32
      %add3A_146 = arith.addi %mul3A_144, %add3A_145 : i32
      %dma_wait3A_147 = arith.constant 0 : i32
      %dma_wait3A_148 = tpu.memref_slice %arg5[%add3A_146, %dma_wait3A_147] : memref<80x125xi32, #tpu.memory_space<vmem>> -> memref<1x125xi32, #tpu.memory_space<vmem>>
      %dma_wait3A_149 = tpu.memref_squeeze %dma_wait3A_148 : memref<1x125xi32, #tpu.memory_space<vmem>> -> memref<125xi32, #tpu.memory_space<vmem>>
      %dma_wait3A_150 = arith.constant 0 : i32
      %dma_wait3A_151 = arith.constant 0 : i32
      %dma_wait3A_152 = tpu.memref_slice %arg2[%dma_wait3A_150, %dma_wait3A_151] : memref<10000x64xf32, #tpu.memory_space<hbm>> -> memref<10000x64xf32, #tpu.memory_space<hbm>>
      tpu.wait_indirect_dma semaphore(%arg13 : memref<!tpu.dma_semaphore, #tpu.memory_space<semaphore_mem>>) src(%dma_wait3A_152 : memref<10000x64xf32, #tpu.memory_space<hbm>>) dst(%arg7 : memref<125x64xf32, #tpu.memory_space<vmem>>)
      %dma_start3A_153 = arith.constant 0 : i32
      %dma_start3A_154 = tpu.memref_slice %arg6[%add3A_146, %dma_start3A_153] : memref<80x125xi32, #tpu.memory_space<vmem>> -> memref<1x125xi32, #tpu.memory_space<vmem>>
      %dma_start3A_155 = tpu.memref_squeeze %dma_start3A_154 : memref<1x125xi32, #tpu.memory_space<vmem>> -> memref<125xi32, #tpu.memory_space<vmem>>
      %dma_start3A_156 = arith.constant 0 : i32
      %dma_start3A_157 = arith.constant 0 : i32
      %dma_start3A_158 = tpu.memref_slice %arg12[%dma_start3A_156, %dma_start3A_157] : memref<10112x64xf32, #tpu.memory_space<vmem_shared>> -> memref<10112x64xf32, #tpu.memory_space<vmem_shared>>
      tpu.enqueue_indirect_dma source(%arg7 : memref<125x64xf32, #tpu.memory_space<vmem>>) target(%dma_start3A_158 : memref<10112x64xf32, #tpu.memory_space<vmem_shared>>) offsets(%dma_start3A_155 : memref<125xi32, #tpu.memory_space<vmem>>) semaphore(%arg17 : memref<!tpu.dma_semaphore, #tpu.memory_space<semaphore_mem>>) {add = true}
      %add3A_159 = arith.constant 1 : i32
      %add3A_160 = arith.addi %mul3A_144, %add3A_159 : i32
      %dma_wait3A_161 = arith.constant 0 : i32
      %dma_wait3A_162 = tpu.memref_slice %arg5[%add3A_160, %dma_wait3A_161] : memref<80x125xi32, #tpu.memory_space<vmem>> -> memref<1x125xi32, #tpu.memory_space<vmem>>
      %dma_wait3A_163 = tpu.memref_squeeze %dma_wait3A_162 : memref<1x125xi32, #tpu.memory_space<vmem>> -> memref<125xi32, #tpu.memory_space<vmem>>
      %dma_wait3A_164 = arith.constant 0 : i32
      %dma_wait3A_165 = arith.constant 0 : i32
      %dma_wait3A_166 = tpu.memref_slice %arg2[%dma_wait3A_164, %dma_wait3A_165] : memref<10000x64xf32, #tpu.memory_space<hbm>> -> memref<10000x64xf32, #tpu.memory_space<hbm>>
      tpu.wait_indirect_dma semaphore(%arg14 : memref<!tpu.dma_semaphore, #tpu.memory_space<semaphore_mem>>) src(%dma_wait3A_166 : memref<10000x64xf32, #tpu.memory_space<hbm>>) dst(%arg8 : memref<125x64xf32, #tpu.memory_space<vmem>>)
      %dma_start3A_167 = arith.constant 0 : i32
      %dma_start3A_168 = tpu.memref_slice %arg6[%add3A_160, %dma_start3A_167] : memref<80x125xi32, #tpu.memory_space<vmem>> -> memref<1x125xi32, #tpu.memory_space<vmem>>
      %dma_start3A_169 = tpu.memref_squeeze %dma_start3A_168 : memref<1x125xi32, #tpu.memory_space<vmem>> -> memref<125xi32, #tpu.memory_space<vmem>>
      %dma_start3A_170 = arith.constant 0 : i32
      %dma_start3A_171 = arith.constant 0 : i32
      %dma_start3A_172 = tpu.memref_slice %arg12[%dma_start3A_170, %dma_start3A_171] : memref<10112x64xf32, #tpu.memory_space<vmem_shared>> -> memref<10112x64xf32, #tpu.memory_space<vmem_shared>>
      tpu.enqueue_indirect_dma source(%arg8 : memref<125x64xf32, #tpu.memory_space<vmem>>) target(%dma_start3A_172 : memref<10112x64xf32, #tpu.memory_space<vmem_shared>>) offsets(%dma_start3A_169 : memref<125xi32, #tpu.memory_space<vmem>>) semaphore(%arg18 : memref<!tpu.dma_semaphore, #tpu.memory_space<semaphore_mem>>) {add = true}
      %add3A_173 = arith.constant 2 : i32
      %add3A_174 = arith.addi %mul3A_144, %add3A_173 : i32
      %dma_wait3A_175 = arith.constant 0 : i32
      %dma_wait3A_176 = tpu.memref_slice %arg5[%add3A_174, %dma_wait3A_175] : memref<80x125xi32, #tpu.memory_space<vmem>> -> memref<1x125xi32, #tpu.memory_space<vmem>>
      %dma_wait3A_177 = tpu.memref_squeeze %dma_wait3A_176 : memref<1x125xi32, #tpu.memory_space<vmem>> -> memref<125xi32, #tpu.memory_space<vmem>>
      %dma_wait3A_178 = arith.constant 0 : i32
      %dma_wait3A_179 = arith.constant 0 : i32
      %dma_wait3A_180 = tpu.memref_slice %arg2[%dma_wait3A_178, %dma_wait3A_179] : memref<10000x64xf32, #tpu.memory_space<hbm>> -> memref<10000x64xf32, #tpu.memory_space<hbm>>
      tpu.wait_indirect_dma semaphore(%arg15 : memref<!tpu.dma_semaphore, #tpu.memory_space<semaphore_mem>>) src(%dma_wait3A_180 : memref<10000x64xf32, #tpu.memory_space<hbm>>) dst(%arg9 : memref<125x64xf32, #tpu.memory_space<vmem>>)
      %dma_start3A_181 = arith.constant 0 : i32
      %dma_start3A_182 = tpu.memref_slice %arg6[%add3A_174, %dma_start3A_181] : memref<80x125xi32, #tpu.memory_space<vmem>> -> memref<1x125xi32, #tpu.memory_space<vmem>>
      %dma_start3A_183 = tpu.memref_squeeze %dma_start3A_182 : memref<1x125xi32, #tpu.memory_space<vmem>> -> memref<125xi32, #tpu.memory_space<vmem>>
      %dma_start3A_184 = arith.constant 0 : i32
      %dma_start3A_185 = arith.constant 0 : i32
      %dma_start3A_186 = tpu.memref_slice %arg12[%dma_start3A_184, %dma_start3A_185] : memref<10112x64xf32, #tpu.memory_space<vmem_shared>> -> memref<10112x64xf32, #tpu.memory_space<vmem_shared>>
      tpu.enqueue_indirect_dma source(%arg9 : memref<125x64xf32, #tpu.memory_space<vmem>>) target(%dma_start3A_186 : memref<10112x64xf32, #tpu.memory_space<vmem_shared>>) offsets(%dma_start3A_183 : memref<125xi32, #tpu.memory_space<vmem>>) semaphore(%arg19 : memref<!tpu.dma_semaphore, #tpu.memory_space<semaphore_mem>>) {add = true}
      %add3A_187 = arith.constant 3 : i32
      %add3A_188 = arith.addi %mul3A_144, %add3A_187 : i32
      %dma_wait3A_189 = arith.constant 0 : i32
      %dma_wait3A_190 = tpu.memref_slice %arg5[%add3A_188, %dma_wait3A_189] : memref<80x125xi32, #tpu.memory_space<vmem>> -> memref<1x125xi32, #tpu.memory_space<vmem>>
      %dma_wait3A_191 = tpu.memref_squeeze %dma_wait3A_190 : memref<1x125xi32, #tpu.memory_space<vmem>> -> memref<125xi32, #tpu.memory_space<vmem>>
      %dma_wait3A_192 = arith.constant 0 : i32
      %dma_wait3A_193 = arith.constant 0 : i32
      %dma_wait3A_194 = tpu.memref_slice %arg2[%dma_wait3A_192, %dma_wait3A_193] : memref<10000x64xf32, #tpu.memory_space<hbm>> -> memref<10000x64xf32, #tpu.memory_space<hbm>>
      tpu.wait_indirect_dma semaphore(%arg16 : memref<!tpu.dma_semaphore, #tpu.memory_space<semaphore_mem>>) src(%dma_wait3A_194 : memref<10000x64xf32, #tpu.memory_space<hbm>>) dst(%arg10 : memref<125x64xf32, #tpu.memory_space<vmem>>)
      %dma_start3A_195 = arith.constant 0 : i32
      %dma_start3A_196 = tpu.memref_slice %arg6[%add3A_188, %dma_start3A_195] : memref<80x125xi32, #tpu.memory_space<vmem>> -> memref<1x125xi32, #tpu.memory_space<vmem>>
      %dma_start3A_197 = tpu.memref_squeeze %dma_start3A_196 : memref<1x125xi32, #tpu.memory_space<vmem>> -> memref<125xi32, #tpu.memory_space<vmem>>
      %dma_start3A_198 = arith.constant 0 : i32
      %dma_start3A_199 = arith.constant 0 : i32
      %dma_start3A_200 = tpu.memref_slice %arg12[%dma_start3A_198, %dma_start3A_199] : memref<10112x64xf32, #tpu.memory_space<vmem_shared>> -> memref<10112x64xf32, #tpu.memory_space<vmem_shared>>
      tpu.enqueue_indirect_dma source(%arg10 : memref<125x64xf32, #tpu.memory_space<vmem>>) target(%dma_start3A_200 : memref<10112x64xf32, #tpu.memory_space<vmem_shared>>) offsets(%dma_start3A_197 : memref<125xi32, #tpu.memory_space<vmem>>) semaphore(%arg20 : memref<!tpu.dma_semaphore, #tpu.memory_space<semaphore_mem>>) {add = true}
      %add3A_201 = arith.constant 0 : i32
      %add3A_202 = arith.addi %mul3A_144, %add3A_201 : i32
      %dma_wait3A_203 = arith.constant 0 : i32
      %dma_wait3A_204 = tpu.memref_slice %arg6[%add3A_202, %dma_wait3A_203] : memref<80x125xi32, #tpu.memory_space<vmem>> -> memref<1x125xi32, #tpu.memory_space<vmem>>
      %dma_wait3A_205 = tpu.memref_squeeze %dma_wait3A_204 : memref<1x125xi32, #tpu.memory_space<vmem>> -> memref<125xi32, #tpu.memory_space<vmem>>
      %dma_wait3A_206 = arith.constant 0 : i32
      %dma_wait3A_207 = arith.constant 0 : i32
      %dma_wait3A_208 = tpu.memref_slice %arg12[%dma_wait3A_206, %dma_wait3A_207] : memref<10112x64xf32, #tpu.memory_space<vmem_shared>> -> memref<10112x64xf32, #tpu.memory_space<vmem_shared>>
      tpu.wait_indirect_dma semaphore(%arg17 : memref<!tpu.dma_semaphore, #tpu.memory_space<semaphore_mem>>) src(%arg7 : memref<125x64xf32, #tpu.memory_space<vmem>>) dst(%dma_wait3A_208 : memref<10112x64xf32, #tpu.memory_space<vmem_shared>>)
      %add3A_209 = arith.constant 0 : i32
      %add3A_210 = arith.addi %mul3A_144, %add3A_209 : i32
      %add3A_211 = arith.constant 4 : i32
      %add3A_212 = arith.addi %add3A_210, %add3A_211 : i32
      %dma_start3A_213 = arith.constant 0 : i32
      %dma_start3A_214 = tpu.memref_slice %arg5[%add3A_212, %dma_start3A_213] : memref<80x125xi32, #tpu.memory_space<vmem>> -> memref<1x125xi32, #tpu.memory_space<vmem>>
      %dma_start3A_215 = tpu.memref_squeeze %dma_start3A_214 : memref<1x125xi32, #tpu.memory_space<vmem>> -> memref<125xi32, #tpu.memory_space<vmem>>
      %dma_start3A_216 = arith.constant 0 : i32
      %dma_start3A_217 = arith.constant 0 : i32
      %dma_start3A_218 = tpu.memref_slice %arg2[%dma_start3A_216, %dma_start3A_217] : memref<10000x64xf32, #tpu.memory_space<hbm>> -> memref<10000x64xf32, #tpu.memory_space<hbm>>
      tpu.enqueue_indirect_dma source(%dma_start3A_218 : memref<10000x64xf32, #tpu.memory_space<hbm>>) target(%arg7 : memref<125x64xf32, #tpu.memory_space<vmem>>) offsets(%dma_start3A_215 : memref<125xi32, #tpu.memory_space<vmem>>) semaphore(%arg13 : memref<!tpu.dma_semaphore, #tpu.memory_space<semaphore_mem>>)
      %add3A_219 = arith.constant 1 : i32
      %add3A_220 = arith.addi %mul3A_144, %add3A_219 : i32
      %dma_wait3A_221 = arith.constant 0 : i32
      %dma_wait3A_222 = tpu.memref_slice %arg6[%add3A_220, %dma_wait3A_221] : memref<80x125xi32, #tpu.memory_space<vmem>> -> memref<1x125xi32, #tpu.memory_space<vmem>>
      %dma_wait3A_223 = tpu.memref_squeeze %dma_wait3A_222 : memref<1x125xi32, #tpu.memory_space<vmem>> -> memref<125xi32, #tpu.memory_space<vmem>>
      %dma_wait3A_224 = arith.constant 0 : i32
      %dma_wait3A_225 = arith.constant 0 : i32
      %dma_wait3A_226 = tpu.memref_slice %arg12[%dma_wait3A_224, %dma_wait3A_225] : memref<10112x64xf32, #tpu.memory_space<vmem_shared>> -> memref<10112x64xf32, #tpu.memory_space<vmem_shared>>
      tpu.wait_indirect_dma semaphore(%arg18 : memref<!tpu.dma_semaphore, #tpu.memory_space<semaphore_mem>>) src(%arg8 : memref<125x64xf32, #tpu.memory_space<vmem>>) dst(%dma_wait3A_226 : memref<10112x64xf32, #tpu.memory_space<vmem_shared>>)
      %add3A_227 = arith.constant 1 : i32
      %add3A_228 = arith.addi %mul3A_144, %add3A_227 : i32
      %add3A_229 = arith.constant 4 : i32
      %add3A_230 = arith.addi %add3A_228, %add3A_229 : i32
      %dma_start3A_231 = arith.constant 0 : i32
      %dma_start3A_232 = tpu.memref_slice %arg5[%add3A_230, %dma_start3A_231] : memref<80x125xi32, #tpu.memory_space<vmem>> -> memref<1x125xi32, #tpu.memory_space<vmem>>
      %dma_start3A_233 = tpu.memref_squeeze %dma_start3A_232 : memref<1x125xi32, #tpu.memory_space<vmem>> -> memref<125xi32, #tpu.memory_space<vmem>>
      %dma_start3A_234 = arith.constant 0 : i32
      %dma_start3A_235 = arith.constant 0 : i32
      %dma_start3A_236 = tpu.memref_slice %arg2[%dma_start3A_234, %dma_start3A_235] : memref<10000x64xf32, #tpu.memory_space<hbm>> -> memref<10000x64xf32, #tpu.memory_space<hbm>>
      tpu.enqueue_indirect_dma source(%dma_start3A_236 : memref<10000x64xf32, #tpu.memory_space<hbm>>) target(%arg8 : memref<125x64xf32, #tpu.memory_space<vmem>>) offsets(%dma_start3A_233 : memref<125xi32, #tpu.memory_space<vmem>>) semaphore(%arg14 : memref<!tpu.dma_semaphore, #tpu.memory_space<semaphore_mem>>)
      %add3A_237 = arith.constant 2 : i32
      %add3A_238 = arith.addi %mul3A_144, %add3A_237 : i32
      %dma_wait3A_239 = arith.constant 0 : i32
      %dma_wait3A_240 = tpu.memref_slice %arg6[%add3A_238, %dma_wait3A_239] : memref<80x125xi32, #tpu.memory_space<vmem>> -> memref<1x125xi32, #tpu.memory_space<vmem>>
      %dma_wait3A_241 = tpu.memref_squeeze %dma_wait3A_240 : memref<1x125xi32, #tpu.memory_space<vmem>> -> memref<125xi32, #tpu.memory_space<vmem>>
      %dma_wait3A_242 = arith.constant 0 : i32
      %dma_wait3A_243 = arith.constant 0 : i32
      %dma_wait3A_244 = tpu.memref_slice %arg12[%dma_wait3A_242, %dma_wait3A_243] : memref<10112x64xf32, #tpu.memory_space<vmem_shared>> -> memref<10112x64xf32, #tpu.memory_space<vmem_shared>>
      tpu.wait_indirect_dma semaphore(%arg19 : memref<!tpu.dma_semaphore, #tpu.memory_space<semaphore_mem>>) src(%arg9 : memref<125x64xf32, #tpu.memory_space<vmem>>) dst(%dma_wait3A_244 : memref<10112x64xf32, #tpu.memory_space<vmem_shared>>)
      %add3A_245 = arith.constant 2 : i32
      %add3A_246 = arith.addi %mul3A_144, %add3A_245 : i32
      %add3A_247 = arith.constant 4 : i32
      %add3A_248 = arith.addi %add3A_246, %add3A_247 : i32
      %dma_start3A_249 = arith.constant 0 : i32
      %dma_start3A_250 = tpu.memref_slice %arg5[%add3A_248, %dma_start3A_249] : memref<80x125xi32, #tpu.memory_space<vmem>> -> memref<1x125xi32, #tpu.memory_space<vmem>>
      %dma_start3A_251 = tpu.memref_squeeze %dma_start3A_250 : memref<1x125xi32, #tpu.memory_space<vmem>> -> memref<125xi32, #tpu.memory_space<vmem>>
      %dma_start3A_252 = arith.constant 0 : i32
      %dma_start3A_253 = arith.constant 0 : i32
      %dma_start3A_254 = tpu.memref_slice %arg2[%dma_start3A_252, %dma_start3A_253] : memref<10000x64xf32, #tpu.memory_space<hbm>> -> memref<10000x64xf32, #tpu.memory_space<hbm>>
      tpu.enqueue_indirect_dma source(%dma_start3A_254 : memref<10000x64xf32, #tpu.memory_space<hbm>>) target(%arg9 : memref<125x64xf32, #tpu.memory_space<vmem>>) offsets(%dma_start3A_251 : memref<125xi32, #tpu.memory_space<vmem>>) semaphore(%arg15 : memref<!tpu.dma_semaphore, #tpu.memory_space<semaphore_mem>>)
      %add3A_255 = arith.constant 3 : i32
      %add3A_256 = arith.addi %mul3A_144, %add3A_255 : i32
      %dma_wait3A_257 = arith.constant 0 : i32
      %dma_wait3A_258 = tpu.memref_slice %arg6[%add3A_256, %dma_wait3A_257] : memref<80x125xi32, #tpu.memory_space<vmem>> -> memref<1x125xi32, #tpu.memory_space<vmem>>
      %dma_wait3A_259 = tpu.memref_squeeze %dma_wait3A_258 : memref<1x125xi32, #tpu.memory_space<vmem>> -> memref<125xi32, #tpu.memory_space<vmem>>
      %dma_wait3A_260 = arith.constant 0 : i32
      %dma_wait3A_261 = arith.constant 0 : i32
      %dma_wait3A_262 = tpu.memref_slice %arg12[%dma_wait3A_260, %dma_wait3A_261] : memref<10112x64xf32, #tpu.memory_space<vmem_shared>> -> memref<10112x64xf32, #tpu.memory_space<vmem_shared>>
      tpu.wait_indirect_dma semaphore(%arg20 : memref<!tpu.dma_semaphore, #tpu.memory_space<semaphore_mem>>) src(%arg10 : memref<125x64xf32, #tpu.memory_space<vmem>>) dst(%dma_wait3A_262 : memref<10112x64xf32, #tpu.memory_space<vmem_shared>>)
      %add3A_263 = arith.constant 3 : i32
      %add3A_264 = arith.addi %mul3A_144, %add3A_263 : i32
      %add3A_265 = arith.constant 4 : i32
      %add3A_266 = arith.addi %add3A_264, %add3A_265 : i32
      %dma_start3A_267 = arith.constant 0 : i32
      %dma_start3A_268 = tpu.memref_slice %arg5[%add3A_266, %dma_start3A_267] : memref<80x125xi32, #tpu.memory_space<vmem>> -> memref<1x125xi32, #tpu.memory_space<vmem>>
      %dma_start3A_269 = tpu.memref_squeeze %dma_start3A_268 : memref<1x125xi32, #tpu.memory_space<vmem>> -> memref<125xi32, #tpu.memory_space<vmem>>
      %dma_start3A_270 = arith.constant 0 : i32
      %dma_start3A_271 = arith.constant 0 : i32
      %dma_start3A_272 = tpu.memref_slice %arg2[%dma_start3A_270, %dma_start3A_271] : memref<10000x64xf32, #tpu.memory_space<hbm>> -> memref<10000x64xf32, #tpu.memory_space<hbm>>
      tpu.enqueue_indirect_dma source(%dma_start3A_272 : memref<10000x64xf32, #tpu.memory_space<hbm>>) target(%arg10 : memref<125x64xf32, #tpu.memory_space<vmem>>) offsets(%dma_start3A_269 : memref<125xi32, #tpu.memory_space<vmem>>) semaphore(%arg16 : memref<!tpu.dma_semaphore, #tpu.memory_space<semaphore_mem>>)
    }
    %scan3A_55 = arith.constant 19 : i32
    %dma_wait3A = arith.constant 76 : i32
    %dma_wait3A_56 = arith.constant 0 : i32
    %dma_wait3A_57 = tpu.memref_slice %arg5[%dma_wait3A, %dma_wait3A_56] : memref<80x125xi32, #tpu.memory_space<vmem>> -> memref<1x125xi32, #tpu.memory_space<vmem>>
    %dma_wait3A_58 = tpu.memref_squeeze %dma_wait3A_57 : memref<1x125xi32, #tpu.memory_space<vmem>> -> memref<125xi32, #tpu.memory_space<vmem>>
    %dma_wait3A_59 = arith.constant 0 : i32
    %dma_wait3A_60 = arith.constant 0 : i32
    %dma_wait3A_61 = tpu.memref_slice %arg2[%dma_wait3A_59, %dma_wait3A_60] : memref<10000x64xf32, #tpu.memory_space<hbm>> -> memref<10000x64xf32, #tpu.memory_space<hbm>>
    tpu.wait_indirect_dma semaphore(%arg13 : memref<!tpu.dma_semaphore, #tpu.memory_space<semaphore_mem>>) src(%dma_wait3A_61 : memref<10000x64xf32, #tpu.memory_space<hbm>>) dst(%arg7 : memref<125x64xf32, #tpu.memory_space<vmem>>)
    %dma_start3A_62 = arith.constant 76 : i32
    %dma_start3A_63 = arith.constant 0 : i32
    %dma_start3A_64 = tpu.memref_slice %arg6[%dma_start3A_62, %dma_start3A_63] : memref<80x125xi32, #tpu.memory_space<vmem>> -> memref<1x125xi32, #tpu.memory_space<vmem>>
    %dma_start3A_65 = tpu.memref_squeeze %dma_start3A_64 : memref<1x125xi32, #tpu.memory_space<vmem>> -> memref<125xi32, #tpu.memory_space<vmem>>
    %dma_start3A_66 = arith.constant 0 : i32
    %dma_start3A_67 = arith.constant 0 : i32
    %dma_start3A_68 = tpu.memref_slice %arg12[%dma_start3A_66, %dma_start3A_67] : memref<10112x64xf32, #tpu.memory_space<vmem_shared>> -> memref<10112x64xf32, #tpu.memory_space<vmem_shared>>
    tpu.enqueue_indirect_dma source(%arg7 : memref<125x64xf32, #tpu.memory_space<vmem>>) target(%dma_start3A_68 : memref<10112x64xf32, #tpu.memory_space<vmem_shared>>) offsets(%dma_start3A_65 : memref<125xi32, #tpu.memory_space<vmem>>) semaphore(%arg17 : memref<!tpu.dma_semaphore, #tpu.memory_space<semaphore_mem>>) {add = true}
    %dma_wait3A_69 = arith.constant 77 : i32
    %dma_wait3A_70 = arith.constant 0 : i32
    %dma_wait3A_71 = tpu.memref_slice %arg5[%dma_wait3A_69, %dma_wait3A_70] : memref<80x125xi32, #tpu.memory_space<vmem>> -> memref<1x125xi32, #tpu.memory_space<vmem>>
    %dma_wait3A_72 = tpu.memref_squeeze %dma_wait3A_71 : memref<1x125xi32, #tpu.memory_space<vmem>> -> memref<125xi32, #tpu.memory_space<vmem>>
    %dma_wait3A_73 = arith.constant 0 : i32
    %dma_wait3A_74 = arith.constant 0 : i32
    %dma_wait3A_75 = tpu.memref_slice %arg2[%dma_wait3A_73, %dma_wait3A_74] : memref<10000x64xf32, #tpu.memory_space<hbm>> -> memref<10000x64xf32, #tpu.memory_space<hbm>>
    tpu.wait_indirect_dma semaphore(%arg14 : memref<!tpu.dma_semaphore, #tpu.memory_space<semaphore_mem>>) src(%dma_wait3A_75 : memref<10000x64xf32, #tpu.memory_space<hbm>>) dst(%arg8 : memref<125x64xf32, #tpu.memory_space<vmem>>)
    %dma_start3A_76 = arith.constant 77 : i32
    %dma_start3A_77 = arith.constant 0 : i32
    %dma_start3A_78 = tpu.memref_slice %arg6[%dma_start3A_76, %dma_start3A_77] : memref<80x125xi32, #tpu.memory_space<vmem>> -> memref<1x125xi32, #tpu.memory_space<vmem>>
    %dma_start3A_79 = tpu.memref_squeeze %dma_start3A_78 : memref<1x125xi32, #tpu.memory_space<vmem>> -> memref<125xi32, #tpu.memory_space<vmem>>
    %dma_start3A_80 = arith.constant 0 : i32
    %dma_start3A_81 = arith.constant 0 : i32
    %dma_start3A_82 = tpu.memref_slice %arg12[%dma_start3A_80, %dma_start3A_81] : memref<10112x64xf32, #tpu.memory_space<vmem_shared>> -> memref<10112x64xf32, #tpu.memory_space<vmem_shared>>
    tpu.enqueue_indirect_dma source(%arg8 : memref<125x64xf32, #tpu.memory_space<vmem>>) target(%dma_start3A_82 : memref<10112x64xf32, #tpu.memory_space<vmem_shared>>) offsets(%dma_start3A_79 : memref<125xi32, #tpu.memory_space<vmem>>) semaphore(%arg18 : memref<!tpu.dma_semaphore, #tpu.memory_space<semaphore_mem>>) {add = true}
    %dma_wait3A_83 = arith.constant 78 : i32
    %dma_wait3A_84 = arith.constant 0 : i32
    %dma_wait3A_85 = tpu.memref_slice %arg5[%dma_wait3A_83, %dma_wait3A_84] : memref<80x125xi32, #tpu.memory_space<vmem>> -> memref<1x125xi32, #tpu.memory_space<vmem>>
    %dma_wait3A_86 = tpu.memref_squeeze %dma_wait3A_85 : memref<1x125xi32, #tpu.memory_space<vmem>> -> memref<125xi32, #tpu.memory_space<vmem>>
    %dma_wait3A_87 = arith.constant 0 : i32
    %dma_wait3A_88 = arith.constant 0 : i32
    %dma_wait3A_89 = tpu.memref_slice %arg2[%dma_wait3A_87, %dma_wait3A_88] : memref<10000x64xf32, #tpu.memory_space<hbm>> -> memref<10000x64xf32, #tpu.memory_space<hbm>>
    tpu.wait_indirect_dma semaphore(%arg15 : memref<!tpu.dma_semaphore, #tpu.memory_space<semaphore_mem>>) src(%dma_wait3A_89 : memref<10000x64xf32, #tpu.memory_space<hbm>>) dst(%arg9 : memref<125x64xf32, #tpu.memory_space<vmem>>)
    %dma_start3A_90 = arith.constant 78 : i32
    %dma_start3A_91 = arith.constant 0 : i32
    %dma_start3A_92 = tpu.memref_slice %arg6[%dma_start3A_90, %dma_start3A_91] : memref<80x125xi32, #tpu.memory_space<vmem>> -> memref<1x125xi32, #tpu.memory_space<vmem>>
    %dma_start3A_93 = tpu.memref_squeeze %dma_start3A_92 : memref<1x125xi32, #tpu.memory_space<vmem>> -> memref<125xi32, #tpu.memory_space<vmem>>
    %dma_start3A_94 = arith.constant 0 : i32
    %dma_start3A_95 = arith.constant 0 : i32
    %dma_start3A_96 = tpu.memref_slice %arg12[%dma_start3A_94, %dma_start3A_95] : memref<10112x64xf32, #tpu.memory_space<vmem_shared>> -> memref<10112x64xf32, #tpu.memory_space<vmem_shared>>
    tpu.enqueue_indirect_dma source(%arg9 : memref<125x64xf32, #tpu.memory_space<vmem>>) target(%dma_start3A_96 : memref<10112x64xf32, #tpu.memory_space<vmem_shared>>) offsets(%dma_start3A_93 : memref<125xi32, #tpu.memory_space<vmem>>) semaphore(%arg19 : memref<!tpu.dma_semaphore, #tpu.memory_space<semaphore_mem>>) {add = true}
    %dma_wait3A_97 = arith.constant 79 : i32
    %dma_wait3A_98 = arith.constant 0 : i32
    %dma_wait3A_99 = tpu.memref_slice %arg5[%dma_wait3A_97, %dma_wait3A_98] : memref<80x125xi32, #tpu.memory_space<vmem>> -> memref<1x125xi32, #tpu.memory_space<vmem>>
    %dma_wait3A_100 = tpu.memref_squeeze %dma_wait3A_99 : memref<1x125xi32, #tpu.memory_space<vmem>> -> memref<125xi32, #tpu.memory_space<vmem>>
    %dma_wait3A_101 = arith.constant 0 : i32
    %dma_wait3A_102 = arith.constant 0 : i32
    %dma_wait3A_103 = tpu.memref_slice %arg2[%dma_wait3A_101, %dma_wait3A_102] : memref<10000x64xf32, #tpu.memory_space<hbm>> -> memref<10000x64xf32, #tpu.memory_space<hbm>>
    tpu.wait_indirect_dma semaphore(%arg16 : memref<!tpu.dma_semaphore, #tpu.memory_space<semaphore_mem>>) src(%dma_wait3A_103 : memref<10000x64xf32, #tpu.memory_space<hbm>>) dst(%arg10 : memref<125x64xf32, #tpu.memory_space<vmem>>)
    %dma_start3A_104 = arith.constant 79 : i32
    %dma_start3A_105 = arith.constant 0 : i32
    %dma_start3A_106 = tpu.memref_slice %arg6[%dma_start3A_104, %dma_start3A_105] : memref<80x125xi32, #tpu.memory_space<vmem>> -> memref<1x125xi32, #tpu.memory_space<vmem>>
    %dma_start3A_107 = tpu.memref_squeeze %dma_start3A_106 : memref<1x125xi32, #tpu.memory_space<vmem>> -> memref<125xi32, #tpu.memory_space<vmem>>
    %dma_start3A_108 = arith.constant 0 : i32
    %dma_start3A_109 = arith.constant 0 : i32
    %dma_start3A_110 = tpu.memref_slice %arg12[%dma_start3A_108, %dma_start3A_109] : memref<10112x64xf32, #tpu.memory_space<vmem_shared>> -> memref<10112x64xf32, #tpu.memory_space<vmem_shared>>
    tpu.enqueue_indirect_dma source(%arg10 : memref<125x64xf32, #tpu.memory_space<vmem>>) target(%dma_start3A_110 : memref<10112x64xf32, #tpu.memory_space<vmem_shared>>) offsets(%dma_start3A_107 : memref<125xi32, #tpu.memory_space<vmem>>) semaphore(%arg20 : memref<!tpu.dma_semaphore, #tpu.memory_space<semaphore_mem>>) {add = true}
    %dma_wait3A_111 = arith.constant 76 : i32
    %dma_wait3A_112 = arith.constant 0 : i32
    %dma_wait3A_113 = tpu.memref_slice %arg6[%dma_wait3A_111, %dma_wait3A_112] : memref<80x125xi32, #tpu.memory_space<vmem>> -> memref<1x125xi32, #tpu.memory_space<vmem>>
    %dma_wait3A_114 = tpu.memref_squeeze %dma_wait3A_113 : memref<1x125xi32, #tpu.memory_space<vmem>> -> memref<125xi32, #tpu.memory_space<vmem>>
    %dma_wait3A_115 = arith.constant 0 : i32
    %dma_wait3A_116 = arith.constant 0 : i32
    %dma_wait3A_117 = tpu.memref_slice %arg12[%dma_wait3A_115, %dma_wait3A_116] : memref<10112x64xf32, #tpu.memory_space<vmem_shared>> -> memref<10112x64xf32, #tpu.memory_space<vmem_shared>>
    tpu.wait_indirect_dma semaphore(%arg17 : memref<!tpu.dma_semaphore, #tpu.memory_space<semaphore_mem>>) src(%arg7 : memref<125x64xf32, #tpu.memory_space<vmem>>) dst(%dma_wait3A_117 : memref<10112x64xf32, #tpu.memory_space<vmem_shared>>)
    %dma_wait3A_118 = arith.constant 77 : i32
    %dma_wait3A_119 = arith.constant 0 : i32
    %dma_wait3A_120 = tpu.memref_slice %arg6[%dma_wait3A_118, %dma_wait3A_119] : memref<80x125xi32, #tpu.memory_space<vmem>> -> memref<1x125xi32, #tpu.memory_space<vmem>>
    %dma_wait3A_121 = tpu.memref_squeeze %dma_wait3A_120 : memref<1x125xi32, #tpu.memory_space<vmem>> -> memref<125xi32, #tpu.memory_space<vmem>>
    %dma_wait3A_122 = arith.constant 0 : i32
    %dma_wait3A_123 = arith.constant 0 : i32
    %dma_wait3A_124 = tpu.memref_slice %arg12[%dma_wait3A_122, %dma_wait3A_123] : memref<10112x64xf32, #tpu.memory_space<vmem_shared>> -> memref<10112x64xf32, #tpu.memory_space<vmem_shared>>
    tpu.wait_indirect_dma semaphore(%arg18 : memref<!tpu.dma_semaphore, #tpu.memory_space<semaphore_mem>>) src(%arg8 : memref<125x64xf32, #tpu.memory_space<vmem>>) dst(%dma_wait3A_124 : memref<10112x64xf32, #tpu.memory_space<vmem_shared>>)
    %dma_wait3A_125 = arith.constant 78 : i32
    %dma_wait3A_126 = arith.constant 0 : i32
    %dma_wait3A_127 = tpu.memref_slice %arg6[%dma_wait3A_125, %dma_wait3A_126] : memref<80x125xi32, #tpu.memory_space<vmem>> -> memref<1x125xi32, #tpu.memory_space<vmem>>
    %dma_wait3A_128 = tpu.memref_squeeze %dma_wait3A_127 : memref<1x125xi32, #tpu.memory_space<vmem>> -> memref<125xi32, #tpu.memory_space<vmem>>
    %dma_wait3A_129 = arith.constant 0 : i32
    %dma_wait3A_130 = arith.constant 0 : i32
    %dma_wait3A_131 = tpu.memref_slice %arg12[%dma_wait3A_129, %dma_wait3A_130] : memref<10112x64xf32, #tpu.memory_space<vmem_shared>> -> memref<10112x64xf32, #tpu.memory_space<vmem_shared>>
    tpu.wait_indirect_dma semaphore(%arg19 : memref<!tpu.dma_semaphore, #tpu.memory_space<semaphore_mem>>) src(%arg9 : memref<125x64xf32, #tpu.memory_space<vmem>>) dst(%dma_wait3A_131 : memref<10112x64xf32, #tpu.memory_space<vmem_shared>>)
    %dma_wait3A_132 = arith.constant 79 : i32
    %dma_wait3A_133 = arith.constant 0 : i32
    %dma_wait3A_134 = tpu.memref_slice %arg6[%dma_wait3A_132, %dma_wait3A_133] : memref<80x125xi32, #tpu.memory_space<vmem>> -> memref<1x125xi32, #tpu.memory_space<vmem>>
    %dma_wait3A_135 = tpu.memref_squeeze %dma_wait3A_134 : memref<1x125xi32, #tpu.memory_space<vmem>> -> memref<125xi32, #tpu.memory_space<vmem>>
    %dma_wait3A_136 = arith.constant 0 : i32
    %dma_wait3A_137 = arith.constant 0 : i32
    %dma_wait3A_138 = tpu.memref_slice %arg12[%dma_wait3A_136, %dma_wait3A_137] : memref<10112x64xf32, #tpu.memory_space<vmem_shared>> -> memref<10112x64xf32, #tpu.memory_space<vmem_shared>>
    tpu.wait_indirect_dma semaphore(%arg20 : memref<!tpu.dma_semaphore, #tpu.memory_space<semaphore_mem>>) src(%arg10 : memref<125x64xf32, #tpu.memory_space<vmem>>) dst(%dma_wait3A_138 : memref<10112x64xf32, #tpu.memory_space<vmem_shared>>)
    %barrier3A_139 = arith.constant 0 : index
    tpu.barrier barrier_id(%barrier3A_139)
    %mul3A_140 = arith.constant 632 : i32
    %mul3A_141 = arith.muli %arg1, %mul3A_140 : i32
    "tpu.region"() ({
      %run_scoped3A_142 = tpu.sem_alloc : memref<!tpu.dma_semaphore, #tpu.memory_space<semaphore_mem>>
      %dma_start3A_143 = arith.constant 0 : i32
      %dma_start3A_144 = arith.constant 0 : i32
      %dma_start3A_145 = tpu.memref_slice %arg4[%arg0, %dma_start3A_143, %dma_start3A_144] : memref<2x10112x64xf32, #tpu.memory_space<hbm>> -> memref<1x10112x64xf32, #tpu.memory_space<hbm>>
      %dma_start3A_146 = tpu.memref_squeeze %dma_start3A_145 : memref<1x10112x64xf32, #tpu.memory_space<hbm>> -> memref<10112x64xf32, #tpu.memory_space<hbm>>
      %dma_start3A_147 = arith.constant 0 : i32
      %dma_start3A_148 = tpu.memref_slice %dma_start3A_146[%mul3A_141, %dma_start3A_147] : memref<10112x64xf32, #tpu.memory_space<hbm>> -> memref<632x64xf32, #tpu.memory_space<hbm>>
      %dma_start3A_149 = arith.constant 0 : i32
      %dma_start3A_150 = tpu.memref_slice %arg12[%mul3A_141, %dma_start3A_149] : memref<10112x64xf32, #tpu.memory_space<vmem_shared>> -> memref<632x64xf32, #tpu.memory_space<vmem_shared>>
      tpu.enqueue_dma source(%dma_start3A_150 : memref<632x64xf32, #tpu.memory_space<vmem_shared>>) target(%dma_start3A_148 : memref<632x64xf32, #tpu.memory_space<hbm>>) target_semaphore(%run_scoped3A_142 : memref<!tpu.dma_semaphore, #tpu.memory_space<semaphore_mem>>)
      %dma_wait3A_151 = arith.constant 0 : i32
      %dma_wait3A_152 = arith.constant 0 : i32
      %dma_wait3A_153 = tpu.memref_slice %arg4[%arg0, %dma_wait3A_151, %dma_wait3A_152] : memref<2x10112x64xf32, #tpu.memory_space<hbm>> -> memref<1x10112x64xf32, #tpu.memory_space<hbm>>
      %dma_wait3A_154 = tpu.memref_squeeze %dma_wait3A_153 : memref<1x10112x64xf32, #tpu.memory_space<hbm>> -> memref<10112x64xf32, #tpu.memory_space<hbm>>
      %dma_wait3A_155 = arith.constant 0 : i32
      %dma_wait3A_156 = tpu.memref_slice %dma_wait3A_154[%mul3A_141, %dma_wait3A_155] : memref<10112x64xf32, #tpu.memory_space<hbm>> -> memref<632x64xf32, #tpu.memory_space<hbm>>
      %dma_wait3A_157 = arith.constant 0 : i32
      %dma_wait3A_158 = tpu.memref_slice %arg12[%mul3A_141, %dma_wait3A_157] : memref<10112x64xf32, #tpu.memory_space<vmem_shared>> -> memref<632x64xf32, #tpu.memory_space<vmem_shared>>
      tpu.wait_dma2 semaphore(%run_scoped3A_142 : memref<!tpu.dma_semaphore, #tpu.memory_space<semaphore_mem>>) src(%dma_wait3A_158 : memref<632x64xf32, #tpu.memory_space<vmem_shared>>) dst(%dma_wait3A_156 : memref<632x64xf32, #tpu.memory_space<hbm>>)
      tpu.yield
    }) : () -> ()
    return
  }
}

#map = affine_map<(d0, d1) -> (0, 0)>
#map1 = affine_map<(d0, d1) -> (0, 0, 0)>
module attributes {stable_mosaic.version = 14 : i64} {
  func.func @body(%arg0: i32, %arg1: i32, %arg2: memref<10000x64xf32, #tpu.memory_space<hbm>>, %arg3: memref<2x2560x125xi32, #tpu.memory_space<hbm>>, %arg4: memref<2x10112x64xf32, #tpu.memory_space<hbm>>, %arg5: memref<80x125xi32, #tpu.memory_space<vmem>>, %arg6: memref<80x125xi32, #tpu.memory_space<vmem>>, %arg7: memref<125x64xf32, #tpu.memory_space<vmem>>, %arg8: memref<125x64xf32, #tpu.memory_space<vmem>>, %arg9: memref<125x64xf32, #tpu.memory_space<vmem>>, %arg10: memref<125x64xf32, #tpu.memory_space<vmem>>, %arg11: memref<128x64xf32, #tpu.memory_space<vmem>>, %arg12: memref<10112x64xf32, #tpu.memory_space<vmem_shared>>, %arg13: memref<!tpu.dma_semaphore, #tpu.memory_space<semaphore_mem>>, %arg14: memref<!tpu.dma_semaphore, #tpu.memory_space<semaphore_mem>>, %arg15: memref<!tpu.dma_semaphore, #tpu.memory_space<semaphore_mem>>, %arg16: memref<!tpu.dma_semaphore, #tpu.memory_space<semaphore_mem>>, %arg17: memref<!tpu.dma_semaphore, #tpu.memory_space<semaphore_mem>>, %arg18: memref<!tpu.dma_semaphore, #tpu.memory_space<semaphore_mem>>, %arg19: memref<!tpu.dma_semaphore, #tpu.memory_space<semaphore_mem>>, %arg20: memref<!tpu.dma_semaphore, #tpu.memory_space<semaphore_mem>>) attributes {dimension_semantics = [#tpu.dimension_semantics<core_parallel>, #tpu.dimension_semantics<subcore_parallel>], iteration_bounds = array<i64: 2, 16>, scalar_prefetch = 0 : i64, scratch_operands = 16 : i64, tpu.core_type = #tpu.core_type<sc_vector_subcore>, window_params = [{transform_indices = #map}, {transform_indices = #map1}, {transform_indices = #map1}]} {
    %mul3A = arith.constant 2 : i32
    %mul3A_0 = arith.muli %arg1, %mul3A : i32
    %add3A = arith.addi %mul3A_0, %arg0 : i32
    %scan3A = arith.constant 0 : i32
    %scan3A_1 = arith.constant 0 : i32
    %scan3A_2 = arith.constant 512 : i32
    %scan3A_3 = arith.addi %scan3A_1, %scan3A_2 : i32
    %scan3A_4 = arith.constant 1 : i32
    scf.for %scan3A_142 = %scan3A_1 to %scan3A_3 step %scan3A_4  : i32 {
      %broadcast_in_dim3A = arith.constant 0.000000e+00 : f32
      %broadcast_in_dim3A_143 = vector.broadcast %broadcast_in_dim3A : f32 to vector<16xf32>
      %jit3A = arith.constant 4 : i32
      %div3A = arith.divsi %scan3A_142, %jit3A : i32
      %sign3A = arith.constant 0 : i32
      %sign3A_144 = arith.cmpi sgt, %scan3A_142, %sign3A : i32
      %sign3A_145 = arith.extui %sign3A_144 : i1 to i32
      %sign3A_146 = arith.constant 0 : i32
      %sign3A_147 = arith.cmpi slt, %scan3A_142, %sign3A_146 : i32
      %sign3A_148 = arith.extui %sign3A_147 : i1 to i32
      %sign3A_149 = arith.subi %sign3A_145, %sign3A_148 : i32
      %sign3A_150 = arith.constant 0 : i32
      %sign3A_151 = arith.cmpi sgt, %jit3A, %sign3A_150 : i32
      %sign3A_152 = arith.extui %sign3A_151 : i1 to i32
      %sign3A_153 = arith.constant 0 : i32
      %sign3A_154 = arith.cmpi slt, %jit3A, %sign3A_153 : i32
      %sign3A_155 = arith.extui %sign3A_154 : i1 to i32
      %sign3A_156 = arith.subi %sign3A_152, %sign3A_155 : i32
      %ne3A = arith.cmpi ne, %sign3A_149, %sign3A_156 : i32
      %rem3A = arith.remsi %scan3A_142, %jit3A : i32
      %ne3A_157 = arith.constant 0 : i32
      %ne3A_158 = arith.cmpi ne, %rem3A, %ne3A_157 : i32
      %and3A = arith.andi %ne3A, %ne3A_158 : i1
      %sub3A = arith.constant 1 : i32
      %sub3A_159 = arith.subi %div3A, %sub3A : i32
      %select_n3A = arith.select %and3A, %sub3A_159, %div3A : i32
      %jit3A_160 = arith.constant 4 : i32
      %eq3A = arith.constant 0 : i32
      %eq3A_161 = arith.cmpi eq, %jit3A_160, %eq3A : i32
      %jit3A_162 = arith.constant 1 : i32
      %select_n3A_163 = arith.select %eq3A_161, %jit3A_162, %jit3A_160 : i32
      %rem3A_164 = arith.remsi %scan3A_142, %select_n3A_163 : i32
      %ne3A_165 = arith.constant 0 : i32
      %ne3A_166 = arith.cmpi ne, %rem3A_164, %ne3A_165 : i32
      %lt3A = arith.constant 0 : i32
      %lt3A_167 = arith.cmpi slt, %rem3A_164, %lt3A : i32
      %lt3A_168 = arith.constant 0 : i32
      %lt3A_169 = arith.cmpi slt, %select_n3A_163, %lt3A_168 : i32
      %ne3A_170 = arith.xori %lt3A_167, %lt3A_169 : i1
      %and3A_171 = arith.andi %ne3A_170, %ne3A_166 : i1
      %add3A_172 = arith.addi %rem3A_164, %select_n3A_163 : i32
      %select_n3A_173 = arith.select %and3A_171, %add3A_172, %rem3A_164 : i32
      %mul3A_174 = arith.constant 16 : i32
      %mul3A_175 = arith.muli %select_n3A_173, %mul3A_174 : i32
      %swap3A = arith.index_cast %select_n3A : i32 to index
      %swap3A_176 = arith.index_cast %mul3A_175 : i32 to index
      %swap3A_177 = tpu.vector_load %arg11[%swap3A, %swap3A_176] {strides = array<i32>} : memref<128x64xf32, #tpu.memory_space<vmem>>, vector<1x16xf32>,
      %swap3A_178 = vector.shape_cast %swap3A_177 : vector<1x16xf32> to vector<16xf32>
      %swap3A_179 = vector.shape_cast %broadcast_in_dim3A_143 : vector<16xf32> to vector<1x16xf32>
      tpu.vector_store %arg11[%swap3A, %swap3A_176], %swap3A_179 {strides = array<i32>} : memref<128x64xf32, #tpu.memory_space<vmem>>, vector<1x16xf32>,
    }
    %scan3A_5 = arith.constant 512 : i32
    %mul3A_6 = arith.constant 632 : i32
    %mul3A_7 = arith.muli %arg1, %mul3A_6 : i32
    %add3A_8 = arith.constant 0 : i32
    %add3A_9 = arith.addi %mul3A_7, %add3A_8 : i32
    "tpu.region"() ({
      %run_scoped3A_142 = tpu.sem_alloc : memref<!tpu.dma_semaphore, #tpu.memory_space<semaphore_mem>>
      %dma_start3A_143 = arith.constant 0 : i32
      %dma_start3A_144 = tpu.memref_slice %arg12[%add3A_9, %dma_start3A_143] : memref<10112x64xf32, #tpu.memory_space<vmem_shared>> -> memref<128x64xf32, #tpu.memory_space<vmem_shared>>
      %dma_start3A_145 = arith.constant 0 : i32
      %dma_start3A_146 = tpu.memref_slice %arg12[%add3A_9, %dma_start3A_145] : memref<10112x64xf32, #tpu.memory_space<vmem_shared>> -> memref<128x64xf32, #tpu.memory_space<vmem_shared>>
      tpu.enqueue_dma source(%arg11 : memref<128x64xf32, #tpu.memory_space<vmem>>) target(%dma_start3A_146 : memref<128x64xf32, #tpu.memory_space<vmem_shared>>) target_semaphore(%run_scoped3A_142 : memref<!tpu.dma_semaphore, #tpu.memory_space<semaphore_mem>>)
      %dma_wait3A_147 = arith.constant 0 : i32
      %dma_wait3A_148 = tpu.memref_slice %arg12[%add3A_9, %dma_wait3A_147] : memref<10112x64xf32, #tpu.memory_space<vmem_shared>> -> memref<128x64xf32, #tpu.memory_space<vmem_shared>>
      %dma_wait3A_149 = arith.constant 0 : i32
      %dma_wait3A_150 = tpu.memref_slice %arg12[%add3A_9, %dma_wait3A_149] : memref<10112x64xf32, #tpu.memory_space<vmem_shared>> -> memref<128x64xf32, #tpu.memory_space<vmem_shared>>
      tpu.wait_dma2 semaphore(%run_scoped3A_142 : memref<!tpu.dma_semaphore, #tpu.memory_space<semaphore_mem>>) src(%arg11 : memref<128x64xf32, #tpu.memory_space<vmem>>) dst(%dma_wait3A_150 : memref<128x64xf32, #tpu.memory_space<vmem_shared>>)
      tpu.yield
    }) : () -> ()
    %add3A_10 = arith.constant 128 : i32
    %add3A_11 = arith.addi %mul3A_7, %add3A_10 : i32
    "tpu.region"() ({
      %run_scoped3A_142 = tpu.sem_alloc : memref<!tpu.dma_semaphore, #tpu.memory_space<semaphore_mem>>
      %dma_start3A_143 = arith.constant 0 : i32
      %dma_start3A_144 = tpu.memref_slice %arg12[%add3A_11, %dma_start3A_143] : memref<10112x64xf32, #tpu.memory_space<vmem_shared>> -> memref<128x64xf32, #tpu.memory_space<vmem_shared>>
      %dma_start3A_145 = arith.constant 0 : i32
      %dma_start3A_146 = tpu.memref_slice %arg12[%add3A_11, %dma_start3A_145] : memref<10112x64xf32, #tpu.memory_space<vmem_shared>> -> memref<128x64xf32, #tpu.memory_space<vmem_shared>>
      tpu.enqueue_dma source(%arg11 : memref<128x64xf32, #tpu.memory_space<vmem>>) target(%dma_start3A_146 : memref<128x64xf32, #tpu.memory_space<vmem_shared>>) target_semaphore(%run_scoped3A_142 : memref<!tpu.dma_semaphore, #tpu.memory_space<semaphore_mem>>)
      %dma_wait3A_147 = arith.constant 0 : i32
      %dma_wait3A_148 = tpu.memref_slice %arg12[%add3A_11, %dma_wait3A_147] : memref<10112x64xf32, #tpu.memory_space<vmem_shared>> -> memref<128x64xf32, #tpu.memory_space<vmem_shared>>
      %dma_wait3A_149 = arith.constant 0 : i32
      %dma_wait3A_150 = tpu.memref_slice %arg12[%add3A_11, %dma_wait3A_149] : memref<10112x64xf32, #tpu.memory_space<vmem_shared>> -> memref<128x64xf32, #tpu.memory_space<vmem_shared>>
      tpu.wait_dma2 semaphore(%run_scoped3A_142 : memref<!tpu.dma_semaphore, #tpu.memory_space<semaphore_mem>>) src(%arg11 : memref<128x64xf32, #tpu.memory_space<vmem>>) dst(%dma_wait3A_150 : memref<128x64xf32, #tpu.memory_space<vmem_shared>>)
      tpu.yield
    }) : () -> ()
    %add3A_12 = arith.constant 256 : i32
    %add3A_13 = arith.addi %mul3A_7, %add3A_12 : i32
    "tpu.region"() ({
      %run_scoped3A_142 = tpu.sem_alloc : memref<!tpu.dma_semaphore, #tpu.memory_space<semaphore_mem>>
      %dma_start3A_143 = arith.constant 0 : i32
      %dma_start3A_144 = tpu.memref_slice %arg12[%add3A_13, %dma_start3A_143] : memref<10112x64xf32, #tpu.memory_space<vmem_shared>> -> memref<128x64xf32, #tpu.memory_space<vmem_shared>>
      %dma_start3A_145 = arith.constant 0 : i32
      %dma_start3A_146 = tpu.memref_slice %arg12[%add3A_13, %dma_start3A_145] : memref<10112x64xf32, #tpu.memory_space<vmem_shared>> -> memref<128x64xf32, #tpu.memory_space<vmem_shared>>
      tpu.enqueue_dma source(%arg11 : memref<128x64xf32, #tpu.memory_space<vmem>>) target(%dma_start3A_146 : memref<128x64xf32, #tpu.memory_space<vmem_shared>>) target_semaphore(%run_scoped3A_142 : memref<!tpu.dma_semaphore, #tpu.memory_space<semaphore_mem>>)
      %dma_wait3A_147 = arith.constant 0 : i32
      %dma_wait3A_148 = tpu.memref_slice %arg12[%add3A_13, %dma_wait3A_147] : memref<10112x64xf32, #tpu.memory_space<vmem_shared>> -> memref<128x64xf32, #tpu.memory_space<vmem_shared>>
      %dma_wait3A_149 = arith.constant 0 : i32
      %dma_wait3A_150 = tpu.memref_slice %arg12[%add3A_13, %dma_wait3A_149] : memref<10112x64xf32, #tpu.memory_space<vmem_shared>> -> memref<128x64xf32, #tpu.memory_space<vmem_shared>>
      tpu.wait_dma2 semaphore(%run_scoped3A_142 : memref<!tpu.dma_semaphore, #tpu.memory_space<semaphore_mem>>) src(%arg11 : memref<128x64xf32, #tpu.memory_space<vmem>>) dst(%dma_wait3A_150 : memref<128x64xf32, #tpu.memory_space<vmem_shared>>)
      tpu.yield
    }) : () -> ()
    %add3A_14 = arith.constant 384 : i32
    %add3A_15 = arith.addi %mul3A_7, %add3A_14 : i32
    "tpu.region"() ({
      %run_scoped3A_142 = tpu.sem_alloc : memref<!tpu.dma_semaphore, #tpu.memory_space<semaphore_mem>>
      %dma_start3A_143 = arith.constant 0 : i32
      %dma_start3A_144 = tpu.memref_slice %arg12[%add3A_15, %dma_start3A_143] : memref<10112x64xf32, #tpu.memory_space<vmem_shared>> -> memref<128x64xf32, #tpu.memory_space<vmem_shared>>
      %dma_start3A_145 = arith.constant 0 : i32
      %dma_start3A_146 = tpu.memref_slice %arg12[%add3A_15, %dma_start3A_145] : memref<10112x64xf32, #tpu.memory_space<vmem_shared>> -> memref<128x64xf32, #tpu.memory_space<vmem_shared>>
      tpu.enqueue_dma source(%arg11 : memref<128x64xf32, #tpu.memory_space<vmem>>) target(%dma_start3A_146 : memref<128x64xf32, #tpu.memory_space<vmem_shared>>) target_semaphore(%run_scoped3A_142 : memref<!tpu.dma_semaphore, #tpu.memory_space<semaphore_mem>>)
      %dma_wait3A_147 = arith.constant 0 : i32
      %dma_wait3A_148 = tpu.memref_slice %arg12[%add3A_15, %dma_wait3A_147] : memref<10112x64xf32, #tpu.memory_space<vmem_shared>> -> memref<128x64xf32, #tpu.memory_space<vmem_shared>>
      %dma_wait3A_149 = arith.constant 0 : i32
      %dma_wait3A_150 = tpu.memref_slice %arg12[%add3A_15, %dma_wait3A_149] : memref<10112x64xf32, #tpu.memory_space<vmem_shared>> -> memref<128x64xf32, #tpu.memory_space<vmem_shared>>
      tpu.wait_dma2 semaphore(%run_scoped3A_142 : memref<!tpu.dma_semaphore, #tpu.memory_space<semaphore_mem>>) src(%arg11 : memref<128x64xf32, #tpu.memory_space<vmem>>) dst(%dma_wait3A_150 : memref<128x64xf32, #tpu.memory_space<vmem_shared>>)
      tpu.yield
    }) : () -> ()
    %add3A_16 = arith.constant 512 : i32
    %add3A_17 = arith.addi %mul3A_7, %add3A_16 : i32
    "tpu.region"() ({
      %run_scoped3A_142 = tpu.sem_alloc : memref<!tpu.dma_semaphore, #tpu.memory_space<semaphore_mem>>
      %dma_start3A_143 = arith.constant 0 : i32
      %dma_start3A_144 = arith.constant 0 : i32
      %dma_start3A_145 = tpu.memref_slice %arg11[%dma_start3A_143, %dma_start3A_144] : memref<128x64xf32, #tpu.memory_space<vmem>> -> memref<120x64xf32, #tpu.memory_space<vmem>>
      %dma_start3A_146 = arith.constant 0 : i32
      %dma_start3A_147 = tpu.memref_slice %arg12[%add3A_17, %dma_start3A_146] : memref<10112x64xf32, #tpu.memory_space<vmem_shared>> -> memref<120x64xf32, #tpu.memory_space<vmem_shared>>
      %dma_start3A_148 = arith.constant 0 : i32
      %dma_start3A_149 = tpu.memref_slice %arg12[%add3A_17, %dma_start3A_148] : memref<10112x64xf32, #tpu.memory_space<vmem_shared>> -> memref<120x64xf32, #tpu.memory_space<vmem_shared>>
      %dma_start3A_150 = arith.constant 0 : i32
      %dma_start3A_151 = arith.constant 0 : i32
      %dma_start3A_152 = tpu.memref_slice %arg11[%dma_start3A_150, %dma_start3A_151] : memref<128x64xf32, #tpu.memory_space<vmem>> -> memref<120x64xf32, #tpu.memory_space<vmem>>
      tpu.enqueue_dma source(%dma_start3A_152 : memref<120x64xf32, #tpu.memory_space<vmem>>) target(%dma_start3A_149 : memref<120x64xf32, #tpu.memory_space<vmem_shared>>) target_semaphore(%run_scoped3A_142 : memref<!tpu.dma_semaphore, #tpu.memory_space<semaphore_mem>>)
      %dma_wait3A_153 = arith.constant 0 : i32
      %dma_wait3A_154 = arith.constant 0 : i32
      %dma_wait3A_155 = tpu.memref_slice %arg11[%dma_wait3A_153, %dma_wait3A_154] : memref<128x64xf32, #tpu.memory_space<vmem>> -> memref<120x64xf32, #tpu.memory_space<vmem>>
      %dma_wait3A_156 = arith.constant 0 : i32
      %dma_wait3A_157 = tpu.memref_slice %arg12[%add3A_17, %dma_wait3A_156] : memref<10112x64xf32, #tpu.memory_space<vmem_shared>> -> memref<120x64xf32, #tpu.memory_space<vmem_shared>>
      %dma_wait3A_158 = arith.constant 0 : i32
      %dma_wait3A_159 = tpu.memref_slice %arg12[%add3A_17, %dma_wait3A_158] : memref<10112x64xf32, #tpu.memory_space<vmem_shared>> -> memref<120x64xf32, #tpu.memory_space<vmem_shared>>
      %dma_wait3A_160 = arith.constant 0 : i32
      %dma_wait3A_161 = arith.constant 0 : i32
      %dma_wait3A_162 = tpu.memref_slice %arg11[%dma_wait3A_160, %dma_wait3A_161] : memref<128x64xf32, #tpu.memory_space<vmem>> -> memref<120x64xf32, #tpu.memory_space<vmem>>
      tpu.wait_dma2 semaphore(%run_scoped3A_142 : memref<!tpu.dma_semaphore, #tpu.memory_space<semaphore_mem>>) src(%dma_wait3A_162 : memref<120x64xf32, #tpu.memory_space<vmem>>) dst(%dma_wait3A_159 : memref<120x64xf32, #tpu.memory_space<vmem_shared>>)
      tpu.yield
    }) : () -> ()
    %barrier3A = arith.constant 0 : index
    tpu.barrier barrier_id(%barrier3A)
    %mul3A_18 = arith.constant 80 : i32
    %mul3A_19 = arith.muli %add3A, %mul3A_18 : i32
    %run_scoped3A = arith.constant 0 : i32
    "tpu.region"() ({
      %run_scoped3A_142 = tpu.sem_alloc : memref<!tpu.dma_semaphore, #tpu.memory_space<semaphore_mem>>
      %dma_start3A_143 = arith.constant 0 : i32
      %dma_start3A_144 = arith.constant 0 : i32
      %dma_start3A_145 = tpu.memref_slice %arg3[%run_scoped3A, %dma_start3A_143, %dma_start3A_144] : memref<2x2560x125xi32, #tpu.memory_space<hbm>> -> memref<1x2560x125xi32, #tpu.memory_space<hbm>>
      %dma_start3A_146 = tpu.memref_squeeze %dma_start3A_145 : memref<1x2560x125xi32, #tpu.memory_space<hbm>> -> memref<2560x125xi32, #tpu.memory_space<hbm>>
      %dma_start3A_147 = arith.constant 0 : i32
      %dma_start3A_148 = tpu.memref_slice %dma_start3A_146[%mul3A_19, %dma_start3A_147] : memref<2560x125xi32, #tpu.memory_space<hbm>> -> memref<80x125xi32, #tpu.memory_space<hbm>>
      %dma_start3A_149 = arith.constant 0 : i32
      %dma_start3A_150 = arith.constant 0 : i32
      %dma_start3A_151 = tpu.memref_slice %arg3[%run_scoped3A, %dma_start3A_149, %dma_start3A_150] : memref<2x2560x125xi32, #tpu.memory_space<hbm>> -> memref<1x2560x125xi32, #tpu.memory_space<hbm>>
      %dma_start3A_152 = tpu.memref_squeeze %dma_start3A_151 : memref<1x2560x125xi32, #tpu.memory_space<hbm>> -> memref<2560x125xi32, #tpu.memory_space<hbm>>
      %dma_start3A_153 = arith.constant 0 : i32
      %dma_start3A_154 = tpu.memref_slice %dma_start3A_152[%mul3A_19, %dma_start3A_153] : memref<2560x125xi32, #tpu.memory_space<hbm>> -> memref<80x125xi32, #tpu.memory_space<hbm>>
      tpu.enqueue_dma source(%dma_start3A_154 : memref<80x125xi32, #tpu.memory_space<hbm>>) target(%arg5 : memref<80x125xi32, #tpu.memory_space<vmem>>) target_semaphore(%run_scoped3A_142 : memref<!tpu.dma_semaphore, #tpu.memory_space<semaphore_mem>>)
      %dma_wait3A_155 = arith.constant 0 : i32
      %dma_wait3A_156 = arith.constant 0 : i32
      %dma_wait3A_157 = tpu.memref_slice %arg3[%run_scoped3A, %dma_wait3A_155, %dma_wait3A_156] : memref<2x2560x125xi32, #tpu.memory_space<hbm>> -> memref<1x2560x125xi32, #tpu.memory_space<hbm>>
      %dma_wait3A_158 = tpu.memref_squeeze %dma_wait3A_157 : memref<1x2560x125xi32, #tpu.memory_space<hbm>> -> memref<2560x125xi32, #tpu.memory_space<hbm>>
      %dma_wait3A_159 = arith.constant 0 : i32
      %dma_wait3A_160 = tpu.memref_slice %dma_wait3A_158[%mul3A_19, %dma_wait3A_159] : memref<2560x125xi32, #tpu.memory_space<hbm>> -> memref<80x125xi32, #tpu.memory_space<hbm>>
      %dma_wait3A_161 = arith.constant 0 : i32
      %dma_wait3A_162 = arith.constant 0 : i32
      %dma_wait3A_163 = tpu.memref_slice %arg3[%run_scoped3A, %dma_wait3A_161, %dma_wait3A_162] : memref<2x2560x125xi32, #tpu.memory_space<hbm>> -> memref<1x2560x125xi32, #tpu.memory_space<hbm>>
      %dma_wait3A_164 = tpu.memref_squeeze %dma_wait3A_163 : memref<1x2560x125xi32, #tpu.memory_space<hbm>> -> memref<2560x125xi32, #tpu.memory_space<hbm>>
      %dma_wait3A_165 = arith.constant 0 : i32
      %dma_wait3A_166 = tpu.memref_slice %dma_wait3A_164[%mul3A_19, %dma_wait3A_165] : memref<2560x125xi32, #tpu.memory_space<hbm>> -> memref<80x125xi32, #tpu.memory_space<hbm>>
      tpu.wait_dma2 semaphore(%run_scoped3A_142 : memref<!tpu.dma_semaphore, #tpu.memory_space<semaphore_mem>>) src(%dma_wait3A_166 : memref<80x125xi32, #tpu.memory_space<hbm>>) dst(%arg5 : memref<80x125xi32, #tpu.memory_space<vmem>>)
      tpu.yield
    }) : () -> ()
    %mul3A_20 = arith.constant 80 : i32
    %mul3A_21 = arith.muli %add3A, %mul3A_20 : i32
    %run_scoped3A_22 = arith.constant 1 : i32
    "tpu.region"() ({
      %run_scoped3A_142 = tpu.sem_alloc : memref<!tpu.dma_semaphore, #tpu.memory_space<semaphore_mem>>
      %dma_start3A_143 = arith.constant 0 : i32
      %dma_start3A_144 = arith.constant 0 : i32
      %dma_start3A_145 = tpu.memref_slice %arg3[%run_scoped3A_22, %dma_start3A_143, %dma_start3A_144] : memref<2x2560x125xi32, #tpu.memory_space<hbm>> -> memref<1x2560x125xi32, #tpu.memory_space<hbm>>
      %dma_start3A_146 = tpu.memref_squeeze %dma_start3A_145 : memref<1x2560x125xi32, #tpu.memory_space<hbm>> -> memref<2560x125xi32, #tpu.memory_space<hbm>>
      %dma_start3A_147 = arith.constant 0 : i32
      %dma_start3A_148 = tpu.memref_slice %dma_start3A_146[%mul3A_21, %dma_start3A_147] : memref<2560x125xi32, #tpu.memory_space<hbm>> -> memref<80x125xi32, #tpu.memory_space<hbm>>
      %dma_start3A_149 = arith.constant 0 : i32
      %dma_start3A_150 = arith.constant 0 : i32
      %dma_start3A_151 = tpu.memref_slice %arg3[%run_scoped3A_22, %dma_start3A_149, %dma_start3A_150] : memref<2x2560x125xi32, #tpu.memory_space<hbm>> -> memref<1x2560x125xi32, #tpu.memory_space<hbm>>
      %dma_start3A_152 = tpu.memref_squeeze %dma_start3A_151 : memref<1x2560x125xi32, #tpu.memory_space<hbm>> -> memref<2560x125xi32, #tpu.memory_space<hbm>>
      %dma_start3A_153 = arith.constant 0 : i32
      %dma_start3A_154 = tpu.memref_slice %dma_start3A_152[%mul3A_21, %dma_start3A_153] : memref<2560x125xi32, #tpu.memory_space<hbm>> -> memref<80x125xi32, #tpu.memory_space<hbm>>
      tpu.enqueue_dma source(%dma_start3A_154 : memref<80x125xi32, #tpu.memory_space<hbm>>) target(%arg6 : memref<80x125xi32, #tpu.memory_space<vmem>>) target_semaphore(%run_scoped3A_142 : memref<!tpu.dma_semaphore, #tpu.memory_space<semaphore_mem>>)
      %dma_wait3A_155 = arith.constant 0 : i32
      %dma_wait3A_156 = arith.constant 0 : i32
      %dma_wait3A_157 = tpu.memref_slice %arg3[%run_scoped3A_22, %dma_wait3A_155, %dma_wait3A_156] : memref<2x2560x125xi32, #tpu.memory_space<hbm>> -> memref<1x2560x125xi32, #tpu.memory_space<hbm>>
      %dma_wait3A_158 = tpu.memref_squeeze %dma_wait3A_157 : memref<1x2560x125xi32, #tpu.memory_space<hbm>> -> memref<2560x125xi32, #tpu.memory_space<hbm>>
      %dma_wait3A_159 = arith.constant 0 : i32
      %dma_wait3A_160 = tpu.memref_slice %dma_wait3A_158[%mul3A_21, %dma_wait3A_159] : memref<2560x125xi32, #tpu.memory_space<hbm>> -> memref<80x125xi32, #tpu.memory_space<hbm>>
      %dma_wait3A_161 = arith.constant 0 : i32
      %dma_wait3A_162 = arith.constant 0 : i32
      %dma_wait3A_163 = tpu.memref_slice %arg3[%run_scoped3A_22, %dma_wait3A_161, %dma_wait3A_162] : memref<2x2560x125xi32, #tpu.memory_space<hbm>> -> memref<1x2560x125xi32, #tpu.memory_space<hbm>>
      %dma_wait3A_164 = tpu.memref_squeeze %dma_wait3A_163 : memref<1x2560x125xi32, #tpu.memory_space<hbm>> -> memref<2560x125xi32, #tpu.memory_space<hbm>>
      %dma_wait3A_165 = arith.constant 0 : i32
      %dma_wait3A_166 = tpu.memref_slice %dma_wait3A_164[%mul3A_21, %dma_wait3A_165] : memref<2560x125xi32, #tpu.memory_space<hbm>> -> memref<80x125xi32, #tpu.memory_space<hbm>>
      tpu.wait_dma2 semaphore(%run_scoped3A_142 : memref<!tpu.dma_semaphore, #tpu.memory_space<semaphore_mem>>) src(%dma_wait3A_166 : memref<80x125xi32, #tpu.memory_space<hbm>>) dst(%arg6 : memref<80x125xi32, #tpu.memory_space<vmem>>)
      tpu.yield
    }) : () -> ()
    %dma_start3A = arith.constant 0 : i32
    %dma_start3A_23 = arith.constant 0 : i32
    %dma_start3A_24 = tpu.memref_slice %arg5[%dma_start3A, %dma_start3A_23] : memref<80x125xi32, #tpu.memory_space<vmem>> -> memref<1x125xi32, #tpu.memory_space<vmem>>
    %dma_start3A_25 = tpu.memref_squeeze %dma_start3A_24 : memref<1x125xi32, #tpu.memory_space<vmem>> -> memref<125xi32, #tpu.memory_space<vmem>>
    %dma_start3A_26 = arith.constant 0 : i32
    %dma_start3A_27 = arith.constant 0 : i32
    %dma_start3A_28 = tpu.memref_slice %arg2[%dma_start3A_26, %dma_start3A_27] : memref<10000x64xf32, #tpu.memory_space<hbm>> -> memref<10000x64xf32, #tpu.memory_space<hbm>>
    tpu.enqueue_indirect_dma source(%dma_start3A_28 : memref<10000x64xf32, #tpu.memory_space<hbm>>) target(%arg7 : memref<125x64xf32, #tpu.memory_space<vmem>>) offsets(%dma_start3A_25 : memref<125xi32, #tpu.memory_space<vmem>>) semaphore(%arg13 : memref<!tpu.dma_semaphore, #tpu.memory_space<semaphore_mem>>)
    %dma_start3A_29 = arith.constant 1 : i32
    %dma_start3A_30 = arith.constant 0 : i32
    %dma_start3A_31 = tpu.memref_slice %arg5[%dma_start3A_29, %dma_start3A_30] : memref<80x125xi32, #tpu.memory_space<vmem>> -> memref<1x125xi32, #tpu.memory_space<vmem>>
    %dma_start3A_32 = tpu.memref_squeeze %dma_start3A_31 : memref<1x125xi32, #tpu.memory_space<vmem>> -> memref<125xi32, #tpu.memory_space<vmem>>
    %dma_start3A_33 = arith.constant 0 : i32
    %dma_start3A_34 = arith.constant 0 : i32
    %dma_start3A_35 = tpu.memref_slice %arg2[%dma_start3A_33, %dma_start3A_34] : memref<10000x64xf32, #tpu.memory_space<hbm>> -> memref<10000x64xf32, #tpu.memory_space<hbm>>
    tpu.enqueue_indirect_dma source(%dma_start3A_35 : memref<10000x64xf32, #tpu.memory_space<hbm>>) target(%arg8 : memref<125x64xf32, #tpu.memory_space<vmem>>) offsets(%dma_start3A_32 : memref<125xi32, #tpu.memory_space<vmem>>) semaphore(%arg14 : memref<!tpu.dma_semaphore, #tpu.memory_space<semaphore_mem>>)
    %dma_start3A_36 = arith.constant 2 : i32
    %dma_start3A_37 = arith.constant 0 : i32
    %dma_start3A_38 = tpu.memref_slice %arg5[%dma_start3A_36, %dma_start3A_37] : memref<80x125xi32, #tpu.memory_space<vmem>> -> memref<1x125xi32, #tpu.memory_space<vmem>>
    %dma_start3A_39 = tpu.memref_squeeze %dma_start3A_38 : memref<1x125xi32, #tpu.memory_space<vmem>> -> memref<125xi32, #tpu.memory_space<vmem>>
    %dma_start3A_40 = arith.constant 0 : i32
    %dma_start3A_41 = arith.constant 0 : i32
    %dma_start3A_42 = tpu.memref_slice %arg2[%dma_start3A_40, %dma_start3A_41] : memref<10000x64xf32, #tpu.memory_space<hbm>> -> memref<10000x64xf32, #tpu.memory_space<hbm>>
    tpu.enqueue_indirect_dma source(%dma_start3A_42 : memref<10000x64xf32, #tpu.memory_space<hbm>>) target(%arg9 : memref<125x64xf32, #tpu.memory_space<vmem>>) offsets(%dma_start3A_39 : memref<125xi32, #tpu.memory_space<vmem>>) semaphore(%arg15 : memref<!tpu.dma_semaphore, #tpu.memory_space<semaphore_mem>>)
    %dma_start3A_43 = arith.constant 3 : i32
    %dma_start3A_44 = arith.constant 0 : i32
    %dma_start3A_45 = tpu.memref_slice %arg5[%dma_start3A_43, %dma_start3A_44] : memref<80x125xi32, #tpu.memory_space<vmem>> -> memref<1x125xi32, #tpu.memory_space<vmem>>
    %dma_start3A_46 = tpu.memref_squeeze %dma_start3A_45 : memref<1x125xi32, #tpu.memory_space<vmem>> -> memref<125xi32, #tpu.memory_space<vmem>>
    %dma_start3A_47 = arith.constant 0 : i32
    %dma_start3A_48 = arith.constant 0 : i32
    %dma_start3A_49 = tpu.memref_slice %arg2[%dma_start3A_47, %dma_start3A_48] : memref<10000x64xf32, #tpu.memory_space<hbm>> -> memref<10000x64xf32, #tpu.memory_space<hbm>>
    tpu.enqueue_indirect_dma source(%dma_start3A_49 : memref<10000x64xf32, #tpu.memory_space<hbm>>) target(%arg10 : memref<125x64xf32, #tpu.memory_space<vmem>>) offsets(%dma_start3A_46 : memref<125xi32, #tpu.memory_space<vmem>>) semaphore(%arg16 : memref<!tpu.dma_semaphore, #tpu.memory_space<semaphore_mem>>)
    %scan3A_50 = arith.constant 0 : i32
    %scan3A_51 = arith.constant 0 : i32
    %scan3A_52 = arith.constant 19 : i32
    %scan3A_53 = arith.addi %scan3A_51, %scan3A_52 : i32
    %scan3A_54 = arith.constant 1 : i32
    scf.for %scan3A_142 = %scan3A_51 to %scan3A_53 step %scan3A_54  : i32 {
      %mul3A_143 = arith.constant 4 : i32
      %mul3A_144 = arith.muli %mul3A_143, %scan3A_142 : i32
      %add3A_145 = arith.constant 0 : i32
      %add3A_146 = arith.addi %mul3A_144, %add3A_145 : i32
      %dma_wait3A_147 = arith.constant 0 : i32
      %dma_wait3A_148 = tpu.memref_slice %arg5[%add3A_146, %dma_wait3A_147] : memref<80x125xi32, #tpu.memory_space<vmem>> -> memref<1x125xi32, #tpu.memory_space<vmem>>
      %dma_wait3A_149 = tpu.memref_squeeze %dma_wait3A_148 : memref<1x125xi32, #tpu.memory_space<vmem>> -> memref<125xi32, #tpu.memory_space<vmem>>
      %dma_wait3A_150 = arith.constant 0 : i32
      %dma_wait3A_151 = arith.constant 0 : i32
      %dma_wait3A_152 = tpu.memref_slice %arg2[%dma_wait3A_150, %dma_wait3A_151] : memref<10000x64xf32, #tpu.memory_space<hbm>> -> memref<10000x64xf32, #tpu.memory_space<hbm>>
      tpu.wait_indirect_dma semaphore(%arg13 : memref<!tpu.dma_semaphore, #tpu.memory_space<semaphore_mem>>) src(%dma_wait3A_152 : memref<10000x64xf32, #tpu.memory_space<hbm>>) dst(%arg7 : memref<125x64xf32, #tpu.memory_space<vmem>>)
      %dma_start3A_153 = arith.constant 0 : i32
      %dma_start3A_154 = tpu.memref_slice %arg6[%add3A_146, %dma_start3A_153] : memref<80x125xi32, #tpu.memory_space<vmem>> -> memref<1x125xi32, #tpu.memory_space<vmem>>
      %dma_start3A_155 = tpu.memref_squeeze %dma_start3A_154 : memref<1x125xi32, #tpu.memory_space<vmem>> -> memref<125xi32, #tpu.memory_space<vmem>>
      %dma_start3A_156 = arith.constant 0 : i32
      %dma_start3A_157 = arith.constant 0 : i32
      %dma_start3A_158 = tpu.memref_slice %arg12[%dma_start3A_156, %dma_start3A_157] : memref<10112x64xf32, #tpu.memory_space<vmem_shared>> -> memref<10112x64xf32, #tpu.memory_space<vmem_shared>>
      tpu.enqueue_indirect_dma source(%arg7 : memref<125x64xf32, #tpu.memory_space<vmem>>) target(%dma_start3A_158 : memref<10112x64xf32, #tpu.memory_space<vmem_shared>>) offsets(%dma_start3A_155 : memref<125xi32, #tpu.memory_space<vmem>>) semaphore(%arg17 : memref<!tpu.dma_semaphore, #tpu.memory_space<semaphore_mem>>) {add = true}
      %add3A_159 = arith.constant 1 : i32
      %add3A_160 = arith.addi %mul3A_144, %add3A_159 : i32
      %dma_wait3A_161 = arith.constant 0 : i32
      %dma_wait3A_162 = tpu.memref_slice %arg5[%add3A_160, %dma_wait3A_161] : memref<80x125xi32, #tpu.memory_space<vmem>> -> memref<1x125xi32, #tpu.memory_space<vmem>>
      %dma_wait3A_163 = tpu.memref_squeeze %dma_wait3A_162 : memref<1x125xi32, #tpu.memory_space<vmem>> -> memref<125xi32, #tpu.memory_space<vmem>>
      %dma_wait3A_164 = arith.constant 0 : i32
      %dma_wait3A_165 = arith.constant 0 : i32
      %dma_wait3A_166 = tpu.memref_slice %arg2[%dma_wait3A_164, %dma_wait3A_165] : memref<10000x64xf32, #tpu.memory_space<hbm>> -> memref<10000x64xf32, #tpu.memory_space<hbm>>
      tpu.wait_indirect_dma semaphore(%arg14 : memref<!tpu.dma_semaphore, #tpu.memory_space<semaphore_mem>>) src(%dma_wait3A_166 : memref<10000x64xf32, #tpu.memory_space<hbm>>) dst(%arg8 : memref<125x64xf32, #tpu.memory_space<vmem>>)
      %dma_start3A_167 = arith.constant 0 : i32
      %dma_start3A_168 = tpu.memref_slice %arg6[%add3A_160, %dma_start3A_167] : memref<80x125xi32, #tpu.memory_space<vmem>> -> memref<1x125xi32, #tpu.memory_space<vmem>>
      %dma_start3A_169 = tpu.memref_squeeze %dma_start3A_168 : memref<1x125xi32, #tpu.memory_space<vmem>> -> memref<125xi32, #tpu.memory_space<vmem>>
      %dma_start3A_170 = arith.constant 0 : i32
      %dma_start3A_171 = arith.constant 0 : i32
      %dma_start3A_172 = tpu.memref_slice %arg12[%dma_start3A_170, %dma_start3A_171] : memref<10112x64xf32, #tpu.memory_space<vmem_shared>> -> memref<10112x64xf32, #tpu.memory_space<vmem_shared>>
      tpu.enqueue_indirect_dma source(%arg8 : memref<125x64xf32, #tpu.memory_space<vmem>>) target(%dma_start3A_172 : memref<10112x64xf32, #tpu.memory_space<vmem_shared>>) offsets(%dma_start3A_169 : memref<125xi32, #tpu.memory_space<vmem>>) semaphore(%arg18 : memref<!tpu.dma_semaphore, #tpu.memory_space<semaphore_mem>>) {add = true}
      %add3A_173 = arith.constant 2 : i32
      %add3A_174 = arith.addi %mul3A_144, %add3A_173 : i32
      %dma_wait3A_175 = arith.constant 0 : i32
      %dma_wait3A_176 = tpu.memref_slice %arg5[%add3A_174, %dma_wait3A_175] : memref<80x125xi32, #tpu.memory_space<vmem>> -> memref<1x125xi32, #tpu.memory_space<vmem>>
      %dma_wait3A_177 = tpu.memref_squeeze %dma_wait3A_176 : memref<1x125xi32, #tpu.memory_space<vmem>> -> memref<125xi32, #tpu.memory_space<vmem>>
      %dma_wait3A_178 = arith.constant 0 : i32
      %dma_wait3A_179 = arith.constant 0 : i32
      %dma_wait3A_180 = tpu.memref_slice %arg2[%dma_wait3A_178, %dma_wait3A_179] : memref<10000x64xf32, #tpu.memory_space<hbm>> -> memref<10000x64xf32, #tpu.memory_space<hbm>>
      tpu.wait_indirect_dma semaphore(%arg15 : memref<!tpu.dma_semaphore, #tpu.memory_space<semaphore_mem>>) src(%dma_wait3A_180 : memref<10000x64xf32, #tpu.memory_space<hbm>>) dst(%arg9 : memref<125x64xf32, #tpu.memory_space<vmem>>)
      %dma_start3A_181 = arith.constant 0 : i32
      %dma_start3A_182 = tpu.memref_slice %arg6[%add3A_174, %dma_start3A_181] : memref<80x125xi32, #tpu.memory_space<vmem>> -> memref<1x125xi32, #tpu.memory_space<vmem>>
      %dma_start3A_183 = tpu.memref_squeeze %dma_start3A_182 : memref<1x125xi32, #tpu.memory_space<vmem>> -> memref<125xi32, #tpu.memory_space<vmem>>
      %dma_start3A_184 = arith.constant 0 : i32
      %dma_start3A_185 = arith.constant 0 : i32
      %dma_start3A_186 = tpu.memref_slice %arg12[%dma_start3A_184, %dma_start3A_185] : memref<10112x64xf32, #tpu.memory_space<vmem_shared>> -> memref<10112x64xf32, #tpu.memory_space<vmem_shared>>
      tpu.enqueue_indirect_dma source(%arg9 : memref<125x64xf32, #tpu.memory_space<vmem>>) target(%dma_start3A_186 : memref<10112x64xf32, #tpu.memory_space<vmem_shared>>) offsets(%dma_start3A_183 : memref<125xi32, #tpu.memory_space<vmem>>) semaphore(%arg19 : memref<!tpu.dma_semaphore, #tpu.memory_space<semaphore_mem>>) {add = true}
      %add3A_187 = arith.constant 3 : i32
      %add3A_188 = arith.addi %mul3A_144, %add3A_187 : i32
      %dma_wait3A_189 = arith.constant 0 : i32
      %dma_wait3A_190 = tpu.memref_slice %arg5[%add3A_188, %dma_wait3A_189] : memref<80x125xi32, #tpu.memory_space<vmem>> -> memref<1x125xi32, #tpu.memory_space<vmem>>
      %dma_wait3A_191 = tpu.memref_squeeze %dma_wait3A_190 : memref<1x125xi32, #tpu.memory_space<vmem>> -> memref<125xi32, #tpu.memory_space<vmem>>
      %dma_wait3A_192 = arith.constant 0 : i32
      %dma_wait3A_193 = arith.constant 0 : i32
      %dma_wait3A_194 = tpu.memref_slice %arg2[%dma_wait3A_192, %dma_wait3A_193] : memref<10000x64xf32, #tpu.memory_space<hbm>> -> memref<10000x64xf32, #tpu.memory_space<hbm>>
      tpu.wait_indirect_dma semaphore(%arg16 : memref<!tpu.dma_semaphore, #tpu.memory_space<semaphore_mem>>) src(%dma_wait3A_194 : memref<10000x64xf32, #tpu.memory_space<hbm>>) dst(%arg10 : memref<125x64xf32, #tpu.memory_space<vmem>>)
      %dma_start3A_195 = arith.constant 0 : i32
      %dma_start3A_196 = tpu.memref_slice %arg6[%add3A_188, %dma_start3A_195] : memref<80x125xi32, #tpu.memory_space<vmem>> -> memref<1x125xi32, #tpu.memory_space<vmem>>
      %dma_start3A_197 = tpu.memref_squeeze %dma_start3A_196 : memref<1x125xi32, #tpu.memory_space<vmem>> -> memref<125xi32, #tpu.memory_space<vmem>>
      %dma_start3A_198 = arith.constant 0 : i32
      %dma_start3A_199 = arith.constant 0 : i32
      %dma_start3A_200 = tpu.memref_slice %arg12[%dma_start3A_198, %dma_start3A_199] : memref<10112x64xf32, #tpu.memory_space<vmem_shared>> -> memref<10112x64xf32, #tpu.memory_space<vmem_shared>>
      tpu.enqueue_indirect_dma source(%arg10 : memref<125x64xf32, #tpu.memory_space<vmem>>) target(%dma_start3A_200 : memref<10112x64xf32, #tpu.memory_space<vmem_shared>>) offsets(%dma_start3A_197 : memref<125xi32, #tpu.memory_space<vmem>>) semaphore(%arg20 : memref<!tpu.dma_semaphore, #tpu.memory_space<semaphore_mem>>) {add = true}
      %add3A_201 = arith.constant 0 : i32
      %add3A_202 = arith.addi %mul3A_144, %add3A_201 : i32
      %dma_wait3A_203 = arith.constant 0 : i32
      %dma_wait3A_204 = tpu.memref_slice %arg6[%add3A_202, %dma_wait3A_203] : memref<80x125xi32, #tpu.memory_space<vmem>> -> memref<1x125xi32, #tpu.memory_space<vmem>>
      %dma_wait3A_205 = tpu.memref_squeeze %dma_wait3A_204 : memref<1x125xi32, #tpu.memory_space<vmem>> -> memref<125xi32, #tpu.memory_space<vmem>>
      %dma_wait3A_206 = arith.constant 0 : i32
      %dma_wait3A_207 = arith.constant 0 : i32
      %dma_wait3A_208 = tpu.memref_slice %arg12[%dma_wait3A_206, %dma_wait3A_207] : memref<10112x64xf32, #tpu.memory_space<vmem_shared>> -> memref<10112x64xf32, #tpu.memory_space<vmem_shared>>
      tpu.wait_indirect_dma semaphore(%arg17 : memref<!tpu.dma_semaphore, #tpu.memory_space<semaphore_mem>>) src(%arg7 : memref<125x64xf32, #tpu.memory_space<vmem>>) dst(%dma_wait3A_208 : memref<10112x64xf32, #tpu.memory_space<vmem_shared>>)
      %add3A_209 = arith.constant 0 : i32
      %add3A_210 = arith.addi %mul3A_144, %add3A_209 : i32
      %add3A_211 = arith.constant 4 : i32
      %add3A_212 = arith.addi %add3A_210, %add3A_211 : i32
      %dma_start3A_213 = arith.constant 0 : i32
      %dma_start3A_214 = tpu.memref_slice %arg5[%add3A_212, %dma_start3A_213] : memref<80x125xi32, #tpu.memory_space<vmem>> -> memref<1x125xi32, #tpu.memory_space<vmem>>
      %dma_start3A_215 = tpu.memref_squeeze %dma_start3A_214 : memref<1x125xi32, #tpu.memory_space<vmem>> -> memref<125xi32, #tpu.memory_space<vmem>>
      %dma_start3A_216 = arith.constant 0 : i32
      %dma_start3A_217 = arith.constant 0 : i32
      %dma_start3A_218 = tpu.memref_slice %arg2[%dma_start3A_216, %dma_start3A_217] : memref<10000x64xf32, #tpu.memory_space<hbm>> -> memref<10000x64xf32, #tpu.memory_space<hbm>>
      tpu.enqueue_indirect_dma source(%dma_start3A_218 : memref<10000x64xf32, #tpu.memory_space<hbm>>) target(%arg7 : memref<125x64xf32, #tpu.memory_space<vmem>>) offsets(%dma_start3A_215 : memref<125xi32, #tpu.memory_space<vmem>>) semaphore(%arg13 : memref<!tpu.dma_semaphore, #tpu.memory_space<semaphore_mem>>)
      %add3A_219 = arith.constant 1 : i32
      %add3A_220 = arith.addi %mul3A_144, %add3A_219 : i32
      %dma_wait3A_221 = arith.constant 0 : i32
      %dma_wait3A_222 = tpu.memref_slice %arg6[%add3A_220, %dma_wait3A_221] : memref<80x125xi32, #tpu.memory_space<vmem>> -> memref<1x125xi32, #tpu.memory_space<vmem>>
      %dma_wait3A_223 = tpu.memref_squeeze %dma_wait3A_222 : memref<1x125xi32, #tpu.memory_space<vmem>> -> memref<125xi32, #tpu.memory_space<vmem>>
      %dma_wait3A_224 = arith.constant 0 : i32
      %dma_wait3A_225 = arith.constant 0 : i32
      %dma_wait3A_226 = tpu.memref_slice %arg12[%dma_wait3A_224, %dma_wait3A_225] : memref<10112x64xf32, #tpu.memory_space<vmem_shared>> -> memref<10112x64xf32, #tpu.memory_space<vmem_shared>>
      tpu.wait_indirect_dma semaphore(%arg18 : memref<!tpu.dma_semaphore, #tpu.memory_space<semaphore_mem>>) src(%arg8 : memref<125x64xf32, #tpu.memory_space<vmem>>) dst(%dma_wait3A_226 : memref<10112x64xf32, #tpu.memory_space<vmem_shared>>)
      %add3A_227 = arith.constant 1 : i32
      %add3A_228 = arith.addi %mul3A_144, %add3A_227 : i32
      %add3A_229 = arith.constant 4 : i32
      %add3A_230 = arith.addi %add3A_228, %add3A_229 : i32
      %dma_start3A_231 = arith.constant 0 : i32
      %dma_start3A_232 = tpu.memref_slice %arg5[%add3A_230, %dma_start3A_231] : memref<80x125xi32, #tpu.memory_space<vmem>> -> memref<1x125xi32, #tpu.memory_space<vmem>>
      %dma_start3A_233 = tpu.memref_squeeze %dma_start3A_232 : memref<1x125xi32, #tpu.memory_space<vmem>> -> memref<125xi32, #tpu.memory_space<vmem>>
      %dma_start3A_234 = arith.constant 0 : i32
      %dma_start3A_235 = arith.constant 0 : i32
      %dma_start3A_236 = tpu.memref_slice %arg2[%dma_start3A_234, %dma_start3A_235] : memref<10000x64xf32, #tpu.memory_space<hbm>> -> memref<10000x64xf32, #tpu.memory_space<hbm>>
      tpu.enqueue_indirect_dma source(%dma_start3A_236 : memref<10000x64xf32, #tpu.memory_space<hbm>>) target(%arg8 : memref<125x64xf32, #tpu.memory_space<vmem>>) offsets(%dma_start3A_233 : memref<125xi32, #tpu.memory_space<vmem>>) semaphore(%arg14 : memref<!tpu.dma_semaphore, #tpu.memory_space<semaphore_mem>>)
      %add3A_237 = arith.constant 2 : i32
      %add3A_238 = arith.addi %mul3A_144, %add3A_237 : i32
      %dma_wait3A_239 = arith.constant 0 : i32
      %dma_wait3A_240 = tpu.memref_slice %arg6[%add3A_238, %dma_wait3A_239] : memref<80x125xi32, #tpu.memory_space<vmem>> -> memref<1x125xi32, #tpu.memory_space<vmem>>
      %dma_wait3A_241 = tpu.memref_squeeze %dma_wait3A_240 : memref<1x125xi32, #tpu.memory_space<vmem>> -> memref<125xi32, #tpu.memory_space<vmem>>
      %dma_wait3A_242 = arith.constant 0 : i32
      %dma_wait3A_243 = arith.constant 0 : i32
      %dma_wait3A_244 = tpu.memref_slice %arg12[%dma_wait3A_242, %dma_wait3A_243] : memref<10112x64xf32, #tpu.memory_space<vmem_shared>> -> memref<10112x64xf32, #tpu.memory_space<vmem_shared>>
      tpu.wait_indirect_dma semaphore(%arg19 : memref<!tpu.dma_semaphore, #tpu.memory_space<semaphore_mem>>) src(%arg9 : memref<125x64xf32, #tpu.memory_space<vmem>>) dst(%dma_wait3A_244 : memref<10112x64xf32, #tpu.memory_space<vmem_shared>>)
      %add3A_245 = arith.constant 2 : i32
      %add3A_246 = arith.addi %mul3A_144, %add3A_245 : i32
      %add3A_247 = arith.constant 4 : i32
      %add3A_248 = arith.addi %add3A_246, %add3A_247 : i32
      %dma_start3A_249 = arith.constant 0 : i32
      %dma_start3A_250 = tpu.memref_slice %arg5[%add3A_248, %dma_start3A_249] : memref<80x125xi32, #tpu.memory_space<vmem>> -> memref<1x125xi32, #tpu.memory_space<vmem>>
      %dma_start3A_251 = tpu.memref_squeeze %dma_start3A_250 : memref<1x125xi32, #tpu.memory_space<vmem>> -> memref<125xi32, #tpu.memory_space<vmem>>
      %dma_start3A_252 = arith.constant 0 : i32
      %dma_start3A_253 = arith.constant 0 : i32
      %dma_start3A_254 = tpu.memref_slice %arg2[%dma_start3A_252, %dma_start3A_253] : memref<10000x64xf32, #tpu.memory_space<hbm>> -> memref<10000x64xf32, #tpu.memory_space<hbm>>
      tpu.enqueue_indirect_dma source(%dma_start3A_254 : memref<10000x64xf32, #tpu.memory_space<hbm>>) target(%arg9 : memref<125x64xf32, #tpu.memory_space<vmem>>) offsets(%dma_start3A_251 : memref<125xi32, #tpu.memory_space<vmem>>) semaphore(%arg15 : memref<!tpu.dma_semaphore, #tpu.memory_space<semaphore_mem>>)
      %add3A_255 = arith.constant 3 : i32
      %add3A_256 = arith.addi %mul3A_144, %add3A_255 : i32
      %dma_wait3A_257 = arith.constant 0 : i32
      %dma_wait3A_258 = tpu.memref_slice %arg6[%add3A_256, %dma_wait3A_257] : memref<80x125xi32, #tpu.memory_space<vmem>> -> memref<1x125xi32, #tpu.memory_space<vmem>>
      %dma_wait3A_259 = tpu.memref_squeeze %dma_wait3A_258 : memref<1x125xi32, #tpu.memory_space<vmem>> -> memref<125xi32, #tpu.memory_space<vmem>>
      %dma_wait3A_260 = arith.constant 0 : i32
      %dma_wait3A_261 = arith.constant 0 : i32
      %dma_wait3A_262 = tpu.memref_slice %arg12[%dma_wait3A_260, %dma_wait3A_261] : memref<10112x64xf32, #tpu.memory_space<vmem_shared>> -> memref<10112x64xf32, #tpu.memory_space<vmem_shared>>
      tpu.wait_indirect_dma semaphore(%arg20 : memref<!tpu.dma_semaphore, #tpu.memory_space<semaphore_mem>>) src(%arg10 : memref<125x64xf32, #tpu.memory_space<vmem>>) dst(%dma_wait3A_262 : memref<10112x64xf32, #tpu.memory_space<vmem_shared>>)
      %add3A_263 = arith.constant 3 : i32
      %add3A_264 = arith.addi %mul3A_144, %add3A_263 : i32
      %add3A_265 = arith.constant 4 : i32
      %add3A_266 = arith.addi %add3A_264, %add3A_265 : i32
      %dma_start3A_267 = arith.constant 0 : i32
      %dma_start3A_268 = tpu.memref_slice %arg5[%add3A_266, %dma_start3A_267] : memref<80x125xi32, #tpu.memory_space<vmem>> -> memref<1x125xi32, #tpu.memory_space<vmem>>
      %dma_start3A_269 = tpu.memref_squeeze %dma_start3A_268 : memref<1x125xi32, #tpu.memory_space<vmem>> -> memref<125xi32, #tpu.memory_space<vmem>>
      %dma_start3A_270 = arith.constant 0 : i32
      %dma_start3A_271 = arith.constant 0 : i32
      %dma_start3A_272 = tpu.memref_slice %arg2[%dma_start3A_270, %dma_start3A_271] : memref<10000x64xf32, #tpu.memory_space<hbm>> -> memref<10000x64xf32, #tpu.memory_space<hbm>>
      tpu.enqueue_indirect_dma source(%dma_start3A_272 : memref<10000x64xf32, #tpu.memory_space<hbm>>) target(%arg10 : memref<125x64xf32, #tpu.memory_space<vmem>>) offsets(%dma_start3A_269 : memref<125xi32, #tpu.memory_space<vmem>>) semaphore(%arg16 : memref<!tpu.dma_semaphore, #tpu.memory_space<semaphore_mem>>)
    }
    %scan3A_55 = arith.constant 19 : i32
    %dma_wait3A = arith.constant 76 : i32
    %dma_wait3A_56 = arith.constant 0 : i32
    %dma_wait3A_57 = tpu.memref_slice %arg5[%dma_wait3A, %dma_wait3A_56] : memref<80x125xi32, #tpu.memory_space<vmem>> -> memref<1x125xi32, #tpu.memory_space<vmem>>
    %dma_wait3A_58 = tpu.memref_squeeze %dma_wait3A_57 : memref<1x125xi32, #tpu.memory_space<vmem>> -> memref<125xi32, #tpu.memory_space<vmem>>
    %dma_wait3A_59 = arith.constant 0 : i32
    %dma_wait3A_60 = arith.constant 0 : i32
    %dma_wait3A_61 = tpu.memref_slice %arg2[%dma_wait3A_59, %dma_wait3A_60] : memref<10000x64xf32, #tpu.memory_space<hbm>> -> memref<10000x64xf32, #tpu.memory_space<hbm>>
    tpu.wait_indirect_dma semaphore(%arg13 : memref<!tpu.dma_semaphore, #tpu.memory_space<semaphore_mem>>) src(%dma_wait3A_61 : memref<10000x64xf32, #tpu.memory_space<hbm>>) dst(%arg7 : memref<125x64xf32, #tpu.memory_space<vmem>>)
    %dma_start3A_62 = arith.constant 76 : i32
    %dma_start3A_63 = arith.constant 0 : i32
    %dma_start3A_64 = tpu.memref_slice %arg6[%dma_start3A_62, %dma_start3A_63] : memref<80x125xi32, #tpu.memory_space<vmem>> -> memref<1x125xi32, #tpu.memory_space<vmem>>
    %dma_start3A_65 = tpu.memref_squeeze %dma_start3A_64 : memref<1x125xi32, #tpu.memory_space<vmem>> -> memref<125xi32, #tpu.memory_space<vmem>>
    %dma_start3A_66 = arith.constant 0 : i32
    %dma_start3A_67 = arith.constant 0 : i32
    %dma_start3A_68 = tpu.memref_slice %arg12[%dma_start3A_66, %dma_start3A_67] : memref<10112x64xf32, #tpu.memory_space<vmem_shared>> -> memref<10112x64xf32, #tpu.memory_space<vmem_shared>>
    tpu.enqueue_indirect_dma source(%arg7 : memref<125x64xf32, #tpu.memory_space<vmem>>) target(%dma_start3A_68 : memref<10112x64xf32, #tpu.memory_space<vmem_shared>>) offsets(%dma_start3A_65 : memref<125xi32, #tpu.memory_space<vmem>>) semaphore(%arg17 : memref<!tpu.dma_semaphore, #tpu.memory_space<semaphore_mem>>) {add = true}
    %dma_wait3A_69 = arith.constant 77 : i32
    %dma_wait3A_70 = arith.constant 0 : i32
    %dma_wait3A_71 = tpu.memref_slice %arg5[%dma_wait3A_69, %dma_wait3A_70] : memref<80x125xi32, #tpu.memory_space<vmem>> -> memref<1x125xi32, #tpu.memory_space<vmem>>
    %dma_wait3A_72 = tpu.memref_squeeze %dma_wait3A_71 : memref<1x125xi32, #tpu.memory_space<vmem>> -> memref<125xi32, #tpu.memory_space<vmem>>
    %dma_wait3A_73 = arith.constant 0 : i32
    %dma_wait3A_74 = arith.constant 0 : i32
    %dma_wait3A_75 = tpu.memref_slice %arg2[%dma_wait3A_73, %dma_wait3A_74] : memref<10000x64xf32, #tpu.memory_space<hbm>> -> memref<10000x64xf32, #tpu.memory_space<hbm>>
    tpu.wait_indirect_dma semaphore(%arg14 : memref<!tpu.dma_semaphore, #tpu.memory_space<semaphore_mem>>) src(%dma_wait3A_75 : memref<10000x64xf32, #tpu.memory_space<hbm>>) dst(%arg8 : memref<125x64xf32, #tpu.memory_space<vmem>>)
    %dma_start3A_76 = arith.constant 77 : i32
    %dma_start3A_77 = arith.constant 0 : i32
    %dma_start3A_78 = tpu.memref_slice %arg6[%dma_start3A_76, %dma_start3A_77] : memref<80x125xi32, #tpu.memory_space<vmem>> -> memref<1x125xi32, #tpu.memory_space<vmem>>
    %dma_start3A_79 = tpu.memref_squeeze %dma_start3A_78 : memref<1x125xi32, #tpu.memory_space<vmem>> -> memref<125xi32, #tpu.memory_space<vmem>>
    %dma_start3A_80 = arith.constant 0 : i32
    %dma_start3A_81 = arith.constant 0 : i32
    %dma_start3A_82 = tpu.memref_slice %arg12[%dma_start3A_80, %dma_start3A_81] : memref<10112x64xf32, #tpu.memory_space<vmem_shared>> -> memref<10112x64xf32, #tpu.memory_space<vmem_shared>>
    tpu.enqueue_indirect_dma source(%arg8 : memref<125x64xf32, #tpu.memory_space<vmem>>) target(%dma_start3A_82 : memref<10112x64xf32, #tpu.memory_space<vmem_shared>>) offsets(%dma_start3A_79 : memref<125xi32, #tpu.memory_space<vmem>>) semaphore(%arg18 : memref<!tpu.dma_semaphore, #tpu.memory_space<semaphore_mem>>) {add = true}
    %dma_wait3A_83 = arith.constant 78 : i32
    %dma_wait3A_84 = arith.constant 0 : i32
    %dma_wait3A_85 = tpu.memref_slice %arg5[%dma_wait3A_83, %dma_wait3A_84] : memref<80x125xi32, #tpu.memory_space<vmem>> -> memref<1x125xi32, #tpu.memory_space<vmem>>
    %dma_wait3A_86 = tpu.memref_squeeze %dma_wait3A_85 : memref<1x125xi32, #tpu.memory_space<vmem>> -> memref<125xi32, #tpu.memory_space<vmem>>
    %dma_wait3A_87 = arith.constant 0 : i32
    %dma_wait3A_88 = arith.constant 0 : i32
    %dma_wait3A_89 = tpu.memref_slice %arg2[%dma_wait3A_87, %dma_wait3A_88] : memref<10000x64xf32, #tpu.memory_space<hbm>> -> memref<10000x64xf32, #tpu.memory_space<hbm>>
    tpu.wait_indirect_dma semaphore(%arg15 : memref<!tpu.dma_semaphore, #tpu.memory_space<semaphore_mem>>) src(%dma_wait3A_89 : memref<10000x64xf32, #tpu.memory_space<hbm>>) dst(%arg9 : memref<125x64xf32, #tpu.memory_space<vmem>>)
    %dma_start3A_90 = arith.constant 78 : i32
    %dma_start3A_91 = arith.constant 0 : i32
    %dma_start3A_92 = tpu.memref_slice %arg6[%dma_start3A_90, %dma_start3A_91] : memref<80x125xi32, #tpu.memory_space<vmem>> -> memref<1x125xi32, #tpu.memory_space<vmem>>
    %dma_start3A_93 = tpu.memref_squeeze %dma_start3A_92 : memref<1x125xi32, #tpu.memory_space<vmem>> -> memref<125xi32, #tpu.memory_space<vmem>>
    %dma_start3A_94 = arith.constant 0 : i32
    %dma_start3A_95 = arith.constant 0 : i32
    %dma_start3A_96 = tpu.memref_slice %arg12[%dma_start3A_94, %dma_start3A_95] : memref<10112x64xf32, #tpu.memory_space<vmem_shared>> -> memref<10112x64xf32, #tpu.memory_space<vmem_shared>>
    tpu.enqueue_indirect_dma source(%arg9 : memref<125x64xf32, #tpu.memory_space<vmem>>) target(%dma_start3A_96 : memref<10112x64xf32, #tpu.memory_space<vmem_shared>>) offsets(%dma_start3A_93 : memref<125xi32, #tpu.memory_space<vmem>>) semaphore(%arg19 : memref<!tpu.dma_semaphore, #tpu.memory_space<semaphore_mem>>) {add = true}
    %dma_wait3A_97 = arith.constant 79 : i32
    %dma_wait3A_98 = arith.constant 0 : i32
    %dma_wait3A_99 = tpu.memref_slice %arg5[%dma_wait3A_97, %dma_wait3A_98] : memref<80x125xi32, #tpu.memory_space<vmem>> -> memref<1x125xi32, #tpu.memory_space<vmem>>
    %dma_wait3A_100 = tpu.memref_squeeze %dma_wait3A_99 : memref<1x125xi32, #tpu.memory_space<vmem>> -> memref<125xi32, #tpu.memory_space<vmem>>
    %dma_wait3A_101 = arith.constant 0 : i32
    %dma_wait3A_102 = arith.constant 0 : i32
    %dma_wait3A_103 = tpu.memref_slice %arg2[%dma_wait3A_101, %dma_wait3A_102] : memref<10000x64xf32, #tpu.memory_space<hbm>> -> memref<10000x64xf32, #tpu.memory_space<hbm>>
    tpu.wait_indirect_dma semaphore(%arg16 : memref<!tpu.dma_semaphore, #tpu.memory_space<semaphore_mem>>) src(%dma_wait3A_103 : memref<10000x64xf32, #tpu.memory_space<hbm>>) dst(%arg10 : memref<125x64xf32, #tpu.memory_space<vmem>>)
    %dma_start3A_104 = arith.constant 79 : i32
    %dma_start3A_105 = arith.constant 0 : i32
    %dma_start3A_106 = tpu.memref_slice %arg6[%dma_start3A_104, %dma_start3A_105] : memref<80x125xi32, #tpu.memory_space<vmem>> -> memref<1x125xi32, #tpu.memory_space<vmem>>
    %dma_start3A_107 = tpu.memref_squeeze %dma_start3A_106 : memref<1x125xi32, #tpu.memory_space<vmem>> -> memref<125xi32, #tpu.memory_space<vmem>>
    %dma_start3A_108 = arith.constant 0 : i32
    %dma_start3A_109 = arith.constant 0 : i32
    %dma_start3A_110 = tpu.memref_slice %arg12[%dma_start3A_108, %dma_start3A_109] : memref<10112x64xf32, #tpu.memory_space<vmem_shared>> -> memref<10112x64xf32, #tpu.memory_space<vmem_shared>>
    tpu.enqueue_indirect_dma source(%arg10 : memref<125x64xf32, #tpu.memory_space<vmem>>) target(%dma_start3A_110 : memref<10112x64xf32, #tpu.memory_space<vmem_shared>>) offsets(%dma_start3A_107 : memref<125xi32, #tpu.memory_space<vmem>>) semaphore(%arg20 : memref<!tpu.dma_semaphore, #tpu.memory_space<semaphore_mem>>) {add = true}
    %dma_wait3A_111 = arith.constant 76 : i32
    %dma_wait3A_112 = arith.constant 0 : i32
    %dma_wait3A_113 = tpu.memref_slice %arg6[%dma_wait3A_111, %dma_wait3A_112] : memref<80x125xi32, #tpu.memory_space<vmem>> -> memref<1x125xi32, #tpu.memory_space<vmem>>
    %dma_wait3A_114 = tpu.memref_squeeze %dma_wait3A_113 : memref<1x125xi32, #tpu.memory_space<vmem>> -> memref<125xi32, #tpu.memory_space<vmem>>
    %dma_wait3A_115 = arith.constant 0 : i32
    %dma_wait3A_116 = arith.constant 0 : i32
    %dma_wait3A_117 = tpu.memref_slice %arg12[%dma_wait3A_115, %dma_wait3A_116] : memref<10112x64xf32, #tpu.memory_space<vmem_shared>> -> memref<10112x64xf32, #tpu.memory_space<vmem_shared>>
    tpu.wait_indirect_dma semaphore(%arg17 : memref<!tpu.dma_semaphore, #tpu.memory_space<semaphore_mem>>) src(%arg7 : memref<125x64xf32, #tpu.memory_space<vmem>>) dst(%dma_wait3A_117 : memref<10112x64xf32, #tpu.memory_space<vmem_shared>>)
    %dma_wait3A_118 = arith.constant 77 : i32
    %dma_wait3A_119 = arith.constant 0 : i32
    %dma_wait3A_120 = tpu.memref_slice %arg6[%dma_wait3A_118, %dma_wait3A_119] : memref<80x125xi32, #tpu.memory_space<vmem>> -> memref<1x125xi32, #tpu.memory_space<vmem>>
    %dma_wait3A_121 = tpu.memref_squeeze %dma_wait3A_120 : memref<1x125xi32, #tpu.memory_space<vmem>> -> memref<125xi32, #tpu.memory_space<vmem>>
    %dma_wait3A_122 = arith.constant 0 : i32
    %dma_wait3A_123 = arith.constant 0 : i32
    %dma_wait3A_124 = tpu.memref_slice %arg12[%dma_wait3A_122, %dma_wait3A_123] : memref<10112x64xf32, #tpu.memory_space<vmem_shared>> -> memref<10112x64xf32, #tpu.memory_space<vmem_shared>>
    tpu.wait_indirect_dma semaphore(%arg18 : memref<!tpu.dma_semaphore, #tpu.memory_space<semaphore_mem>>) src(%arg8 : memref<125x64xf32, #tpu.memory_space<vmem>>) dst(%dma_wait3A_124 : memref<10112x64xf32, #tpu.memory_space<vmem_shared>>)
    %dma_wait3A_125 = arith.constant 78 : i32
    %dma_wait3A_126 = arith.constant 0 : i32
    %dma_wait3A_127 = tpu.memref_slice %arg6[%dma_wait3A_125, %dma_wait3A_126] : memref<80x125xi32, #tpu.memory_space<vmem>> -> memref<1x125xi32, #tpu.memory_space<vmem>>
    %dma_wait3A_128 = tpu.memref_squeeze %dma_wait3A_127 : memref<1x125xi32, #tpu.memory_space<vmem>> -> memref<125xi32, #tpu.memory_space<vmem>>
    %dma_wait3A_129 = arith.constant 0 : i32
    %dma_wait3A_130 = arith.constant 0 : i32
    %dma_wait3A_131 = tpu.memref_slice %arg12[%dma_wait3A_129, %dma_wait3A_130] : memref<10112x64xf32, #tpu.memory_space<vmem_shared>> -> memref<10112x64xf32, #tpu.memory_space<vmem_shared>>
    tpu.wait_indirect_dma semaphore(%arg19 : memref<!tpu.dma_semaphore, #tpu.memory_space<semaphore_mem>>) src(%arg9 : memref<125x64xf32, #tpu.memory_space<vmem>>) dst(%dma_wait3A_131 : memref<10112x64xf32, #tpu.memory_space<vmem_shared>>)
    %dma_wait3A_132 = arith.constant 79 : i32
    %dma_wait3A_133 = arith.constant 0 : i32
    %dma_wait3A_134 = tpu.memref_slice %arg6[%dma_wait3A_132, %dma_wait3A_133] : memref<80x125xi32, #tpu.memory_space<vmem>> -> memref<1x125xi32, #tpu.memory_space<vmem>>
    %dma_wait3A_135 = tpu.memref_squeeze %dma_wait3A_134 : memref<1x125xi32, #tpu.memory_space<vmem>> -> memref<125xi32, #tpu.memory_space<vmem>>
    %dma_wait3A_136 = arith.constant 0 : i32
    %dma_wait3A_137 = arith.constant 0 : i32
    %dma_wait3A_138 = tpu.memref_slice %arg12[%dma_wait3A_136, %dma_wait3A_137] : memref<10112x64xf32, #tpu.memory_space<vmem_shared>> -> memref<10112x64xf32, #tpu.memory_space<vmem_shared>>
    tpu.wait_indirect_dma semaphore(%arg20 : memref<!tpu.dma_semaphore, #tpu.memory_space<semaphore_mem>>) src(%arg10 : memref<125x64xf32, #tpu.memory_space<vmem>>) dst(%dma_wait3A_138 : memref<10112x64xf32, #tpu.memory_space<vmem_shared>>)
    %barrier3A_139 = arith.constant 0 : index
    tpu.barrier barrier_id(%barrier3A_139)
    %mul3A_140 = arith.constant 632 : i32
    %mul3A_141 = arith.muli %arg1, %mul3A_140 : i32
    "tpu.region"() ({
      %run_scoped3A_142 = tpu.sem_alloc : memref<!tpu.dma_semaphore, #tpu.memory_space<semaphore_mem>>
      %dma_start3A_143 = arith.constant 0 : i32
      %dma_start3A_144 = arith.constant 0 : i32
      %dma_start3A_145 = tpu.memref_slice %arg4[%arg0, %dma_start3A_143, %dma_start3A_144] : memref<2x10112x64xf32, #tpu.memory_space<hbm>> -> memref<1x10112x64xf32, #tpu.memory_space<hbm>>
      %dma_start3A_146 = tpu.memref_squeeze %dma_start3A_145 : memref<1x10112x64xf32, #tpu.memory_space<hbm>> -> memref<10112x64xf32, #tpu.memory_space<hbm>>
      %dma_start3A_147 = arith.constant 0 : i32
      %dma_start3A_148 = tpu.memref_slice %dma_start3A_146[%mul3A_141, %dma_start3A_147] : memref<10112x64xf32, #tpu.memory_space<hbm>> -> memref<632x64xf32, #tpu.memory_space<hbm>>
      %dma_start3A_149 = arith.constant 0 : i32
      %dma_start3A_150 = tpu.memref_slice %arg12[%mul3A_141, %dma_start3A_149] : memref<10112x64xf32, #tpu.memory_space<vmem_shared>> -> memref<632x64xf32, #tpu.memory_space<vmem_shared>>
      tpu.enqueue_dma source(%dma_start3A_150 : memref<632x64xf32, #tpu.memory_space<vmem_shared>>) target(%dma_start3A_148 : memref<632x64xf32, #tpu.memory_space<hbm>>) target_semaphore(%run_scoped3A_142 : memref<!tpu.dma_semaphore, #tpu.memory_space<semaphore_mem>>)
      %dma_wait3A_151 = arith.constant 0 : i32
      %dma_wait3A_152 = arith.constant 0 : i32
      %dma_wait3A_153 = tpu.memref_slice %arg4[%arg0, %dma_wait3A_151, %dma_wait3A_152] : memref<2x10112x64xf32, #tpu.memory_space<hbm>> -> memref<1x10112x64xf32, #tpu.memory_space<hbm>>
      %dma_wait3A_154 = tpu.memref_squeeze %dma_wait3A_153 : memref<1x10112x64xf32, #tpu.memory_space<hbm>> -> memref<10112x64xf32, #tpu.memory_space<hbm>>
      %dma_wait3A_155 = arith.constant 0 : i32
      %dma_wait3A_156 = tpu.memref_slice %dma_wait3A_154[%mul3A_141, %dma_wait3A_155] : memref<10112x64xf32, #tpu.memory_space<hbm>> -> memref<632x64xf32, #tpu.memory_space<hbm>>
      %dma_wait3A_157 = arith.constant 0 : i32
      %dma_wait3A_158 = tpu.memref_slice %arg12[%mul3A_141, %dma_wait3A_157] : memref<10112x64xf32, #tpu.memory_space<vmem_shared>> -> memref<632x64xf32, #tpu.memory_space<vmem_shared>>
      tpu.wait_dma2 semaphore(%run_scoped3A_142 : memref<!tpu.dma_semaphore, #tpu.memory_space<semaphore_mem>>) src(%dma_wait3A_158 : memref<632x64xf32, #tpu.memory_space<vmem_shared>>) dst(%dma_wait3A_156 : memref<632x64xf32, #tpu.memory_space<hbm>>)
      tpu.yield
    }) : () -> ()
    return
  }
}

#map = affine_map<(d0, d1) -> (0, 0)>
#map1 = affine_map<(d0, d1) -> (0, 0, 0)>
module attributes {stable_mosaic.version = 14 : i64} {
  func.func @body(%arg0: i32, %arg1: i32, %arg2: memref<10000x64xf32, #tpu.memory_space<hbm>>, %arg3: memref<2x2560x125xi32, #tpu.memory_space<hbm>>, %arg4: memref<2x10112x64xf32, #tpu.memory_space<hbm>>, %arg5: memref<80x125xi32, #tpu.memory_space<vmem>>, %arg6: memref<80x125xi32, #tpu.memory_space<vmem>>, %arg7: memref<125x64xf32, #tpu.memory_space<vmem>>, %arg8: memref<125x64xf32, #tpu.memory_space<vmem>>, %arg9: memref<125x64xf32, #tpu.memory_space<vmem>>, %arg10: memref<125x64xf32, #tpu.memory_space<vmem>>, %arg11: memref<128x64xf32, #tpu.memory_space<vmem>>, %arg12: memref<10112x64xf32, #tpu.memory_space<vmem_shared>>, %arg13: memref<!tpu.dma_semaphore, #tpu.memory_space<semaphore_mem>>, %arg14: memref<!tpu.dma_semaphore, #tpu.memory_space<semaphore_mem>>, %arg15: memref<!tpu.dma_semaphore, #tpu.memory_space<semaphore_mem>>, %arg16: memref<!tpu.dma_semaphore, #tpu.memory_space<semaphore_mem>>, %arg17: memref<!tpu.dma_semaphore, #tpu.memory_space<semaphore_mem>>, %arg18: memref<!tpu.dma_semaphore, #tpu.memory_space<semaphore_mem>>, %arg19: memref<!tpu.dma_semaphore, #tpu.memory_space<semaphore_mem>>, %arg20: memref<!tpu.dma_semaphore, #tpu.memory_space<semaphore_mem>>) attributes {dimension_semantics = [#tpu.dimension_semantics<core_parallel>, #tpu.dimension_semantics<subcore_parallel>], iteration_bounds = array<i64: 2, 16>, scalar_prefetch = 0 : i64, scratch_operands = 16 : i64, tpu.core_type = #tpu.core_type<sc_vector_subcore>, window_params = [{transform_indices = #map}, {transform_indices = #map1}, {transform_indices = #map1}]} {
    %mul3A = arith.constant 2 : i32
    %mul3A_0 = arith.muli %arg1, %mul3A : i32
    %add3A = arith.addi %mul3A_0, %arg0 : i32
    %scan3A = arith.constant 0 : i32
    %scan3A_1 = arith.constant 0 : i32
    %scan3A_2 = arith.constant 512 : i32
    %scan3A_3 = arith.addi %scan3A_1, %scan3A_2 : i32
    %scan3A_4 = arith.constant 1 : i32
    scf.for %scan3A_142 = %scan3A_1 to %scan3A_3 step %scan3A_4  : i32 {
      %broadcast_in_dim3A = arith.constant 0.000000e+00 : f32
      %broadcast_in_dim3A_143 = vector.broadcast %broadcast_in_dim3A : f32 to vector<16xf32>
      %jit3A = arith.constant 4 : i32
      %div3A = arith.divsi %scan3A_142, %jit3A : i32
      %sign3A = arith.constant 0 : i32
      %sign3A_144 = arith.cmpi sgt, %scan3A_142, %sign3A : i32
      %sign3A_145 = arith.extui %sign3A_144 : i1 to i32
      %sign3A_146 = arith.constant 0 : i32
      %sign3A_147 = arith.cmpi slt, %scan3A_142, %sign3A_146 : i32
      %sign3A_148 = arith.extui %sign3A_147 : i1 to i32
      %sign3A_149 = arith.subi %sign3A_145, %sign3A_148 : i32
      %sign3A_150 = arith.constant 0 : i32
      %sign3A_151 = arith.cmpi sgt, %jit3A, %sign3A_150 : i32
      %sign3A_152 = arith.extui %sign3A_151 : i1 to i32
      %sign3A_153 = arith.constant 0 : i32
      %sign3A_154 = arith.cmpi slt, %jit3A, %sign3A_153 : i32
      %sign3A_155 = arith.extui %sign3A_154 : i1 to i32
      %sign3A_156 = arith.subi %sign3A_152, %sign3A_155 : i32
      %ne3A = arith.cmpi ne, %sign3A_149, %sign3A_156 : i32
      %rem3A = arith.remsi %scan3A_142, %jit3A : i32
      %ne3A_157 = arith.constant 0 : i32
      %ne3A_158 = arith.cmpi ne, %rem3A, %ne3A_157 : i32
      %and3A = arith.andi %ne3A, %ne3A_158 : i1
      %sub3A = arith.constant 1 : i32
      %sub3A_159 = arith.subi %div3A, %sub3A : i32
      %select_n3A = arith.select %and3A, %sub3A_159, %div3A : i32
      %jit3A_160 = arith.constant 4 : i32
      %eq3A = arith.constant 0 : i32
      %eq3A_161 = arith.cmpi eq, %jit3A_160, %eq3A : i32
      %jit3A_162 = arith.constant 1 : i32
      %select_n3A_163 = arith.select %eq3A_161, %jit3A_162, %jit3A_160 : i32
      %rem3A_164 = arith.remsi %scan3A_142, %select_n3A_163 : i32
      %ne3A_165 = arith.constant 0 : i32
      %ne3A_166 = arith.cmpi ne, %rem3A_164, %ne3A_165 : i32
      %lt3A = arith.constant 0 : i32
      %lt3A_167 = arith.cmpi slt, %rem3A_164, %lt3A : i32
      %lt3A_168 = arith.constant 0 : i32
      %lt3A_169 = arith.cmpi slt, %select_n3A_163, %lt3A_168 : i32
      %ne3A_170 = arith.xori %lt3A_167, %lt3A_169 : i1
      %and3A_171 = arith.andi %ne3A_170, %ne3A_166 : i1
      %add3A_172 = arith.addi %rem3A_164, %select_n3A_163 : i32
      %select_n3A_173 = arith.select %and3A_171, %add3A_172, %rem3A_164 : i32
      %mul3A_174 = arith.constant 16 : i32
      %mul3A_175 = arith.muli %select_n3A_173, %mul3A_174 : i32
      %swap3A = arith.index_cast %select_n3A : i32 to index
      %swap3A_176 = arith.index_cast %mul3A_175 : i32 to index
      %swap3A_177 = tpu.vector_load %arg11[%swap3A, %swap3A_176] {strides = array<i32>} : memref<128x64xf32, #tpu.memory_space<vmem>>, vector<1x16xf32>,
      %swap3A_178 = vector.shape_cast %swap3A_177 : vector<1x16xf32> to vector<16xf32>
      %swap3A_179 = vector.shape_cast %broadcast_in_dim3A_143 : vector<16xf32> to vector<1x16xf32>
      tpu.vector_store %arg11[%swap3A, %swap3A_176], %swap3A_179 {strides = array<i32>} : memref<128x64xf32, #tpu.memory_space<vmem>>, vector<1x16xf32>,
    }
    %scan3A_5 = arith.constant 512 : i32
    %mul3A_6 = arith.constant 632 : i32
    %mul3A_7 = arith.muli %arg1, %mul3A_6 : i32
    %add3A_8 = arith.constant 0 : i32
    %add3A_9 = arith.addi %mul3A_7, %add3A_8 : i32
    "tpu.region"() ({
      %run_scoped3A_142 = tpu.sem_alloc : memref<!tpu.dma_semaphore, #tpu.memory_space<semaphore_mem>>
      %dma_start3A_143 = arith.constant 0 : i32
      %dma_start3A_144 = tpu.memref_slice %arg12[%add3A_9, %dma_start3A_143] : memref<10112x64xf32, #tpu.memory_space<vmem_shared>> -> memref<128x64xf32, #tpu.memory_space<vmem_shared>>
      %dma_start3A_145 = arith.constant 0 : i32
      %dma_start3A_146 = tpu.memref_slice %arg12[%add3A_9, %dma_start3A_145] : memref<10112x64xf32, #tpu.memory_space<vmem_shared>> -> memref<128x64xf32, #tpu.memory_space<vmem_shared>>
      tpu.enqueue_dma source(%arg11 : memref<128x64xf32, #tpu.memory_space<vmem>>) target(%dma_start3A_146 : memref<128x64xf32, #tpu.memory_space<vmem_shared>>) target_semaphore(%run_scoped3A_142 : memref<!tpu.dma_semaphore, #tpu.memory_space<semaphore_mem>>)
      %dma_wait3A_147 = arith.constant 0 : i32
      %dma_wait3A_148 = tpu.memref_slice %arg12[%add3A_9, %dma_wait3A_147] : memref<10112x64xf32, #tpu.memory_space<vmem_shared>> -> memref<128x64xf32, #tpu.memory_space<vmem_shared>>
      %dma_wait3A_149 = arith.constant 0 : i32
      %dma_wait3A_150 = tpu.memref_slice %arg12[%add3A_9, %dma_wait3A_149] : memref<10112x64xf32, #tpu.memory_space<vmem_shared>> -> memref<128x64xf32, #tpu.memory_space<vmem_shared>>
      tpu.wait_dma2 semaphore(%run_scoped3A_142 : memref<!tpu.dma_semaphore, #tpu.memory_space<semaphore_mem>>) src(%arg11 : memref<128x64xf32, #tpu.memory_space<vmem>>) dst(%dma_wait3A_150 : memref<128x64xf32, #tpu.memory_space<vmem_shared>>)
      tpu.yield
    }) : () -> ()
    %add3A_10 = arith.constant 128 : i32
    %add3A_11 = arith.addi %mul3A_7, %add3A_10 : i32
    "tpu.region"() ({
      %run_scoped3A_142 = tpu.sem_alloc : memref<!tpu.dma_semaphore, #tpu.memory_space<semaphore_mem>>
      %dma_start3A_143 = arith.constant 0 : i32
      %dma_start3A_144 = tpu.memref_slice %arg12[%add3A_11, %dma_start3A_143] : memref<10112x64xf32, #tpu.memory_space<vmem_shared>> -> memref<128x64xf32, #tpu.memory_space<vmem_shared>>
      %dma_start3A_145 = arith.constant 0 : i32
      %dma_start3A_146 = tpu.memref_slice %arg12[%add3A_11, %dma_start3A_145] : memref<10112x64xf32, #tpu.memory_space<vmem_shared>> -> memref<128x64xf32, #tpu.memory_space<vmem_shared>>
      tpu.enqueue_dma source(%arg11 : memref<128x64xf32, #tpu.memory_space<vmem>>) target(%dma_start3A_146 : memref<128x64xf32, #tpu.memory_space<vmem_shared>>) target_semaphore(%run_scoped3A_142 : memref<!tpu.dma_semaphore, #tpu.memory_space<semaphore_mem>>)
      %dma_wait3A_147 = arith.constant 0 : i32
      %dma_wait3A_148 = tpu.memref_slice %arg12[%add3A_11, %dma_wait3A_147] : memref<10112x64xf32, #tpu.memory_space<vmem_shared>> -> memref<128x64xf32, #tpu.memory_space<vmem_shared>>
      %dma_wait3A_149 = arith.constant 0 : i32
      %dma_wait3A_150 = tpu.memref_slice %arg12[%add3A_11, %dma_wait3A_149] : memref<10112x64xf32, #tpu.memory_space<vmem_shared>> -> memref<128x64xf32, #tpu.memory_space<vmem_shared>>
      tpu.wait_dma2 semaphore(%run_scoped3A_142 : memref<!tpu.dma_semaphore, #tpu.memory_space<semaphore_mem>>) src(%arg11 : memref<128x64xf32, #tpu.memory_space<vmem>>) dst(%dma_wait3A_150 : memref<128x64xf32, #tpu.memory_space<vmem_shared>>)
      tpu.yield
    }) : () -> ()
    %add3A_12 = arith.constant 256 : i32
    %add3A_13 = arith.addi %mul3A_7, %add3A_12 : i32
    "tpu.region"() ({
      %run_scoped3A_142 = tpu.sem_alloc : memref<!tpu.dma_semaphore, #tpu.memory_space<semaphore_mem>>
      %dma_start3A_143 = arith.constant 0 : i32
      %dma_start3A_144 = tpu.memref_slice %arg12[%add3A_13, %dma_start3A_143] : memref<10112x64xf32, #tpu.memory_space<vmem_shared>> -> memref<128x64xf32, #tpu.memory_space<vmem_shared>>
      %dma_start3A_145 = arith.constant 0 : i32
      %dma_start3A_146 = tpu.memref_slice %arg12[%add3A_13, %dma_start3A_145] : memref<10112x64xf32, #tpu.memory_space<vmem_shared>> -> memref<128x64xf32, #tpu.memory_space<vmem_shared>>
      tpu.enqueue_dma source(%arg11 : memref<128x64xf32, #tpu.memory_space<vmem>>) target(%dma_start3A_146 : memref<128x64xf32, #tpu.memory_space<vmem_shared>>) target_semaphore(%run_scoped3A_142 : memref<!tpu.dma_semaphore, #tpu.memory_space<semaphore_mem>>)
      %dma_wait3A_147 = arith.constant 0 : i32
      %dma_wait3A_148 = tpu.memref_slice %arg12[%add3A_13, %dma_wait3A_147] : memref<10112x64xf32, #tpu.memory_space<vmem_shared>> -> memref<128x64xf32, #tpu.memory_space<vmem_shared>>
      %dma_wait3A_149 = arith.constant 0 : i32
      %dma_wait3A_150 = tpu.memref_slice %arg12[%add3A_13, %dma_wait3A_149] : memref<10112x64xf32, #tpu.memory_space<vmem_shared>> -> memref<128x64xf32, #tpu.memory_space<vmem_shared>>
      tpu.wait_dma2 semaphore(%run_scoped3A_142 : memref<!tpu.dma_semaphore, #tpu.memory_space<semaphore_mem>>) src(%arg11 : memref<128x64xf32, #tpu.memory_space<vmem>>) dst(%dma_wait3A_150 : memref<128x64xf32, #tpu.memory_space<vmem_shared>>)
      tpu.yield
    }) : () -> ()
    %add3A_14 = arith.constant 384 : i32
    %add3A_15 = arith.addi %mul3A_7, %add3A_14 : i32
    "tpu.region"() ({
      %run_scoped3A_142 = tpu.sem_alloc : memref<!tpu.dma_semaphore, #tpu.memory_space<semaphore_mem>>
      %dma_start3A_143 = arith.constant 0 : i32
      %dma_start3A_144 = tpu.memref_slice %arg12[%add3A_15, %dma_start3A_143] : memref<10112x64xf32, #tpu.memory_space<vmem_shared>> -> memref<128x64xf32, #tpu.memory_space<vmem_shared>>
      %dma_start3A_145 = arith.constant 0 : i32
      %dma_start3A_146 = tpu.memref_slice %arg12[%add3A_15, %dma_start3A_145] : memref<10112x64xf32, #tpu.memory_space<vmem_shared>> -> memref<128x64xf32, #tpu.memory_space<vmem_shared>>
      tpu.enqueue_dma source(%arg11 : memref<128x64xf32, #tpu.memory_space<vmem>>) target(%dma_start3A_146 : memref<128x64xf32, #tpu.memory_space<vmem_shared>>) target_semaphore(%run_scoped3A_142 : memref<!tpu.dma_semaphore, #tpu.memory_space<semaphore_mem>>)
      %dma_wait3A_147 = arith.constant 0 : i32
      %dma_wait3A_148 = tpu.memref_slice %arg12[%add3A_15, %dma_wait3A_147] : memref<10112x64xf32, #tpu.memory_space<vmem_shared>> -> memref<128x64xf32, #tpu.memory_space<vmem_shared>>
      %dma_wait3A_149 = arith.constant 0 : i32
      %dma_wait3A_150 = tpu.memref_slice %arg12[%add3A_15, %dma_wait3A_149] : memref<10112x64xf32, #tpu.memory_space<vmem_shared>> -> memref<128x64xf32, #tpu.memory_space<vmem_shared>>
      tpu.wait_dma2 semaphore(%run_scoped3A_142 : memref<!tpu.dma_semaphore, #tpu.memory_space<semaphore_mem>>) src(%arg11 : memref<128x64xf32, #tpu.memory_space<vmem>>) dst(%dma_wait3A_150 : memref<128x64xf32, #tpu.memory_space<vmem_shared>>)
      tpu.yield
    }) : () -> ()
    %add3A_16 = arith.constant 512 : i32
    %add3A_17 = arith.addi %mul3A_7, %add3A_16 : i32
    "tpu.region"() ({
      %run_scoped3A_142 = tpu.sem_alloc : memref<!tpu.dma_semaphore, #tpu.memory_space<semaphore_mem>>
      %dma_start3A_143 = arith.constant 0 : i32
      %dma_start3A_144 = arith.constant 0 : i32
      %dma_start3A_145 = tpu.memref_slice %arg11[%dma_start3A_143, %dma_start3A_144] : memref<128x64xf32, #tpu.memory_space<vmem>> -> memref<120x64xf32, #tpu.memory_space<vmem>>
      %dma_start3A_146 = arith.constant 0 : i32
      %dma_start3A_147 = tpu.memref_slice %arg12[%add3A_17, %dma_start3A_146] : memref<10112x64xf32, #tpu.memory_space<vmem_shared>> -> memref<120x64xf32, #tpu.memory_space<vmem_shared>>
      %dma_start3A_148 = arith.constant 0 : i32
      %dma_start3A_149 = tpu.memref_slice %arg12[%add3A_17, %dma_start3A_148] : memref<10112x64xf32, #tpu.memory_space<vmem_shared>> -> memref<120x64xf32, #tpu.memory_space<vmem_shared>>
      %dma_start3A_150 = arith.constant 0 : i32
      %dma_start3A_151 = arith.constant 0 : i32
      %dma_start3A_152 = tpu.memref_slice %arg11[%dma_start3A_150, %dma_start3A_151] : memref<128x64xf32, #tpu.memory_space<vmem>> -> memref<120x64xf32, #tpu.memory_space<vmem>>
      tpu.enqueue_dma source(%dma_start3A_152 : memref<120x64xf32, #tpu.memory_space<vmem>>) target(%dma_start3A_149 : memref<120x64xf32, #tpu.memory_space<vmem_shared>>) target_semaphore(%run_scoped3A_142 : memref<!tpu.dma_semaphore, #tpu.memory_space<semaphore_mem>>)
      %dma_wait3A_153 = arith.constant 0 : i32
      %dma_wait3A_154 = arith.constant 0 : i32
      %dma_wait3A_155 = tpu.memref_slice %arg11[%dma_wait3A_153, %dma_wait3A_154] : memref<128x64xf32, #tpu.memory_space<vmem>> -> memref<120x64xf32, #tpu.memory_space<vmem>>
      %dma_wait3A_156 = arith.constant 0 : i32
      %dma_wait3A_157 = tpu.memref_slice %arg12[%add3A_17, %dma_wait3A_156] : memref<10112x64xf32, #tpu.memory_space<vmem_shared>> -> memref<120x64xf32, #tpu.memory_space<vmem_shared>>
      %dma_wait3A_158 = arith.constant 0 : i32
      %dma_wait3A_159 = tpu.memref_slice %arg12[%add3A_17, %dma_wait3A_158] : memref<10112x64xf32, #tpu.memory_space<vmem_shared>> -> memref<120x64xf32, #tpu.memory_space<vmem_shared>>
      %dma_wait3A_160 = arith.constant 0 : i32
      %dma_wait3A_161 = arith.constant 0 : i32
      %dma_wait3A_162 = tpu.memref_slice %arg11[%dma_wait3A_160, %dma_wait3A_161] : memref<128x64xf32, #tpu.memory_space<vmem>> -> memref<120x64xf32, #tpu.memory_space<vmem>>
      tpu.wait_dma2 semaphore(%run_scoped3A_142 : memref<!tpu.dma_semaphore, #tpu.memory_space<semaphore_mem>>) src(%dma_wait3A_162 : memref<120x64xf32, #tpu.memory_space<vmem>>) dst(%dma_wait3A_159 : memref<120x64xf32, #tpu.memory_space<vmem_shared>>)
      tpu.yield
    }) : () -> ()
    %barrier3A = arith.constant 0 : index
    tpu.barrier barrier_id(%barrier3A)
    %mul3A_18 = arith.constant 80 : i32
    %mul3A_19 = arith.muli %add3A, %mul3A_18 : i32
    %run_scoped3A = arith.constant 0 : i32
    "tpu.region"() ({
      %run_scoped3A_142 = tpu.sem_alloc : memref<!tpu.dma_semaphore, #tpu.memory_space<semaphore_mem>>
      %dma_start3A_143 = arith.constant 0 : i32
      %dma_start3A_144 = arith.constant 0 : i32
      %dma_start3A_145 = tpu.memref_slice %arg3[%run_scoped3A, %dma_start3A_143, %dma_start3A_144] : memref<2x2560x125xi32, #tpu.memory_space<hbm>> -> memref<1x2560x125xi32, #tpu.memory_space<hbm>>
      %dma_start3A_146 = tpu.memref_squeeze %dma_start3A_145 : memref<1x2560x125xi32, #tpu.memory_space<hbm>> -> memref<2560x125xi32, #tpu.memory_space<hbm>>
      %dma_start3A_147 = arith.constant 0 : i32
      %dma_start3A_148 = tpu.memref_slice %dma_start3A_146[%mul3A_19, %dma_start3A_147] : memref<2560x125xi32, #tpu.memory_space<hbm>> -> memref<80x125xi32, #tpu.memory_space<hbm>>
      %dma_start3A_149 = arith.constant 0 : i32
      %dma_start3A_150 = arith.constant 0 : i32
      %dma_start3A_151 = tpu.memref_slice %arg3[%run_scoped3A, %dma_start3A_149, %dma_start3A_150] : memref<2x2560x125xi32, #tpu.memory_space<hbm>> -> memref<1x2560x125xi32, #tpu.memory_space<hbm>>
      %dma_start3A_152 = tpu.memref_squeeze %dma_start3A_151 : memref<1x2560x125xi32, #tpu.memory_space<hbm>> -> memref<2560x125xi32, #tpu.memory_space<hbm>>
      %dma_start3A_153 = arith.constant 0 : i32
      %dma_start3A_154 = tpu.memref_slice %dma_start3A_152[%mul3A_19, %dma_start3A_153] : memref<2560x125xi32, #tpu.memory_space<hbm>> -> memref<80x125xi32, #tpu.memory_space<hbm>>
      tpu.enqueue_dma source(%dma_start3A_154 : memref<80x125xi32, #tpu.memory_space<hbm>>) target(%arg5 : memref<80x125xi32, #tpu.memory_space<vmem>>) target_semaphore(%run_scoped3A_142 : memref<!tpu.dma_semaphore, #tpu.memory_space<semaphore_mem>>)
      %dma_wait3A_155 = arith.constant 0 : i32
      %dma_wait3A_156 = arith.constant 0 : i32
      %dma_wait3A_157 = tpu.memref_slice %arg3[%run_scoped3A, %dma_wait3A_155, %dma_wait3A_156] : memref<2x2560x125xi32, #tpu.memory_space<hbm>> -> memref<1x2560x125xi32, #tpu.memory_space<hbm>>
      %dma_wait3A_158 = tpu.memref_squeeze %dma_wait3A_157 : memref<1x2560x125xi32, #tpu.memory_space<hbm>> -> memref<2560x125xi32, #tpu.memory_space<hbm>>
      %dma_wait3A_159 = arith.constant 0 : i32
      %dma_wait3A_160 = tpu.memref_slice %dma_wait3A_158[%mul3A_19, %dma_wait3A_159] : memref<2560x125xi32, #tpu.memory_space<hbm>> -> memref<80x125xi32, #tpu.memory_space<hbm>>
      %dma_wait3A_161 = arith.constant 0 : i32
      %dma_wait3A_162 = arith.constant 0 : i32
      %dma_wait3A_163 = tpu.memref_slice %arg3[%run_scoped3A, %dma_wait3A_161, %dma_wait3A_162] : memref<2x2560x125xi32, #tpu.memory_space<hbm>> -> memref<1x2560x125xi32, #tpu.memory_space<hbm>>
      %dma_wait3A_164 = tpu.memref_squeeze %dma_wait3A_163 : memref<1x2560x125xi32, #tpu.memory_space<hbm>> -> memref<2560x125xi32, #tpu.memory_space<hbm>>
      %dma_wait3A_165 = arith.constant 0 : i32
      %dma_wait3A_166 = tpu.memref_slice %dma_wait3A_164[%mul3A_19, %dma_wait3A_165] : memref<2560x125xi32, #tpu.memory_space<hbm>> -> memref<80x125xi32, #tpu.memory_space<hbm>>
      tpu.wait_dma2 semaphore(%run_scoped3A_142 : memref<!tpu.dma_semaphore, #tpu.memory_space<semaphore_mem>>) src(%dma_wait3A_166 : memref<80x125xi32, #tpu.memory_space<hbm>>) dst(%arg5 : memref<80x125xi32, #tpu.memory_space<vmem>>)
      tpu.yield
    }) : () -> ()
    %mul3A_20 = arith.constant 80 : i32
    %mul3A_21 = arith.muli %add3A, %mul3A_20 : i32
    %run_scoped3A_22 = arith.constant 1 : i32
    "tpu.region"() ({
      %run_scoped3A_142 = tpu.sem_alloc : memref<!tpu.dma_semaphore, #tpu.memory_space<semaphore_mem>>
      %dma_start3A_143 = arith.constant 0 : i32
      %dma_start3A_144 = arith.constant 0 : i32
      %dma_start3A_145 = tpu.memref_slice %arg3[%run_scoped3A_22, %dma_start3A_143, %dma_start3A_144] : memref<2x2560x125xi32, #tpu.memory_space<hbm>> -> memref<1x2560x125xi32, #tpu.memory_space<hbm>>
      %dma_start3A_146 = tpu.memref_squeeze %dma_start3A_145 : memref<1x2560x125xi32, #tpu.memory_space<hbm>> -> memref<2560x125xi32, #tpu.memory_space<hbm>>
      %dma_start3A_147 = arith.constant 0 : i32
      %dma_start3A_148 = tpu.memref_slice %dma_start3A_146[%mul3A_21, %dma_start3A_147] : memref<2560x125xi32, #tpu.memory_space<hbm>> -> memref<80x125xi32, #tpu.memory_space<hbm>>
      %dma_start3A_149 = arith.constant 0 : i32
      %dma_start3A_150 = arith.constant 0 : i32
      %dma_start3A_151 = tpu.memref_slice %arg3[%run_scoped3A_22, %dma_start3A_149, %dma_start3A_150] : memref<2x2560x125xi32, #tpu.memory_space<hbm>> -> memref<1x2560x125xi32, #tpu.memory_space<hbm>>
      %dma_start3A_152 = tpu.memref_squeeze %dma_start3A_151 : memref<1x2560x125xi32, #tpu.memory_space<hbm>> -> memref<2560x125xi32, #tpu.memory_space<hbm>>
      %dma_start3A_153 = arith.constant 0 : i32
      %dma_start3A_154 = tpu.memref_slice %dma_start3A_152[%mul3A_21, %dma_start3A_153] : memref<2560x125xi32, #tpu.memory_space<hbm>> -> memref<80x125xi32, #tpu.memory_space<hbm>>
      tpu.enqueue_dma source(%dma_start3A_154 : memref<80x125xi32, #tpu.memory_space<hbm>>) target(%arg6 : memref<80x125xi32, #tpu.memory_space<vmem>>) target_semaphore(%run_scoped3A_142 : memref<!tpu.dma_semaphore, #tpu.memory_space<semaphore_mem>>)
      %dma_wait3A_155 = arith.constant 0 : i32
      %dma_wait3A_156 = arith.constant 0 : i32
      %dma_wait3A_157 = tpu.memref_slice %arg3[%run_scoped3A_22, %dma_wait3A_155, %dma_wait3A_156] : memref<2x2560x125xi32, #tpu.memory_space<hbm>> -> memref<1x2560x125xi32, #tpu.memory_space<hbm>>
      %dma_wait3A_158 = tpu.memref_squeeze %dma_wait3A_157 : memref<1x2560x125xi32, #tpu.memory_space<hbm>> -> memref<2560x125xi32, #tpu.memory_space<hbm>>
      %dma_wait3A_159 = arith.constant 0 : i32
      %dma_wait3A_160 = tpu.memref_slice %dma_wait3A_158[%mul3A_21, %dma_wait3A_159] : memref<2560x125xi32, #tpu.memory_space<hbm>> -> memref<80x125xi32, #tpu.memory_space<hbm>>
      %dma_wait3A_161 = arith.constant 0 : i32
      %dma_wait3A_162 = arith.constant 0 : i32
      %dma_wait3A_163 = tpu.memref_slice %arg3[%run_scoped3A_22, %dma_wait3A_161, %dma_wait3A_162] : memref<2x2560x125xi32, #tpu.memory_space<hbm>> -> memref<1x2560x125xi32, #tpu.memory_space<hbm>>
      %dma_wait3A_164 = tpu.memref_squeeze %dma_wait3A_163 : memref<1x2560x125xi32, #tpu.memory_space<hbm>> -> memref<2560x125xi32, #tpu.memory_space<hbm>>
      %dma_wait3A_165 = arith.constant 0 : i32
      %dma_wait3A_166 = tpu.memref_slice %dma_wait3A_164[%mul3A_21, %dma_wait3A_165] : memref<2560x125xi32, #tpu.memory_space<hbm>> -> memref<80x125xi32, #tpu.memory_space<hbm>>
      tpu.wait_dma2 semaphore(%run_scoped3A_142 : memref<!tpu.dma_semaphore, #tpu.memory_space<semaphore_mem>>) src(%dma_wait3A_166 : memref<80x125xi32, #tpu.memory_space<hbm>>) dst(%arg6 : memref<80x125xi32, #tpu.memory_space<vmem>>)
      tpu.yield
    }) : () -> ()
    %dma_start3A = arith.constant 0 : i32
    %dma_start3A_23 = arith.constant 0 : i32
    %dma_start3A_24 = tpu.memref_slice %arg5[%dma_start3A, %dma_start3A_23] : memref<80x125xi32, #tpu.memory_space<vmem>> -> memref<1x125xi32, #tpu.memory_space<vmem>>
    %dma_start3A_25 = tpu.memref_squeeze %dma_start3A_24 : memref<1x125xi32, #tpu.memory_space<vmem>> -> memref<125xi32, #tpu.memory_space<vmem>>
    %dma_start3A_26 = arith.constant 0 : i32
    %dma_start3A_27 = arith.constant 0 : i32
    %dma_start3A_28 = tpu.memref_slice %arg2[%dma_start3A_26, %dma_start3A_27] : memref<10000x64xf32, #tpu.memory_space<hbm>> -> memref<10000x64xf32, #tpu.memory_space<hbm>>
    tpu.enqueue_indirect_dma source(%dma_start3A_28 : memref<10000x64xf32, #tpu.memory_space<hbm>>) target(%arg7 : memref<125x64xf32, #tpu.memory_space<vmem>>) offsets(%dma_start3A_25 : memref<125xi32, #tpu.memory_space<vmem>>) semaphore(%arg13 : memref<!tpu.dma_semaphore, #tpu.memory_space<semaphore_mem>>)
    %dma_start3A_29 = arith.constant 1 : i32
    %dma_start3A_30 = arith.constant 0 : i32
    %dma_start3A_31 = tpu.memref_slice %arg5[%dma_start3A_29, %dma_start3A_30] : memref<80x125xi32, #tpu.memory_space<vmem>> -> memref<1x125xi32, #tpu.memory_space<vmem>>
    %dma_start3A_32 = tpu.memref_squeeze %dma_start3A_31 : memref<1x125xi32, #tpu.memory_space<vmem>> -> memref<125xi32, #tpu.memory_space<vmem>>
    %dma_start3A_33 = arith.constant 0 : i32
    %dma_start3A_34 = arith.constant 0 : i32
    %dma_start3A_35 = tpu.memref_slice %arg2[%dma_start3A_33, %dma_start3A_34] : memref<10000x64xf32, #tpu.memory_space<hbm>> -> memref<10000x64xf32, #tpu.memory_space<hbm>>
    tpu.enqueue_indirect_dma source(%dma_start3A_35 : memref<10000x64xf32, #tpu.memory_space<hbm>>) target(%arg8 : memref<125x64xf32, #tpu.memory_space<vmem>>) offsets(%dma_start3A_32 : memref<125xi32, #tpu.memory_space<vmem>>) semaphore(%arg14 : memref<!tpu.dma_semaphore, #tpu.memory_space<semaphore_mem>>)
    %dma_start3A_36 = arith.constant 2 : i32
    %dma_start3A_37 = arith.constant 0 : i32
    %dma_start3A_38 = tpu.memref_slice %arg5[%dma_start3A_36, %dma_start3A_37] : memref<80x125xi32, #tpu.memory_space<vmem>> -> memref<1x125xi32, #tpu.memory_space<vmem>>
    %dma_start3A_39 = tpu.memref_squeeze %dma_start3A_38 : memref<1x125xi32, #tpu.memory_space<vmem>> -> memref<125xi32, #tpu.memory_space<vmem>>
    %dma_start3A_40 = arith.constant 0 : i32
    %dma_start3A_41 = arith.constant 0 : i32
    %dma_start3A_42 = tpu.memref_slice %arg2[%dma_start3A_40, %dma_start3A_41] : memref<10000x64xf32, #tpu.memory_space<hbm>> -> memref<10000x64xf32, #tpu.memory_space<hbm>>
    tpu.enqueue_indirect_dma source(%dma_start3A_42 : memref<10000x64xf32, #tpu.memory_space<hbm>>) target(%arg9 : memref<125x64xf32, #tpu.memory_space<vmem>>) offsets(%dma_start3A_39 : memref<125xi32, #tpu.memory_space<vmem>>) semaphore(%arg15 : memref<!tpu.dma_semaphore, #tpu.memory_space<semaphore_mem>>)
    %dma_start3A_43 = arith.constant 3 : i32
    %dma_start3A_44 = arith.constant 0 : i32
    %dma_start3A_45 = tpu.memref_slice %arg5[%dma_start3A_43, %dma_start3A_44] : memref<80x125xi32, #tpu.memory_space<vmem>> -> memref<1x125xi32, #tpu.memory_space<vmem>>
    %dma_start3A_46 = tpu.memref_squeeze %dma_start3A_45 : memref<1x125xi32, #tpu.memory_space<vmem>> -> memref<125xi32, #tpu.memory_space<vmem>>
    %dma_start3A_47 = arith.constant 0 : i32
    %dma_start3A_48 = arith.constant 0 : i32
    %dma_start3A_49 = tpu.memref_slice %arg2[%dma_start3A_47, %dma_start3A_48] : memref<10000x64xf32, #tpu.memory_space<hbm>> -> memref<10000x64xf32, #tpu.memory_space<hbm>>
    tpu.enqueue_indirect_dma source(%dma_start3A_49 : memref<10000x64xf32, #tpu.memory_space<hbm>>) target(%arg10 : memref<125x64xf32, #tpu.memory_space<vmem>>) offsets(%dma_start3A_46 : memref<125xi32, #tpu.memory_space<vmem>>) semaphore(%arg16 : memref<!tpu.dma_semaphore, #tpu.memory_space<semaphore_mem>>)
    %scan3A_50 = arith.constant 0 : i32
    %scan3A_51 = arith.constant 0 : i32
    %scan3A_52 = arith.constant 19 : i32
    %scan3A_53 = arith.addi %scan3A_51, %scan3A_52 : i32
    %scan3A_54 = arith.constant 1 : i32
    scf.for %scan3A_142 = %scan3A_51 to %scan3A_53 step %scan3A_54  : i32 {
      %mul3A_143 = arith.constant 4 : i32
      %mul3A_144 = arith.muli %mul3A_143, %scan3A_142 : i32
      %add3A_145 = arith.constant 0 : i32
      %add3A_146 = arith.addi %mul3A_144, %add3A_145 : i32
      %dma_wait3A_147 = arith.constant 0 : i32
      %dma_wait3A_148 = tpu.memref_slice %arg5[%add3A_146, %dma_wait3A_147] : memref<80x125xi32, #tpu.memory_space<vmem>> -> memref<1x125xi32, #tpu.memory_space<vmem>>
      %dma_wait3A_149 = tpu.memref_squeeze %dma_wait3A_148 : memref<1x125xi32, #tpu.memory_space<vmem>> -> memref<125xi32, #tpu.memory_space<vmem>>
      %dma_wait3A_150 = arith.constant 0 : i32
      %dma_wait3A_151 = arith.constant 0 : i32
      %dma_wait3A_152 = tpu.memref_slice %arg2[%dma_wait3A_150, %dma_wait3A_151] : memref<10000x64xf32, #tpu.memory_space<hbm>> -> memref<10000x64xf32, #tpu.memory_space<hbm>>
      tpu.wait_indirect_dma semaphore(%arg13 : memref<!tpu.dma_semaphore, #tpu.memory_space<semaphore_mem>>) src(%dma_wait3A_152 : memref<10000x64xf32, #tpu.memory_space<hbm>>) dst(%arg7 : memref<125x64xf32, #tpu.memory_space<vmem>>)
      %dma_start3A_153 = arith.constant 0 : i32
      %dma_start3A_154 = tpu.memref_slice %arg6[%add3A_146, %dma_start3A_153] : memref<80x125xi32, #tpu.memory_space<vmem>> -> memref<1x125xi32, #tpu.memory_space<vmem>>
      %dma_start3A_155 = tpu.memref_squeeze %dma_start3A_154 : memref<1x125xi32, #tpu.memory_space<vmem>> -> memref<125xi32, #tpu.memory_space<vmem>>
      %dma_start3A_156 = arith.constant 0 : i32
      %dma_start3A_157 = arith.constant 0 : i32
      %dma_start3A_158 = tpu.memref_slice %arg12[%dma_start3A_156, %dma_start3A_157] : memref<10112x64xf32, #tpu.memory_space<vmem_shared>> -> memref<10112x64xf32, #tpu.memory_space<vmem_shared>>
      tpu.enqueue_indirect_dma source(%arg7 : memref<125x64xf32, #tpu.memory_space<vmem>>) target(%dma_start3A_158 : memref<10112x64xf32, #tpu.memory_space<vmem_shared>>) offsets(%dma_start3A_155 : memref<125xi32, #tpu.memory_space<vmem>>) semaphore(%arg17 : memref<!tpu.dma_semaphore, #tpu.memory_space<semaphore_mem>>) {add = true}
      %add3A_159 = arith.constant 1 : i32
      %add3A_160 = arith.addi %mul3A_144, %add3A_159 : i32
      %dma_wait3A_161 = arith.constant 0 : i32
      %dma_wait3A_162 = tpu.memref_slice %arg5[%add3A_160, %dma_wait3A_161] : memref<80x125xi32, #tpu.memory_space<vmem>> -> memref<1x125xi32, #tpu.memory_space<vmem>>
      %dma_wait3A_163 = tpu.memref_squeeze %dma_wait3A_162 : memref<1x125xi32, #tpu.memory_space<vmem>> -> memref<125xi32, #tpu.memory_space<vmem>>
      %dma_wait3A_164 = arith.constant 0 : i32
      %dma_wait3A_165 = arith.constant 0 : i32
      %dma_wait3A_166 = tpu.memref_slice %arg2[%dma_wait3A_164, %dma_wait3A_165] : memref<10000x64xf32, #tpu.memory_space<hbm>> -> memref<10000x64xf32, #tpu.memory_space<hbm>>
      tpu.wait_indirect_dma semaphore(%arg14 : memref<!tpu.dma_semaphore, #tpu.memory_space<semaphore_mem>>) src(%dma_wait3A_166 : memref<10000x64xf32, #tpu.memory_space<hbm>>) dst(%arg8 : memref<125x64xf32, #tpu.memory_space<vmem>>)
      %dma_start3A_167 = arith.constant 0 : i32
      %dma_start3A_168 = tpu.memref_slice %arg6[%add3A_160, %dma_start3A_167] : memref<80x125xi32, #tpu.memory_space<vmem>> -> memref<1x125xi32, #tpu.memory_space<vmem>>
      %dma_start3A_169 = tpu.memref_squeeze %dma_start3A_168 : memref<1x125xi32, #tpu.memory_space<vmem>> -> memref<125xi32, #tpu.memory_space<vmem>>
      %dma_start3A_170 = arith.constant 0 : i32
      %dma_start3A_171 = arith.constant 0 : i32
      %dma_start3A_172 = tpu.memref_slice %arg12[%dma_start3A_170, %dma_start3A_171] : memref<10112x64xf32, #tpu.memory_space<vmem_shared>> -> memref<10112x64xf32, #tpu.memory_space<vmem_shared>>
      tpu.enqueue_indirect_dma source(%arg8 : memref<125x64xf32, #tpu.memory_space<vmem>>) target(%dma_start3A_172 : memref<10112x64xf32, #tpu.memory_space<vmem_shared>>) offsets(%dma_start3A_169 : memref<125xi32, #tpu.memory_space<vmem>>) semaphore(%arg18 : memref<!tpu.dma_semaphore, #tpu.memory_space<semaphore_mem>>) {add = true}
      %add3A_173 = arith.constant 2 : i32
      %add3A_174 = arith.addi %mul3A_144, %add3A_173 : i32
      %dma_wait3A_175 = arith.constant 0 : i32
      %dma_wait3A_176 = tpu.memref_slice %arg5[%add3A_174, %dma_wait3A_175] : memref<80x125xi32, #tpu.memory_space<vmem>> -> memref<1x125xi32, #tpu.memory_space<vmem>>
      %dma_wait3A_177 = tpu.memref_squeeze %dma_wait3A_176 : memref<1x125xi32, #tpu.memory_space<vmem>> -> memref<125xi32, #tpu.memory_space<vmem>>
      %dma_wait3A_178 = arith.constant 0 : i32
      %dma_wait3A_179 = arith.constant 0 : i32
      %dma_wait3A_180 = tpu.memref_slice %arg2[%dma_wait3A_178, %dma_wait3A_179] : memref<10000x64xf32, #tpu.memory_space<hbm>> -> memref<10000x64xf32, #tpu.memory_space<hbm>>
      tpu.wait_indirect_dma semaphore(%arg15 : memref<!tpu.dma_semaphore, #tpu.memory_space<semaphore_mem>>) src(%dma_wait3A_180 : memref<10000x64xf32, #tpu.memory_space<hbm>>) dst(%arg9 : memref<125x64xf32, #tpu.memory_space<vmem>>)
      %dma_start3A_181 = arith.constant 0 : i32
      %dma_start3A_182 = tpu.memref_slice %arg6[%add3A_174, %dma_start3A_181] : memref<80x125xi32, #tpu.memory_space<vmem>> -> memref<1x125xi32, #tpu.memory_space<vmem>>
      %dma_start3A_183 = tpu.memref_squeeze %dma_start3A_182 : memref<1x125xi32, #tpu.memory_space<vmem>> -> memref<125xi32, #tpu.memory_space<vmem>>
      %dma_start3A_184 = arith.constant 0 : i32
      %dma_start3A_185 = arith.constant 0 : i32
      %dma_start3A_186 = tpu.memref_slice %arg12[%dma_start3A_184, %dma_start3A_185] : memref<10112x64xf32, #tpu.memory_space<vmem_shared>> -> memref<10112x64xf32, #tpu.memory_space<vmem_shared>>
      tpu.enqueue_indirect_dma source(%arg9 : memref<125x64xf32, #tpu.memory_space<vmem>>) target(%dma_start3A_186 : memref<10112x64xf32, #tpu.memory_space<vmem_shared>>) offsets(%dma_start3A_183 : memref<125xi32, #tpu.memory_space<vmem>>) semaphore(%arg19 : memref<!tpu.dma_semaphore, #tpu.memory_space<semaphore_mem>>) {add = true}
      %add3A_187 = arith.constant 3 : i32
      %add3A_188 = arith.addi %mul3A_144, %add3A_187 : i32
      %dma_wait3A_189 = arith.constant 0 : i32
      %dma_wait3A_190 = tpu.memref_slice %arg5[%add3A_188, %dma_wait3A_189] : memref<80x125xi32, #tpu.memory_space<vmem>> -> memref<1x125xi32, #tpu.memory_space<vmem>>
      %dma_wait3A_191 = tpu.memref_squeeze %dma_wait3A_190 : memref<1x125xi32, #tpu.memory_space<vmem>> -> memref<125xi32, #tpu.memory_space<vmem>>
      %dma_wait3A_192 = arith.constant 0 : i32
      %dma_wait3A_193 = arith.constant 0 : i32
      %dma_wait3A_194 = tpu.memref_slice %arg2[%dma_wait3A_192, %dma_wait3A_193] : memref<10000x64xf32, #tpu.memory_space<hbm>> -> memref<10000x64xf32, #tpu.memory_space<hbm>>
      tpu.wait_indirect_dma semaphore(%arg16 : memref<!tpu.dma_semaphore, #tpu.memory_space<semaphore_mem>>) src(%dma_wait3A_194 : memref<10000x64xf32, #tpu.memory_space<hbm>>) dst(%arg10 : memref<125x64xf32, #tpu.memory_space<vmem>>)
      %dma_start3A_195 = arith.constant 0 : i32
      %dma_start3A_196 = tpu.memref_slice %arg6[%add3A_188, %dma_start3A_195] : memref<80x125xi32, #tpu.memory_space<vmem>> -> memref<1x125xi32, #tpu.memory_space<vmem>>
      %dma_start3A_197 = tpu.memref_squeeze %dma_start3A_196 : memref<1x125xi32, #tpu.memory_space<vmem>> -> memref<125xi32, #tpu.memory_space<vmem>>
      %dma_start3A_198 = arith.constant 0 : i32
      %dma_start3A_199 = arith.constant 0 : i32
      %dma_start3A_200 = tpu.memref_slice %arg12[%dma_start3A_198, %dma_start3A_199] : memref<10112x64xf32, #tpu.memory_space<vmem_shared>> -> memref<10112x64xf32, #tpu.memory_space<vmem_shared>>
      tpu.enqueue_indirect_dma source(%arg10 : memref<125x64xf32, #tpu.memory_space<vmem>>) target(%dma_start3A_200 : memref<10112x64xf32, #tpu.memory_space<vmem_shared>>) offsets(%dma_start3A_197 : memref<125xi32, #tpu.memory_space<vmem>>) semaphore(%arg20 : memref<!tpu.dma_semaphore, #tpu.memory_space<semaphore_mem>>) {add = true}
      %add3A_201 = arith.constant 0 : i32
      %add3A_202 = arith.addi %mul3A_144, %add3A_201 : i32
      %dma_wait3A_203 = arith.constant 0 : i32
      %dma_wait3A_204 = tpu.memref_slice %arg6[%add3A_202, %dma_wait3A_203] : memref<80x125xi32, #tpu.memory_space<vmem>> -> memref<1x125xi32, #tpu.memory_space<vmem>>
      %dma_wait3A_205 = tpu.memref_squeeze %dma_wait3A_204 : memref<1x125xi32, #tpu.memory_space<vmem>> -> memref<125xi32, #tpu.memory_space<vmem>>
      %dma_wait3A_206 = arith.constant 0 : i32
      %dma_wait3A_207 = arith.constant 0 : i32
      %dma_wait3A_208 = tpu.memref_slice %arg12[%dma_wait3A_206, %dma_wait3A_207] : memref<10112x64xf32, #tpu.memory_space<vmem_shared>> -> memref<10112x64xf32, #tpu.memory_space<vmem_shared>>
      tpu.wait_indirect_dma semaphore(%arg17 : memref<!tpu.dma_semaphore, #tpu.memory_space<semaphore_mem>>) src(%arg7 : memref<125x64xf32, #tpu.memory_space<vmem>>) dst(%dma_wait3A_208 : memref<10112x64xf32, #tpu.memory_space<vmem_shared>>)
      %add3A_209 = arith.constant 0 : i32
      %add3A_210 = arith.addi %mul3A_144, %add3A_209 : i32
      %add3A_211 = arith.constant 4 : i32
      %add3A_212 = arith.addi %add3A_210, %add3A_211 : i32
      %dma_start3A_213 = arith.constant 0 : i32
      %dma_start3A_214 = tpu.memref_slice %arg5[%add3A_212, %dma_start3A_213] : memref<80x125xi32, #tpu.memory_space<vmem>> -> memref<1x125xi32, #tpu.memory_space<vmem>>
      %dma_start3A_215 = tpu.memref_squeeze %dma_start3A_214 : memref<1x125xi32, #tpu.memory_space<vmem>> -> memref<125xi32, #tpu.memory_space<vmem>>
      %dma_start3A_216 = arith.constant 0 : i32
      %dma_start3A_217 = arith.constant 0 : i32
      %dma_start3A_218 = tpu.memref_slice %arg2[%dma_start3A_216, %dma_start3A_217] : memref<10000x64xf32, #tpu.memory_space<hbm>> -> memref<10000x64xf32, #tpu.memory_space<hbm>>
      tpu.enqueue_indirect_dma source(%dma_start3A_218 : memref<10000x64xf32, #tpu.memory_space<hbm>>) target(%arg7 : memref<125x64xf32, #tpu.memory_space<vmem>>) offsets(%dma_start3A_215 : memref<125xi32, #tpu.memory_space<vmem>>) semaphore(%arg13 : memref<!tpu.dma_semaphore, #tpu.memory_space<semaphore_mem>>)
      %add3A_219 = arith.constant 1 : i32
      %add3A_220 = arith.addi %mul3A_144, %add3A_219 : i32
      %dma_wait3A_221 = arith.constant 0 : i32
      %dma_wait3A_222 = tpu.memref_slice %arg6[%add3A_220, %dma_wait3A_221] : memref<80x125xi32, #tpu.memory_space<vmem>> -> memref<1x125xi32, #tpu.memory_space<vmem>>
      %dma_wait3A_223 = tpu.memref_squeeze %dma_wait3A_222 : memref<1x125xi32, #tpu.memory_space<vmem>> -> memref<125xi32, #tpu.memory_space<vmem>>
      %dma_wait3A_224 = arith.constant 0 : i32
      %dma_wait3A_225 = arith.constant 0 : i32
      %dma_wait3A_226 = tpu.memref_slice %arg12[%dma_wait3A_224, %dma_wait3A_225] : memref<10112x64xf32, #tpu.memory_space<vmem_shared>> -> memref<10112x64xf32, #tpu.memory_space<vmem_shared>>
      tpu.wait_indirect_dma semaphore(%arg18 : memref<!tpu.dma_semaphore, #tpu.memory_space<semaphore_mem>>) src(%arg8 : memref<125x64xf32, #tpu.memory_space<vmem>>) dst(%dma_wait3A_226 : memref<10112x64xf32, #tpu.memory_space<vmem_shared>>)
      %add3A_227 = arith.constant 1 : i32
      %add3A_228 = arith.addi %mul3A_144, %add3A_227 : i32
      %add3A_229 = arith.constant 4 : i32
      %add3A_230 = arith.addi %add3A_228, %add3A_229 : i32
      %dma_start3A_231 = arith.constant 0 : i32
      %dma_start3A_232 = tpu.memref_slice %arg5[%add3A_230, %dma_start3A_231] : memref<80x125xi32, #tpu.memory_space<vmem>> -> memref<1x125xi32, #tpu.memory_space<vmem>>
      %dma_start3A_233 = tpu.memref_squeeze %dma_start3A_232 : memref<1x125xi32, #tpu.memory_space<vmem>> -> memref<125xi32, #tpu.memory_space<vmem>>
      %dma_start3A_234 = arith.constant 0 : i32
      %dma_start3A_235 = arith.constant 0 : i32
      %dma_start3A_236 = tpu.memref_slice %arg2[%dma_start3A_234, %dma_start3A_235] : memref<10000x64xf32, #tpu.memory_space<hbm>> -> memref<10000x64xf32, #tpu.memory_space<hbm>>
      tpu.enqueue_indirect_dma source(%dma_start3A_236 : memref<10000x64xf32, #tpu.memory_space<hbm>>) target(%arg8 : memref<125x64xf32, #tpu.memory_space<vmem>>) offsets(%dma_start3A_233 : memref<125xi32, #tpu.memory_space<vmem>>) semaphore(%arg14 : memref<!tpu.dma_semaphore, #tpu.memory_space<semaphore_mem>>)
      %add3A_237 = arith.constant 2 : i32
      %add3A_238 = arith.addi %mul3A_144, %add3A_237 : i32
      %dma_wait3A_239 = arith.constant 0 : i32
      %dma_wait3A_240 = tpu.memref_slice %arg6[%add3A_238, %dma_wait3A_239] : memref<80x125xi32, #tpu.memory_space<vmem>> -> memref<1x125xi32, #tpu.memory_space<vmem>>
      %dma_wait3A_241 = tpu.memref_squeeze %dma_wait3A_240 : memref<1x125xi32, #tpu.memory_space<vmem>> -> memref<125xi32, #tpu.memory_space<vmem>>
      %dma_wait3A_242 = arith.constant 0 : i32
      %dma_wait3A_243 = arith.constant 0 : i32
      %dma_wait3A_244 = tpu.memref_slice %arg12[%dma_wait3A_242, %dma_wait3A_243] : memref<10112x64xf32, #tpu.memory_space<vmem_shared>> -> memref<10112x64xf32, #tpu.memory_space<vmem_shared>>
      tpu.wait_indirect_dma semaphore(%arg19 : memref<!tpu.dma_semaphore, #tpu.memory_space<semaphore_mem>>) src(%arg9 : memref<125x64xf32, #tpu.memory_space<vmem>>) dst(%dma_wait3A_244 : memref<10112x64xf32, #tpu.memory_space<vmem_shared>>)
      %add3A_245 = arith.constant 2 : i32
      %add3A_246 = arith.addi %mul3A_144, %add3A_245 : i32
      %add3A_247 = arith.constant 4 : i32
      %add3A_248 = arith.addi %add3A_246, %add3A_247 : i32
      %dma_start3A_249 = arith.constant 0 : i32
      %dma_start3A_250 = tpu.memref_slice %arg5[%add3A_248, %dma_start3A_249] : memref<80x125xi32, #tpu.memory_space<vmem>> -> memref<1x125xi32, #tpu.memory_space<vmem>>
      %dma_start3A_251 = tpu.memref_squeeze %dma_start3A_250 : memref<1x125xi32, #tpu.memory_space<vmem>> -> memref<125xi32, #tpu.memory_space<vmem>>
      %dma_start3A_252 = arith.constant 0 : i32
      %dma_start3A_253 = arith.constant 0 : i32
      %dma_start3A_254 = tpu.memref_slice %arg2[%dma_start3A_252, %dma_start3A_253] : memref<10000x64xf32, #tpu.memory_space<hbm>> -> memref<10000x64xf32, #tpu.memory_space<hbm>>
      tpu.enqueue_indirect_dma source(%dma_start3A_254 : memref<10000x64xf32, #tpu.memory_space<hbm>>) target(%arg9 : memref<125x64xf32, #tpu.memory_space<vmem>>) offsets(%dma_start3A_251 : memref<125xi32, #tpu.memory_space<vmem>>) semaphore(%arg15 : memref<!tpu.dma_semaphore, #tpu.memory_space<semaphore_mem>>)
      %add3A_255 = arith.constant 3 : i32
      %add3A_256 = arith.addi %mul3A_144, %add3A_255 : i32
      %dma_wait3A_257 = arith.constant 0 : i32
      %dma_wait3A_258 = tpu.memref_slice %arg6[%add3A_256, %dma_wait3A_257] : memref<80x125xi32, #tpu.memory_space<vmem>> -> memref<1x125xi32, #tpu.memory_space<vmem>>
      %dma_wait3A_259 = tpu.memref_squeeze %dma_wait3A_258 : memref<1x125xi32, #tpu.memory_space<vmem>> -> memref<125xi32, #tpu.memory_space<vmem>>
      %dma_wait3A_260 = arith.constant 0 : i32
      %dma_wait3A_261 = arith.constant 0 : i32
      %dma_wait3A_262 = tpu.memref_slice %arg12[%dma_wait3A_260, %dma_wait3A_261] : memref<10112x64xf32, #tpu.memory_space<vmem_shared>> -> memref<10112x64xf32, #tpu.memory_space<vmem_shared>>
      tpu.wait_indirect_dma semaphore(%arg20 : memref<!tpu.dma_semaphore, #tpu.memory_space<semaphore_mem>>) src(%arg10 : memref<125x64xf32, #tpu.memory_space<vmem>>) dst(%dma_wait3A_262 : memref<10112x64xf32, #tpu.memory_space<vmem_shared>>)
      %add3A_263 = arith.constant 3 : i32
      %add3A_264 = arith.addi %mul3A_144, %add3A_263 : i32
      %add3A_265 = arith.constant 4 : i32
      %add3A_266 = arith.addi %add3A_264, %add3A_265 : i32
      %dma_start3A_267 = arith.constant 0 : i32
      %dma_start3A_268 = tpu.memref_slice %arg5[%add3A_266, %dma_start3A_267] : memref<80x125xi32, #tpu.memory_space<vmem>> -> memref<1x125xi32, #tpu.memory_space<vmem>>
      %dma_start3A_269 = tpu.memref_squeeze %dma_start3A_268 : memref<1x125xi32, #tpu.memory_space<vmem>> -> memref<125xi32, #tpu.memory_space<vmem>>
      %dma_start3A_270 = arith.constant 0 : i32
      %dma_start3A_271 = arith.constant 0 : i32
      %dma_start3A_272 = tpu.memref_slice %arg2[%dma_start3A_270, %dma_start3A_271] : memref<10000x64xf32, #tpu.memory_space<hbm>> -> memref<10000x64xf32, #tpu.memory_space<hbm>>
      tpu.enqueue_indirect_dma source(%dma_start3A_272 : memref<10000x64xf32, #tpu.memory_space<hbm>>) target(%arg10 : memref<125x64xf32, #tpu.memory_space<vmem>>) offsets(%dma_start3A_269 : memref<125xi32, #tpu.memory_space<vmem>>) semaphore(%arg16 : memref<!tpu.dma_semaphore, #tpu.memory_space<semaphore_mem>>)
    }
    %scan3A_55 = arith.constant 19 : i32
    %dma_wait3A = arith.constant 76 : i32
    %dma_wait3A_56 = arith.constant 0 : i32
    %dma_wait3A_57 = tpu.memref_slice %arg5[%dma_wait3A, %dma_wait3A_56] : memref<80x125xi32, #tpu.memory_space<vmem>> -> memref<1x125xi32, #tpu.memory_space<vmem>>
    %dma_wait3A_58 = tpu.memref_squeeze %dma_wait3A_57 : memref<1x125xi32, #tpu.memory_space<vmem>> -> memref<125xi32, #tpu.memory_space<vmem>>
    %dma_wait3A_59 = arith.constant 0 : i32
    %dma_wait3A_60 = arith.constant 0 : i32
    %dma_wait3A_61 = tpu.memref_slice %arg2[%dma_wait3A_59, %dma_wait3A_60] : memref<10000x64xf32, #tpu.memory_space<hbm>> -> memref<10000x64xf32, #tpu.memory_space<hbm>>
    tpu.wait_indirect_dma semaphore(%arg13 : memref<!tpu.dma_semaphore, #tpu.memory_space<semaphore_mem>>) src(%dma_wait3A_61 : memref<10000x64xf32, #tpu.memory_space<hbm>>) dst(%arg7 : memref<125x64xf32, #tpu.memory_space<vmem>>)
    %dma_start3A_62 = arith.constant 76 : i32
    %dma_start3A_63 = arith.constant 0 : i32
    %dma_start3A_64 = tpu.memref_slice %arg6[%dma_start3A_62, %dma_start3A_63] : memref<80x125xi32, #tpu.memory_space<vmem>> -> memref<1x125xi32, #tpu.memory_space<vmem>>
    %dma_start3A_65 = tpu.memref_squeeze %dma_start3A_64 : memref<1x125xi32, #tpu.memory_space<vmem>> -> memref<125xi32, #tpu.memory_space<vmem>>
    %dma_start3A_66 = arith.constant 0 : i32
    %dma_start3A_67 = arith.constant 0 : i32
    %dma_start3A_68 = tpu.memref_slice %arg12[%dma_start3A_66, %dma_start3A_67] : memref<10112x64xf32, #tpu.memory_space<vmem_shared>> -> memref<10112x64xf32, #tpu.memory_space<vmem_shared>>
    tpu.enqueue_indirect_dma source(%arg7 : memref<125x64xf32, #tpu.memory_space<vmem>>) target(%dma_start3A_68 : memref<10112x64xf32, #tpu.memory_space<vmem_shared>>) offsets(%dma_start3A_65 : memref<125xi32, #tpu.memory_space<vmem>>) semaphore(%arg17 : memref<!tpu.dma_semaphore, #tpu.memory_space<semaphore_mem>>) {add = true}
    %dma_wait3A_69 = arith.constant 77 : i32
    %dma_wait3A_70 = arith.constant 0 : i32
    %dma_wait3A_71 = tpu.memref_slice %arg5[%dma_wait3A_69, %dma_wait3A_70] : memref<80x125xi32, #tpu.memory_space<vmem>> -> memref<1x125xi32, #tpu.memory_space<vmem>>
    %dma_wait3A_72 = tpu.memref_squeeze %dma_wait3A_71 : memref<1x125xi32, #tpu.memory_space<vmem>> -> memref<125xi32, #tpu.memory_space<vmem>>
    %dma_wait3A_73 = arith.constant 0 : i32
    %dma_wait3A_74 = arith.constant 0 : i32
    %dma_wait3A_75 = tpu.memref_slice %arg2[%dma_wait3A_73, %dma_wait3A_74] : memref<10000x64xf32, #tpu.memory_space<hbm>> -> memref<10000x64xf32, #tpu.memory_space<hbm>>
    tpu.wait_indirect_dma semaphore(%arg14 : memref<!tpu.dma_semaphore, #tpu.memory_space<semaphore_mem>>) src(%dma_wait3A_75 : memref<10000x64xf32, #tpu.memory_space<hbm>>) dst(%arg8 : memref<125x64xf32, #tpu.memory_space<vmem>>)
    %dma_start3A_76 = arith.constant 77 : i32
    %dma_start3A_77 = arith.constant 0 : i32
    %dma_start3A_78 = tpu.memref_slice %arg6[%dma_start3A_76, %dma_start3A_77] : memref<80x125xi32, #tpu.memory_space<vmem>> -> memref<1x125xi32, #tpu.memory_space<vmem>>
    %dma_start3A_79 = tpu.memref_squeeze %dma_start3A_78 : memref<1x125xi32, #tpu.memory_space<vmem>> -> memref<125xi32, #tpu.memory_space<vmem>>
    %dma_start3A_80 = arith.constant 0 : i32
    %dma_start3A_81 = arith.constant 0 : i32
    %dma_start3A_82 = tpu.memref_slice %arg12[%dma_start3A_80, %dma_start3A_81] : memref<10112x64xf32, #tpu.memory_space<vmem_shared>> -> memref<10112x64xf32, #tpu.memory_space<vmem_shared>>
    tpu.enqueue_indirect_dma source(%arg8 : memref<125x64xf32, #tpu.memory_space<vmem>>) target(%dma_start3A_82 : memref<10112x64xf32, #tpu.memory_space<vmem_shared>>) offsets(%dma_start3A_79 : memref<125xi32, #tpu.memory_space<vmem>>) semaphore(%arg18 : memref<!tpu.dma_semaphore, #tpu.memory_space<semaphore_mem>>) {add = true}
    %dma_wait3A_83 = arith.constant 78 : i32
    %dma_wait3A_84 = arith.constant 0 : i32
    %dma_wait3A_85 = tpu.memref_slice %arg5[%dma_wait3A_83, %dma_wait3A_84] : memref<80x125xi32, #tpu.memory_space<vmem>> -> memref<1x125xi32, #tpu.memory_space<vmem>>
    %dma_wait3A_86 = tpu.memref_squeeze %dma_wait3A_85 : memref<1x125xi32, #tpu.memory_space<vmem>> -> memref<125xi32, #tpu.memory_space<vmem>>
    %dma_wait3A_87 = arith.constant 0 : i32
    %dma_wait3A_88 = arith.constant 0 : i32
    %dma_wait3A_89 = tpu.memref_slice %arg2[%dma_wait3A_87, %dma_wait3A_88] : memref<10000x64xf32, #tpu.memory_space<hbm>> -> memref<10000x64xf32, #tpu.memory_space<hbm>>
    tpu.wait_indirect_dma semaphore(%arg15 : memref<!tpu.dma_semaphore, #tpu.memory_space<semaphore_mem>>) src(%dma_wait3A_89 : memref<10000x64xf32, #tpu.memory_space<hbm>>) dst(%arg9 : memref<125x64xf32, #tpu.memory_space<vmem>>)
    %dma_start3A_90 = arith.constant 78 : i32
    %dma_start3A_91 = arith.constant 0 : i32
    %dma_start3A_92 = tpu.memref_slice %arg6[%dma_start3A_90, %dma_start3A_91] : memref<80x125xi32, #tpu.memory_space<vmem>> -> memref<1x125xi32, #tpu.memory_space<vmem>>
    %dma_start3A_93 = tpu.memref_squeeze %dma_start3A_92 : memref<1x125xi32, #tpu.memory_space<vmem>> -> memref<125xi32, #tpu.memory_space<vmem>>
    %dma_start3A_94 = arith.constant 0 : i32
    %dma_start3A_95 = arith.constant 0 : i32
    %dma_start3A_96 = tpu.memref_slice %arg12[%dma_start3A_94, %dma_start3A_95] : memref<10112x64xf32, #tpu.memory_space<vmem_shared>> -> memref<10112x64xf32, #tpu.memory_space<vmem_shared>>
    tpu.enqueue_indirect_dma source(%arg9 : memref<125x64xf32, #tpu.memory_space<vmem>>) target(%dma_start3A_96 : memref<10112x64xf32, #tpu.memory_space<vmem_shared>>) offsets(%dma_start3A_93 : memref<125xi32, #tpu.memory_space<vmem>>) semaphore(%arg19 : memref<!tpu.dma_semaphore, #tpu.memory_space<semaphore_mem>>) {add = true}
    %dma_wait3A_97 = arith.constant 79 : i32
    %dma_wait3A_98 = arith.constant 0 : i32
    %dma_wait3A_99 = tpu.memref_slice %arg5[%dma_wait3A_97, %dma_wait3A_98] : memref<80x125xi32, #tpu.memory_space<vmem>> -> memref<1x125xi32, #tpu.memory_space<vmem>>
    %dma_wait3A_100 = tpu.memref_squeeze %dma_wait3A_99 : memref<1x125xi32, #tpu.memory_space<vmem>> -> memref<125xi32, #tpu.memory_space<vmem>>
    %dma_wait3A_101 = arith.constant 0 : i32
    %dma_wait3A_102 = arith.constant 0 : i32
    %dma_wait3A_103 = tpu.memref_slice %arg2[%dma_wait3A_101, %dma_wait3A_102] : memref<10000x64xf32, #tpu.memory_space<hbm>> -> memref<10000x64xf32, #tpu.memory_space<hbm>>
    tpu.wait_indirect_dma semaphore(%arg16 : memref<!tpu.dma_semaphore, #tpu.memory_space<semaphore_mem>>) src(%dma_wait3A_103 : memref<10000x64xf32, #tpu.memory_space<hbm>>) dst(%arg10 : memref<125x64xf32, #tpu.memory_space<vmem>>)
    %dma_start3A_104 = arith.constant 79 : i32
    %dma_start3A_105 = arith.constant 0 : i32
    %dma_start3A_106 = tpu.memref_slice %arg6[%dma_start3A_104, %dma_start3A_105] : memref<80x125xi32, #tpu.memory_space<vmem>> -> memref<1x125xi32, #tpu.memory_space<vmem>>
    %dma_start3A_107 = tpu.memref_squeeze %dma_start3A_106 : memref<1x125xi32, #tpu.memory_space<vmem>> -> memref<125xi32, #tpu.memory_space<vmem>>
    %dma_start3A_108 = arith.constant 0 : i32
    %dma_start3A_109 = arith.constant 0 : i32
    %dma_start3A_110 = tpu.memref_slice %arg12[%dma_start3A_108, %dma_start3A_109] : memref<10112x64xf32, #tpu.memory_space<vmem_shared>> -> memref<10112x64xf32, #tpu.memory_space<vmem_shared>>
    tpu.enqueue_indirect_dma source(%arg10 : memref<125x64xf32, #tpu.memory_space<vmem>>) target(%dma_start3A_110 : memref<10112x64xf32, #tpu.memory_space<vmem_shared>>) offsets(%dma_start3A_107 : memref<125xi32, #tpu.memory_space<vmem>>) semaphore(%arg20 : memref<!tpu.dma_semaphore, #tpu.memory_space<semaphore_mem>>) {add = true}
    %dma_wait3A_111 = arith.constant 76 : i32
    %dma_wait3A_112 = arith.constant 0 : i32
    %dma_wait3A_113 = tpu.memref_slice %arg6[%dma_wait3A_111, %dma_wait3A_112] : memref<80x125xi32, #tpu.memory_space<vmem>> -> memref<1x125xi32, #tpu.memory_space<vmem>>
    %dma_wait3A_114 = tpu.memref_squeeze %dma_wait3A_113 : memref<1x125xi32, #tpu.memory_space<vmem>> -> memref<125xi32, #tpu.memory_space<vmem>>
    %dma_wait3A_115 = arith.constant 0 : i32
    %dma_wait3A_116 = arith.constant 0 : i32
    %dma_wait3A_117 = tpu.memref_slice %arg12[%dma_wait3A_115, %dma_wait3A_116] : memref<10112x64xf32, #tpu.memory_space<vmem_shared>> -> memref<10112x64xf32, #tpu.memory_space<vmem_shared>>
    tpu.wait_indirect_dma semaphore(%arg17 : memref<!tpu.dma_semaphore, #tpu.memory_space<semaphore_mem>>) src(%arg7 : memref<125x64xf32, #tpu.memory_space<vmem>>) dst(%dma_wait3A_117 : memref<10112x64xf32, #tpu.memory_space<vmem_shared>>)
    %dma_wait3A_118 = arith.constant 77 : i32
    %dma_wait3A_119 = arith.constant 0 : i32
    %dma_wait3A_120 = tpu.memref_slice %arg6[%dma_wait3A_118, %dma_wait3A_119] : memref<80x125xi32, #tpu.memory_space<vmem>> -> memref<1x125xi32, #tpu.memory_space<vmem>>
    %dma_wait3A_121 = tpu.memref_squeeze %dma_wait3A_120 : memref<1x125xi32, #tpu.memory_space<vmem>> -> memref<125xi32, #tpu.memory_space<vmem>>
    %dma_wait3A_122 = arith.constant 0 : i32
    %dma_wait3A_123 = arith.constant 0 : i32
    %dma_wait3A_124 = tpu.memref_slice %arg12[%dma_wait3A_122, %dma_wait3A_123] : memref<10112x64xf32, #tpu.memory_space<vmem_shared>> -> memref<10112x64xf32, #tpu.memory_space<vmem_shared>>
    tpu.wait_indirect_dma semaphore(%arg18 : memref<!tpu.dma_semaphore, #tpu.memory_space<semaphore_mem>>) src(%arg8 : memref<125x64xf32, #tpu.memory_space<vmem>>) dst(%dma_wait3A_124 : memref<10112x64xf32, #tpu.memory_space<vmem_shared>>)
    %dma_wait3A_125 = arith.constant 78 : i32
    %dma_wait3A_126 = arith.constant 0 : i32
    %dma_wait3A_127 = tpu.memref_slice %arg6[%dma_wait3A_125, %dma_wait3A_126] : memref<80x125xi32, #tpu.memory_space<vmem>> -> memref<1x125xi32, #tpu.memory_space<vmem>>
    %dma_wait3A_128 = tpu.memref_squeeze %dma_wait3A_127 : memref<1x125xi32, #tpu.memory_space<vmem>> -> memref<125xi32, #tpu.memory_space<vmem>>
    %dma_wait3A_129 = arith.constant 0 : i32
    %dma_wait3A_130 = arith.constant 0 : i32
    %dma_wait3A_131 = tpu.memref_slice %arg12[%dma_wait3A_129, %dma_wait3A_130] : memref<10112x64xf32, #tpu.memory_space<vmem_shared>> -> memref<10112x64xf32, #tpu.memory_space<vmem_shared>>
    tpu.wait_indirect_dma semaphore(%arg19 : memref<!tpu.dma_semaphore, #tpu.memory_space<semaphore_mem>>) src(%arg9 : memref<125x64xf32, #tpu.memory_space<vmem>>) dst(%dma_wait3A_131 : memref<10112x64xf32, #tpu.memory_space<vmem_shared>>)
    %dma_wait3A_132 = arith.constant 79 : i32
    %dma_wait3A_133 = arith.constant 0 : i32
    %dma_wait3A_134 = tpu.memref_slice %arg6[%dma_wait3A_132, %dma_wait3A_133] : memref<80x125xi32, #tpu.memory_space<vmem>> -> memref<1x125xi32, #tpu.memory_space<vmem>>
    %dma_wait3A_135 = tpu.memref_squeeze %dma_wait3A_134 : memref<1x125xi32, #tpu.memory_space<vmem>> -> memref<125xi32, #tpu.memory_space<vmem>>
    %dma_wait3A_136 = arith.constant 0 : i32
    %dma_wait3A_137 = arith.constant 0 : i32
    %dma_wait3A_138 = tpu.memref_slice %arg12[%dma_wait3A_136, %dma_wait3A_137] : memref<10112x64xf32, #tpu.memory_space<vmem_shared>> -> memref<10112x64xf32, #tpu.memory_space<vmem_shared>>
    tpu.wait_indirect_dma semaphore(%arg20 : memref<!tpu.dma_semaphore, #tpu.memory_space<semaphore_mem>>) src(%arg10 : memref<125x64xf32, #tpu.memory_space<vmem>>) dst(%dma_wait3A_138 : memref<10112x64xf32, #tpu.memory_space<vmem_shared>>)
    %barrier3A_139 = arith.constant 0 : index
    tpu.barrier barrier_id(%barrier3A_139)
    %mul3A_140 = arith.constant 632 : i32
    %mul3A_141 = arith.muli %arg1, %mul3A_140 : i32
    "tpu.region"() ({
      %run_scoped3A_142 = tpu.sem_alloc : memref<!tpu.dma_semaphore, #tpu.memory_space<semaphore_mem>>
      %dma_start3A_143 = arith.constant 0 : i32
      %dma_start3A_144 = arith.constant 0 : i32
      %dma_start3A_145 = tpu.memref_slice %arg4[%arg0, %dma_start3A_143, %dma_start3A_144] : memref<2x10112x64xf32, #tpu.memory_space<hbm>> -> memref<1x10112x64xf32, #tpu.memory_space<hbm>>
      %dma_start3A_146 = tpu.memref_squeeze %dma_start3A_145 : memref<1x10112x64xf32, #tpu.memory_space<hbm>> -> memref<10112x64xf32, #tpu.memory_space<hbm>>
      %dma_start3A_147 = arith.constant 0 : i32
      %dma_start3A_148 = tpu.memref_slice %dma_start3A_146[%mul3A_141, %dma_start3A_147] : memref<10112x64xf32, #tpu.memory_space<hbm>> -> memref<632x64xf32, #tpu.memory_space<hbm>>
      %dma_start3A_149 = arith.constant 0 : i32
      %dma_start3A_150 = tpu.memref_slice %arg12[%mul3A_141, %dma_start3A_149] : memref<10112x64xf32, #tpu.memory_space<vmem_shared>> -> memref<632x64xf32, #tpu.memory_space<vmem_shared>>
      tpu.enqueue_dma source(%dma_start3A_150 : memref<632x64xf32, #tpu.memory_space<vmem_shared>>) target(%dma_start3A_148 : memref<632x64xf32, #tpu.memory_space<hbm>>) target_semaphore(%run_scoped3A_142 : memref<!tpu.dma_semaphore, #tpu.memory_space<semaphore_mem>>)
      %dma_wait3A_151 = arith.constant 0 : i32
      %dma_wait3A_152 = arith.constant 0 : i32
      %dma_wait3A_153 = tpu.memref_slice %arg4[%arg0, %dma_wait3A_151, %dma_wait3A_152] : memref<2x10112x64xf32, #tpu.memory_space<hbm>> -> memref<1x10112x64xf32, #tpu.memory_space<hbm>>
      %dma_wait3A_154 = tpu.memref_squeeze %dma_wait3A_153 : memref<1x10112x64xf32, #tpu.memory_space<hbm>> -> memref<10112x64xf32, #tpu.memory_space<hbm>>
      %dma_wait3A_155 = arith.constant 0 : i32
      %dma_wait3A_156 = tpu.memref_slice %dma_wait3A_154[%mul3A_141, %dma_wait3A_155] : memref<10112x64xf32, #tpu.memory_space<hbm>> -> memref<632x64xf32, #tpu.memory_space<hbm>>
      %dma_wait3A_157 = arith.constant 0 : i32
      %dma_wait3A_158 = tpu.memref_slice %arg12[%mul3A_141, %dma_wait3A_157] : memref<10112x64xf32, #tpu.memory_space<vmem_shared>> -> memref<632x64xf32, #tpu.memory_space<vmem_shared>>
      tpu.wait_dma2 semaphore(%run_scoped3A_142 : memref<!tpu.dma_semaphore, #tpu.memory_space<semaphore_mem>>) src(%dma_wait3A_158 : memref<632x64xf32, #tpu.memory_space<vmem_shared>>) dst(%dma_wait3A_156 : memref<632x64xf32, #tpu.memory_space<hbm>>)
      tpu.yield
    }) : () -> ()
    return
  }
}

module attributes {stable_mosaic.version = 14 : i64} {
  func.func @_tc_in_body(%arg0: i32, %arg1: memref<2000x128xf32, #tpu.memory_space<vmem>>, %arg2: memref<128x128xf32, #tpu.memory_space<vmem>>, %arg3: memref<128x128xf32, #tpu.memory_space<vmem>>, %arg4: memref<1x128xf32, #tpu.memory_space<vmem>>, %arg5: memref<2000x64xf32, #tpu.memory_space<vmem>>, %arg6: memref<2000x64xf32, #tpu.memory_space<vmem>>, %arg7: memref<2000x128xf32, #tpu.memory_space<vmem>>) attributes {dimension_semantics = [#tpu.dimension_semantics<arbitrary>], iteration_bounds = array<i64: 5>, scalar_prefetch = 0 : i64, scratch_operands = 0 : i64, tpu.core_type = #tpu.core_type<tc>, window_params = [{transform_indices = @transform_0, window_bounds = array<i64: 2000, 128>}, {pipeline_mode = #tpu.pipeline_mode<synchronous>, transform_indices = @transform_1, window_bounds = array<i64: 128, 128>}, {pipeline_mode = #tpu.pipeline_mode<synchronous>, transform_indices = @transform_2, window_bounds = array<i64: 128, 128>}, {pipeline_mode = #tpu.pipeline_mode<synchronous>, transform_indices = @transform_3, window_bounds = array<i64: 1, 128>}, {transform_indices = @transform_4, window_bounds = array<i64: 2000, 64>}, {transform_indices = @transform_5, window_bounds = array<i64: 2000, 64>}, {transform_indices = @transform_6, window_bounds = array<i64: 2000, 128>}]} {
    %get3A = arith.constant 0 : index
    %get3A_0 = arith.constant 0 : index
    %get3A_1 = vector.load %arg1[%get3A, %get3A_0] : memref<2000x128xf32, #tpu.memory_space<vmem>>, vector<2000x128xf32>
    %get3A_2 = arith.constant 0 : index
    %get3A_3 = arith.constant 0 : index
    %get3A_4 = vector.load %arg2[%get3A_2, %get3A_3] : memref<128x128xf32, #tpu.memory_space<vmem>>, vector<128x128xf32>
    %dot_general3A = arith.constant dense<0.000000e+00> : vector<2000x128xf32>
    %dot_general3A_5 = tpu.matmul %get3A_1, %get3A_4, %dot_general3A {dimension_numbers = #tpu.dot_dimension_numbers<[1], [0], [0], [1], [0, 0, 1, 1], [], []>, transpose_lhs_hint = false} : vector<2000x128xf32>, vector<128x128xf32>, vector<2000x128xf32> -> vector<2000x128xf32>
    %slice3A = vector.extract_strided_slice %dot_general3A_5 {offsets = [0, 0], sizes = [2000, 64], strides = [1, 1]} : vector<2000x128xf32> to vector<2000x64xf32>
    %swap3A = arith.constant 0 : index
    %swap3A_6 = arith.constant 0 : index
    %swap3A_7 = vector.load %arg5[%swap3A, %swap3A_6] : memref<2000x64xf32, #tpu.memory_space<vmem>>, vector<2000x64xf32>
    tpu.vector_store %arg5[%swap3A, %swap3A_6], %slice3A {strides = array<i32>} : memref<2000x64xf32, #tpu.memory_space<vmem>>, vector<2000x64xf32>,
    %slice3A_8 = vector.extract_strided_slice %dot_general3A_5 {offsets = [0, 64], sizes = [2000, 64], strides = [1, 1]} : vector<2000x128xf32> to vector<2000x64xf32>
    %swap3A_9 = arith.constant 0 : index
    %swap3A_10 = arith.constant 0 : index
    %swap3A_11 = vector.load %arg6[%swap3A_9, %swap3A_10] : memref<2000x64xf32, #tpu.memory_space<vmem>>, vector<2000x64xf32>
    tpu.vector_store %arg6[%swap3A_9, %swap3A_10], %slice3A_8 {strides = array<i32>} : memref<2000x64xf32, #tpu.memory_space<vmem>>, vector<2000x64xf32>,
    %get3A_12 = arith.constant 0 : index
    %get3A_13 = arith.constant 0 : index
    %get3A_14 = vector.load %arg3[%get3A_12, %get3A_13] : memref<128x128xf32, #tpu.memory_space<vmem>>, vector<128x128xf32>
    %dot_general3A_15 = arith.constant dense<0.000000e+00> : vector<2000x128xf32>
    %dot_general3A_16 = tpu.matmul %get3A_1, %get3A_14, %dot_general3A_15 {dimension_numbers = #tpu.dot_dimension_numbers<[1], [0], [0], [1], [0, 0, 1, 1], [], []>, transpose_lhs_hint = false} : vector<2000x128xf32>, vector<128x128xf32>, vector<2000x128xf32> -> vector<2000x128xf32>
    %get3A_17 = arith.constant 0 : index
    %get3A_18 = arith.constant 0 : index
    %get3A_19 = vector.load %arg4[%get3A_17, %get3A_18] : memref<1x128xf32, #tpu.memory_space<vmem>>, vector<1x128xf32>
    %add3A = vector.broadcast %get3A_19 : vector<1x128xf32> to vector<2000x128xf32>
    %add3A_20 = arith.addf %dot_general3A_16, %add3A : vector<2000x128xf32>
    %swap3A_21 = arith.constant 0 : index
    %swap3A_22 = arith.constant 0 : index
    %swap3A_23 = vector.load %arg7[%swap3A_21, %swap3A_22] : memref<2000x128xf32, #tpu.memory_space<vmem>>, vector<2000x128xf32>
    tpu.vector_store %arg7[%swap3A_21, %swap3A_22], %add3A_20 {strides = array<i32>} : memref<2000x128xf32, #tpu.memory_space<vmem>>, vector<2000x128xf32>,
    return
  }
  func.func @transform_0(%arg0: i32) -> (i32, i32) {
    %c0_i32 = arith.constant 0 : i32
    %c0_i32_0 = arith.constant 0 : i32
    return %arg0, %c0_i32 : i32, i32
  }
  func.func @transform_1(%arg0: i32) -> (i32, i32) {
    %c0_i32 = arith.constant 0 : i32
    %c0_i32_0 = arith.constant 0 : i32
    %c0_i32_1 = arith.constant 0 : i32
    return %c0_i32, %c0_i32_0 : i32, i32
  }
  func.func @transform_2(%arg0: i32) -> (i32, i32) {
    %c0_i32 = arith.constant 0 : i32
    %c0_i32_0 = arith.constant 0 : i32
    %c0_i32_1 = arith.constant 0 : i32
    return %c0_i32, %c0_i32_0 : i32, i32
  }
  func.func @transform_3(%arg0: i32) -> (i32, i32) {
    %c0_i32 = arith.constant 0 : i32
    %c0_i32_0 = arith.constant 0 : i32
    %c0_i32_1 = arith.constant 0 : i32
    return %c0_i32, %c0_i32_0 : i32, i32
  }
  func.func @transform_4(%arg0: i32) -> (i32, i32) {
    %c0_i32 = arith.constant 0 : i32
    %c0_i32_0 = arith.constant 0 : i32
    return %arg0, %c0_i32 : i32, i32
  }
  func.func @transform_5(%arg0: i32) -> (i32, i32) {
    %c0_i32 = arith.constant 0 : i32
    %c0_i32_0 = arith.constant 0 : i32
    return %arg0, %c0_i32 : i32, i32
  }
  func.func @transform_6(%arg0: i32) -> (i32, i32) {
    %c0_i32 = arith.constant 0 : i32
    %c0_i32_0 = arith.constant 0 : i32
    return %arg0, %c0_i32 : i32, i32
  }
}

module attributes {stable_mosaic.version = 14 : i64} {
  func.func @_tc_mid_body(%arg0: i32, %arg1: memref<2x2000x64xf32, #tpu.memory_space<vmem>>, %arg2: memref<2x2000x64xf32, #tpu.memory_space<vmem>>, %arg3: memref<2x2000x16xf32, #tpu.memory_space<vmem>>, %arg4: memref<2000x128xf32, #tpu.memory_space<vmem>>, %arg5: memref<128x128xf32, #tpu.memory_space<vmem>>, %arg6: memref<128x128xf32, #tpu.memory_space<vmem>>, %arg7: memref<1x128xf32, #tpu.memory_space<vmem>>, %arg8: memref<2000x64xf32, #tpu.memory_space<vmem>>, %arg9: memref<2000x64xf32, #tpu.memory_space<vmem>>, %arg10: memref<2000x128xf32, #tpu.memory_space<vmem>>) attributes {dimension_semantics = [#tpu.dimension_semantics<arbitrary>], iteration_bounds = array<i64: 5>, scalar_prefetch = 0 : i64, scratch_operands = 0 : i64, tpu.core_type = #tpu.core_type<tc>, window_params = [{transform_indices = @transform_0, window_bounds = array<i64: 2, 2000, 64>}, {transform_indices = @transform_1, window_bounds = array<i64: 2, 2000, 64>}, {transform_indices = @transform_2, window_bounds = array<i64: 2, 2000, 16>}, {transform_indices = @transform_3, window_bounds = array<i64: 2000, 128>}, {pipeline_mode = #tpu.pipeline_mode<synchronous>, transform_indices = @transform_4, window_bounds = array<i64: 128, 128>}, {pipeline_mode = #tpu.pipeline_mode<synchronous>, transform_indices = @transform_5, window_bounds = array<i64: 128, 128>}, {pipeline_mode = #tpu.pipeline_mode<synchronous>, transform_indices = @transform_6, window_bounds = array<i64: 1, 128>}, {transform_indices = @transform_7, window_bounds = array<i64: 2000, 64>}, {transform_indices = @transform_8, window_bounds = array<i64: 2000, 64>}, {transform_indices = @transform_9, window_bounds = array<i64: 2000, 128>}]} {
    %get3A = arith.constant 0 : index
    %get3A_0 = arith.constant 0 : index
    %get3A_1 = arith.constant 0 : index
    %get3A_2 = vector.load %arg1[%get3A, %get3A_0, %get3A_1] : memref<2x2000x64xf32, #tpu.memory_space<vmem>>, vector<1x2000x64xf32>
    %get3A_3 = vector.shape_cast %get3A_2 : vector<1x2000x64xf32> to vector<2000x64xf32>
    %get3A_4 = arith.constant 1 : index
    %get3A_5 = arith.constant 0 : index
    %get3A_6 = arith.constant 0 : index
    %get3A_7 = vector.load %arg1[%get3A_4, %get3A_5, %get3A_6] : memref<2x2000x64xf32, #tpu.memory_space<vmem>>, vector<1x2000x64xf32>
    %get3A_8 = vector.shape_cast %get3A_7 : vector<1x2000x64xf32> to vector<2000x64xf32>
    %add3A = arith.addf %get3A_3, %get3A_8 : vector<2000x64xf32>
    %get3A_9 = arith.constant 0 : index
    %get3A_10 = arith.constant 0 : index
    %get3A_11 = arith.constant 0 : index
    %get3A_12 = vector.load %arg2[%get3A_9, %get3A_10, %get3A_11] : memref<2x2000x64xf32, #tpu.memory_space<vmem>>, vector<1x2000x64xf32>
    %get3A_13 = vector.shape_cast %get3A_12 : vector<1x2000x64xf32> to vector<2000x64xf32>
    %get3A_14 = arith.constant 1 : index
    %get3A_15 = arith.constant 0 : index
    %get3A_16 = arith.constant 0 : index
    %get3A_17 = vector.load %arg2[%get3A_14, %get3A_15, %get3A_16] : memref<2x2000x64xf32, #tpu.memory_space<vmem>>, vector<1x2000x64xf32>
    %get3A_18 = vector.shape_cast %get3A_17 : vector<1x2000x64xf32> to vector<2000x64xf32>
    %add3A_19 = arith.addf %get3A_13, %get3A_18 : vector<2000x64xf32>
    %concatenate3A = tpu.concatenate %add3A, %add3A_19 in 1 : vector<2000x64xf32>, vector<2000x64xf32> -> vector<2000x128xf32>
    %get3A_20 = arith.constant 0 : index
    %get3A_21 = arith.constant 0 : index
    %get3A_22 = arith.constant 0 : index
    %get3A_23 = vector.load %arg3[%get3A_20, %get3A_21, %get3A_22] : memref<2x2000x16xf32, #tpu.memory_space<vmem>>, vector<1x2000x1xf32>
    %get3A_24 = vector.shape_cast %get3A_23 : vector<1x2000x1xf32> to vector<2000x1xf32>
    %get3A_25 = arith.constant 1 : index
    %get3A_26 = arith.constant 0 : index
    %get3A_27 = arith.constant 0 : index
    %get3A_28 = vector.load %arg3[%get3A_25, %get3A_26, %get3A_27] : memref<2x2000x16xf32, #tpu.memory_space<vmem>>, vector<1x2000x1xf32>
    %get3A_29 = vector.shape_cast %get3A_28 : vector<1x2000x1xf32> to vector<2000x1xf32>
    %add3A_30 = arith.addf %get3A_24, %get3A_29 : vector<2000x1xf32>
    %max3A = arith.constant 1.000000e+00 : f32
    %max3A_31 = vector.broadcast %max3A : f32 to vector<2000x1xf32>
    %max3A_32 = arith.maximumf %add3A_30, %max3A_31 : vector<2000x1xf32>
    %div3A = vector.broadcast %max3A_32 : vector<2000x1xf32> to vector<2000x128xf32>
    %div3A_33 = arith.divf %concatenate3A, %div3A : vector<2000x128xf32>
    %get3A_34 = arith.constant 0 : index
    %get3A_35 = arith.constant 0 : index
    %get3A_36 = vector.load %arg4[%get3A_34, %get3A_35] : memref<2000x128xf32, #tpu.memory_space<vmem>>, vector<2000x128xf32>
    %add3A_37 = arith.addf %div3A_33, %get3A_36 : vector<2000x128xf32>
    %max3A_38 = arith.constant 0.000000e+00 : f32
    %max3A_39 = vector.broadcast %max3A_38 : f32 to vector<2000x128xf32>
    %max3A_40 = arith.maximumf %add3A_37, %max3A_39 : vector<2000x128xf32>
    %get3A_41 = arith.constant 0 : index
    %get3A_42 = arith.constant 0 : index
    %get3A_43 = vector.load %arg5[%get3A_41, %get3A_42] : memref<128x128xf32, #tpu.memory_space<vmem>>, vector<128x128xf32>
    %dot_general3A = arith.constant dense<0.000000e+00> : vector<2000x128xf32>
    %dot_general3A_44 = tpu.matmul %max3A_40, %get3A_43, %dot_general3A {dimension_numbers = #tpu.dot_dimension_numbers<[1], [0], [0], [1], [0, 0, 1, 1], [], []>, transpose_lhs_hint = false} : vector<2000x128xf32>, vector<128x128xf32>, vector<2000x128xf32> -> vector<2000x128xf32>
    %slice3A = vector.extract_strided_slice %dot_general3A_44 {offsets = [0, 0], sizes = [2000, 64], strides = [1, 1]} : vector<2000x128xf32> to vector<2000x64xf32>
    %swap3A = arith.constant 0 : index
    %swap3A_45 = arith.constant 0 : index
    %swap3A_46 = vector.load %arg8[%swap3A, %swap3A_45] : memref<2000x64xf32, #tpu.memory_space<vmem>>, vector<2000x64xf32>
    tpu.vector_store %arg8[%swap3A, %swap3A_45], %slice3A {strides = array<i32>} : memref<2000x64xf32, #tpu.memory_space<vmem>>, vector<2000x64xf32>,
    %slice3A_47 = vector.extract_strided_slice %dot_general3A_44 {offsets = [0, 64], sizes = [2000, 64], strides = [1, 1]} : vector<2000x128xf32> to vector<2000x64xf32>
    %swap3A_48 = arith.constant 0 : index
    %swap3A_49 = arith.constant 0 : index
    %swap3A_50 = vector.load %arg9[%swap3A_48, %swap3A_49] : memref<2000x64xf32, #tpu.memory_space<vmem>>, vector<2000x64xf32>
    tpu.vector_store %arg9[%swap3A_48, %swap3A_49], %slice3A_47 {strides = array<i32>} : memref<2000x64xf32, #tpu.memory_space<vmem>>, vector<2000x64xf32>,
    %get3A_51 = arith.constant 0 : index
    %get3A_52 = arith.constant 0 : index
    %get3A_53 = vector.load %arg6[%get3A_51, %get3A_52] : memref<128x128xf32, #tpu.memory_space<vmem>>, vector<128x128xf32>
    %dot_general3A_54 = arith.constant dense<0.000000e+00> : vector<2000x128xf32>
    %dot_general3A_55 = tpu.matmul %max3A_40, %get3A_53, %dot_general3A_54 {dimension_numbers = #tpu.dot_dimension_numbers<[1], [0], [0], [1], [0, 0, 1, 1], [], []>, transpose_lhs_hint = false} : vector<2000x128xf32>, vector<128x128xf32>, vector<2000x128xf32> -> vector<2000x128xf32>
    %get3A_56 = arith.constant 0 : index
    %get3A_57 = arith.constant 0 : index
    %get3A_58 = vector.load %arg7[%get3A_56, %get3A_57] : memref<1x128xf32, #tpu.memory_space<vmem>>, vector<1x128xf32>
    %add3A_59 = vector.broadcast %get3A_58 : vector<1x128xf32> to vector<2000x128xf32>
    %add3A_60 = arith.addf %dot_general3A_55, %add3A_59 : vector<2000x128xf32>
    %swap3A_61 = arith.constant 0 : index
    %swap3A_62 = arith.constant 0 : index
    %swap3A_63 = vector.load %arg10[%swap3A_61, %swap3A_62] : memref<2000x128xf32, #tpu.memory_space<vmem>>, vector<2000x128xf32>
    tpu.vector_store %arg10[%swap3A_61, %swap3A_62], %add3A_60 {strides = array<i32>} : memref<2000x128xf32, #tpu.memory_space<vmem>>, vector<2000x128xf32>,
    return
  }
  func.func @transform_0(%arg0: i32) -> (i32, i32, i32) {
    %c0_i32 = arith.constant 0 : i32
    %c0_i32_0 = arith.constant 0 : i32
    %c0_i32_1 = arith.constant 0 : i32
    return %c0_i32, %arg0, %c0_i32_0 : i32, i32, i32
  }
  func.func @transform_1(%arg0: i32) -> (i32, i32, i32) {
    %c0_i32 = arith.constant 0 : i32
    %c0_i32_0 = arith.constant 0 : i32
    %c0_i32_1 = arith.constant 0 : i32
    return %c0_i32, %arg0, %c0_i32_0 : i32, i32, i32
  }
  func.func @transform_2(%arg0: i32) -> (i32, i32, i32) {
    %c0_i32 = arith.constant 0 : i32
    %c0_i32_0 = arith.constant 0 : i32
    %c0_i32_1 = arith.constant 0 : i32
    return %c0_i32, %arg0, %c0_i32_0 : i32, i32, i32
  }
  func.func @transform_3(%arg0: i32) -> (i32, i32) {
    %c0_i32 = arith.constant 0 : i32
    %c0_i32_0 = arith.constant 0 : i32
    return %arg0, %c0_i32 : i32, i32
  }
  func.func @transform_4(%arg0: i32) -> (i32, i32) {
    %c0_i32 = arith.constant 0 : i32
    %c0_i32_0 = arith.constant 0 : i32
    %c0_i32_1 = arith.constant 0 : i32
    return %c0_i32, %c0_i32_0 : i32, i32
  }
  func.func @transform_5(%arg0: i32) -> (i32, i32) {
    %c0_i32 = arith.constant 0 : i32
    %c0_i32_0 = arith.constant 0 : i32
    %c0_i32_1 = arith.constant 0 : i32
    return %c0_i32, %c0_i32_0 : i32, i32
  }
  func.func @transform_6(%arg0: i32) -> (i32, i32) {
    %c0_i32 = arith.constant 0 : i32
    %c0_i32_0 = arith.constant 0 : i32
    %c0_i32_1 = arith.constant 0 : i32
    return %c0_i32, %c0_i32_0 : i32, i32
  }
  func.func @transform_7(%arg0: i32) -> (i32, i32) {
    %c0_i32 = arith.constant 0 : i32
    %c0_i32_0 = arith.constant 0 : i32
    return %arg0, %c0_i32 : i32, i32
  }
  func.func @transform_8(%arg0: i32) -> (i32, i32) {
    %c0_i32 = arith.constant 0 : i32
    %c0_i32_0 = arith.constant 0 : i32
    return %arg0, %c0_i32 : i32, i32
  }
  func.func @transform_9(%arg0: i32) -> (i32, i32) {
    %c0_i32 = arith.constant 0 : i32
    %c0_i32_0 = arith.constant 0 : i32
    return %arg0, %c0_i32 : i32, i32
  }
}

module attributes {stable_mosaic.version = 14 : i64} {
  func.func @_tc_mid_body(%arg0: i32, %arg1: memref<2x2000x64xf32, #tpu.memory_space<vmem>>, %arg2: memref<2x2000x64xf32, #tpu.memory_space<vmem>>, %arg3: memref<2x2000x16xf32, #tpu.memory_space<vmem>>, %arg4: memref<2000x128xf32, #tpu.memory_space<vmem>>, %arg5: memref<128x64xf32, #tpu.memory_space<vmem>>, %arg6: memref<128x64xf32, #tpu.memory_space<vmem>>, %arg7: memref<1x64xf32, #tpu.memory_space<vmem>>, %arg8: memref<2000x64xf32, #tpu.memory_space<vmem>>, %arg9: memref<2000x64xf32, #tpu.memory_space<vmem>>) attributes {dimension_semantics = [#tpu.dimension_semantics<arbitrary>], iteration_bounds = array<i64: 5>, scalar_prefetch = 0 : i64, scratch_operands = 0 : i64, tpu.core_type = #tpu.core_type<tc>, window_params = [{transform_indices = @transform_0, window_bounds = array<i64: 2, 2000, 64>}, {transform_indices = @transform_1, window_bounds = array<i64: 2, 2000, 64>}, {transform_indices = @transform_2, window_bounds = array<i64: 2, 2000, 16>}, {transform_indices = @transform_3, window_bounds = array<i64: 2000, 128>}, {pipeline_mode = #tpu.pipeline_mode<synchronous>, transform_indices = @transform_4, window_bounds = array<i64: 128, 64>}, {pipeline_mode = #tpu.pipeline_mode<synchronous>, transform_indices = @transform_5, window_bounds = array<i64: 128, 64>}, {pipeline_mode = #tpu.pipeline_mode<synchronous>, transform_indices = @transform_6, window_bounds = array<i64: 1, 64>}, {transform_indices = @transform_7, window_bounds = array<i64: 2000, 64>}, {transform_indices = @transform_8, window_bounds = array<i64: 2000, 64>}]} {
    %get3A = arith.constant 0 : index
    %get3A_0 = arith.constant 0 : index
    %get3A_1 = arith.constant 0 : index
    %get3A_2 = vector.load %arg1[%get3A, %get3A_0, %get3A_1] : memref<2x2000x64xf32, #tpu.memory_space<vmem>>, vector<1x2000x64xf32>
    %get3A_3 = vector.shape_cast %get3A_2 : vector<1x2000x64xf32> to vector<2000x64xf32>
    %get3A_4 = arith.constant 1 : index
    %get3A_5 = arith.constant 0 : index
    %get3A_6 = arith.constant 0 : index
    %get3A_7 = vector.load %arg1[%get3A_4, %get3A_5, %get3A_6] : memref<2x2000x64xf32, #tpu.memory_space<vmem>>, vector<1x2000x64xf32>
    %get3A_8 = vector.shape_cast %get3A_7 : vector<1x2000x64xf32> to vector<2000x64xf32>
    %add3A = arith.addf %get3A_3, %get3A_8 : vector<2000x64xf32>
    %get3A_9 = arith.constant 0 : index
    %get3A_10 = arith.constant 0 : index
    %get3A_11 = arith.constant 0 : index
    %get3A_12 = vector.load %arg2[%get3A_9, %get3A_10, %get3A_11] : memref<2x2000x64xf32, #tpu.memory_space<vmem>>, vector<1x2000x64xf32>
    %get3A_13 = vector.shape_cast %get3A_12 : vector<1x2000x64xf32> to vector<2000x64xf32>
    %get3A_14 = arith.constant 1 : index
    %get3A_15 = arith.constant 0 : index
    %get3A_16 = arith.constant 0 : index
    %get3A_17 = vector.load %arg2[%get3A_14, %get3A_15, %get3A_16] : memref<2x2000x64xf32, #tpu.memory_space<vmem>>, vector<1x2000x64xf32>
    %get3A_18 = vector.shape_cast %get3A_17 : vector<1x2000x64xf32> to vector<2000x64xf32>
    %add3A_19 = arith.addf %get3A_13, %get3A_18 : vector<2000x64xf32>
    %concatenate3A = tpu.concatenate %add3A, %add3A_19 in 1 : vector<2000x64xf32>, vector<2000x64xf32> -> vector<2000x128xf32>
    %get3A_20 = arith.constant 0 : index
    %get3A_21 = arith.constant 0 : index
    %get3A_22 = arith.constant 0 : index
    %get3A_23 = vector.load %arg3[%get3A_20, %get3A_21, %get3A_22] : memref<2x2000x16xf32, #tpu.memory_space<vmem>>, vector<1x2000x1xf32>
    %get3A_24 = vector.shape_cast %get3A_23 : vector<1x2000x1xf32> to vector<2000x1xf32>
    %get3A_25 = arith.constant 1 : index
    %get3A_26 = arith.constant 0 : index
    %get3A_27 = arith.constant 0 : index
    %get3A_28 = vector.load %arg3[%get3A_25, %get3A_26, %get3A_27] : memref<2x2000x16xf32, #tpu.memory_space<vmem>>, vector<1x2000x1xf32>
    %get3A_29 = vector.shape_cast %get3A_28 : vector<1x2000x1xf32> to vector<2000x1xf32>
    %add3A_30 = arith.addf %get3A_24, %get3A_29 : vector<2000x1xf32>
    %max3A = arith.constant 1.000000e+00 : f32
    %max3A_31 = vector.broadcast %max3A : f32 to vector<2000x1xf32>
    %max3A_32 = arith.maximumf %add3A_30, %max3A_31 : vector<2000x1xf32>
    %div3A = vector.broadcast %max3A_32 : vector<2000x1xf32> to vector<2000x128xf32>
    %div3A_33 = arith.divf %concatenate3A, %div3A : vector<2000x128xf32>
    %get3A_34 = arith.constant 0 : index
    %get3A_35 = arith.constant 0 : index
    %get3A_36 = vector.load %arg4[%get3A_34, %get3A_35] : memref<2000x128xf32, #tpu.memory_space<vmem>>, vector<2000x128xf32>
    %add3A_37 = arith.addf %div3A_33, %get3A_36 : vector<2000x128xf32>
    %max3A_38 = arith.constant 0.000000e+00 : f32
    %max3A_39 = vector.broadcast %max3A_38 : f32 to vector<2000x128xf32>
    %max3A_40 = arith.maximumf %add3A_37, %max3A_39 : vector<2000x128xf32>
    %get3A_41 = arith.constant 0 : index
    %get3A_42 = arith.constant 0 : index
    %get3A_43 = vector.load %arg5[%get3A_41, %get3A_42] : memref<128x64xf32, #tpu.memory_space<vmem>>, vector<128x64xf32>
    %dot_general3A = arith.constant dense<0.000000e+00> : vector<2000x64xf32>
    %dot_general3A_44 = tpu.matmul %max3A_40, %get3A_43, %dot_general3A {dimension_numbers = #tpu.dot_dimension_numbers<[1], [0], [0], [1], [0, 0, 1, 1], [], []>, transpose_lhs_hint = false} : vector<2000x128xf32>, vector<128x64xf32>, vector<2000x64xf32> -> vector<2000x64xf32>
    %swap3A = arith.constant 0 : index
    %swap3A_45 = arith.constant 0 : index
    %swap3A_46 = vector.load %arg8[%swap3A, %swap3A_45] : memref<2000x64xf32, #tpu.memory_space<vmem>>, vector<2000x64xf32>
    tpu.vector_store %arg8[%swap3A, %swap3A_45], %dot_general3A_44 {strides = array<i32>} : memref<2000x64xf32, #tpu.memory_space<vmem>>, vector<2000x64xf32>,
    %get3A_47 = arith.constant 0 : index
    %get3A_48 = arith.constant 0 : index
    %get3A_49 = vector.load %arg6[%get3A_47, %get3A_48] : memref<128x64xf32, #tpu.memory_space<vmem>>, vector<128x64xf32>
    %dot_general3A_50 = arith.constant dense<0.000000e+00> : vector<2000x64xf32>
    %dot_general3A_51 = tpu.matmul %max3A_40, %get3A_49, %dot_general3A_50 {dimension_numbers = #tpu.dot_dimension_numbers<[1], [0], [0], [1], [0, 0, 1, 1], [], []>, transpose_lhs_hint = false} : vector<2000x128xf32>, vector<128x64xf32>, vector<2000x64xf32> -> vector<2000x64xf32>
    %get3A_52 = arith.constant 0 : index
    %get3A_53 = arith.constant 0 : index
    %get3A_54 = vector.load %arg7[%get3A_52, %get3A_53] : memref<1x64xf32, #tpu.memory_space<vmem>>, vector<1x64xf32>
    %add3A_55 = vector.broadcast %get3A_54 : vector<1x64xf32> to vector<2000x64xf32>
    %add3A_56 = arith.addf %dot_general3A_51, %add3A_55 : vector<2000x64xf32>
    %swap3A_57 = arith.constant 0 : index
    %swap3A_58 = arith.constant 0 : index
    %swap3A_59 = vector.load %arg9[%swap3A_57, %swap3A_58] : memref<2000x64xf32, #tpu.memory_space<vmem>>, vector<2000x64xf32>
    tpu.vector_store %arg9[%swap3A_57, %swap3A_58], %add3A_56 {strides = array<i32>} : memref<2000x64xf32, #tpu.memory_space<vmem>>, vector<2000x64xf32>,
    return
  }
  func.func @transform_0(%arg0: i32) -> (i32, i32, i32) {
    %c0_i32 = arith.constant 0 : i32
    %c0_i32_0 = arith.constant 0 : i32
    %c0_i32_1 = arith.constant 0 : i32
    return %c0_i32, %arg0, %c0_i32_0 : i32, i32, i32
  }
  func.func @transform_1(%arg0: i32) -> (i32, i32, i32) {
    %c0_i32 = arith.constant 0 : i32
    %c0_i32_0 = arith.constant 0 : i32
    %c0_i32_1 = arith.constant 0 : i32
    return %c0_i32, %arg0, %c0_i32_0 : i32, i32, i32
  }
  func.func @transform_2(%arg0: i32) -> (i32, i32, i32) {
    %c0_i32 = arith.constant 0 : i32
    %c0_i32_0 = arith.constant 0 : i32
    %c0_i32_1 = arith.constant 0 : i32
    return %c0_i32, %arg0, %c0_i32_0 : i32, i32, i32
  }
  func.func @transform_3(%arg0: i32) -> (i32, i32) {
    %c0_i32 = arith.constant 0 : i32
    %c0_i32_0 = arith.constant 0 : i32
    return %arg0, %c0_i32 : i32, i32
  }
  func.func @transform_4(%arg0: i32) -> (i32, i32) {
    %c0_i32 = arith.constant 0 : i32
    %c0_i32_0 = arith.constant 0 : i32
    %c0_i32_1 = arith.constant 0 : i32
    return %c0_i32, %c0_i32_0 : i32, i32
  }
  func.func @transform_5(%arg0: i32) -> (i32, i32) {
    %c0_i32 = arith.constant 0 : i32
    %c0_i32_0 = arith.constant 0 : i32
    %c0_i32_1 = arith.constant 0 : i32
    return %c0_i32, %c0_i32_0 : i32, i32
  }
  func.func @transform_6(%arg0: i32) -> (i32, i32) {
    %c0_i32 = arith.constant 0 : i32
    %c0_i32_0 = arith.constant 0 : i32
    %c0_i32_1 = arith.constant 0 : i32
    return %c0_i32, %c0_i32_0 : i32, i32
  }
  func.func @transform_7(%arg0: i32) -> (i32, i32) {
    %c0_i32 = arith.constant 0 : i32
    %c0_i32_0 = arith.constant 0 : i32
    return %arg0, %c0_i32 : i32, i32
  }
  func.func @transform_8(%arg0: i32) -> (i32, i32) {
    %c0_i32 = arith.constant 0 : i32
    %c0_i32_0 = arith.constant 0 : i32
    return %arg0, %c0_i32 : i32, i32
  }
}

module attributes {stable_mosaic.version = 14 : i64} {
  func.func @_tc_out_body(%arg0: i32, %arg1: memref<2x2000x64xf32, #tpu.memory_space<vmem>>, %arg2: memref<2x2000x16xf32, #tpu.memory_space<vmem>>, %arg3: memref<2000x64xf32, #tpu.memory_space<vmem>>, %arg4: memref<2000x64xf32, #tpu.memory_space<vmem>>) attributes {dimension_semantics = [#tpu.dimension_semantics<arbitrary>], iteration_bounds = array<i64: 5>, scalar_prefetch = 0 : i64, scratch_operands = 0 : i64, tpu.core_type = #tpu.core_type<tc>, window_params = [{transform_indices = @transform_0, window_bounds = array<i64: 2, 2000, 64>}, {transform_indices = @transform_1, window_bounds = array<i64: 2, 2000, 16>}, {transform_indices = @transform_2, window_bounds = array<i64: 2000, 64>}, {transform_indices = @transform_3, window_bounds = array<i64: 2000, 64>}]} {
    %get3A = arith.constant 0 : index
    %get3A_0 = arith.constant 0 : index
    %get3A_1 = arith.constant 0 : index
    %get3A_2 = vector.load %arg1[%get3A, %get3A_0, %get3A_1] : memref<2x2000x64xf32, #tpu.memory_space<vmem>>, vector<1x2000x64xf32>
    %get3A_3 = vector.shape_cast %get3A_2 : vector<1x2000x64xf32> to vector<2000x64xf32>
    %get3A_4 = arith.constant 1 : index
    %get3A_5 = arith.constant 0 : index
    %get3A_6 = arith.constant 0 : index
    %get3A_7 = vector.load %arg1[%get3A_4, %get3A_5, %get3A_6] : memref<2x2000x64xf32, #tpu.memory_space<vmem>>, vector<1x2000x64xf32>
    %get3A_8 = vector.shape_cast %get3A_7 : vector<1x2000x64xf32> to vector<2000x64xf32>
    %add3A = arith.addf %get3A_3, %get3A_8 : vector<2000x64xf32>
    %get3A_9 = arith.constant 0 : index
    %get3A_10 = arith.constant 0 : index
    %get3A_11 = arith.constant 0 : index
    %get3A_12 = vector.load %arg2[%get3A_9, %get3A_10, %get3A_11] : memref<2x2000x16xf32, #tpu.memory_space<vmem>>, vector<1x2000x1xf32>
    %get3A_13 = vector.shape_cast %get3A_12 : vector<1x2000x1xf32> to vector<2000x1xf32>
    %get3A_14 = arith.constant 1 : index
    %get3A_15 = arith.constant 0 : index
    %get3A_16 = arith.constant 0 : index
    %get3A_17 = vector.load %arg2[%get3A_14, %get3A_15, %get3A_16] : memref<2x2000x16xf32, #tpu.memory_space<vmem>>, vector<1x2000x1xf32>
    %get3A_18 = vector.shape_cast %get3A_17 : vector<1x2000x1xf32> to vector<2000x1xf32>
    %add3A_19 = arith.addf %get3A_13, %get3A_18 : vector<2000x1xf32>
    %max3A = arith.constant 1.000000e+00 : f32
    %max3A_20 = vector.broadcast %max3A : f32 to vector<2000x1xf32>
    %max3A_21 = arith.maximumf %add3A_19, %max3A_20 : vector<2000x1xf32>
    %div3A = vector.broadcast %max3A_21 : vector<2000x1xf32> to vector<2000x64xf32>
    %div3A_22 = arith.divf %add3A, %div3A : vector<2000x64xf32>
    %get3A_23 = arith.constant 0 : index
    %get3A_24 = arith.constant 0 : index
    %get3A_25 = vector.load %arg3[%get3A_23, %get3A_24] : memref<2000x64xf32, #tpu.memory_space<vmem>>, vector<2000x64xf32>
    %add3A_26 = arith.addf %div3A_22, %get3A_25 : vector<2000x64xf32>
    %swap3A = arith.constant 0 : index
    %swap3A_27 = arith.constant 0 : index
    %swap3A_28 = vector.load %arg4[%swap3A, %swap3A_27] : memref<2000x64xf32, #tpu.memory_space<vmem>>, vector<2000x64xf32>
    tpu.vector_store %arg4[%swap3A, %swap3A_27], %add3A_26 {strides = array<i32>} : memref<2000x64xf32, #tpu.memory_space<vmem>>, vector<2000x64xf32>,
    return
  }
  func.func @transform_0(%arg0: i32) -> (i32, i32, i32) {
    %c0_i32 = arith.constant 0 : i32
    %c0_i32_0 = arith.constant 0 : i32
    %c0_i32_1 = arith.constant 0 : i32
    return %c0_i32, %arg0, %c0_i32_0 : i32, i32, i32
  }
  func.func @transform_1(%arg0: i32) -> (i32, i32, i32) {
    %c0_i32 = arith.constant 0 : i32
    %c0_i32_0 = arith.constant 0 : i32
    %c0_i32_1 = arith.constant 0 : i32
    return %c0_i32, %arg0, %c0_i32_0 : i32, i32, i32
  }
  func.func @transform_2(%arg0: i32) -> (i32, i32) {
    %c0_i32 = arith.constant 0 : i32
    %c0_i32_0 = arith.constant 0 : i32
    return %arg0, %c0_i32 : i32, i32
  }
  func.func @transform_3(%arg0: i32) -> (i32, i32) {
    %c0_i32 = arith.constant 0 : i32
    %c0_i32_0 = arith.constant 0 : i32
    return %arg0, %c0_i32 : i32, i32
  }
}

</mosaic_0001>

<sc_bundles>
// kernel: kernel.11.cloned.1.call-start
scs
__scs_entry_jumppad:
0x0: {  	(pc) =	sbr.rel $0x88, $3  }
0x1: {  	(tag) =	ssettag $0x0;
	lr =	simm.s32 $0x1  }
0x2: {  	[smem:$0x3F96] =	sst lr;
	_ =	strace $0xD0000000  }
0x3: {  	_ = 	snop  }
0x4: {  	_ = 	snop  }
0x5: {  	_ = 	snop  }
0x6: {  	_ = 	snop  }
0x7: {  	_ = 	snop  }
__scs_overlays_trampoline_lowered:
0x8: {  	[smem:$0x3FA5] =	sst s0  }
0x9: {  	[smem:$0x3FA6] =	sst s1  }
0xa: {  	[smem:$0x3FA7] =	sst s2  }
0xb: {  	[smem:$0x3FA8] =	sst s3  }
0xc: {  	[smem:$0x3FA9] =	sst s4  }
0xd: {  	[smem:$0x3FAA] =	sst s5  }
0xe: {  	[smem:$0x3FAB] =	sst s6  }
0xf: {  	[smem:$0x3FAC] =	sst s7  }
0x10: {  	[smem:$0x3FAD] =	sst s8  }
0x11: {  	[smem:$0x3FAE] =	sst s9;
	s0 =	simm.s32 @!p0 $0x0  }
0x12: {  	s1 =	sld [smem:$0x3F94];
	s0 =	simm.s32 @p0 $0x1  }
0x13: {  	[smem:$0x3FAF] =	sst s0;
	s0 =	simm.s32 @!p1 $0x0  }
0x14: {  	s2 =	sld [smem:$0x3F93];
	s0 =	simm.s32 @p1 $0x1  }
0x15: {  	[smem:$0x3FB0] =	sst s0;
	s0 =	simm.s32 @!p2 $0x0  }
0x16: {  	s3 =	sld [smem:$0x3FDB];
	s0 =	simm.s32 @p2 $0x1  }
0x17: {  	s4 =	simm.s32 $0x1BF5;
	[smem:$0x3FB2] =	sst s0  }
0x18: {  	s0 =	sld [smem:$0x3F95];
	_ =	swait.ge [sflag:s4], $0x0  }
0x19: {  	s7 =	sld [smem:$0x3F96]  }
0x1a: {  	s8 =	sadd.s32 $0xFFFFE003, lr  }
0x1b: {  	s9 =	sadd.s32 $0xFFFFFEF7, lr;
	s5 =	simm.s32 $0xFFFFFFFF;
	p2 =	slt.u32 s8, $0xFFFFF086  }
0x1c: {  	p1 =	slt.u32 s9, $0xF7A;
	s5 =	simm.s32 @!p2 $0x0  }
0x1d: {  	s5 =	simm.s32 @p1 $0x1;
	p0 =	seq.s32 s7, s2  }
0x1e: {  	s7 =	smul.u32 @!p0 $0xF7A, s2;
	p2 =	seq.s32 @!p0 s5, $0x0  }
0x1f: {  	s9 =	smul.u32 $0xF7A, s1;
	s8 =	simm.s32 @!p0 $0x1BF5;
	p2 =	por !p2, p0  }
0x20: {  	[sflag:s8] =	ssyncset.s32 @!p0 $0xFFFFF086;
	s6 =	sadd.s32 @!p0 s3, s7;
	s7 =	simm.s32 @!p0 $0x108  }
0x21: {  	s3 =	sadd.s32 s3, s9;
	s6 =	sadd.s32 @!p0 $0x88, s6;
	s7 =	simm.s32 @p2 $0x1082  }
0x22: {  	[simem:s7], [sflag:s8] =	dma.local @!p0 [hbm:s6], $0xF7A  }
0x23: {  	s9 =	sor.u32 $0xD0000000, s2;
	s6 =	simm.s32 $0x108;
	_ =	swait.ge @!p0 [sflag:s8], $0x0  }
0x24: {  	s3 =	sadd.s32 $0x88, s3;
	s6 =	simm.s32 @!p1 $0x1082;
	[sflag:s4] =	ssyncset.s32 $0xFFFFF086  }
0x25: {  	[simem:s6], [sflag:s4] =	dma.local [hbm:s3], $0xF7A  }
0x26: {  	[smem:$0x3F96] =	sst s1;
	(tag) =	ssettag s2;
	_ =	strace s9  }
0x27: {  	s1 =	sld [smem:$0x3FA6]  }
0x28: {  	s2 =	sld [smem:$0x3FA7]  }
0x29: {  	s4 =	sld [smem:$0x3FA9]  }
0x2a: {  	p0 =	seq.s32 s5, $0x0;
	s5 =	sld [smem:$0x3FAA]  }
0x2b: {  	s6 =	sld [smem:$0x3FAB]  }
0x2c: {  	s7 =	sld [smem:$0x3FAC]  }
0x2d: {  	s3 =	simm.s32 $0x108;
	s8 =	sld [smem:$0x3FAD]  }
0x2e: {  	s3 =	simm.s32 @!p0 $0x1082;
	s9 =	sld [smem:$0x3FAE]  }
0x2f: {  	lr =	sadd.s32 s0, s3;
	s0 =	sld [smem:$0x3FA5]  }
0x30: {  	s3 =	sld [smem:$0x3FA8]  }
0x31: {  	[smem:$0x3FB1] =	sst s10  }
0x32: {  	s10 =	sld [smem:$0x3FAF];
	_ =	sdelay $0x3  }
0x33: {  	p0 =	seq.s32 s10, $0x1;
	s10 =	sld [smem:$0x3FB1];
	_ =	sdelay $0x3  }
0x34: {  	[smem:$0x3FB1] =	sst s10  }
0x35: {  	s10 =	sld [smem:$0x3FB0];
	_ =	sdelay $0x3  }
0x36: {  	p1 =	seq.s32 s10, $0x1;
	s10 =	sld [smem:$0x3FB1];
	_ =	sdelay $0x3  }
0x37: {  	[smem:$0x3FB1] =	sst s10  }
0x38: {  	s10 =	sld [smem:$0x3FB2]  }
0x39: {  	_ = 	snop;
	(pc) =	sbr.ind lr, $3  }
0x3a: {  	_ = 	snop  }
0x3b: {  	_ = 	snop  }
0x3c: {  	p2 =	seq.s32 s10, $0x1;
	s10 =	sld [smem:$0x3FB1]  }
0x3d: {  	_ =	shalt  }
0x3e: {  	_ =	shalt  }
0x3f: {  	_ =	shalt  }
0x40: {  	_ =	shalt  }
0x41: {  	_ =	shalt  }
0x42: {  	_ =	shalt  }
0x43: {  	_ =	shalt  }
0x44: {  	_ =	shalt  }
0x45: {  	_ =	shalt  }
0x46: {  	_ =	shalt  }
0x47: {  	_ =	shalt  }
0x48: {  	_ =	shalt  }
0x49: {  	_ =	shalt  }
0x4a: {  	_ =	shalt  }
0x4b: {  	_ =	shalt  }
0x4c: {  	_ =	shalt  }
0x4d: {  	_ =	shalt  }
0x4e: {  	_ =	shalt  }
0x4f: {  	_ =	shalt  }
0x50: {  	_ =	shalt  }
0x51: {  	_ =	shalt  }
0x52: {  	_ =	shalt  }
0x53: {  	_ =	shalt  }
0x54: {  	_ =	shalt  }
0x55: {  	_ =	shalt  }
0x56: {  	_ =	shalt  }
0x57: {  	_ =	shalt  }
0x58: {  	_ =	shalt  }
0x59: {  	_ =	shalt  }
0x5a: {  	_ =	shalt  }
0x5b: {  	_ =	shalt  }
0x5c: {  	_ =	shalt  }
0x5d: {  	_ =	shalt  }
0x5e: {  	_ =	shalt  }
0x5f: {  	_ =	shalt  }
0x60: {  	_ =	shalt  }
0x61: {  	_ =	shalt  }
0x62: {  	_ =	shalt  }
0x63: {  	_ =	shalt  }
0x64: {  	_ =	shalt  }
0x65: {  	_ =	shalt  }
0x66: {  	_ =	shalt  }
0x67: {  	_ =	shalt  }
0x68: {  	_ =	shalt  }
0x69: {  	_ =	shalt  }
0x6a: {  	_ =	shalt  }
0x6b: {  	_ =	shalt  }
0x6c: {  	_ =	shalt  }
0x6d: {  	_ =	shalt  }
0x6e: {  	_ =	shalt  }
0x6f: {  	_ =	shalt  }
0x70: {  	_ =	shalt  }
0x71: {  	_ =	shalt  }
0x72: {  	_ =	shalt  }
0x73: {  	_ =	shalt  }
0x74: {  	_ =	shalt  }
0x75: {  	_ =	shalt  }
0x76: {  	_ =	shalt  }
0x77: {  	_ =	shalt  }
0x78: {  	_ =	shalt  }
0x79: {  	_ =	shalt  }
0x7a: {  	_ =	shalt  }
0x7b: {  	_ =	shalt  }
0x7c: {  	_ =	shalt  }
0x7d: {  	_ =	shalt  }
0x7e: {  	_ =	shalt  }
0x7f: {  	_ =	shalt  }
0x80: {  	_ =	shalt  }
0x81: {  	_ =	shalt  }
0x82: {  	_ =	shalt  }
0x83: {  	_ =	shalt  }
0x84: {  	_ =	shalt  }
0x85: {  	_ =	shalt  }
0x86: {  	_ =	shalt  }
0x87: {  	_ =	shalt  }
.Lfunc_end0:
.L_simem_size_0:
called_computation_lowered:
.L_overlay_start_0:
0x88: {  	s2 =	sld [smem:$0x3FD9]  }
0x89: {  	s3 =	sld [smem:$0x3FFE];
	_ =	sdelay $0x1  }
0x8a: {  	s1 =	srdreg.scid  }
0x8b: {  	s0 =	sand.u32 $0x1, s1  }
0x8c: {  	s17 =	sshll.u32 s0, $0xA;
	s2 =	sadd.s32 s3, s2  }
0x8d: {  	s2 =	sadd.s32 s2, s17  }
0x8e: {  	[smem:$0x3FBD] =	sst s2  }
0x8f: {  	_ = 	snop  }
0x90: {  	s2 =	sld [smem:$0x3FD0];
	(tm) =	ssettm $0x1  }
0x91: {  	s18 =	sld [smem:$0x3FFB];
	_ =	sdelay $0x3  }
0x92: {  	_ =	strace s18  }
0x93: {  	s3 =	sld [smem:$0x3FFC];
	_ =	sdelay $0x3  }
0x94: {  	_ =	strace s3  }
0x95: {  	s3 =	sld [smem:$0x3FFD];
	_ =	sdelay $0x3  }
0x96: {  	_ =	strace s3  }
0x97: {  	_ =	strace $0x8FFFFFFF  }
0x98: {  	s19 =	sld [smem:$0x3FDB];
	_ =	sdelay $0x1  }
0x99: {  	s4 =	simm.s32 $_scs_section_size  }
0x9a: {  	s5 =	simm.s32 $_size__tile_overlayer_lowered;
	s6 =	simm.s32 $_tile_overlayer_lowered  }
0x9b: {  	s22 =	simm.s32 $0x1BFF;
	s21 =	sshll.u32 s6, $0x1;
	s3 =	sadd.s32 s4, s19  }
0x9c: {  	s7 =	simm.s32 $0x0;
	s20 =	sshll.u32 s5, $0x1;
	s5 =	sadd.s32 s21, s3  }
0x9d: {  	[timem:s7], [sflag:s22] =	dma.local [hbm:s5], s20  }
0x9e: {  	_ =	swait.ge [sflag:s22], s20  }
0x9f: {  	s4 =	ssub.s32 $0x0, s20;
	[sflag:s22] =	ssyncset.done $0x0  }
0xa0: {  	[sflag:s22] =	ssyncadd.s32 s4;
	_ =	sdelay $0x1  }
0xa1: {  	s23 =	simm.s32 $0x1B8B  }
0xa2: {  	_ =	swait.ge [sflag:s23], $0x1  }
0xa3: {  	[sflag:s23] =	ssyncset.done $0x0  }
0xa4: {  	s25 =	simm.s32 $0x1B8E;
	s24 =	sld [smem:$0x3FFE];
	[sflag:s23] =	ssyncadd.s32 $0xFFFFFFFF  }
0xa5: {  	s26 =	simm.s32 $execute0_lowered;
	[smem:$0x3FD2] =	sst s25  }
0xa6: {  	s5 =	sshll.u32 s26, $0x1;
	_ =	strace $0x80000046;
	[dreg:$0x1] =	wrdreg $0xFFFFFFFF  }
0xa7: {  	s28 =	simm.s32 $_size_execute0_lowered;
	s3 =	sadd.s32 s3, s5;
	[dreg:$0x0] =	wrdreg $0x0  }
0xa8: {  	s5 =	sshll.u32 s28, $0x1;
	[dreg:$0x2] =	wrdreg s3  }
0xa9: {  	[dreg:$0x3] =	wrdreg s5  }
0xaa: {  	[dreg:$0x4] =	wrdreg $0xC0  }
0xab: {  	_ =	task [dreg:s7], $0x5FFFF  }
0xac: {  	[dreg:$0x1] =	wrdreg $0xFFFFFFFF  }
0xad: {  	[dreg:$0x0] =	wrdreg $0x60  }
0xae: {  	[dreg:$0x2] =	wrdreg s2  }
0xaf: {  	[dreg:$0x3] =	wrdreg s24  }
0xb0: {  	[dreg:$0x4] =	wrdreg $0xAE800  }
0xb1: {  	[dreg:$0x5] =	wrdreg $0x15C500  }
0xb2: {  	[dreg:$0x6] =	wrdreg $0x9  }
0xb3: {  	_ =	task.clear_ibuf [dreg:s7], $0x7FFFF;
	_ =	strace $0x90000046  }
0xb4: {  	s29 =	simm.s32 $0x9;
	_ =	strace $0x80000048  }
0xb5: {  	_ =	swait.ge [sflag:s29], $0x1  }
0xb6: {  	[sflag:s29] =	ssyncadd.s32 $0xFFFFFFFF  }
0xb7: {  	_ =	strace $0x90000048  }
0xb8: {  	_ =	sfence  }
0xb9: {  	s30 =	sld [smem:$0x0];
	_ =	sdelay $0x2  }
0xba: {  	s31 =	sshll.u32 s1, $0xD;
	s1 =	sshrl.u32 s1, $0x2  }
0xbb: {  	s3 =	sand.u32 $0x4000, s31;
	s1 =	sadd.s32 s1, s30  }
0xbc: {  	s0 =	sor.u32 s3, s0;
	s1 =	sshll.u32 s1, $0x11  }
0xbd: {  	s0 =	sor.u32 s1, s0  }
0xbe: {  	s0 =	sadd.s32 $0x8F2B, s0  }
0xbf: {  	[sflag:s0] =	ssyncadd.remote.s32 $0x1  }
0xc0: {  	_ =	sfence.sel $0xFFFF  }
0xc1: {  	[dreg:$0x0] =	wrdreg $0xFFFFFFFF;
	(pc) =	sbr.abs _section_cstart, $3  }
0xc2: {  	[dreg:$0x1] =	wrdreg $0xFFFFFFFF  }
0xc3: {  	_ =	task.clear_ibuf [dreg:s7], $0x2FFFF;
	_ =	strace $0x9FFFFFFF  }
0xc4: {  	(tm) =	ssettm $0x7FFFFFFF  }
0xc5: {  	_ =	shalt  }
tec
execute0_lowered:
.L_overlay_start_1:
0x0: {  	(tag) =	ssettag $0x1  }
0x1: {  	s1 =	rddreg [dreg:$0x0]  }
0x2: {  	s0 =	rddreg [dreg:$0x1];
	s2 =	srdreg.scid  }
0x3: {  	s16 =	stileid.u32;
	s3 =	rddreg [dreg:$0x2]  }
0x4: {  	s4 =	rddreg [dreg:$0x3];
	s6 =	simm.s32 $0x0;
	s29 =	simm.s32 $0x6F40  }
0x5: {  	s30 =	simm.s32 $0x1;
	s31 =	simm.s32 $0x14C80;
	s10 =	smul.u32 $0x278, s16  }
0x6: {  	s28 =	simm.s32 $0x5;
	s2 =	sand.u32 $0x1, s2;
	s12 =	smul.u32 $0x9E00, s16  }
0x7: {  	s5 =	sshll.u32 s16, $0x1;
	[smem:$0x7FF] =	sst s6;
	s14 =	smul.u32 $0x13C00, s2  }
0x8: {  	s5 =	sor.u32 s2, s5;
	s8 =	smul.u32 $0x4F00, s2;
	s2 =	ssub.s32 $0x2, s2  }
0x9: {  	_ =	strace $0x80000047;
	s5 =	smul.u32 $0x500, s5;
	s15 =	sshrl.u32 s2, $0x1  }
0xa: {  	s11 =	sadd.s32 $0x80, s10;
	s13 =	sadd.s32 $0x100, s10;
	s6 =	sadd.s32 s12, s3  }
0xb: {  	s18 =	sadd.s32 $0x180, s10;
	s10 =	sadd.s32 $0x200, s10;
	s25 =	sshrl.u32 s12, $0x3  }
0xc: {  	s9 =	sadd.s32 s14, s0;
	s8 =	sadd.s32 s8, s0;
	s2 =	ssub.s32 s2, s15  }
0xd: {  	s14 =	sshll.u32 s11, $0x6;
	s15 =	sshll.u32 s13, $0x6;
	s19 =	sshll.u32 s18, $0x6  }
0xe: {  	s20 =	sshll.u32 s10, $0x6;
	s21 =	sshll.u32 s11, $0x4;
	s13 =	sshll.u32 s13, $0x4  }
0xf: {  	s10 =	sshll.u32 s10, $0x4;
	s7 =	sadd.s32 s5, s0;
	s14 =	sadd.s32 s14, s3  }
0x10: {  	s17 =	sadd.s32 s15, s3;
	s15 =	sadd.s32 s19, s3;
	[dreg:$0x5] =	wrdreg s14  }
0x11: {  	s22 =	sadd.s32 s20, s3;
	s23 =	sadd.s32 s21, s4;
	[dreg:$0x6] =	wrdreg s17  }
0x12: {  	s13 =	sadd.s32 s13, s4;
	s0 =	sadd.s32 $0xD400, s0;
	[dreg:$0x7] =	wrdreg s15  }
0x13: {  	s24 =	sadd.s32 $0x21200, s9;
	s8 =	sadd.s32 $0x17400, s8;
	[dreg:$0x8] =	wrdreg s22  }
0x14: {  	s19 =	simm.s32 $0x6;
	s21 =	simm.s32 $0x15450;
	[dreg:$0x9] =	wrdreg s23  }
0x15: {  	s17 =	smul.u32 $0x2780, s16;
	s14 =	sshll.u32 s18, $0x4;
	[dreg:$0xa] =	wrdreg s13  }
0x16: {  	s15 =	sadd.s32 s10, s4;
	s16 =	sadd.s32 $0x3400, s7;
	s18 =	simm.s32 $0x8E80  }
0x17: {  	s20 =	sadd.s32 s5, s0;
	s22 =	sadd.s32 s25, s24;
	s25 =	simm.s32 $0x7D  }
0x18: {  	s0 =	simm.s32 $0x3;
	s23 =	simm.s32 $0x4;
	s5 =	simm.s32 $0x4F00  }
0x19: {  	s7 =	simm.s32 $0x4F80;
	s14 =	sadd.s32 s14, s4;
	s11 =	sadd.s32 s17, s4  }
0x1a: {  	s26 =	sshrl.u32 s17, $0x3;
	s17 =	smax.u32 s2, $0x1;
	s2 =	simm.s32 $0x2  }
0x1b: {  	v0 =	vimm.f32 $0.0e+00;
	v1 =	vimm.f32 $1.000000000e+00;
	s24 =	sadd.s32 s26, s8;
	s26 =	simm.s32 $0x5000;
	s8 =	simm.s32 $0x0  }
.LBB2_1:
0x1c: {  	s10 =	simm.s32 $0x0  }
0x1d: {  	s9 =	sand.u32 $0x7F00, s10  }
0x1e: {  	s10 =	sand.u32 $0x30, s10;
	s12 =	sshrl.u32 s9, $0x2  }
0x1f: {  	s9 =	simm.s32 $0x40;
	s12 =	sor.u32 s10, s12;
	s10 =	simm.s32 $0x0  }
.LBB2_2:
0x20: {  	p0 =	sne.s32 s9, $0x7FC0  }
0x21: {  	[tilespmem:s12+$0x8E80] =	vst v0;
	s10 =	sadd.s32 $0x10, s10;
	s12 =	smov.u32 s9;
	s9 =	sadd.s32 $0x40, s9  }
.Ltmp0:
0x22: {  	(pc) =	sbr.rel @p0 .LBB2_2-.Ltmp0, $4  }
0x23: {  	_ = 	snop  }
0x24: {  	s12 =	sand.u32 $0x7F00, s12  }
0x25: {  	s13 =	sand.u32 $0x30, s10;
	s12 =	sshrl.u32 s12, $0x2  }
0x26: {  	s12 =	sor.u32 s13, s12  }
0x27: {  	[tilespmem:s12+$0x8E80] =	vst v0  }
0x28: {  	[spmem:s6] =	stream.linear.scatter [tilespmem:s18], [sflag:$0x6], $0x2000, $0x38;
	[tilespmem:$0x183D0] =	vst v63  }
0x29: {  	_ =	swait.ge [sflag:s19], $0x2000  }
0x2a: {  	[sflag:s19] =	ssyncset.done $0x0  }
0x2b: {  	s9 =	rddreg [dreg:$0x5];
	[sflag:s19] =	ssyncadd.s32 $0xFFFFE000  }
0x2c: {  	[spmem:s9] =	stream.linear.scatter [tilespmem:s18], [sflag:$0x6], $0x2000, $0x38;
	[tilespmem:$0x183D0] =	vst v63  }
0x2d: {  	_ =	swait.ge [sflag:s19], $0x2000  }
0x2e: {  	[sflag:s19] =	ssyncset.done $0x0  }
0x2f: {  	s10 =	rddreg [dreg:$0x6];
	[sflag:s19] =	ssyncadd.s32 $0xFFFFE000  }
0x30: {  	[spmem:s10] =	stream.linear.scatter [tilespmem:s18], [sflag:$0x6], $0x2000, $0x38;
	[tilespmem:$0x183D0] =	vst v63  }
0x31: {  	_ =	swait.ge [sflag:s19], $0x2000  }
0x32: {  	[sflag:s19] =	ssyncset.done $0x0  }
0x33: {  	s12 =	rddreg [dreg:$0x7];
	[sflag:s19] =	ssyncadd.s32 $0xFFFFE000  }
0x34: {  	[spmem:s12] =	stream.linear.scatter [tilespmem:s18], [sflag:$0x6], $0x2000, $0x38;
	[tilespmem:$0x183D0] =	vst v63  }
0x35: {  	_ =	swait.ge [sflag:s19], $0x2000  }
0x36: {  	[sflag:s19] =	ssyncset.done $0x0  }
0x37: {  	s13 =	rddreg [dreg:$0x8];
	[sflag:s19] =	ssyncadd.s32 $0xFFFFE000  }
0x38: {  	[spmem:s13] =	stream.linear.scatter [tilespmem:s18], [sflag:$0x6], $0x1E00, $0x38;
	[tilespmem:$0x183D0] =	vst v63  }
0x39: {  	_ =	swait.ge [sflag:s19], $0x1E00  }
0x3a: {  	[sflag:s19] =	ssyncset.done $0x0  }
0x3b: {  	s9 =	simm.s32 $0x40;
	s10 =	simm.s32 $0x0;
	[sflag:s19] =	ssyncadd.s32 $0xFFFFE200  }
.LBB2_4:
0x3c: {  	p0 =	sne.s32 s9, $0x1FC0;
	[tilespmem:s10+$0x15450] =	vst v0;
	s10 =	smov.u32 s9;
	s9 =	sadd.s32 $0x40, s9  }
.Ltmp1:
0x3d: {  	(pc) =	sbr.rel @p0 .LBB2_4-.Ltmp1, $2  }
0x3e: {  	_ =	sdelay $0x2  }
0x3f: {  	s10 =	sshra.s32 s10, $0x2  }
0x40: {  	[tilespmem:s10+$0x15450] =	vst v0  }
0x41: {  	[spmem:s11] =	stream.linear.scatter [tilespmem:s21], [sflag:$0x6], $0x800, $0x38;
	[tilespmem:$0x183D0] =	vst v63  }
0x42: {  	_ =	swait.ge [sflag:s19], $0x800  }
0x43: {  	[sflag:s19] =	ssyncset.done $0x0  }
0x44: {  	s9 =	rddreg [dreg:$0x9];
	[sflag:s19] =	ssyncadd.s32 $0xFFFFF800  }
0x45: {  	[spmem:s9] =	stream.linear.scatter [tilespmem:s21], [sflag:$0x6], $0x800, $0x38;
	[tilespmem:$0x183D0] =	vst v63  }
0x46: {  	_ =	swait.ge [sflag:s19], $0x800  }
0x47: {  	[sflag:s19] =	ssyncset.done $0x0  }
0x48: {  	s13 =	rddreg [dreg:$0xa];
	[sflag:s19] =	ssyncadd.s32 $0xFFFFF800  }
0x49: {  	[spmem:s13] =	stream.linear.scatter [tilespmem:s21], [sflag:$0x6], $0x800, $0x38;
	[tilespmem:$0x183D0] =	vst v63  }
0x4a: {  	_ =	swait.ge [sflag:s19], $0x800  }
0x4b: {  	[sflag:s19] =	ssyncset.done $0x0  }
0x4c: {  	[sflag:s19] =	ssyncadd.s32 $0xFFFFF800  }
0x4d: {  	[spmem:s14] =	stream.linear.scatter [tilespmem:s21], [sflag:$0x6], $0x800, $0x38;
	[tilespmem:$0x183D0] =	vst v63  }
0x4e: {  	_ =	swait.ge [sflag:s19], $0x800  }
0x4f: {  	[sflag:s19] =	ssyncset.done $0x0  }
0x50: {  	[sflag:s19] =	ssyncadd.s32 $0xFFFFF800  }
0x51: {  	[spmem:s15] =	stream.linear.scatter [tilespmem:s21], [sflag:$0x6], $0x780, $0x38;
	[tilespmem:$0x183D0] =	vst v63  }
0x52: {  	_ =	swait.ge [sflag:s19], $0x780  }
0x53: {  	[sflag:s19] =	ssyncset.done $0x0  }
0x54: {  	s10 =	simm.s32 $0x0;
	s9 =	simm.s32 $0x40;
	[sflag:s19] =	ssyncadd.s32 $0xFFFFF880  }
.LBB2_6:
0x55: {  	p0 =	sne.s32 s9, $0x1F00;
	[tilespmem:s10+$0x14C80] =	vst v1;
	s10 =	smov.u32 s9;
	s9 =	sadd.s32 $0x40, s9  }
.Ltmp2:
0x56: {  	(pc) =	sbr.rel @p0 .LBB2_6-.Ltmp2, $2  }
0x57: {  	_ =	sdelay $0x2  }
0x58: {  	s10 =	sshra.s32 s10, $0x2  }
0x59: {  	[tilespmem:s10+$0x14C80] =	vst v1  }
0x5a: {  	s9 =	simm.s32 $0x0;
	[bflag:$0x0] =	sbarrier.arrive $0xFFFF  }
0x5b: {  	[tilespmem:s9], [sflag:$0x6] =	stream.linear.gather [hbm4b:s16+s9], $0x2800, $0x38;
	[tilespmem:$0x183D0] =	vst v63  }
0x5c: {  	_ =	swait.ge [sflag:s19], $0x2800  }
0x5d: {  	[sflag:s19] =	ssyncset.done $0x0  }
0x5e: {  	s13 =	simm.s32 $0x2800;
	[sflag:s19] =	ssyncadd.s32 $0xFFFFD800  }
0x5f: {  	[tilespmem:s13], [sflag:$0x6] =	stream.linear.gather [hbm4b:s20+s9], $0x2800, $0x38;
	[tilespmem:$0x183D0] =	vst v63  }
0x60: {  	_ =	swait.ge [sflag:s19], $0x2800  }
0x61: {  	[sflag:s19] =	ssyncset.done $0x0  }
0x62: {  	[sflag:s19] =	ssyncadd.s32 $0xFFFFD800  }
0x63: {  	[tilespmem:s26], [sflag:$0x1] =	stream.indirect.gather [hbm4b:s1+s25], $0x40, s9, s25, $0xb8;
	[tilespmem:$0x183D0] =	vst v63  }
0x64: {  	s12 =	simm.s32 $0x80  }
0x65: {  	[tilespmem:s29], [sflag:$0x2] =	stream.indirect.gather [hbm4b:s1+s25], $0x40, s12, s25, $0xb8;
	[tilespmem:$0x183D0] =	vst v63  }
0x66: {  	_ =	swait.ge [sflag:s30], $0x1F40  }
0x67: {  	[sflag:s30] =	ssyncset.done $0x0  }
0x68: {  	s13 =	simm.s32 $0x2800;
	[sflag:s30] =	ssyncadd.s32 $0xFFFFE0C0  }
0x69: {  	[spmem:s3] =	stream.indirect.scatter.add.f32 [tilespmem:s26], [sflag:$0x3], $0x40, s13, s25, $0xb8;
	[tilespmem:$0x183D0] =	vst v63  }
0x6a: {  	_ = 	snop  }
0x6b: {  	[spmem:s4] =	stream.indirect.scatter.add.f32 [tilespmem:s31], [sflag:$0x5], $0x10, s13, s25, $0xb8;
	[tilespmem:$0x183D0] =	vst v63  }
0x6c: {  	_ =	swait.ge [sflag:s2], $0x1F40  }
0x6d: {  	[sflag:s2] =	ssyncset.done $0x0  }
0x6e: {  	s10 =	simm.s32 $0x2880;
	[sflag:s2] =	ssyncadd.s32 $0xFFFFE0C0  }
0x6f: {  	[spmem:s3] =	stream.indirect.scatter.add.f32 [tilespmem:s29], [sflag:$0x4], $0x40, s10, s25, $0xb8;
	[tilespmem:$0x183D0] =	vst v63  }
0x70: {  	_ = 	snop  }
0x71: {  	[spmem:s4] =	stream.indirect.scatter.add.f32 [tilespmem:s31], [sflag:$0x5], $0x10, s10, s25, $0xb8;
	[tilespmem:$0x183D0] =	vst v63  }
0x72: {  	_ =	swait.ge [sflag:s0], $0x1F40  }
0x73: {  	[sflag:s0] =	ssyncset.done $0x0  }
0x74: {  	s12 =	simm.s32 $0x100;
	[sflag:s0] =	ssyncadd.s32 $0xFFFFE0C0  }
0x75: {  	[tilespmem:s26], [sflag:$0x1] =	stream.indirect.gather [hbm4b:s1+s25], $0x40, s12, s25, $0xb8;
	[tilespmem:$0x183D0] =	vst v63  }
0x76: {  	_ =	swait.ge [sflag:s23], $0x1F40  }
0x77: {  	[sflag:s23] =	ssyncset.done $0x0  }
0x78: {  	s13 =	simm.s32 $0x180;
	[sflag:s23] =	ssyncadd.s32 $0xFFFFE0C0  }
0x79: {  	[tilespmem:s29], [sflag:$0x2] =	stream.indirect.gather [hbm4b:s1+s25], $0x40, s13, s25, $0xb8;
	[tilespmem:$0x183D0] =	vst v63  }
0x7a: {  	_ =	swait.ge [sflag:s28], $0x7D0  }
0x7b: {  	[sflag:s28] =	ssyncset.done $0x0  }
0x7c: {  	[sflag:s28] =	ssyncadd.s32 $0xFFFFF830  }
0x7d: {  	_ =	swait.ge [sflag:s28], $0x7D0  }
0x7e: {  	s9 =	simm.s32 $0x400;
	[sflag:s28] =	ssyncset.done $0x0  }
.LBB2_8:
0x7f: {  	p0 =	sne.s32 s9, $0x9800  }
0x80: {  	[sflag:s28] =	ssyncadd.s32 $0xFFFFF830;
	s10 =	smov.u32 s9;
	s9 =	sadd.s32 $0x400, s9  }
0x81: {  	_ =	swait.ge [sflag:s30], $0x1F40  }
0x82: {  	s10 =	sshra.s32 s10, $0x2;
	[sflag:s30] =	ssyncset.done $0x0  }
0x83: {  	s12 =	sadd.s32 $0x2800, s10;
	[sflag:s30] =	ssyncadd.s32 $0xFFFFE0C0  }
0x84: {  	[spmem:s3] =	stream.indirect.scatter.add.f32 [tilespmem:s26], [sflag:$0x3], $0x40, s12, s25, $0xb8;
	[tilespmem:$0x183D0] =	vst v63  }
0x85: {  	_ = 	snop  }
0x86: {  	[spmem:s4] =	stream.indirect.scatter.add.f32 [tilespmem:s31], [sflag:$0x5], $0x10, s12, s25, $0xb8;
	[tilespmem:$0x183D0] =	vst v63  }
0x87: {  	_ =	swait.ge [sflag:s2], $0x1F40  }
0x88: {  	[sflag:s2] =	ssyncset.done $0x0  }
0x89: {  	s12 =	sadd.s32 $0x2880, s10;
	[sflag:s2] =	ssyncadd.s32 $0xFFFFE0C0  }
0x8a: {  	[spmem:s3] =	stream.indirect.scatter.add.f32 [tilespmem:s29], [sflag:$0x4], $0x40, s12, s25, $0xb8;
	[tilespmem:$0x183D0] =	vst v63  }
0x8b: {  	_ = 	snop  }
0x8c: {  	[spmem:s4] =	stream.indirect.scatter.add.f32 [tilespmem:s31], [sflag:$0x5], $0x10, s12, s25, $0xb8;
	[tilespmem:$0x183D0] =	vst v63  }
0x8d: {  	_ =	swait.ge [sflag:s0], $0x1F40  }
0x8e: {  	[sflag:s0] =	ssyncset.done $0x0  }
0x8f: {  	s12 =	sadd.s32 $0x100, s10;
	[sflag:s0] =	ssyncadd.s32 $0xFFFFE0C0  }
0x90: {  	[tilespmem:s26], [sflag:$0x1] =	stream.indirect.gather [hbm4b:s1+s25], $0x40, s12, s25, $0xb8;
	[tilespmem:$0x183D0] =	vst v63  }
0x91: {  	_ =	swait.ge [sflag:s23], $0x1F40  }
0x92: {  	[sflag:s23] =	ssyncset.done $0x0  }
0x93: {  	s10 =	sadd.s32 $0x180, s10;
	[sflag:s23] =	ssyncadd.s32 $0xFFFFE0C0  }
0x94: {  	[tilespmem:s29], [sflag:$0x2] =	stream.indirect.gather [hbm4b:s1+s25], $0x40, s10, s25, $0xb8;
	[tilespmem:$0x183D0] =	vst v63  }
.Ltmp3:
0x95: {  	_ =	swait.ge [sflag:s28], $0x7D0;
	(pc) =	sbr.rel @p0 .LBB2_8-.Ltmp3, $4  }
0x96: {  	[sflag:s28] =	ssyncset.done $0x0  }
0x97: {  	[sflag:s28] =	ssyncadd.s32 $0xFFFFF830  }
0x98: {  	_ =	swait.ge [sflag:s28], $0x7D0  }
0x99: {  	[sflag:s28] =	ssyncset.done $0x0  }
0x9a: {  	[sflag:s28] =	ssyncadd.s32 $0xFFFFF830  }
0x9b: {  	_ =	swait.ge [sflag:s30], $0x1F40  }
0x9c: {  	[sflag:s30] =	ssyncset.done $0x0  }
0x9d: {  	[sflag:s30] =	ssyncadd.s32 $0xFFFFE0C0  }
0x9e: {  	[spmem:s3] =	stream.indirect.scatter.add.f32 [tilespmem:s26], [sflag:$0x3], $0x40, s5, s25, $0xb8;
	[tilespmem:$0x183D0] =	vst v63  }
0x9f: {  	_ = 	snop  }
0xa0: {  	[spmem:s4] =	stream.indirect.scatter.add.f32 [tilespmem:s31], [sflag:$0x5], $0x10, s5, s25, $0xb8;
	[tilespmem:$0x183D0] =	vst v63  }
0xa1: {  	_ =	swait.ge [sflag:s2], $0x1F40  }
0xa2: {  	[sflag:s2] =	ssyncset.done $0x0  }
0xa3: {  	[sflag:s2] =	ssyncadd.s32 $0xFFFFE0C0  }
0xa4: {  	[spmem:s3] =	stream.indirect.scatter.add.f32 [tilespmem:s29], [sflag:$0x4], $0x40, s7, s25, $0xb8;
	[tilespmem:$0x183D0] =	vst v63  }
0xa5: {  	_ = 	snop  }
0xa6: {  	[spmem:s4] =	stream.indirect.scatter.add.f32 [tilespmem:s31], [sflag:$0x5], $0x10, s7, s25, $0xb8;
	[tilespmem:$0x183D0] =	vst v63  }
0xa7: {  	_ =	swait.ge [sflag:s0], $0x1F40  }
0xa8: {  	[sflag:s0] =	ssyncset.done $0x0  }
0xa9: {  	[sflag:s0] =	ssyncadd.s32 $0xFFFFE0C0  }
0xaa: {  	_ =	swait.ge [sflag:s23], $0x1F40  }
0xab: {  	[sflag:s23] =	ssyncset.done $0x0  }
0xac: {  	[sflag:s23] =	ssyncadd.s32 $0xFFFFE0C0  }
0xad: {  	_ =	swait.ge [sflag:s28], $0x7D0  }
0xae: {  	[sflag:s28] =	ssyncset.done $0x0  }
0xaf: {  	[sflag:s28] =	ssyncadd.s32 $0xFFFFF830  }
0xb0: {  	_ =	swait.ge [sflag:s28], $0x7D0  }
0xb1: {  	s9 =	stileid.u32;
	[sflag:s28] =	ssyncset.done $0x0  }
0xb2: {  	s9 =	sshll.u32 s9, $0x6;
	[sflag:s28] =	ssyncadd.s32 $0xFFFFF830  }
0xb3: {  	s10 =	sshrl.u32 s6, $0x3;
	s9 =	sor.u32 $0x1C06, s9;
	[bflag:$0x0] =	sbarrier.arrive $0xFFFF  }
0xb4: {  	[hbm:s22], [sflag:s9] =	dma.local [spmem:s10], $0x13C0  }
0xb5: {  	s8 =	sadd.s32 $0x1, s8;
	_ =	swait.ge [sflag:s19], $0x13C0  }
0xb6: {  	p0 =	sne.s32 s8, s17;
	[sflag:s19] =	ssyncset.done $0x0  }
.Ltmp4:
0xb7: {  	s13 =	sshrl.u32 s11, $0x3;
	[sflag:s19] =	ssyncadd.s32 $0xFFFFEC40;
	(pc) =	sbr.rel @p0 .LBB2_1-.Ltmp4, $4  }
0xb8: {  	[hbm:s24], [sflag:s9] =	dma.local [spmem:s13], $0x4F0  }
0xb9: {  	_ =	swait.ge [sflag:s19], $0x4F0  }
0xba: {  	[sflag:s19] =	ssyncset.done $0x0  }
0xbb: {  	[sflag:s19] =	ssyncadd.s32 $0xFFFFFB10  }
0xbc: {  	_ =	sfence.sel $0x180000  }
0xbd: {  	[bflag:$0x0] =	sbarrier.arrive $0xFFFF  }
0xbe: {  	_ =	strace $0x90000047  }
0xbf: {  	s0 =	stileid.u32;
	[bflag:$0x2] =	sbarrier.arrive $0xFFFF  }
0xc0: {  	p0 =	sne.s32 s0, $0x0;
	s0 =	rddreg [dreg:$0x4]  }
0xc1: {  	s0 =	sadd.s32 @!p0 $0x100000, s0  }
0xc2: {  	[sflag:s0] =	ssyncadd.tile.s32 @!p0 $0x1;
	_ =	shalt  }
.Lfunc_end2:
_tile_overlayer_lowered:
.L_overlay_start_2:
0xc3: {  	(tag) =	ssettag $0x2  }
0xc4: {  	s0 =	rddreg [dreg:$0x0];
	s2 =	stileid.u32  }
0xc5: {  	s1 =	rddreg [dreg:$0x1];
	p0 =	sne.s32 s2, $0x0  }
0xc6: {  	s3 =	rddreg [dreg:$0x2];
	[bflag:$0x3] =	sbarrier.arrive $0xFFFF;
	s2 =	simm.s32 @!p0 $0x1C06  }
0xc7: {  	[timem:s3], [sflag:s2] =	dma.local @!p0 [hbm:s0], s1  }
0xc8: {  	s0 =	simm.s32 @!p0 $0x6  }
0xc9: {  	_ =	swait.ge @!p0 [sflag:s0], s1  }
0xca: {  	s1 =	ssub.s32 @!p0 $0x0, s1;
	[sflag:s0] =	ssyncset.done @!p0 $0x0  }
0xcb: {  	[sflag:s0] =	ssyncadd.s32 @!p0 s1  }
0xcc: {  	[bflag:$0x3] =	sbarrier.arrive $0xFFFF  }
0xcd: {  	_ =	shalt  }

// kernel: kernel.14.cloned.1.call-start
scs
__scs_entry_jumppad:
0x0: {  	(pc) =	sbr.rel $0x88, $3  }
0x1: {  	(tag) =	ssettag $0x0;
	lr =	simm.s32 $0x1  }
0x2: {  	[smem:$0x3F96] =	sst lr;
	_ =	strace $0xD0000000  }
0x3: {  	_ = 	snop  }
0x4: {  	_ = 	snop  }
0x5: {  	_ = 	snop  }
0x6: {  	_ = 	snop  }
0x7: {  	_ = 	snop  }
__scs_overlays_trampoline_lowered:
0x8: {  	[smem:$0x3FA5] =	sst s0  }
0x9: {  	[smem:$0x3FA6] =	sst s1  }
0xa: {  	[smem:$0x3FA7] =	sst s2  }
0xb: {  	[smem:$0x3FA8] =	sst s3  }
0xc: {  	[smem:$0x3FA9] =	sst s4  }
0xd: {  	[smem:$0x3FAA] =	sst s5  }
0xe: {  	[smem:$0x3FAB] =	sst s6  }
0xf: {  	[smem:$0x3FAC] =	sst s7  }
0x10: {  	[smem:$0x3FAD] =	sst s8  }
0x11: {  	[smem:$0x3FAE] =	sst s9;
	s0 =	simm.s32 @!p0 $0x0  }
0x12: {  	s1 =	sld [smem:$0x3F94];
	s0 =	simm.s32 @p0 $0x1  }
0x13: {  	[smem:$0x3FAF] =	sst s0;
	s0 =	simm.s32 @!p1 $0x0  }
0x14: {  	s2 =	sld [smem:$0x3F93];
	s0 =	simm.s32 @p1 $0x1  }
0x15: {  	[smem:$0x3FB0] =	sst s0;
	s0 =	simm.s32 @!p2 $0x0  }
0x16: {  	s3 =	sld [smem:$0x3FDB];
	s0 =	simm.s32 @p2 $0x1  }
0x17: {  	s4 =	simm.s32 $0x1BF5;
	[smem:$0x3FB2] =	sst s0  }
0x18: {  	s0 =	sld [smem:$0x3F95];
	_ =	swait.ge [sflag:s4], $0x0  }
0x19: {  	s7 =	sld [smem:$0x3F96]  }
0x1a: {  	s8 =	sadd.s32 $0xFFFFE003, lr  }
0x1b: {  	s9 =	sadd.s32 $0xFFFFFEF7, lr;
	s5 =	simm.s32 $0xFFFFFFFF;
	p2 =	slt.u32 s8, $0xFFFFF086  }
0x1c: {  	p1 =	slt.u32 s9, $0xF7A;
	s5 =	simm.s32 @!p2 $0x0  }
0x1d: {  	s5 =	simm.s32 @p1 $0x1;
	p0 =	seq.s32 s7, s2  }
0x1e: {  	s7 =	smul.u32 @!p0 $0xF7A, s2;
	p2 =	seq.s32 @!p0 s5, $0x0  }
0x1f: {  	s9 =	smul.u32 $0xF7A, s1;
	s8 =	simm.s32 @!p0 $0x1BF5;
	p2 =	por !p2, p0  }
0x20: {  	[sflag:s8] =	ssyncset.s32 @!p0 $0xFFFFF086;
	s6 =	sadd.s32 @!p0 s3, s7;
	s7 =	simm.s32 @!p0 $0x108  }
0x21: {  	s3 =	sadd.s32 s3, s9;
	s6 =	sadd.s32 @!p0 $0x88, s6;
	s7 =	simm.s32 @p2 $0x1082  }
0x22: {  	[simem:s7], [sflag:s8] =	dma.local @!p0 [hbm:s6], $0xF7A  }
0x23: {  	s9 =	sor.u32 $0xD0000000, s2;
	s6 =	simm.s32 $0x108;
	_ =	swait.ge @!p0 [sflag:s8], $0x0  }
0x24: {  	s3 =	sadd.s32 $0x88, s3;
	s6 =	simm.s32 @!p1 $0x1082;
	[sflag:s4] =	ssyncset.s32 $0xFFFFF086  }
0x25: {  	[simem:s6], [sflag:s4] =	dma.local [hbm:s3], $0xF7A  }
0x26: {  	[smem:$0x3F96] =	sst s1;
	(tag) =	ssettag s2;
	_ =	strace s9  }
0x27: {  	s1 =	sld [smem:$0x3FA6]  }
0x28: {  	s2 =	sld [smem:$0x3FA7]  }
0x29: {  	s4 =	sld [smem:$0x3FA9]  }
0x2a: {  	p0 =	seq.s32 s5, $0x0;
	s5 =	sld [smem:$0x3FAA]  }
0x2b: {  	s6 =	sld [smem:$0x3FAB]  }
0x2c: {  	s7 =	sld [smem:$0x3FAC]  }
0x2d: {  	s3 =	simm.s32 $0x108;
	s8 =	sld [smem:$0x3FAD]  }
0x2e: {  	s3 =	simm.s32 @!p0 $0x1082;
	s9 =	sld [smem:$0x3FAE]  }
0x2f: {  	lr =	sadd.s32 s0, s3;
	s0 =	sld [smem:$0x3FA5]  }
0x30: {  	s3 =	sld [smem:$0x3FA8]  }
0x31: {  	[smem:$0x3FB1] =	sst s10  }
0x32: {  	s10 =	sld [smem:$0x3FAF];
	_ =	sdelay $0x3  }
0x33: {  	p0 =	seq.s32 s10, $0x1;
	s10 =	sld [smem:$0x3FB1];
	_ =	sdelay $0x3  }
0x34: {  	[smem:$0x3FB1] =	sst s10  }
0x35: {  	s10 =	sld [smem:$0x3FB0];
	_ =	sdelay $0x3  }
0x36: {  	p1 =	seq.s32 s10, $0x1;
	s10 =	sld [smem:$0x3FB1];
	_ =	sdelay $0x3  }
0x37: {  	[smem:$0x3FB1] =	sst s10  }
0x38: {  	s10 =	sld [smem:$0x3FB2]  }
0x39: {  	_ = 	snop;
	(pc) =	sbr.ind lr, $3  }
0x3a: {  	_ = 	snop  }
0x3b: {  	_ = 	snop  }
0x3c: {  	p2 =	seq.s32 s10, $0x1;
	s10 =	sld [smem:$0x3FB1]  }
0x3d: {  	_ =	shalt  }
0x3e: {  	_ =	shalt  }
0x3f: {  	_ =	shalt  }
0x40: {  	_ =	shalt  }
0x41: {  	_ =	shalt  }
0x42: {  	_ =	shalt  }
0x43: {  	_ =	shalt  }
0x44: {  	_ =	shalt  }
0x45: {  	_ =	shalt  }
0x46: {  	_ =	shalt  }
0x47: {  	_ =	shalt  }
0x48: {  	_ =	shalt  }
0x49: {  	_ =	shalt  }
0x4a: {  	_ =	shalt  }
0x4b: {  	_ =	shalt  }
0x4c: {  	_ =	shalt  }
0x4d: {  	_ =	shalt  }
0x4e: {  	_ =	shalt  }
0x4f: {  	_ =	shalt  }
0x50: {  	_ =	shalt  }
0x51: {  	_ =	shalt  }
0x52: {  	_ =	shalt  }
0x53: {  	_ =	shalt  }
0x54: {  	_ =	shalt  }
0x55: {  	_ =	shalt  }
0x56: {  	_ =	shalt  }
0x57: {  	_ =	shalt  }
0x58: {  	_ =	shalt  }
0x59: {  	_ =	shalt  }
0x5a: {  	_ =	shalt  }
0x5b: {  	_ =	shalt  }
0x5c: {  	_ =	shalt  }
0x5d: {  	_ =	shalt  }
0x5e: {  	_ =	shalt  }
0x5f: {  	_ =	shalt  }
0x60: {  	_ =	shalt  }
0x61: {  	_ =	shalt  }
0x62: {  	_ =	shalt  }
0x63: {  	_ =	shalt  }
0x64: {  	_ =	shalt  }
0x65: {  	_ =	shalt  }
0x66: {  	_ =	shalt  }
0x67: {  	_ =	shalt  }
0x68: {  	_ =	shalt  }
0x69: {  	_ =	shalt  }
0x6a: {  	_ =	shalt  }
0x6b: {  	_ =	shalt  }
0x6c: {  	_ =	shalt  }
0x6d: {  	_ =	shalt  }
0x6e: {  	_ =	shalt  }
0x6f: {  	_ =	shalt  }
0x70: {  	_ =	shalt  }
0x71: {  	_ =	shalt  }
0x72: {  	_ =	shalt  }
0x73: {  	_ =	shalt  }
0x74: {  	_ =	shalt  }
0x75: {  	_ =	shalt  }
0x76: {  	_ =	shalt  }
0x77: {  	_ =	shalt  }
0x78: {  	_ =	shalt  }
0x79: {  	_ =	shalt  }
0x7a: {  	_ =	shalt  }
0x7b: {  	_ =	shalt  }
0x7c: {  	_ =	shalt  }
0x7d: {  	_ =	shalt  }
0x7e: {  	_ =	shalt  }
0x7f: {  	_ =	shalt  }
0x80: {  	_ =	shalt  }
0x81: {  	_ =	shalt  }
0x82: {  	_ =	shalt  }
0x83: {  	_ =	shalt  }
0x84: {  	_ =	shalt  }
0x85: {  	_ =	shalt  }
0x86: {  	_ =	shalt  }
0x87: {  	_ =	shalt  }
.Lfunc_end0:
.L_simem_size_0:
called_computation.1_lowered:
.L_overlay_start_0:
0x88: {  	s2 =	sld [smem:$0x3FD9]  }
0x89: {  	s3 =	sld [smem:$0x3FFE];
	_ =	sdelay $0x1  }
0x8a: {  	s1 =	srdreg.scid  }
0x8b: {  	s0 =	sand.u32 $0x1, s1  }
0x8c: {  	s17 =	sshll.u32 s0, $0xA;
	s2 =	sadd.s32 s3, s2  }
0x8d: {  	s2 =	sadd.s32 s2, s17  }
0x8e: {  	[smem:$0x3FBD] =	sst s2  }
0x8f: {  	_ = 	snop  }
0x90: {  	(tm) =	ssettm $0x1  }
0x91: {  	s18 =	sld [smem:$0x3FFB];
	_ =	sdelay $0x3  }
0x92: {  	_ =	strace s18  }
0x93: {  	s2 =	sld [smem:$0x3FFC];
	_ =	sdelay $0x3  }
0x94: {  	_ =	strace s2  }
0x95: {  	s2 =	sld [smem:$0x3FFD];
	_ =	sdelay $0x3  }
0x96: {  	_ =	strace s2  }
0x97: {  	_ =	strace $0x8FFFFFFF  }
0x98: {  	s19 =	sld [smem:$0x3FDB];
	_ =	sdelay $0x1  }
0x99: {  	s20 =	simm.s32 $_scs_section_size  }
0x9a: {  	s4 =	simm.s32 $_size__tile_overlayer_lowered;
	s5 =	simm.s32 $_tile_overlayer_lowered  }
0x9b: {  	s6 =	simm.s32 $0x1BFF;
	s21 =	sshll.u32 s5, $0x1;
	s3 =	sadd.s32 s20, s19  }
0x9c: {  	s22 =	simm.s32 $0x0;
	s4 =	sshll.u32 s4, $0x1;
	s5 =	sadd.s32 s21, s3  }
0x9d: {  	[timem:s22], [sflag:s6] =	dma.local [hbm:s5], s4  }
0x9e: {  	_ =	swait.ge [sflag:s6], s4  }
0x9f: {  	s4 =	ssub.s32 $0x0, s4;
	[sflag:s6] =	ssyncset.done $0x0  }
0xa0: {  	[sflag:s6] =	ssyncadd.s32 s4;
	_ =	sdelay $0x1  }
0xa1: {  	s23 =	simm.s32 $0x1B8B  }
0xa2: {  	_ =	swait.ge [sflag:s23], $0x1  }
0xa3: {  	[sflag:s23] =	ssyncset.done $0x0  }
0xa4: {  	[sflag:s23] =	ssyncadd.s32 $0xFFFFFFFF  }
0xa5: {  	s4 =	sld [smem:$0x0]  }
0xa6: {  	s5 =	sand.u32 $0xFFFFFFFE, s1  }
0xa7: {  	p0 =	sne.s32 s1, s5  }
0xa8: {  	s5 =	sshll.u32 @p0 s5, $0xE  }
0xa9: {  	s5 =	sadd.s32 @p0 $0x11B8D, s5;
	s6 =	sshll.u32 @p0 s4, $0x11  }
0xaa: {  	s5 =	sor.u32 @p0 s6, s5  }
0xab: {  	[sflag:s5] =	ssyncadd.remote.s32 @p0 $0x1;
	_ =	sdelay $0x1  }
0xac: {  	s5 =	simm.s32 @p0 $0x1B8D  }
0xad: {  	_ =	swait.eq @p0 [sflag:s5], $0x1  }
0xae: {  	[sflag:s5] =	ssyncadd.s32 @p0 $0xFFFFFFFF  }
0xaf: {  	s6 =	sshll.u32 @!p0 s1, $0xE  }
0xb0: {  	s6 =	sor.u32 @!p0 $0x4000, s6;
	s5 =	simm.s32 @!p0 $0x1B8D  }
0xb1: {  	s4 =	sshll.u32 @!p0 s4, $0x11;
	s6 =	sadd.s32 @!p0 $0x11B8D, s6;
	_ =	swait.eq @!p0 [sflag:s5], $0x1  }
0xb2: {  	s4 =	sor.u32 @!p0 s4, s6;
	[sflag:s5] =	ssyncadd.s32 @!p0 $0xFFFFFFFF  }
0xb3: {  	s25 =	simm.s32 $0x1B8E;
	s24 =	sld [smem:$0x3FFE];
	[sflag:s4] =	ssyncadd.remote.s32 @!p0 $0x1  }
0xb4: {  	s26 =	simm.s32 $execute0_lowered;
	[smem:$0x3FD2] =	sst s25  }
0xb5: {  	s5 =	sshll.u32 s26, $0x1;
	_ =	strace $0x80000049;
	[dreg:$0x1] =	wrdreg $0xFFFFFFFF  }
0xb6: {  	s28 =	simm.s32 $_size_execute0_lowered;
	s3 =	sadd.s32 s3, s5;
	[dreg:$0x0] =	wrdreg $0x0  }
0xb7: {  	s5 =	sshll.u32 s28, $0x1;
	[dreg:$0x2] =	wrdreg s3  }
0xb8: {  	[dreg:$0x3] =	wrdreg s5  }
0xb9: {  	[dreg:$0x4] =	wrdreg $0xC0  }
0xba: {  	_ =	task [dreg:s22], $0x5FFFF  }
0xbb: {  	[dreg:$0x1] =	wrdreg $0xFFFFFFFF  }
0xbc: {  	[dreg:$0x0] =	wrdreg $0x60  }
0xbd: {  	[dreg:$0x2] =	wrdreg s24  }
0xbe: {  	[dreg:$0x3] =	wrdreg $0xED000  }
0xbf: {  	[dreg:$0x4] =	wrdreg $0xA  }
0xc0: {  	_ =	task.clear_ibuf [dreg:s22], $0x5FFFF;
	_ =	strace $0x90000049  }
0xc1: {  	s29 =	simm.s32 $0xA;
	_ =	strace $0x8000004B  }
0xc2: {  	_ =	swait.ge [sflag:s29], $0x1  }
0xc3: {  	[sflag:s29] =	ssyncadd.s32 $0xFFFFFFFF  }
0xc4: {  	_ =	strace $0x9000004B  }
0xc5: {  	_ =	sfence  }
0xc6: {  	s30 =	sld [smem:$0x0];
	_ =	sdelay $0x2  }
0xc7: {  	s31 =	sshll.u32 s1, $0xD;
	s1 =	sshrl.u32 s1, $0x2  }
0xc8: {  	s4 =	sand.u32 $0x4000, s31;
	s1 =	sadd.s32 s1, s30  }
0xc9: {  	s0 =	sor.u32 s4, s0;
	s1 =	sshll.u32 s1, $0x11  }
0xca: {  	s0 =	sor.u32 s1, s0  }
0xcb: {  	s0 =	sadd.s32 $0x8F2B, s0  }
0xcc: {  	[sflag:s0] =	ssyncadd.remote.s32 $0x1  }
0xcd: {  	_ =	sfence.sel $0xFFFF  }
0xce: {  	[dreg:$0x0] =	wrdreg $0xFFFFFFFF;
	(pc) =	sbr.abs _section_cstart, $3  }
0xcf: {  	[dreg:$0x1] =	wrdreg $0xFFFFFFFF  }
0xd0: {  	_ =	task.clear_ibuf [dreg:s22], $0x2FFFF;
	_ =	strace $0x9FFFFFFF  }
0xd1: {  	(tm) =	ssettm $0x7FFFFFFF  }
tec
execute0_lowered:
.L_overlay_start_1:
0x0: {  	(tag) =	ssettag $0x1  }
0x1: {  	s0 =	rddreg [dreg:$0x0];
	s1 =	srdreg.scid  }
0x2: {  	s3 =	stileid.u32;
	s2 =	rddreg [dreg:$0x1];
	s5 =	simm.s32 $0x0  }
0x3: {  	s13 =	simm.s32 $0x9;
	s16 =	simm.s32 $0x7D;
	s17 =	simm.s32 $0x5000  }
0x4: {  	s19 =	simm.s32 $0x6F40;
	s21 =	simm.s32 $0x8E80;
	s23 =	simm.s32 $0xADC0  }
0x5: {  	s25 =	simm.s32 $0x1;
	s28 =	simm.s32 $0x3;
	s29 =	simm.s32 $0x4  }
0x6: {  	s30 =	simm.s32 $0x5;
	s31 =	simm.s32 $0x6;
	s26 =	smul.u32 $0x27800, s3  }
0x7: {  	s1 =	sand.u32 $0x1, s1;
	s4 =	sshll.u32 s3, $0x1;
	s11 =	smul.u32 $0x9E00, s3  }
0x8: {  	[smem:$0x7FF] =	sst s5;
	s4 =	sor.u32 s1, s4;
	s6 =	smul.u32 $0x13C00, s1  }
0x9: {  	_ =	strace $0x8000004A;
	s1 =	ssub.s32 $0x2, s1;
	s14 =	smul.u32 $0x500, s4  }
0xa: {  	s4 =	sadd.s32 $0x48A00, s0;
	s7 =	sshrl.u32 s1, $0x1;
	s5 =	sshrl.u32 s26, $0x2  }
0xb: {  	s18 =	sshrl.u32 s11, $0x3;
	s26 =	simm.s32 $0x2;
	s12 =	sadd.s32 s6, s0  }
0xc: {  	s1 =	ssub.s32 s1, s7;
	s9 =	sadd.s32 s5, s2;
	s5 =	sadd.s32 s11, s2  }
0xd: {  	s10 =	sadd.s32 s14, s0;
	s6 =	sadd.s32 $0x2000, s9;
	s7 =	sadd.s32 $0x4000, s9  }
0xe: {  	s8 =	sadd.s32 $0x6000, s9;
	s9 =	sadd.s32 $0x8000, s9;
	s0 =	sadd.s32 $0xD400, s0  }
0xf: {  	s15 =	sadd.s32 $0x5C400, s12;
	s11 =	smax.u32 s1, $0x1;
	s12 =	simm.s32 $0xCD00  }
0x10: {  	s1 =	simm.s32 $0x7;
	s10 =	sadd.s32 $0x3400, s10;
	s14 =	sadd.s32 s14, s0  }
0x11: {  	v0 =	vimm.f32 $0.0e+00;
	s24 =	sadd.s32 s18, s15;
	s0 =	simm.s32 $0x8;
	s15 =	simm.s32 $0x0  }
.LBB2_1:
0x12: {  	s3 =	simm.s32 $0x0  }
0x13: {  	s18 =	sand.u32 $0x7F00, s3  }
0x14: {  	s20 =	sand.u32 $0x30, s3;
	s22 =	sshrl.u32 s18, $0x2  }
0x15: {  	s18 =	simm.s32 $0x40;
	s22 =	sor.u32 s20, s22;
	s20 =	simm.s32 $0x0  }
.LBB2_2:
0x16: {  	p0 =	sne.s32 s18, $0x7FC0  }
0x17: {  	[tilespmem:s22+$0xCD00] =	vst v0;
	s20 =	sadd.s32 $0x10, s20;
	s22 =	smov.u32 s18;
	s18 =	sadd.s32 $0x40, s18  }
.Ltmp0:
0x18: {  	(pc) =	sbr.rel @p0 .LBB2_2-.Ltmp0, $4  }
0x19: {  	_ = 	snop  }
0x1a: {  	s22 =	sand.u32 $0x7F00, s22  }
0x1b: {  	s3 =	sand.u32 $0x30, s20;
	s22 =	sshrl.u32 s22, $0x2  }
0x1c: {  	s22 =	sor.u32 s3, s22  }
0x1d: {  	[tilespmem:s22+$0xCD00] =	vst v0  }
0x1e: {  	[spmem:s5] =	stream.linear.scatter [tilespmem:s12], [sflag:$0x9], $0x2000, $0x38;
	[tilespmem:$0x18B00] =	vst v63  }
0x1f: {  	_ =	swait.ge [sflag:s13], $0x2000  }
0x20: {  	[sflag:s13] =	ssyncset.done $0x0  }
0x21: {  	[sflag:s13] =	ssyncadd.s32 $0xFFFFE000  }
0x22: {  	[spmem:s6] =	stream.linear.scatter [tilespmem:s12], [sflag:$0x9], $0x2000, $0x38;
	[tilespmem:$0x18B00] =	vst v63  }
0x23: {  	_ =	swait.ge [sflag:s13], $0x2000  }
0x24: {  	[sflag:s13] =	ssyncset.done $0x0  }
0x25: {  	[sflag:s13] =	ssyncadd.s32 $0xFFFFE000  }
0x26: {  	[spmem:s7] =	stream.linear.scatter [tilespmem:s12], [sflag:$0x9], $0x2000, $0x38;
	[tilespmem:$0x18B00] =	vst v63  }
0x27: {  	_ =	swait.ge [sflag:s13], $0x2000  }
0x28: {  	[sflag:s13] =	ssyncset.done $0x0  }
0x29: {  	[sflag:s13] =	ssyncadd.s32 $0xFFFFE000  }
0x2a: {  	[spmem:s8] =	stream.linear.scatter [tilespmem:s12], [sflag:$0x9], $0x2000, $0x38;
	[tilespmem:$0x18B00] =	vst v63  }
0x2b: {  	_ =	swait.ge [sflag:s13], $0x2000  }
0x2c: {  	[sflag:s13] =	ssyncset.done $0x0  }
0x2d: {  	[sflag:s13] =	ssyncadd.s32 $0xFFFFE000  }
0x2e: {  	[spmem:s9] =	stream.linear.scatter [tilespmem:s12], [sflag:$0x9], $0x1E00, $0x38;
	[tilespmem:$0x18B00] =	vst v63  }
0x2f: {  	_ =	swait.ge [sflag:s13], $0x1E00  }
0x30: {  	[sflag:s13] =	ssyncset.done $0x0  }
0x31: {  	[sflag:s13] =	ssyncadd.s32 $0xFFFFE200  }
0x32: {  	s3 =	simm.s32 $0x0;
	[bflag:$0x0] =	sbarrier.arrive $0xFFFF  }
0x33: {  	[tilespmem:s3], [sflag:$0x9] =	stream.linear.gather [hbm4b:s10+s3], $0x2800, $0x38;
	[tilespmem:$0x18B00] =	vst v63  }
0x34: {  	_ =	swait.ge [sflag:s13], $0x2800  }
0x35: {  	[sflag:s13] =	ssyncset.done $0x0  }
0x36: {  	s18 =	simm.s32 $0x2800;
	[sflag:s13] =	ssyncadd.s32 $0xFFFFD800  }
0x37: {  	[tilespmem:s18], [sflag:$0x9] =	stream.linear.gather [hbm4b:s14+s3], $0x2800, $0x38;
	[tilespmem:$0x18B00] =	vst v63  }
0x38: {  	_ =	swait.ge [sflag:s13], $0x2800  }
0x39: {  	[sflag:s13] =	ssyncset.done $0x0  }
0x3a: {  	[sflag:s13] =	ssyncadd.s32 $0xFFFFD800  }
0x3b: {  	[tilespmem:s17], [sflag:$0x1] =	stream.indirect.gather [hbm4b:s4+s16], $0x40, s3, s16, $0xb8;
	[tilespmem:$0x18B00] =	vst v63  }
0x3c: {  	s22 =	simm.s32 $0x80  }
0x3d: {  	[tilespmem:s19], [sflag:$0x2] =	stream.indirect.gather [hbm4b:s4+s16], $0x40, s22, s16, $0xb8;
	[tilespmem:$0x18B00] =	vst v63  }
0x3e: {  	s18 =	simm.s32 $0x100  }
0x3f: {  	[tilespmem:s21], [sflag:$0x3] =	stream.indirect.gather [hbm4b:s4+s16], $0x40, s18, s16, $0xb8;
	[tilespmem:$0x18B00] =	vst v63  }
0x40: {  	s20 =	simm.s32 $0x180  }
0x41: {  	[tilespmem:s23], [sflag:$0x4] =	stream.indirect.gather [hbm4b:s4+s16], $0x40, s20, s16, $0xb8;
	[tilespmem:$0x18B00] =	vst v63  }
0x42: {  	_ =	swait.ge [sflag:s25], $0x1F40  }
0x43: {  	[sflag:s25] =	ssyncset.done $0x0  }
0x44: {  	s22 =	simm.s32 $0x2800;
	[sflag:s25] =	ssyncadd.s32 $0xFFFFE0C0  }
0x45: {  	[spmem:s2] =	stream.indirect.scatter.add.f32 [tilespmem:s17], [sflag:$0x5], $0x40, s22, s16, $0xb8;
	[tilespmem:$0x18B00] =	vst v63  }
0x46: {  	_ =	swait.ge [sflag:s26], $0x1F40  }
0x47: {  	[sflag:s26] =	ssyncset.done $0x0  }
0x48: {  	s18 =	simm.s32 $0x2880;
	[sflag:s26] =	ssyncadd.s32 $0xFFFFE0C0  }
0x49: {  	[spmem:s2] =	stream.indirect.scatter.add.f32 [tilespmem:s19], [sflag:$0x6], $0x40, s18, s16, $0xb8;
	[tilespmem:$0x18B00] =	vst v63  }
0x4a: {  	_ =	swait.ge [sflag:s28], $0x1F40  }
0x4b: {  	[sflag:s28] =	ssyncset.done $0x0  }
0x4c: {  	s20 =	simm.s32 $0x2900;
	[sflag:s28] =	ssyncadd.s32 $0xFFFFE0C0  }
0x4d: {  	[spmem:s2] =	stream.indirect.scatter.add.f32 [tilespmem:s21], [sflag:$0x7], $0x40, s20, s16, $0xb8;
	[tilespmem:$0x18B00] =	vst v63  }
0x4e: {  	_ =	swait.ge [sflag:s29], $0x1F40  }
0x4f: {  	[sflag:s29] =	ssyncset.done $0x0  }
0x50: {  	s22 =	simm.s32 $0x2980;
	[sflag:s29] =	ssyncadd.s32 $0xFFFFE0C0  }
0x51: {  	[spmem:s2] =	stream.indirect.scatter.add.f32 [tilespmem:s23], [sflag:$0x8], $0x40, s22, s16, $0xb8;
	[tilespmem:$0x18B00] =	vst v63  }
0x52: {  	_ =	swait.ge [sflag:s30], $0x1F40  }
0x53: {  	[sflag:s30] =	ssyncset.done $0x0  }
0x54: {  	s18 =	simm.s32 $0x200;
	[sflag:s30] =	ssyncadd.s32 $0xFFFFE0C0  }
0x55: {  	[tilespmem:s17], [sflag:$0x1] =	stream.indirect.gather [hbm4b:s4+s16], $0x40, s18, s16, $0xb8;
	[tilespmem:$0x18B00] =	vst v63  }
0x56: {  	_ =	swait.ge [sflag:s31], $0x1F40  }
0x57: {  	[sflag:s31] =	ssyncset.done $0x0  }
0x58: {  	s20 =	simm.s32 $0x280;
	[sflag:s31] =	ssyncadd.s32 $0xFFFFE0C0  }
0x59: {  	[tilespmem:s19], [sflag:$0x2] =	stream.indirect.gather [hbm4b:s4+s16], $0x40, s20, s16, $0xb8;
	[tilespmem:$0x18B00] =	vst v63  }
0x5a: {  	_ =	swait.ge [sflag:s1], $0x1F40  }
0x5b: {  	[sflag:s1] =	ssyncset.done $0x0  }
0x5c: {  	s22 =	simm.s32 $0x300;
	[sflag:s1] =	ssyncadd.s32 $0xFFFFE0C0  }
0x5d: {  	[tilespmem:s21], [sflag:$0x3] =	stream.indirect.gather [hbm4b:s4+s16], $0x40, s22, s16, $0xb8;
	[tilespmem:$0x18B00] =	vst v63  }
0x5e: {  	_ =	swait.ge [sflag:s0], $0x1F40  }
0x5f: {  	[sflag:s0] =	ssyncset.done $0x0  }
0x60: {  	s18 =	simm.s32 $0x800;
	s20 =	simm.s32 $0x380;
	[sflag:s0] =	ssyncadd.s32 $0xFFFFE0C0  }
.LBB2_4:
0x61: {  	[tilespmem:s23], [sflag:$0x4] =	stream.indirect.gather [hbm4b:s4+s16], $0x40, s20, s16, $0xb8;
	[tilespmem:$0x18B00] =	vst v63  }
0x62: {  	s3 =	smov.u32 s18  }
0x63: {  	p0 =	sne.s32 s18, $0x9000;
	s18 =	sadd.s32 $0x800, s18;
	_ =	swait.ge [sflag:s25], $0x1F40  }
0x64: {  	s20 =	sshra.s32 s3, $0x2;
	[sflag:s25] =	ssyncset.done $0x0  }
0x65: {  	s3 =	sadd.s32 $0x2800, s20;
	[sflag:s25] =	ssyncadd.s32 $0xFFFFE0C0  }
0x66: {  	[spmem:s2] =	stream.indirect.scatter.add.f32 [tilespmem:s17], [sflag:$0x5], $0x40, s3, s16, $0xb8;
	[tilespmem:$0x18B00] =	vst v63  }
0x67: {  	_ =	swait.ge [sflag:s26], $0x1F40  }
0x68: {  	[sflag:s26] =	ssyncset.done $0x0  }
0x69: {  	s3 =	sadd.s32 $0x2880, s20;
	[sflag:s26] =	ssyncadd.s32 $0xFFFFE0C0  }
0x6a: {  	[spmem:s2] =	stream.indirect.scatter.add.f32 [tilespmem:s19], [sflag:$0x6], $0x40, s3, s16, $0xb8;
	[tilespmem:$0x18B00] =	vst v63  }
0x6b: {  	_ =	swait.ge [sflag:s28], $0x1F40  }
0x6c: {  	[sflag:s28] =	ssyncset.done $0x0  }
0x6d: {  	s3 =	sadd.s32 $0x2900, s20;
	[sflag:s28] =	ssyncadd.s32 $0xFFFFE0C0  }
0x6e: {  	[spmem:s2] =	stream.indirect.scatter.add.f32 [tilespmem:s21], [sflag:$0x7], $0x40, s3, s16, $0xb8;
	[tilespmem:$0x18B00] =	vst v63  }
0x6f: {  	_ =	swait.ge [sflag:s29], $0x1F40  }
0x70: {  	[sflag:s29] =	ssyncset.done $0x0  }
0x71: {  	s3 =	sadd.s32 $0x2980, s20;
	[sflag:s29] =	ssyncadd.s32 $0xFFFFE0C0  }
0x72: {  	[spmem:s2] =	stream.indirect.scatter.add.f32 [tilespmem:s23], [sflag:$0x8], $0x40, s3, s16, $0xb8;
	[tilespmem:$0x18B00] =	vst v63  }
0x73: {  	_ =	swait.ge [sflag:s30], $0x1F40  }
0x74: {  	[sflag:s30] =	ssyncset.done $0x0  }
0x75: {  	s3 =	sadd.s32 $0x200, s20;
	[sflag:s30] =	ssyncadd.s32 $0xFFFFE0C0  }
0x76: {  	[tilespmem:s17], [sflag:$0x1] =	stream.indirect.gather [hbm4b:s4+s16], $0x40, s3, s16, $0xb8;
	[tilespmem:$0x18B00] =	vst v63  }
0x77: {  	_ =	swait.ge [sflag:s31], $0x1F40  }
0x78: {  	[sflag:s31] =	ssyncset.done $0x0  }
0x79: {  	s3 =	sadd.s32 $0x280, s20;
	[sflag:s31] =	ssyncadd.s32 $0xFFFFE0C0  }
0x7a: {  	[tilespmem:s19], [sflag:$0x2] =	stream.indirect.gather [hbm4b:s4+s16], $0x40, s3, s16, $0xb8;
	[tilespmem:$0x18B00] =	vst v63  }
0x7b: {  	_ =	swait.ge [sflag:s1], $0x1F40  }
0x7c: {  	[sflag:s1] =	ssyncset.done $0x0  }
.Ltmp1:
0x7d: {  	s3 =	sadd.s32 $0x300, s20;
	[sflag:s1] =	ssyncadd.s32 $0xFFFFE0C0;
	(pc) =	sbr.rel @p0 .LBB2_4-.Ltmp1, $4  }
0x7e: {  	[tilespmem:s21], [sflag:$0x3] =	stream.indirect.gather [hbm4b:s4+s16], $0x40, s3, s16, $0xb8;
	[tilespmem:$0x18B00] =	vst v63  }
0x7f: {  	_ =	swait.ge [sflag:s0], $0x1F40  }
0x80: {  	[sflag:s0] =	ssyncset.done $0x0  }
0x81: {  	s20 =	sadd.s32 $0x380, s20;
	[sflag:s0] =	ssyncadd.s32 $0xFFFFE0C0  }
0x82: {  	[tilespmem:s23], [sflag:$0x4] =	stream.indirect.gather [hbm4b:s4+s16], $0x40, s20, s16, $0xb8;
	[tilespmem:$0x18B00] =	vst v63  }
0x83: {  	_ =	swait.ge [sflag:s25], $0x1F40  }
0x84: {  	[sflag:s25] =	ssyncset.done $0x0  }
0x85: {  	s3 =	simm.s32 $0x4E00;
	[sflag:s25] =	ssyncadd.s32 $0xFFFFE0C0  }
0x86: {  	[spmem:s2] =	stream.indirect.scatter.add.f32 [tilespmem:s17], [sflag:$0x5], $0x40, s3, s16, $0xb8;
	[tilespmem:$0x18B00] =	vst v63  }
0x87: {  	_ =	swait.ge [sflag:s26], $0x1F40  }
0x88: {  	[sflag:s26] =	ssyncset.done $0x0  }
0x89: {  	s22 =	simm.s32 $0x4E80;
	[sflag:s26] =	ssyncadd.s32 $0xFFFFE0C0  }
0x8a: {  	[spmem:s2] =	stream.indirect.scatter.add.f32 [tilespmem:s19], [sflag:$0x6], $0x40, s22, s16, $0xb8;
	[tilespmem:$0x18B00] =	vst v63  }
0x8b: {  	_ =	swait.ge [sflag:s28], $0x1F40  }
0x8c: {  	[sflag:s28] =	ssyncset.done $0x0  }
0x8d: {  	s18 =	simm.s32 $0x4F00;
	[sflag:s28] =	ssyncadd.s32 $0xFFFFE0C0  }
0x8e: {  	[spmem:s2] =	stream.indirect.scatter.add.f32 [tilespmem:s21], [sflag:$0x7], $0x40, s18, s16, $0xb8;
	[tilespmem:$0x18B00] =	vst v63  }
0x8f: {  	_ =	swait.ge [sflag:s29], $0x1F40  }
0x90: {  	[sflag:s29] =	ssyncset.done $0x0  }
0x91: {  	s20 =	simm.s32 $0x4F80;
	[sflag:s29] =	ssyncadd.s32 $0xFFFFE0C0  }
0x92: {  	[spmem:s2] =	stream.indirect.scatter.add.f32 [tilespmem:s23], [sflag:$0x8], $0x40, s20, s16, $0xb8;
	[tilespmem:$0x18B00] =	vst v63  }
0x93: {  	_ =	swait.ge [sflag:s30], $0x1F40  }
0x94: {  	[sflag:s30] =	ssyncset.done $0x0  }
0x95: {  	[sflag:s30] =	ssyncadd.s32 $0xFFFFE0C0  }
0x96: {  	_ =	swait.ge [sflag:s31], $0x1F40  }
0x97: {  	[sflag:s31] =	ssyncset.done $0x0  }
0x98: {  	[sflag:s31] =	ssyncadd.s32 $0xFFFFE0C0  }
0x99: {  	_ =	swait.ge [sflag:s1], $0x1F40  }
0x9a: {  	[sflag:s1] =	ssyncset.done $0x0  }
0x9b: {  	[sflag:s1] =	ssyncadd.s32 $0xFFFFE0C0  }
0x9c: {  	s22 =	stileid.u32;
	_ =	swait.ge [sflag:s0], $0x1F40  }
0x9d: {  	s15 =	sadd.s32 $0x1, s15;
	s3 =	sshll.u32 s22, $0x6;
	[sflag:s0] =	ssyncset.done $0x0  }
0x9e: {  	p0 =	sne.s32 s15, s11;
	s3 =	sor.u32 $0x1C09, s3;
	[sflag:s0] =	ssyncadd.s32 $0xFFFFE0C0  }
.Ltmp2:
0x9f: {  	s18 =	sshrl.u32 s5, $0x3;
	[bflag:$0x0] =	sbarrier.arrive $0xFFFF;
	(pc) =	sbr.rel @p0 .LBB2_1-.Ltmp2, $4  }
0xa0: {  	[hbm:s24], [sflag:s3] =	dma.local [spmem:s18], $0x13C0  }
0xa1: {  	_ =	swait.ge [sflag:s13], $0x13C0  }
0xa2: {  	[sflag:s13] =	ssyncset.done $0x0  }
0xa3: {  	[sflag:s13] =	ssyncadd.s32 $0xFFFFEC40  }
0xa4: {  	_ =	sfence.sel $0x180000  }
0xa5: {  	[bflag:$0x0] =	sbarrier.arrive $0xFFFF  }
0xa6: {  	_ =	strace $0x9000004A  }
0xa7: {  	s0 =	stileid.u32;
	[bflag:$0x2] =	sbarrier.arrive $0xFFFF  }
0xa8: {  	p0 =	sne.s32 s0, $0x0;
	s0 =	rddreg [dreg:$0x2]  }
0xa9: {  	s0 =	sadd.s32 @!p0 $0x100000, s0  }
0xaa: {  	[sflag:s0] =	ssyncadd.tile.s32 @!p0 $0x1;
	_ =	shalt  }
.Lfunc_end2:
_tile_overlayer_lowered:
.L_overlay_start_2:
0xab: {  	(tag) =	ssettag $0x2  }
0xac: {  	s0 =	rddreg [dreg:$0x0];
	s2 =	stileid.u32  }
0xad: {  	s1 =	rddreg [dreg:$0x1];
	p0 =	sne.s32 s2, $0x0  }
0xae: {  	s3 =	rddreg [dreg:$0x2];
	[bflag:$0x3] =	sbarrier.arrive $0xFFFF;
	s2 =	simm.s32 @!p0 $0x1C09  }
0xaf: {  	[timem:s3], [sflag:s2] =	dma.local @!p0 [hbm:s0], s1  }
0xb0: {  	s0 =	simm.s32 @!p0 $0x9  }
0xb1: {  	_ =	swait.ge @!p0 [sflag:s0], s1  }
0xb2: {  	s1 =	ssub.s32 @!p0 $0x0, s1;
	[sflag:s0] =	ssyncset.done @!p0 $0x0  }
0xb3: {  	[sflag:s0] =	ssyncadd.s32 @!p0 s1  }
0xb4: {  	[bflag:$0x3] =	sbarrier.arrive $0xFFFF  }
0xb5: {  	_ =	shalt  }

// kernel: kernel.17.cloned.1.call-start
scs
__scs_entry_jumppad:
0x0: {  	(pc) =	sbr.rel $0x88, $3  }
0x1: {  	(tag) =	ssettag $0x0;
	lr =	simm.s32 $0x1  }
0x2: {  	[smem:$0x3F96] =	sst lr;
	_ =	strace $0xD0000000  }
0x3: {  	_ = 	snop  }
0x4: {  	_ = 	snop  }
0x5: {  	_ = 	snop  }
0x6: {  	_ = 	snop  }
0x7: {  	_ = 	snop  }
__scs_overlays_trampoline_lowered:
0x8: {  	[smem:$0x3FA5] =	sst s0  }
0x9: {  	[smem:$0x3FA6] =	sst s1  }
0xa: {  	[smem:$0x3FA7] =	sst s2  }
0xb: {  	[smem:$0x3FA8] =	sst s3  }
0xc: {  	[smem:$0x3FA9] =	sst s4  }
0xd: {  	[smem:$0x3FAA] =	sst s5  }
0xe: {  	[smem:$0x3FAB] =	sst s6  }
0xf: {  	[smem:$0x3FAC] =	sst s7  }
0x10: {  	[smem:$0x3FAD] =	sst s8  }
0x11: {  	[smem:$0x3FAE] =	sst s9;
	s0 =	simm.s32 @!p0 $0x0  }
0x12: {  	s1 =	sld [smem:$0x3F94];
	s0 =	simm.s32 @p0 $0x1  }
0x13: {  	[smem:$0x3FAF] =	sst s0;
	s0 =	simm.s32 @!p1 $0x0  }
0x14: {  	s2 =	sld [smem:$0x3F93];
	s0 =	simm.s32 @p1 $0x1  }
0x15: {  	[smem:$0x3FB0] =	sst s0;
	s0 =	simm.s32 @!p2 $0x0  }
0x16: {  	s3 =	sld [smem:$0x3FDB];
	s0 =	simm.s32 @p2 $0x1  }
0x17: {  	s4 =	simm.s32 $0x1BF5;
	[smem:$0x3FB2] =	sst s0  }
0x18: {  	s0 =	sld [smem:$0x3F95];
	_ =	swait.ge [sflag:s4], $0x0  }
0x19: {  	s7 =	sld [smem:$0x3F96]  }
0x1a: {  	s8 =	sadd.s32 $0xFFFFE003, lr  }
0x1b: {  	s9 =	sadd.s32 $0xFFFFFEF7, lr;
	s5 =	simm.s32 $0xFFFFFFFF;
	p2 =	slt.u32 s8, $0xFFFFF086  }
0x1c: {  	p1 =	slt.u32 s9, $0xF7A;
	s5 =	simm.s32 @!p2 $0x0  }
0x1d: {  	s5 =	simm.s32 @p1 $0x1;
	p0 =	seq.s32 s7, s2  }
0x1e: {  	s7 =	smul.u32 @!p0 $0xF7A, s2;
	p2 =	seq.s32 @!p0 s5, $0x0  }
0x1f: {  	s9 =	smul.u32 $0xF7A, s1;
	s8 =	simm.s32 @!p0 $0x1BF5;
	p2 =	por !p2, p0  }
0x20: {  	[sflag:s8] =	ssyncset.s32 @!p0 $0xFFFFF086;
	s6 =	sadd.s32 @!p0 s3, s7;
	s7 =	simm.s32 @!p0 $0x108  }
0x21: {  	s3 =	sadd.s32 s3, s9;
	s6 =	sadd.s32 @!p0 $0x88, s6;
	s7 =	simm.s32 @p2 $0x1082  }
0x22: {  	[simem:s7], [sflag:s8] =	dma.local @!p0 [hbm:s6], $0xF7A  }
0x23: {  	s9 =	sor.u32 $0xD0000000, s2;
	s6 =	simm.s32 $0x108;
	_ =	swait.ge @!p0 [sflag:s8], $0x0  }
0x24: {  	s3 =	sadd.s32 $0x88, s3;
	s6 =	simm.s32 @!p1 $0x1082;
	[sflag:s4] =	ssyncset.s32 $0xFFFFF086  }
0x25: {  	[simem:s6], [sflag:s4] =	dma.local [hbm:s3], $0xF7A  }
0x26: {  	[smem:$0x3F96] =	sst s1;
	(tag) =	ssettag s2;
	_ =	strace s9  }
0x27: {  	s1 =	sld [smem:$0x3FA6]  }
0x28: {  	s2 =	sld [smem:$0x3FA7]  }
0x29: {  	s4 =	sld [smem:$0x3FA9]  }
0x2a: {  	p0 =	seq.s32 s5, $0x0;
	s5 =	sld [smem:$0x3FAA]  }
0x2b: {  	s6 =	sld [smem:$0x3FAB]  }
0x2c: {  	s7 =	sld [smem:$0x3FAC]  }
0x2d: {  	s3 =	simm.s32 $0x108;
	s8 =	sld [smem:$0x3FAD]  }
0x2e: {  	s3 =	simm.s32 @!p0 $0x1082;
	s9 =	sld [smem:$0x3FAE]  }
0x2f: {  	lr =	sadd.s32 s0, s3;
	s0 =	sld [smem:$0x3FA5]  }
0x30: {  	s3 =	sld [smem:$0x3FA8]  }
0x31: {  	[smem:$0x3FB1] =	sst s10  }
0x32: {  	s10 =	sld [smem:$0x3FAF];
	_ =	sdelay $0x3  }
0x33: {  	p0 =	seq.s32 s10, $0x1;
	s10 =	sld [smem:$0x3FB1];
	_ =	sdelay $0x3  }
0x34: {  	[smem:$0x3FB1] =	sst s10  }
0x35: {  	s10 =	sld [smem:$0x3FB0];
	_ =	sdelay $0x3  }
0x36: {  	p1 =	seq.s32 s10, $0x1;
	s10 =	sld [smem:$0x3FB1];
	_ =	sdelay $0x3  }
0x37: {  	[smem:$0x3FB1] =	sst s10  }
0x38: {  	s10 =	sld [smem:$0x3FB2]  }
0x39: {  	_ = 	snop;
	(pc) =	sbr.ind lr, $3  }
0x3a: {  	_ = 	snop  }
0x3b: {  	_ = 	snop  }
0x3c: {  	p2 =	seq.s32 s10, $0x1;
	s10 =	sld [smem:$0x3FB1]  }
0x3d: {  	_ =	shalt  }
0x3e: {  	_ =	shalt  }
0x3f: {  	_ =	shalt  }
0x40: {  	_ =	shalt  }
0x41: {  	_ =	shalt  }
0x42: {  	_ =	shalt  }
0x43: {  	_ =	shalt  }
0x44: {  	_ =	shalt  }
0x45: {  	_ =	shalt  }
0x46: {  	_ =	shalt  }
0x47: {  	_ =	shalt  }
0x48: {  	_ =	shalt  }
0x49: {  	_ =	shalt  }
0x4a: {  	_ =	shalt  }
0x4b: {  	_ =	shalt  }
0x4c: {  	_ =	shalt  }
0x4d: {  	_ =	shalt  }
0x4e: {  	_ =	shalt  }
0x4f: {  	_ =	shalt  }
0x50: {  	_ =	shalt  }
0x51: {  	_ =	shalt  }
0x52: {  	_ =	shalt  }
0x53: {  	_ =	shalt  }
0x54: {  	_ =	shalt  }
0x55: {  	_ =	shalt  }
0x56: {  	_ =	shalt  }
0x57: {  	_ =	shalt  }
0x58: {  	_ =	shalt  }
0x59: {  	_ =	shalt  }
0x5a: {  	_ =	shalt  }
0x5b: {  	_ =	shalt  }
0x5c: {  	_ =	shalt  }
0x5d: {  	_ =	shalt  }
0x5e: {  	_ =	shalt  }
0x5f: {  	_ =	shalt  }
0x60: {  	_ =	shalt  }
0x61: {  	_ =	shalt  }
0x62: {  	_ =	shalt  }
0x63: {  	_ =	shalt  }
0x64: {  	_ =	shalt  }
0x65: {  	_ =	shalt  }
0x66: {  	_ =	shalt  }
0x67: {  	_ =	shalt  }
0x68: {  	_ =	shalt  }
0x69: {  	_ =	shalt  }
0x6a: {  	_ =	shalt  }
0x6b: {  	_ =	shalt  }
0x6c: {  	_ =	shalt  }
0x6d: {  	_ =	shalt  }
0x6e: {  	_ =	shalt  }
0x6f: {  	_ =	shalt  }
0x70: {  	_ =	shalt  }
0x71: {  	_ =	shalt  }
0x72: {  	_ =	shalt  }
0x73: {  	_ =	shalt  }
0x74: {  	_ =	shalt  }
0x75: {  	_ =	shalt  }
0x76: {  	_ =	shalt  }
0x77: {  	_ =	shalt  }
0x78: {  	_ =	shalt  }
0x79: {  	_ =	shalt  }
0x7a: {  	_ =	shalt  }
0x7b: {  	_ =	shalt  }
0x7c: {  	_ =	shalt  }
0x7d: {  	_ =	shalt  }
0x7e: {  	_ =	shalt  }
0x7f: {  	_ =	shalt  }
0x80: {  	_ =	shalt  }
0x81: {  	_ =	shalt  }
0x82: {  	_ =	shalt  }
0x83: {  	_ =	shalt  }
0x84: {  	_ =	shalt  }
0x85: {  	_ =	shalt  }
0x86: {  	_ =	shalt  }
0x87: {  	_ =	shalt  }
.Lfunc_end0:
.L_simem_size_0:
called_computation.2_lowered:
.L_overlay_start_0:
0x88: {  	s2 =	sld [smem:$0x3FD9]  }
0x89: {  	s3 =	sld [smem:$0x3FFE];
	_ =	sdelay $0x1  }
0x8a: {  	s1 =	srdreg.scid  }
0x8b: {  	s0 =	sand.u32 $0x1, s1  }
0x8c: {  	s17 =	sshll.u32 s0, $0xA;
	s2 =	sadd.s32 s3, s2  }
0x8d: {  	s2 =	sadd.s32 s2, s17  }
0x8e: {  	[smem:$0x3FBD] =	sst s2  }
0x8f: {  	_ = 	snop  }
0x90: {  	s18 =	sld [smem:$0x3FD0];
	(tm) =	ssettm $0x1  }
0x91: {  	s19 =	sld [smem:$0x3FFB];
	_ =	sdelay $0x3  }
0x92: {  	_ =	strace s19  }
0x93: {  	s2 =	sld [smem:$0x3FFC];
	_ =	sdelay $0x3  }
0x94: {  	_ =	strace s2  }
0x95: {  	s2 =	sld [smem:$0x3FFD];
	_ =	sdelay $0x3  }
0x96: {  	_ =	strace s2  }
0x97: {  	_ =	strace $0x8FFFFFFF  }
0x98: {  	s20 =	sld [smem:$0x3FDB];
	_ =	sdelay $0x1  }
0x99: {  	s4 =	simm.s32 $_scs_section_size  }
0x9a: {  	s5 =	simm.s32 $_size__tile_overlayer_lowered;
	s6 =	simm.s32 $_tile_overlayer_lowered  }
0x9b: {  	s7 =	simm.s32 $0x1BFF;
	s21 =	sshll.u32 s6, $0x1;
	s4 =	sadd.s32 s4, s20  }
0x9c: {  	s22 =	simm.s32 $0x0;
	s5 =	sshll.u32 s5, $0x1;
	s6 =	sadd.s32 s21, s4  }
0x9d: {  	[timem:s22], [sflag:s7] =	dma.local [hbm:s6], s5  }
0x9e: {  	_ =	swait.ge [sflag:s7], s5  }
0x9f: {  	s5 =	ssub.s32 $0x0, s5;
	[sflag:s7] =	ssyncset.done $0x0  }
0xa0: {  	[sflag:s7] =	ssyncadd.s32 s5;
	_ =	sdelay $0x1  }
0xa1: {  	s23 =	simm.s32 $0x1B8B  }
0xa2: {  	_ =	swait.ge [sflag:s23], $0x1  }
0xa3: {  	[sflag:s23] =	ssyncset.done $0x0  }
0xa4: {  	[sflag:s23] =	ssyncadd.s32 $0xFFFFFFFF  }
0xa5: {  	s5 =	sld [smem:$0x0]  }
0xa6: {  	s6 =	sand.u32 $0xFFFFFFFE, s1  }
0xa7: {  	p0 =	sne.s32 s1, s6  }
0xa8: {  	s6 =	sshll.u32 @p0 s6, $0xE  }
0xa9: {  	s6 =	sadd.s32 @p0 $0x11B8D, s6;
	s7 =	sshll.u32 @p0 s5, $0x11  }
0xaa: {  	s6 =	sor.u32 @p0 s7, s6  }
0xab: {  	[sflag:s6] =	ssyncadd.remote.s32 @p0 $0x1;
	_ =	sdelay $0x1  }
0xac: {  	s6 =	simm.s32 @p0 $0x1B8D  }
0xad: {  	_ =	swait.eq @p0 [sflag:s6], $0x1  }
0xae: {  	[sflag:s6] =	ssyncadd.s32 @p0 $0xFFFFFFFF  }
0xaf: {  	s7 =	sshll.u32 @!p0 s1, $0xE  }
0xb0: {  	s7 =	sor.u32 @!p0 $0x4000, s7;
	s6 =	simm.s32 @!p0 $0x1B8D  }
0xb1: {  	s5 =	sshll.u32 @!p0 s5, $0x11;
	s7 =	sadd.s32 @!p0 $0x11B8D, s7;
	_ =	swait.eq @!p0 [sflag:s6], $0x1  }
0xb2: {  	s5 =	sor.u32 @!p0 s5, s7;
	[sflag:s6] =	ssyncadd.s32 @!p0 $0xFFFFFFFF  }
0xb3: {  	s25 =	simm.s32 $0x1B8E;
	s24 =	sld [smem:$0x3FFE];
	[sflag:s5] =	ssyncadd.remote.s32 @!p0 $0x1  }
0xb4: {  	s26 =	simm.s32 $execute0_lowered;
	[smem:$0x3FD2] =	sst s25  }
0xb5: {  	s6 =	sshll.u32 s26, $0x1;
	_ =	strace $0x8000004F;
	[dreg:$0x1] =	wrdreg $0xFFFFFFFF  }
0xb6: {  	s28 =	simm.s32 $_size_execute0_lowered;
	s4 =	sadd.s32 s4, s6;
	[dreg:$0x0] =	wrdreg $0x0  }
0xb7: {  	s6 =	sshll.u32 s28, $0x1;
	[dreg:$0x2] =	wrdreg s4  }
0xb8: {  	[dreg:$0x3] =	wrdreg s6  }
0xb9: {  	[dreg:$0x4] =	wrdreg $0xC0  }
0xba: {  	_ =	task [dreg:s22], $0x5FFFF  }
0xbb: {  	[dreg:$0x1] =	wrdreg $0xFFFFFFFF  }
0xbc: {  	[dreg:$0x0] =	wrdreg $0x60  }
0xbd: {  	[dreg:$0x2] =	wrdreg s18  }
0xbe: {  	[dreg:$0x3] =	wrdreg s24  }
0xbf: {  	[dreg:$0x4] =	wrdreg $0xED000  }
0xc0: {  	[dreg:$0x5] =	wrdreg $0x9  }
0xc1: {  	_ =	task.clear_ibuf [dreg:s22], $0x6FFFF;
	_ =	strace $0x9000004F  }
0xc2: {  	s29 =	simm.s32 $0x9;
	_ =	strace $0x80000051  }
0xc3: {  	_ =	swait.ge [sflag:s29], $0x1  }
0xc4: {  	[sflag:s29] =	ssyncadd.s32 $0xFFFFFFFF  }
0xc5: {  	_ =	strace $0x90000051  }
0xc6: {  	_ =	sfence  }
0xc7: {  	s30 =	sld [smem:$0x0];
	_ =	sdelay $0x2  }
0xc8: {  	s31 =	sshll.u32 s1, $0xD;
	s1 =	sshrl.u32 s1, $0x2  }
0xc9: {  	s4 =	sand.u32 $0x4000, s31;
	s1 =	sadd.s32 s1, s30  }
0xca: {  	s0 =	sor.u32 s4, s0;
	s1 =	sshll.u32 s1, $0x11  }
0xcb: {  	s0 =	sor.u32 s1, s0  }
0xcc: {  	s0 =	sadd.s32 $0x8F2B, s0  }
0xcd: {  	[sflag:s0] =	ssyncadd.remote.s32 $0x1  }
0xce: {  	_ =	sfence.sel $0xFFFF  }
0xcf: {  	[dreg:$0x0] =	wrdreg $0xFFFFFFFF;
	(pc) =	sbr.abs _section_cstart, $3  }
0xd0: {  	[dreg:$0x1] =	wrdreg $0xFFFFFFFF  }
0xd1: {  	_ =	task.clear_ibuf [dreg:s22], $0x2FFFF;
	_ =	strace $0x9FFFFFFF  }
0xd2: {  	(tm) =	ssettm $0x7FFFFFFF  }
0xd3: {  	_ =	shalt  }
tec
execute0_lowered:
.L_overlay_start_1:
0x0: {  	(tag) =	ssettag $0x1  }
0x1: {  	s1 =	rddreg [dreg:$0x0]  }
0x2: {  	s0 =	rddreg [dreg:$0x1];
	s2 =	srdreg.scid  }
0x3: {  	s4 =	stileid.u32;
	s3 =	rddreg [dreg:$0x2]  }
0x4: {  	s6 =	simm.s32 $0x0;
	s13 =	simm.s32 $0x9;
	s16 =	simm.s32 $0x7D  }
0x5: {  	s17 =	simm.s32 $0x5000;
	s19 =	simm.s32 $0x6F40;
	s21 =	simm.s32 $0x8E80  }
0x6: {  	s23 =	simm.s32 $0xADC0;
	s28 =	simm.s32 $0x3;
	s29 =	simm.s32 $0x4  }
0x7: {  	s30 =	simm.s32 $0x5;
	s31 =	simm.s32 $0x6;
	s25 =	smul.u32 $0x27800, s4  }
0x8: {  	s2 =	sand.u32 $0x1, s2;
	s5 =	sshll.u32 s4, $0x1;
	s11 =	smul.u32 $0x9E00, s4  }
0x9: {  	[smem:$0x7FF] =	sst s6;
	s5 =	sor.u32 s2, s5;
	s26 =	smul.u32 $0x13C00, s2  }
0xa: {  	_ =	strace $0x80000050;
	s2 =	ssub.s32 $0x2, s2;
	s14 =	smul.u32 $0x500, s5  }
0xb: {  	s7 =	sshrl.u32 s2, $0x1;
	s5 =	sshrl.u32 s25, $0x2;
	s18 =	sshrl.u32 s11, $0x3  }
0xc: {  	s25 =	simm.s32 $0x1;
	s12 =	sadd.s32 s26, s0;
	s2 =	ssub.s32 s2, s7  }
0xd: {  	s9 =	sadd.s32 s5, s3;
	s5 =	sadd.s32 s11, s3;
	s26 =	simm.s32 $0x2  }
0xe: {  	s10 =	sadd.s32 s14, s0;
	s6 =	sadd.s32 $0x2000, s9;
	s7 =	sadd.s32 $0x4000, s9  }
0xf: {  	s8 =	sadd.s32 $0x6000, s9;
	s9 =	sadd.s32 $0x8000, s9;
	s0 =	sadd.s32 $0xD400, s0  }
0x10: {  	s15 =	sadd.s32 $0x52600, s12;
	s11 =	smax.u32 s2, $0x1;
	s12 =	simm.s32 $0xCD00  }
0x11: {  	s2 =	simm.s32 $0x7;
	s10 =	sadd.s32 $0x3400, s10;
	s14 =	sadd.s32 s14, s0  }
0x12: {  	v0 =	vimm.f32 $0.0e+00;
	s24 =	sadd.s32 s18, s15;
	s0 =	simm.s32 $0x8;
	s15 =	simm.s32 $0x0  }
.LBB2_1:
0x13: {  	s4 =	simm.s32 $0x0  }
0x14: {  	s18 =	sand.u32 $0x7F00, s4  }
0x15: {  	s20 =	sand.u32 $0x30, s4;
	s22 =	sshrl.u32 s18, $0x2  }
0x16: {  	s18 =	simm.s32 $0x40;
	s22 =	sor.u32 s20, s22;
	s20 =	simm.s32 $0x0  }
.LBB2_2:
0x17: {  	p0 =	sne.s32 s18, $0x7FC0  }
0x18: {  	[tilespmem:s22+$0xCD00] =	vst v0;
	s20 =	sadd.s32 $0x10, s20;
	s22 =	smov.u32 s18;
	s18 =	sadd.s32 $0x40, s18  }
.Ltmp0:
0x19: {  	(pc) =	sbr.rel @p0 .LBB2_2-.Ltmp0, $4  }
0x1a: {  	_ = 	snop  }
0x1b: {  	s22 =	sand.u32 $0x7F00, s22  }
0x1c: {  	s4 =	sand.u32 $0x30, s20;
	s22 =	sshrl.u32 s22, $0x2  }
0x1d: {  	s22 =	sor.u32 s4, s22  }
0x1e: {  	[tilespmem:s22+$0xCD00] =	vst v0  }
0x1f: {  	[spmem:s5] =	stream.linear.scatter [tilespmem:s12], [sflag:$0x9], $0x2000, $0x38;
	[tilespmem:$0x18B00] =	vst v63  }
0x20: {  	_ =	swait.ge [sflag:s13], $0x2000  }
0x21: {  	[sflag:s13] =	ssyncset.done $0x0  }
0x22: {  	[sflag:s13] =	ssyncadd.s32 $0xFFFFE000  }
0x23: {  	[spmem:s6] =	stream.linear.scatter [tilespmem:s12], [sflag:$0x9], $0x2000, $0x38;
	[tilespmem:$0x18B00] =	vst v63  }
0x24: {  	_ =	swait.ge [sflag:s13], $0x2000  }
0x25: {  	[sflag:s13] =	ssyncset.done $0x0  }
0x26: {  	[sflag:s13] =	ssyncadd.s32 $0xFFFFE000  }
0x27: {  	[spmem:s7] =	stream.linear.scatter [tilespmem:s12], [sflag:$0x9], $0x2000, $0x38;
	[tilespmem:$0x18B00] =	vst v63  }
0x28: {  	_ =	swait.ge [sflag:s13], $0x2000  }
0x29: {  	[sflag:s13] =	ssyncset.done $0x0  }
0x2a: {  	[sflag:s13] =	ssyncadd.s32 $0xFFFFE000  }
0x2b: {  	[spmem:s8] =	stream.linear.scatter [tilespmem:s12], [sflag:$0x9], $0x2000, $0x38;
	[tilespmem:$0x18B00] =	vst v63  }
0x2c: {  	_ =	swait.ge [sflag:s13], $0x2000  }
0x2d: {  	[sflag:s13] =	ssyncset.done $0x0  }
0x2e: {  	[sflag:s13] =	ssyncadd.s32 $0xFFFFE000  }
0x2f: {  	[spmem:s9] =	stream.linear.scatter [tilespmem:s12], [sflag:$0x9], $0x1E00, $0x38;
	[tilespmem:$0x18B00] =	vst v63  }
0x30: {  	_ =	swait.ge [sflag:s13], $0x1E00  }
0x31: {  	[sflag:s13] =	ssyncset.done $0x0  }
0x32: {  	[sflag:s13] =	ssyncadd.s32 $0xFFFFE200  }
0x33: {  	s4 =	simm.s32 $0x0;
	[bflag:$0x0] =	sbarrier.arrive $0xFFFF  }
0x34: {  	[tilespmem:s4], [sflag:$0x9] =	stream.linear.gather [hbm4b:s10+s4], $0x2800, $0x38;
	[tilespmem:$0x18B00] =	vst v63  }
0x35: {  	_ =	swait.ge [sflag:s13], $0x2800  }
0x36: {  	[sflag:s13] =	ssyncset.done $0x0  }
0x37: {  	s18 =	simm.s32 $0x2800;
	[sflag:s13] =	ssyncadd.s32 $0xFFFFD800  }
0x38: {  	[tilespmem:s18], [sflag:$0x9] =	stream.linear.gather [hbm4b:s14+s4], $0x2800, $0x38;
	[tilespmem:$0x18B00] =	vst v63  }
0x39: {  	_ =	swait.ge [sflag:s13], $0x2800  }
0x3a: {  	[sflag:s13] =	ssyncset.done $0x0  }
0x3b: {  	[sflag:s13] =	ssyncadd.s32 $0xFFFFD800  }
0x3c: {  	[tilespmem:s17], [sflag:$0x1] =	stream.indirect.gather [hbm4b:s1+s16], $0x40, s4, s16, $0xb8;
	[tilespmem:$0x18B00] =	vst v63  }
0x3d: {  	s22 =	simm.s32 $0x80  }
0x3e: {  	[tilespmem:s19], [sflag:$0x2] =	stream.indirect.gather [hbm4b:s1+s16], $0x40, s22, s16, $0xb8;
	[tilespmem:$0x18B00] =	vst v63  }
0x3f: {  	s18 =	simm.s32 $0x100  }
0x40: {  	[tilespmem:s21], [sflag:$0x3] =	stream.indirect.gather [hbm4b:s1+s16], $0x40, s18, s16, $0xb8;
	[tilespmem:$0x18B00] =	vst v63  }
0x41: {  	s20 =	simm.s32 $0x180  }
0x42: {  	[tilespmem:s23], [sflag:$0x4] =	stream.indirect.gather [hbm4b:s1+s16], $0x40, s20, s16, $0xb8;
	[tilespmem:$0x18B00] =	vst v63  }
0x43: {  	_ =	swait.ge [sflag:s25], $0x1F40  }
0x44: {  	[sflag:s25] =	ssyncset.done $0x0  }
0x45: {  	s22 =	simm.s32 $0x2800;
	[sflag:s25] =	ssyncadd.s32 $0xFFFFE0C0  }
0x46: {  	[spmem:s3] =	stream.indirect.scatter.add.f32 [tilespmem:s17], [sflag:$0x5], $0x40, s22, s16, $0xb8;
	[tilespmem:$0x18B00] =	vst v63  }
0x47: {  	_ =	swait.ge [sflag:s26], $0x1F40  }
0x48: {  	[sflag:s26] =	ssyncset.done $0x0  }
0x49: {  	s18 =	simm.s32 $0x2880;
	[sflag:s26] =	ssyncadd.s32 $0xFFFFE0C0  }
0x4a: {  	[spmem:s3] =	stream.indirect.scatter.add.f32 [tilespmem:s19], [sflag:$0x6], $0x40, s18, s16, $0xb8;
	[tilespmem:$0x18B00] =	vst v63  }
0x4b: {  	_ =	swait.ge [sflag:s28], $0x1F40  }
0x4c: {  	[sflag:s28] =	ssyncset.done $0x0  }
0x4d: {  	s20 =	simm.s32 $0x2900;
	[sflag:s28] =	ssyncadd.s32 $0xFFFFE0C0  }
0x4e: {  	[spmem:s3] =	stream.indirect.scatter.add.f32 [tilespmem:s21], [sflag:$0x7], $0x40, s20, s16, $0xb8;
	[tilespmem:$0x18B00] =	vst v63  }
0x4f: {  	_ =	swait.ge [sflag:s29], $0x1F40  }
0x50: {  	[sflag:s29] =	ssyncset.done $0x0  }
0x51: {  	s22 =	simm.s32 $0x2980;
	[sflag:s29] =	ssyncadd.s32 $0xFFFFE0C0  }
0x52: {  	[spmem:s3] =	stream.indirect.scatter.add.f32 [tilespmem:s23], [sflag:$0x8], $0x40, s22, s16, $0xb8;
	[tilespmem:$0x18B00] =	vst v63  }
0x53: {  	_ =	swait.ge [sflag:s30], $0x1F40  }
0x54: {  	[sflag:s30] =	ssyncset.done $0x0  }
0x55: {  	s18 =	simm.s32 $0x200;
	[sflag:s30] =	ssyncadd.s32 $0xFFFFE0C0  }
0x56: {  	[tilespmem:s17], [sflag:$0x1] =	stream.indirect.gather [hbm4b:s1+s16], $0x40, s18, s16, $0xb8;
	[tilespmem:$0x18B00] =	vst v63  }
0x57: {  	_ =	swait.ge [sflag:s31], $0x1F40  }
0x58: {  	[sflag:s31] =	ssyncset.done $0x0  }
0x59: {  	s20 =	simm.s32 $0x280;
	[sflag:s31] =	ssyncadd.s32 $0xFFFFE0C0  }
0x5a: {  	[tilespmem:s19], [sflag:$0x2] =	stream.indirect.gather [hbm4b:s1+s16], $0x40, s20, s16, $0xb8;
	[tilespmem:$0x18B00] =	vst v63  }
0x5b: {  	_ =	swait.ge [sflag:s2], $0x1F40  }
0x5c: {  	[sflag:s2] =	ssyncset.done $0x0  }
0x5d: {  	s22 =	simm.s32 $0x300;
	[sflag:s2] =	ssyncadd.s32 $0xFFFFE0C0  }
0x5e: {  	[tilespmem:s21], [sflag:$0x3] =	stream.indirect.gather [hbm4b:s1+s16], $0x40, s22, s16, $0xb8;
	[tilespmem:$0x18B00] =	vst v63  }
0x5f: {  	_ =	swait.ge [sflag:s0], $0x1F40  }
0x60: {  	[sflag:s0] =	ssyncset.done $0x0  }
0x61: {  	s18 =	simm.s32 $0x800;
	s20 =	simm.s32 $0x380;
	[sflag:s0] =	ssyncadd.s32 $0xFFFFE0C0  }
.LBB2_4:
0x62: {  	[tilespmem:s23], [sflag:$0x4] =	stream.indirect.gather [hbm4b:s1+s16], $0x40, s20, s16, $0xb8;
	[tilespmem:$0x18B00] =	vst v63  }
0x63: {  	s4 =	smov.u32 s18  }
0x64: {  	p0 =	sne.s32 s18, $0x9000;
	s18 =	sadd.s32 $0x800, s18;
	_ =	swait.ge [sflag:s25], $0x1F40  }
0x65: {  	s20 =	sshra.s32 s4, $0x2;
	[sflag:s25] =	ssyncset.done $0x0  }
0x66: {  	s4 =	sadd.s32 $0x2800, s20;
	[sflag:s25] =	ssyncadd.s32 $0xFFFFE0C0  }
0x67: {  	[spmem:s3] =	stream.indirect.scatter.add.f32 [tilespmem:s17], [sflag:$0x5], $0x40, s4, s16, $0xb8;
	[tilespmem:$0x18B00] =	vst v63  }
0x68: {  	_ =	swait.ge [sflag:s26], $0x1F40  }
0x69: {  	[sflag:s26] =	ssyncset.done $0x0  }
0x6a: {  	s4 =	sadd.s32 $0x2880, s20;
	[sflag:s26] =	ssyncadd.s32 $0xFFFFE0C0  }
0x6b: {  	[spmem:s3] =	stream.indirect.scatter.add.f32 [tilespmem:s19], [sflag:$0x6], $0x40, s4, s16, $0xb8;
	[tilespmem:$0x18B00] =	vst v63  }
0x6c: {  	_ =	swait.ge [sflag:s28], $0x1F40  }
0x6d: {  	[sflag:s28] =	ssyncset.done $0x0  }
0x6e: {  	s4 =	sadd.s32 $0x2900, s20;
	[sflag:s28] =	ssyncadd.s32 $0xFFFFE0C0  }
0x6f: {  	[spmem:s3] =	stream.indirect.scatter.add.f32 [tilespmem:s21], [sflag:$0x7], $0x40, s4, s16, $0xb8;
	[tilespmem:$0x18B00] =	vst v63  }
0x70: {  	_ =	swait.ge [sflag:s29], $0x1F40  }
0x71: {  	[sflag:s29] =	ssyncset.done $0x0  }
0x72: {  	s4 =	sadd.s32 $0x2980, s20;
	[sflag:s29] =	ssyncadd.s32 $0xFFFFE0C0  }
0x73: {  	[spmem:s3] =	stream.indirect.scatter.add.f32 [tilespmem:s23], [sflag:$0x8], $0x40, s4, s16, $0xb8;
	[tilespmem:$0x18B00] =	vst v63  }
0x74: {  	_ =	swait.ge [sflag:s30], $0x1F40  }
0x75: {  	[sflag:s30] =	ssyncset.done $0x0  }
0x76: {  	s4 =	sadd.s32 $0x200, s20;
	[sflag:s30] =	ssyncadd.s32 $0xFFFFE0C0  }
0x77: {  	[tilespmem:s17], [sflag:$0x1] =	stream.indirect.gather [hbm4b:s1+s16], $0x40, s4, s16, $0xb8;
	[tilespmem:$0x18B00] =	vst v63  }
0x78: {  	_ =	swait.ge [sflag:s31], $0x1F40  }
0x79: {  	[sflag:s31] =	ssyncset.done $0x0  }
0x7a: {  	s4 =	sadd.s32 $0x280, s20;
	[sflag:s31] =	ssyncadd.s32 $0xFFFFE0C0  }
0x7b: {  	[tilespmem:s19], [sflag:$0x2] =	stream.indirect.gather [hbm4b:s1+s16], $0x40, s4, s16, $0xb8;
	[tilespmem:$0x18B00] =	vst v63  }
0x7c: {  	_ =	swait.ge [sflag:s2], $0x1F40  }
0x7d: {  	[sflag:s2] =	ssyncset.done $0x0  }
.Ltmp1:
0x7e: {  	s4 =	sadd.s32 $0x300, s20;
	[sflag:s2] =	ssyncadd.s32 $0xFFFFE0C0;
	(pc) =	sbr.rel @p0 .LBB2_4-.Ltmp1, $4  }
0x7f: {  	[tilespmem:s21], [sflag:$0x3] =	stream.indirect.gather [hbm4b:s1+s16], $0x40, s4, s16, $0xb8;
	[tilespmem:$0x18B00] =	vst v63  }
0x80: {  	_ =	swait.ge [sflag:s0], $0x1F40  }
0x81: {  	[sflag:s0] =	ssyncset.done $0x0  }
0x82: {  	s20 =	sadd.s32 $0x380, s20;
	[sflag:s0] =	ssyncadd.s32 $0xFFFFE0C0  }
0x83: {  	[tilespmem:s23], [sflag:$0x4] =	stream.indirect.gather [hbm4b:s1+s16], $0x40, s20, s16, $0xb8;
	[tilespmem:$0x18B00] =	vst v63  }
0x84: {  	_ =	swait.ge [sflag:s25], $0x1F40  }
0x85: {  	[sflag:s25] =	ssyncset.done $0x0  }
0x86: {  	s4 =	simm.s32 $0x4E00;
	[sflag:s25] =	ssyncadd.s32 $0xFFFFE0C0  }
0x87: {  	[spmem:s3] =	stream.indirect.scatter.add.f32 [tilespmem:s17], [sflag:$0x5], $0x40, s4, s16, $0xb8;
	[tilespmem:$0x18B00] =	vst v63  }
0x88: {  	_ =	swait.ge [sflag:s26], $0x1F40  }
0x89: {  	[sflag:s26] =	ssyncset.done $0x0  }
0x8a: {  	s22 =	simm.s32 $0x4E80;
	[sflag:s26] =	ssyncadd.s32 $0xFFFFE0C0  }
0x8b: {  	[spmem:s3] =	stream.indirect.scatter.add.f32 [tilespmem:s19], [sflag:$0x6], $0x40, s22, s16, $0xb8;
	[tilespmem:$0x18B00] =	vst v63  }
0x8c: {  	_ =	swait.ge [sflag:s28], $0x1F40  }
0x8d: {  	[sflag:s28] =	ssyncset.done $0x0  }
0x8e: {  	s18 =	simm.s32 $0x4F00;
	[sflag:s28] =	ssyncadd.s32 $0xFFFFE0C0  }
0x8f: {  	[spmem:s3] =	stream.indirect.scatter.add.f32 [tilespmem:s21], [sflag:$0x7], $0x40, s18, s16, $0xb8;
	[tilespmem:$0x18B00] =	vst v63  }
0x90: {  	_ =	swait.ge [sflag:s29], $0x1F40  }
0x91: {  	[sflag:s29] =	ssyncset.done $0x0  }
0x92: {  	s20 =	simm.s32 $0x4F80;
	[sflag:s29] =	ssyncadd.s32 $0xFFFFE0C0  }
0x93: {  	[spmem:s3] =	stream.indirect.scatter.add.f32 [tilespmem:s23], [sflag:$0x8], $0x40, s20, s16, $0xb8;
	[tilespmem:$0x18B00] =	vst v63  }
0x94: {  	_ =	swait.ge [sflag:s30], $0x1F40  }
0x95: {  	[sflag:s30] =	ssyncset.done $0x0  }
0x96: {  	[sflag:s30] =	ssyncadd.s32 $0xFFFFE0C0  }
0x97: {  	_ =	swait.ge [sflag:s31], $0x1F40  }
0x98: {  	[sflag:s31] =	ssyncset.done $0x0  }
0x99: {  	[sflag:s31] =	ssyncadd.s32 $0xFFFFE0C0  }
0x9a: {  	_ =	swait.ge [sflag:s2], $0x1F40  }
0x9b: {  	[sflag:s2] =	ssyncset.done $0x0  }
0x9c: {  	[sflag:s2] =	ssyncadd.s32 $0xFFFFE0C0  }
0x9d: {  	s22 =	stileid.u32;
	_ =	swait.ge [sflag:s0], $0x1F40  }
0x9e: {  	s15 =	sadd.s32 $0x1, s15;
	s4 =	sshll.u32 s22, $0x6;
	[sflag:s0] =	ssyncset.done $0x0  }
0x9f: {  	p0 =	sne.s32 s15, s11;
	s4 =	sor.u32 $0x1C09, s4;
	[sflag:s0] =	ssyncadd.s32 $0xFFFFE0C0  }
.Ltmp2:
0xa0: {  	s18 =	sshrl.u32 s5, $0x3;
	[bflag:$0x0] =	sbarrier.arrive $0xFFFF;
	(pc) =	sbr.rel @p0 .LBB2_1-.Ltmp2, $4  }
0xa1: {  	[hbm:s24], [sflag:s4] =	dma.local [spmem:s18], $0x13C0  }
0xa2: {  	_ =	swait.ge [sflag:s13], $0x13C0  }
0xa3: {  	[sflag:s13] =	ssyncset.done $0x0  }
0xa4: {  	[sflag:s13] =	ssyncadd.s32 $0xFFFFEC40  }
0xa5: {  	_ =	sfence.sel $0x180000  }
0xa6: {  	[bflag:$0x0] =	sbarrier.arrive $0xFFFF  }
0xa7: {  	_ =	strace $0x90000050  }
0xa8: {  	s0 =	stileid.u32;
	[bflag:$0x2] =	sbarrier.arrive $0xFFFF  }
0xa9: {  	p0 =	sne.s32 s0, $0x0;
	s0 =	rddreg [dreg:$0x3]  }
0xaa: {  	s0 =	sadd.s32 @!p0 $0x100000, s0  }
0xab: {  	[sflag:s0] =	ssyncadd.tile.s32 @!p0 $0x1;
	_ =	shalt  }
.Lfunc_end2:
_tile_overlayer_lowered:
.L_overlay_start_2:
0xac: {  	(tag) =	ssettag $0x2  }
0xad: {  	s0 =	rddreg [dreg:$0x0];
	s2 =	stileid.u32  }
0xae: {  	s1 =	rddreg [dreg:$0x1];
	p0 =	sne.s32 s2, $0x0  }
0xaf: {  	s3 =	rddreg [dreg:$0x2];
	[bflag:$0x3] =	sbarrier.arrive $0xFFFF;
	s2 =	simm.s32 @!p0 $0x1C09  }
0xb0: {  	[timem:s3], [sflag:s2] =	dma.local @!p0 [hbm:s0], s1  }
0xb1: {  	s0 =	simm.s32 @!p0 $0x9  }
0xb2: {  	_ =	swait.ge @!p0 [sflag:s0], s1  }
0xb3: {  	s1 =	ssub.s32 @!p0 $0x0, s1;
	[sflag:s0] =	ssyncset.done @!p0 $0x0  }
0xb4: {  	[sflag:s0] =	ssyncadd.s32 @!p0 s1  }
0xb5: {  	[bflag:$0x3] =	sbarrier.arrive $0xFFFF  }
0xb6: {  	_ =	shalt  }

// kernel: kernel.20.cloned.1.call-start
scs
__scs_entry_jumppad:
0x0: {  	(pc) =	sbr.rel $0x88, $3  }
0x1: {  	(tag) =	ssettag $0x0;
	lr =	simm.s32 $0x1  }
0x2: {  	[smem:$0x3F96] =	sst lr;
	_ =	strace $0xD0000000  }
0x3: {  	_ = 	snop  }
0x4: {  	_ = 	snop  }
0x5: {  	_ = 	snop  }
0x6: {  	_ = 	snop  }
0x7: {  	_ = 	snop  }
__scs_overlays_trampoline_lowered:
0x8: {  	[smem:$0x3FA5] =	sst s0  }
0x9: {  	[smem:$0x3FA6] =	sst s1  }
0xa: {  	[smem:$0x3FA7] =	sst s2  }
0xb: {  	[smem:$0x3FA8] =	sst s3  }
0xc: {  	[smem:$0x3FA9] =	sst s4  }
0xd: {  	[smem:$0x3FAA] =	sst s5  }
0xe: {  	[smem:$0x3FAB] =	sst s6  }
0xf: {  	[smem:$0x3FAC] =	sst s7  }
0x10: {  	[smem:$0x3FAD] =	sst s8  }
0x11: {  	[smem:$0x3FAE] =	sst s9;
	s0 =	simm.s32 @!p0 $0x0  }
0x12: {  	s1 =	sld [smem:$0x3F94];
	s0 =	simm.s32 @p0 $0x1  }
0x13: {  	[smem:$0x3FAF] =	sst s0;
	s0 =	simm.s32 @!p1 $0x0  }
0x14: {  	s2 =	sld [smem:$0x3F93];
	s0 =	simm.s32 @p1 $0x1  }
0x15: {  	[smem:$0x3FB0] =	sst s0;
	s0 =	simm.s32 @!p2 $0x0  }
0x16: {  	s3 =	sld [smem:$0x3FDB];
	s0 =	simm.s32 @p2 $0x1  }
0x17: {  	s4 =	simm.s32 $0x1BF5;
	[smem:$0x3FB2] =	sst s0  }
0x18: {  	s0 =	sld [smem:$0x3F95];
	_ =	swait.ge [sflag:s4], $0x0  }
0x19: {  	s7 =	sld [smem:$0x3F96]  }
0x1a: {  	s8 =	sadd.s32 $0xFFFFE003, lr  }
0x1b: {  	s9 =	sadd.s32 $0xFFFFFEF7, lr;
	s5 =	simm.s32 $0xFFFFFFFF;
	p2 =	slt.u32 s8, $0xFFFFF086  }
0x1c: {  	p1 =	slt.u32 s9, $0xF7A;
	s5 =	simm.s32 @!p2 $0x0  }
0x1d: {  	s5 =	simm.s32 @p1 $0x1;
	p0 =	seq.s32 s7, s2  }
0x1e: {  	s7 =	smul.u32 @!p0 $0xF7A, s2;
	p2 =	seq.s32 @!p0 s5, $0x0  }
0x1f: {  	s9 =	smul.u32 $0xF7A, s1;
	s8 =	simm.s32 @!p0 $0x1BF5;
	p2 =	por !p2, p0  }
0x20: {  	[sflag:s8] =	ssyncset.s32 @!p0 $0xFFFFF086;
	s6 =	sadd.s32 @!p0 s3, s7;
	s7 =	simm.s32 @!p0 $0x108  }
0x21: {  	s3 =	sadd.s32 s3, s9;
	s6 =	sadd.s32 @!p0 $0x88, s6;
	s7 =	simm.s32 @p2 $0x1082  }
0x22: {  	[simem:s7], [sflag:s8] =	dma.local @!p0 [hbm:s6], $0xF7A  }
0x23: {  	s9 =	sor.u32 $0xD0000000, s2;
	s6 =	simm.s32 $0x108;
	_ =	swait.ge @!p0 [sflag:s8], $0x0  }
0x24: {  	s3 =	sadd.s32 $0x88, s3;
	s6 =	simm.s32 @!p1 $0x1082;
	[sflag:s4] =	ssyncset.s32 $0xFFFFF086  }
0x25: {  	[simem:s6], [sflag:s4] =	dma.local [hbm:s3], $0xF7A  }
0x26: {  	[smem:$0x3F96] =	sst s1;
	(tag) =	ssettag s2;
	_ =	strace s9  }
0x27: {  	s1 =	sld [smem:$0x3FA6]  }
0x28: {  	s2 =	sld [smem:$0x3FA7]  }
0x29: {  	s4 =	sld [smem:$0x3FA9]  }
0x2a: {  	p0 =	seq.s32 s5, $0x0;
	s5 =	sld [smem:$0x3FAA]  }
0x2b: {  	s6 =	sld [smem:$0x3FAB]  }
0x2c: {  	s7 =	sld [smem:$0x3FAC]  }
0x2d: {  	s3 =	simm.s32 $0x108;
	s8 =	sld [smem:$0x3FAD]  }
0x2e: {  	s3 =	simm.s32 @!p0 $0x1082;
	s9 =	sld [smem:$0x3FAE]  }
0x2f: {  	lr =	sadd.s32 s0, s3;
	s0 =	sld [smem:$0x3FA5]  }
0x30: {  	s3 =	sld [smem:$0x3FA8]  }
0x31: {  	[smem:$0x3FB1] =	sst s10  }
0x32: {  	s10 =	sld [smem:$0x3FAF];
	_ =	sdelay $0x3  }
0x33: {  	p0 =	seq.s32 s10, $0x1;
	s10 =	sld [smem:$0x3FB1];
	_ =	sdelay $0x3  }
0x34: {  	[smem:$0x3FB1] =	sst s10  }
0x35: {  	s10 =	sld [smem:$0x3FB0];
	_ =	sdelay $0x3  }
0x36: {  	p1 =	seq.s32 s10, $0x1;
	s10 =	sld [smem:$0x3FB1];
	_ =	sdelay $0x3  }
0x37: {  	[smem:$0x3FB1] =	sst s10  }
0x38: {  	s10 =	sld [smem:$0x3FB2]  }
0x39: {  	_ = 	snop;
	(pc) =	sbr.ind lr, $3  }
0x3a: {  	_ = 	snop  }
0x3b: {  	_ = 	snop  }
0x3c: {  	p2 =	seq.s32 s10, $0x1;
	s10 =	sld [smem:$0x3FB1]  }
0x3d: {  	_ =	shalt  }
0x3e: {  	_ =	shalt  }
0x3f: {  	_ =	shalt  }
0x40: {  	_ =	shalt  }
0x41: {  	_ =	shalt  }
0x42: {  	_ =	shalt  }
0x43: {  	_ =	shalt  }
0x44: {  	_ =	shalt  }
0x45: {  	_ =	shalt  }
0x46: {  	_ =	shalt  }
0x47: {  	_ =	shalt  }
0x48: {  	_ =	shalt  }
0x49: {  	_ =	shalt  }
0x4a: {  	_ =	shalt  }
0x4b: {  	_ =	shalt  }
0x4c: {  	_ =	shalt  }
0x4d: {  	_ =	shalt  }
0x4e: {  	_ =	shalt  }
0x4f: {  	_ =	shalt  }
0x50: {  	_ =	shalt  }
0x51: {  	_ =	shalt  }
0x52: {  	_ =	shalt  }
0x53: {  	_ =	shalt  }
0x54: {  	_ =	shalt  }
0x55: {  	_ =	shalt  }
0x56: {  	_ =	shalt  }
0x57: {  	_ =	shalt  }
0x58: {  	_ =	shalt  }
0x59: {  	_ =	shalt  }
0x5a: {  	_ =	shalt  }
0x5b: {  	_ =	shalt  }
0x5c: {  	_ =	shalt  }
0x5d: {  	_ =	shalt  }
0x5e: {  	_ =	shalt  }
0x5f: {  	_ =	shalt  }
0x60: {  	_ =	shalt  }
0x61: {  	_ =	shalt  }
0x62: {  	_ =	shalt  }
0x63: {  	_ =	shalt  }
0x64: {  	_ =	shalt  }
0x65: {  	_ =	shalt  }
0x66: {  	_ =	shalt  }
0x67: {  	_ =	shalt  }
0x68: {  	_ =	shalt  }
0x69: {  	_ =	shalt  }
0x6a: {  	_ =	shalt  }
0x6b: {  	_ =	shalt  }
0x6c: {  	_ =	shalt  }
0x6d: {  	_ =	shalt  }
0x6e: {  	_ =	shalt  }
0x6f: {  	_ =	shalt  }
0x70: {  	_ =	shalt  }
0x71: {  	_ =	shalt  }
0x72: {  	_ =	shalt  }
0x73: {  	_ =	shalt  }
0x74: {  	_ =	shalt  }
0x75: {  	_ =	shalt  }
0x76: {  	_ =	shalt  }
0x77: {  	_ =	shalt  }
0x78: {  	_ =	shalt  }
0x79: {  	_ =	shalt  }
0x7a: {  	_ =	shalt  }
0x7b: {  	_ =	shalt  }
0x7c: {  	_ =	shalt  }
0x7d: {  	_ =	shalt  }
0x7e: {  	_ =	shalt  }
0x7f: {  	_ =	shalt  }
0x80: {  	_ =	shalt  }
0x81: {  	_ =	shalt  }
0x82: {  	_ =	shalt  }
0x83: {  	_ =	shalt  }
0x84: {  	_ =	shalt  }
0x85: {  	_ =	shalt  }
0x86: {  	_ =	shalt  }
0x87: {  	_ =	shalt  }
.Lfunc_end0:
.L_simem_size_0:
called_computation.3_lowered:
.L_overlay_start_0:
0x88: {  	s2 =	sld [smem:$0x3FD9]  }
0x89: {  	s3 =	sld [smem:$0x3FFE];
	_ =	sdelay $0x1  }
0x8a: {  	s1 =	srdreg.scid  }
0x8b: {  	s0 =	sand.u32 $0x1, s1  }
0x8c: {  	s16 =	sshll.u32 s0, $0xA;
	s2 =	sadd.s32 s3, s2  }
0x8d: {  	s2 =	sadd.s32 s2, s16  }
0x8e: {  	[smem:$0x3FBD] =	sst s2  }
0x8f: {  	_ = 	snop  }
0x90: {  	(tm) =	ssettm $0x1  }
0x91: {  	s17 =	sld [smem:$0x3FFB];
	_ =	sdelay $0x3  }
0x92: {  	_ =	strace s17  }
0x93: {  	s2 =	sld [smem:$0x3FFC];
	_ =	sdelay $0x3  }
0x94: {  	_ =	strace s2  }
0x95: {  	s2 =	sld [smem:$0x3FFD];
	_ =	sdelay $0x3  }
0x96: {  	_ =	strace s2  }
0x97: {  	_ =	strace $0x8FFFFFFF  }
0x98: {  	s18 =	sld [smem:$0x3FDB];
	_ =	sdelay $0x1  }
0x99: {  	s19 =	simm.s32 $_scs_section_size  }
0x9a: {  	s4 =	simm.s32 $_size__tile_overlayer_lowered;
	s5 =	simm.s32 $_tile_overlayer_lowered  }
0x9b: {  	s22 =	simm.s32 $0x1BFF;
	s21 =	sshll.u32 s5, $0x1;
	s2 =	sadd.s32 s19, s18  }
0x9c: {  	s6 =	simm.s32 $0x0;
	s20 =	sshll.u32 s4, $0x1;
	s4 =	sadd.s32 s21, s2  }
0x9d: {  	[timem:s6], [sflag:s22] =	dma.local [hbm:s4], s20  }
0x9e: {  	_ =	swait.ge [sflag:s22], s20  }
0x9f: {  	s3 =	ssub.s32 $0x0, s20;
	[sflag:s22] =	ssyncset.done $0x0  }
0xa0: {  	[sflag:s22] =	ssyncadd.s32 s3;
	_ =	sdelay $0x1  }
0xa1: {  	s23 =	simm.s32 $0x1B8B  }
0xa2: {  	_ =	swait.ge [sflag:s23], $0x1  }
0xa3: {  	[sflag:s23] =	ssyncset.done $0x0  }
0xa4: {  	s25 =	simm.s32 $0x1B8E;
	s24 =	sld [smem:$0x3FFE];
	[sflag:s23] =	ssyncadd.s32 $0xFFFFFFFF  }
0xa5: {  	s26 =	simm.s32 $execute0_lowered;
	[smem:$0x3FD2] =	sst s25  }
0xa6: {  	s4 =	sshll.u32 s26, $0x1;
	_ =	strace $0x8000004C;
	[dreg:$0x1] =	wrdreg $0xFFFFFFFF  }
0xa7: {  	s28 =	simm.s32 $_size_execute0_lowered;
	s2 =	sadd.s32 s2, s4;
	[dreg:$0x0] =	wrdreg $0x0  }
0xa8: {  	s4 =	sshll.u32 s28, $0x1;
	[dreg:$0x2] =	wrdreg s2  }
0xa9: {  	[dreg:$0x3] =	wrdreg s4  }
0xaa: {  	[dreg:$0x4] =	wrdreg $0xC0  }
0xab: {  	_ =	task [dreg:s6], $0x5FFFF  }
0xac: {  	[dreg:$0x1] =	wrdreg $0xFFFFFFFF  }
0xad: {  	[dreg:$0x0] =	wrdreg $0x60  }
0xae: {  	[dreg:$0x2] =	wrdreg s24  }
0xaf: {  	[dreg:$0x3] =	wrdreg $0xED000  }
0xb0: {  	[dreg:$0x4] =	wrdreg $0xA  }
0xb1: {  	_ =	task.clear_ibuf [dreg:s6], $0x5FFFF;
	_ =	strace $0x9000004C  }
0xb2: {  	s29 =	simm.s32 $0xA;
	_ =	strace $0x8000004E  }
0xb3: {  	_ =	swait.ge [sflag:s29], $0x1  }
0xb4: {  	[sflag:s29] =	ssyncadd.s32 $0xFFFFFFFF  }
0xb5: {  	_ =	strace $0x9000004E  }
0xb6: {  	_ =	sfence  }
0xb7: {  	s30 =	sld [smem:$0x0];
	_ =	sdelay $0x2  }
0xb8: {  	s31 =	sshll.u32 s1, $0xD;
	s1 =	sshrl.u32 s1, $0x2  }
0xb9: {  	s3 =	sand.u32 $0x4000, s31;
	s1 =	sadd.s32 s1, s30  }
0xba: {  	s0 =	sor.u32 s3, s0;
	s1 =	sshll.u32 s1, $0x11  }
0xbb: {  	s0 =	sor.u32 s1, s0  }
0xbc: {  	s0 =	sadd.s32 $0x8F2B, s0  }
0xbd: {  	[sflag:s0] =	ssyncadd.remote.s32 $0x1  }
0xbe: {  	_ =	sfence.sel $0xFFFF  }
0xbf: {  	[dreg:$0x0] =	wrdreg $0xFFFFFFFF;
	(pc) =	sbr.abs _section_cstart, $3  }
0xc0: {  	[dreg:$0x1] =	wrdreg $0xFFFFFFFF  }
0xc1: {  	_ =	task.clear_ibuf [dreg:s6], $0x2FFFF;
	_ =	strace $0x9FFFFFFF  }
0xc2: {  	(tm) =	ssettm $0x7FFFFFFF  }
0xc3: {  	_ =	shalt  }
tec
execute0_lowered:
.L_overlay_start_1:
0x0: {  	(tag) =	ssettag $0x1  }
0x1: {  	s0 =	rddreg [dreg:$0x0];
	s1 =	srdreg.scid  }
0x2: {  	s3 =	stileid.u32;
	s2 =	rddreg [dreg:$0x1];
	s5 =	simm.s32 $0x0  }
0x3: {  	s13 =	simm.s32 $0x9;
	s16 =	simm.s32 $0x7D;
	s17 =	simm.s32 $0x5000  }
0x4: {  	s19 =	simm.s32 $0x6F40;
	s21 =	simm.s32 $0x8E80;
	s23 =	simm.s32 $0xADC0  }
0x5: {  	s25 =	simm.s32 $0x1;
	s28 =	simm.s32 $0x3;
	s29 =	simm.s32 $0x4  }
0x6: {  	s30 =	simm.s32 $0x5;
	s31 =	simm.s32 $0x6;
	s26 =	smul.u32 $0x27800, s3  }
0x7: {  	s1 =	sand.u32 $0x1, s1;
	s4 =	sshll.u32 s3, $0x1;
	s11 =	smul.u32 $0x9E00, s3  }
0x8: {  	[smem:$0x7FF] =	sst s5;
	s4 =	sor.u32 s1, s4;
	s6 =	smul.u32 $0x13C00, s1  }
0x9: {  	_ =	strace $0x8000004D;
	s1 =	ssub.s32 $0x2, s1;
	s14 =	smul.u32 $0x500, s4  }
0xa: {  	s4 =	sadd.s32 $0x17400, s0;
	s7 =	sshrl.u32 s1, $0x1;
	s5 =	sshrl.u32 s26, $0x2  }
0xb: {  	s18 =	sshrl.u32 s11, $0x3;
	s26 =	simm.s32 $0x2;
	s12 =	sadd.s32 s6, s0  }
0xc: {  	s1 =	ssub.s32 s1, s7;
	s9 =	sadd.s32 s5, s2;
	s5 =	sadd.s32 s11, s2  }
0xd: {  	s10 =	sadd.s32 s14, s0;
	s6 =	sadd.s32 $0x2000, s9;
	s7 =	sadd.s32 $0x4000, s9  }
0xe: {  	s8 =	sadd.s32 $0x6000, s9;
	s9 =	sadd.s32 $0x8000, s9;
	s0 =	sadd.s32 $0xD400, s0  }
0xf: {  	s15 =	sadd.s32 $0x2AE00, s12;
	s11 =	smax.u32 s1, $0x1;
	s12 =	simm.s32 $0xCD00  }
0x10: {  	s1 =	simm.s32 $0x7;
	s10 =	sadd.s32 $0x3400, s10;
	s14 =	sadd.s32 s14, s0  }
0x11: {  	v0 =	vimm.f32 $0.0e+00;
	s24 =	sadd.s32 s18, s15;
	s0 =	simm.s32 $0x8;
	s15 =	simm.s32 $0x0  }
.LBB2_1:
0x12: {  	s3 =	simm.s32 $0x0  }
0x13: {  	s18 =	sand.u32 $0x7F00, s3  }
0x14: {  	s20 =	sand.u32 $0x30, s3;
	s22 =	sshrl.u32 s18, $0x2  }
0x15: {  	s18 =	simm.s32 $0x40;
	s22 =	sor.u32 s20, s22;
	s20 =	simm.s32 $0x0  }
.LBB2_2:
0x16: {  	p0 =	sne.s32 s18, $0x7FC0  }
0x17: {  	[tilespmem:s22+$0xCD00] =	vst v0;
	s20 =	sadd.s32 $0x10, s20;
	s22 =	smov.u32 s18;
	s18 =	sadd.s32 $0x40, s18  }
.Ltmp0:
0x18: {  	(pc) =	sbr.rel @p0 .LBB2_2-.Ltmp0, $4  }
0x19: {  	_ = 	snop  }
0x1a: {  	s22 =	sand.u32 $0x7F00, s22  }
0x1b: {  	s3 =	sand.u32 $0x30, s20;
	s22 =	sshrl.u32 s22, $0x2  }
0x1c: {  	s22 =	sor.u32 s3, s22  }
0x1d: {  	[tilespmem:s22+$0xCD00] =	vst v0  }
0x1e: {  	[spmem:s5] =	stream.linear.scatter [tilespmem:s12], [sflag:$0x9], $0x2000, $0x38;
	[tilespmem:$0x18B00] =	vst v63  }
0x1f: {  	_ =	swait.ge [sflag:s13], $0x2000  }
0x20: {  	[sflag:s13] =	ssyncset.done $0x0  }
0x21: {  	[sflag:s13] =	ssyncadd.s32 $0xFFFFE000  }
0x22: {  	[spmem:s6] =	stream.linear.scatter [tilespmem:s12], [sflag:$0x9], $0x2000, $0x38;
	[tilespmem:$0x18B00] =	vst v63  }
0x23: {  	_ =	swait.ge [sflag:s13], $0x2000  }
0x24: {  	[sflag:s13] =	ssyncset.done $0x0  }
0x25: {  	[sflag:s13] =	ssyncadd.s32 $0xFFFFE000  }
0x26: {  	[spmem:s7] =	stream.linear.scatter [tilespmem:s12], [sflag:$0x9], $0x2000, $0x38;
	[tilespmem:$0x18B00] =	vst v63  }
0x27: {  	_ =	swait.ge [sflag:s13], $0x2000  }
0x28: {  	[sflag:s13] =	ssyncset.done $0x0  }
0x29: {  	[sflag:s13] =	ssyncadd.s32 $0xFFFFE000  }
0x2a: {  	[spmem:s8] =	stream.linear.scatter [tilespmem:s12], [sflag:$0x9], $0x2000, $0x38;
	[tilespmem:$0x18B00] =	vst v63  }
0x2b: {  	_ =	swait.ge [sflag:s13], $0x2000  }
0x2c: {  	[sflag:s13] =	ssyncset.done $0x0  }
0x2d: {  	[sflag:s13] =	ssyncadd.s32 $0xFFFFE000  }
0x2e: {  	[spmem:s9] =	stream.linear.scatter [tilespmem:s12], [sflag:$0x9], $0x1E00, $0x38;
	[tilespmem:$0x18B00] =	vst v63  }
0x2f: {  	_ =	swait.ge [sflag:s13], $0x1E00  }
0x30: {  	[sflag:s13] =	ssyncset.done $0x0  }
0x31: {  	[sflag:s13] =	ssyncadd.s32 $0xFFFFE200  }
0x32: {  	s3 =	simm.s32 $0x0;
	[bflag:$0x0] =	sbarrier.arrive $0xFFFF  }
0x33: {  	[tilespmem:s3], [sflag:$0x9] =	stream.linear.gather [hbm4b:s10+s3], $0x2800, $0x38;
	[tilespmem:$0x18B00] =	vst v63  }
0x34: {  	_ =	swait.ge [sflag:s13], $0x2800  }
0x35: {  	[sflag:s13] =	ssyncset.done $0x0  }
0x36: {  	s18 =	simm.s32 $0x2800;
	[sflag:s13] =	ssyncadd.s32 $0xFFFFD800  }
0x37: {  	[tilespmem:s18], [sflag:$0x9] =	stream.linear.gather [hbm4b:s14+s3], $0x2800, $0x38;
	[tilespmem:$0x18B00] =	vst v63  }
0x38: {  	_ =	swait.ge [sflag:s13], $0x2800  }
0x39: {  	[sflag:s13] =	ssyncset.done $0x0  }
0x3a: {  	[sflag:s13] =	ssyncadd.s32 $0xFFFFD800  }
0x3b: {  	[tilespmem:s17], [sflag:$0x1] =	stream.indirect.gather [hbm4b:s4+s16], $0x40, s3, s16, $0xb8;
	[tilespmem:$0x18B00] =	vst v63  }
0x3c: {  	s22 =	simm.s32 $0x80  }
0x3d: {  	[tilespmem:s19], [sflag:$0x2] =	stream.indirect.gather [hbm4b:s4+s16], $0x40, s22, s16, $0xb8;
	[tilespmem:$0x18B00] =	vst v63  }
0x3e: {  	s18 =	simm.s32 $0x100  }
0x3f: {  	[tilespmem:s21], [sflag:$0x3] =	stream.indirect.gather [hbm4b:s4+s16], $0x40, s18, s16, $0xb8;
	[tilespmem:$0x18B00] =	vst v63  }
0x40: {  	s20 =	simm.s32 $0x180  }
0x41: {  	[tilespmem:s23], [sflag:$0x4] =	stream.indirect.gather [hbm4b:s4+s16], $0x40, s20, s16, $0xb8;
	[tilespmem:$0x18B00] =	vst v63  }
0x42: {  	_ =	swait.ge [sflag:s25], $0x1F40  }
0x43: {  	[sflag:s25] =	ssyncset.done $0x0  }
0x44: {  	s22 =	simm.s32 $0x2800;
	[sflag:s25] =	ssyncadd.s32 $0xFFFFE0C0  }
0x45: {  	[spmem:s2] =	stream.indirect.scatter.add.f32 [tilespmem:s17], [sflag:$0x5], $0x40, s22, s16, $0xb8;
	[tilespmem:$0x18B00] =	vst v63  }
0x46: {  	_ =	swait.ge [sflag:s26], $0x1F40  }
0x47: {  	[sflag:s26] =	ssyncset.done $0x0  }
0x48: {  	s18 =	simm.s32 $0x2880;
	[sflag:s26] =	ssyncadd.s32 $0xFFFFE0C0  }
0x49: {  	[spmem:s2] =	stream.indirect.scatter.add.f32 [tilespmem:s19], [sflag:$0x6], $0x40, s18, s16, $0xb8;
	[tilespmem:$0x18B00] =	vst v63  }
0x4a: {  	_ =	swait.ge [sflag:s28], $0x1F40  }
0x4b: {  	[sflag:s28] =	ssyncset.done $0x0  }
0x4c: {  	s20 =	simm.s32 $0x2900;
	[sflag:s28] =	ssyncadd.s32 $0xFFFFE0C0  }
0x4d: {  	[spmem:s2] =	stream.indirect.scatter.add.f32 [tilespmem:s21], [sflag:$0x7], $0x40, s20, s16, $0xb8;
	[tilespmem:$0x18B00] =	vst v63  }
0x4e: {  	_ =	swait.ge [sflag:s29], $0x1F40  }
0x4f: {  	[sflag:s29] =	ssyncset.done $0x0  }
0x50: {  	s22 =	simm.s32 $0x2980;
	[sflag:s29] =	ssyncadd.s32 $0xFFFFE0C0  }
0x51: {  	[spmem:s2] =	stream.indirect.scatter.add.f32 [tilespmem:s23], [sflag:$0x8], $0x40, s22, s16, $0xb8;
	[tilespmem:$0x18B00] =	vst v63  }
0x52: {  	_ =	swait.ge [sflag:s30], $0x1F40  }
0x53: {  	[sflag:s30] =	ssyncset.done $0x0  }
0x54: {  	s18 =	simm.s32 $0x200;
	[sflag:s30] =	ssyncadd.s32 $0xFFFFE0C0  }
0x55: {  	[tilespmem:s17], [sflag:$0x1] =	stream.indirect.gather [hbm4b:s4+s16], $0x40, s18, s16, $0xb8;
	[tilespmem:$0x18B00] =	vst v63  }
0x56: {  	_ =	swait.ge [sflag:s31], $0x1F40  }
0x57: {  	[sflag:s31] =	ssyncset.done $0x0  }
0x58: {  	s20 =	simm.s32 $0x280;
	[sflag:s31] =	ssyncadd.s32 $0xFFFFE0C0  }
0x59: {  	[tilespmem:s19], [sflag:$0x2] =	stream.indirect.gather [hbm4b:s4+s16], $0x40, s20, s16, $0xb8;
	[tilespmem:$0x18B00] =	vst v63  }
0x5a: {  	_ =	swait.ge [sflag:s1], $0x1F40  }
0x5b: {  	[sflag:s1] =	ssyncset.done $0x0  }
0x5c: {  	s22 =	simm.s32 $0x300;
	[sflag:s1] =	ssyncadd.s32 $0xFFFFE0C0  }
0x5d: {  	[tilespmem:s21], [sflag:$0x3] =	stream.indirect.gather [hbm4b:s4+s16], $0x40, s22, s16, $0xb8;
	[tilespmem:$0x18B00] =	vst v63  }
0x5e: {  	_ =	swait.ge [sflag:s0], $0x1F40  }
0x5f: {  	[sflag:s0] =	ssyncset.done $0x0  }
0x60: {  	s18 =	simm.s32 $0x800;
	s20 =	simm.s32 $0x380;
	[sflag:s0] =	ssyncadd.s32 $0xFFFFE0C0  }
.LBB2_4:
0x61: {  	[tilespmem:s23], [sflag:$0x4] =	stream.indirect.gather [hbm4b:s4+s16], $0x40, s20, s16, $0xb8;
	[tilespmem:$0x18B00] =	vst v63  }
0x62: {  	s3 =	smov.u32 s18  }
0x63: {  	p0 =	sne.s32 s18, $0x9000;
	s18 =	sadd.s32 $0x800, s18;
	_ =	swait.ge [sflag:s25], $0x1F40  }
0x64: {  	s20 =	sshra.s32 s3, $0x2;
	[sflag:s25] =	ssyncset.done $0x0  }
0x65: {  	s3 =	sadd.s32 $0x2800, s20;
	[sflag:s25] =	ssyncadd.s32 $0xFFFFE0C0  }
0x66: {  	[spmem:s2] =	stream.indirect.scatter.add.f32 [tilespmem:s17], [sflag:$0x5], $0x40, s3, s16, $0xb8;
	[tilespmem:$0x18B00] =	vst v63  }
0x67: {  	_ =	swait.ge [sflag:s26], $0x1F40  }
0x68: {  	[sflag:s26] =	ssyncset.done $0x0  }
0x69: {  	s3 =	sadd.s32 $0x2880, s20;
	[sflag:s26] =	ssyncadd.s32 $0xFFFFE0C0  }
0x6a: {  	[spmem:s2] =	stream.indirect.scatter.add.f32 [tilespmem:s19], [sflag:$0x6], $0x40, s3, s16, $0xb8;
	[tilespmem:$0x18B00] =	vst v63  }
0x6b: {  	_ =	swait.ge [sflag:s28], $0x1F40  }
0x6c: {  	[sflag:s28] =	ssyncset.done $0x0  }
0x6d: {  	s3 =	sadd.s32 $0x2900, s20;
	[sflag:s28] =	ssyncadd.s32 $0xFFFFE0C0  }
0x6e: {  	[spmem:s2] =	stream.indirect.scatter.add.f32 [tilespmem:s21], [sflag:$0x7], $0x40, s3, s16, $0xb8;
	[tilespmem:$0x18B00] =	vst v63  }
0x6f: {  	_ =	swait.ge [sflag:s29], $0x1F40  }
0x70: {  	[sflag:s29] =	ssyncset.done $0x0  }
0x71: {  	s3 =	sadd.s32 $0x2980, s20;
	[sflag:s29] =	ssyncadd.s32 $0xFFFFE0C0  }
0x72: {  	[spmem:s2] =	stream.indirect.scatter.add.f32 [tilespmem:s23], [sflag:$0x8], $0x40, s3, s16, $0xb8;
	[tilespmem:$0x18B00] =	vst v63  }
0x73: {  	_ =	swait.ge [sflag:s30], $0x1F40  }
0x74: {  	[sflag:s30] =	ssyncset.done $0x0  }
0x75: {  	s3 =	sadd.s32 $0x200, s20;
	[sflag:s30] =	ssyncadd.s32 $0xFFFFE0C0  }
0x76: {  	[tilespmem:s17], [sflag:$0x1] =	stream.indirect.gather [hbm4b:s4+s16], $0x40, s3, s16, $0xb8;
	[tilespmem:$0x18B00] =	vst v63  }
0x77: {  	_ =	swait.ge [sflag:s31], $0x1F40  }
0x78: {  	[sflag:s31] =	ssyncset.done $0x0  }
0x79: {  	s3 =	sadd.s32 $0x280, s20;
	[sflag:s31] =	ssyncadd.s32 $0xFFFFE0C0  }
0x7a: {  	[tilespmem:s19], [sflag:$0x2] =	stream.indirect.gather [hbm4b:s4+s16], $0x40, s3, s16, $0xb8;
	[tilespmem:$0x18B00] =	vst v63  }
0x7b: {  	_ =	swait.ge [sflag:s1], $0x1F40  }
0x7c: {  	[sflag:s1] =	ssyncset.done $0x0  }
.Ltmp1:
0x7d: {  	s3 =	sadd.s32 $0x300, s20;
	[sflag:s1] =	ssyncadd.s32 $0xFFFFE0C0;
	(pc) =	sbr.rel @p0 .LBB2_4-.Ltmp1, $4  }
0x7e: {  	[tilespmem:s21], [sflag:$0x3] =	stream.indirect.gather [hbm4b:s4+s16], $0x40, s3, s16, $0xb8;
	[tilespmem:$0x18B00] =	vst v63  }
0x7f: {  	_ =	swait.ge [sflag:s0], $0x1F40  }
0x80: {  	[sflag:s0] =	ssyncset.done $0x0  }
0x81: {  	s20 =	sadd.s32 $0x380, s20;
	[sflag:s0] =	ssyncadd.s32 $0xFFFFE0C0  }
0x82: {  	[tilespmem:s23], [sflag:$0x4] =	stream.indirect.gather [hbm4b:s4+s16], $0x40, s20, s16, $0xb8;
	[tilespmem:$0x18B00] =	vst v63  }
0x83: {  	_ =	swait.ge [sflag:s25], $0x1F40  }
0x84: {  	[sflag:s25] =	ssyncset.done $0x0  }
0x85: {  	s3 =	simm.s32 $0x4E00;
	[sflag:s25] =	ssyncadd.s32 $0xFFFFE0C0  }
0x86: {  	[spmem:s2] =	stream.indirect.scatter.add.f32 [tilespmem:s17], [sflag:$0x5], $0x40, s3, s16, $0xb8;
	[tilespmem:$0x18B00] =	vst v63  }
0x87: {  	_ =	swait.ge [sflag:s26], $0x1F40  }
0x88: {  	[sflag:s26] =	ssyncset.done $0x0  }
0x89: {  	s22 =	simm.s32 $0x4E80;
	[sflag:s26] =	ssyncadd.s32 $0xFFFFE0C0  }
0x8a: {  	[spmem:s2] =	stream.indirect.scatter.add.f32 [tilespmem:s19], [sflag:$0x6], $0x40, s22, s16, $0xb8;
	[tilespmem:$0x18B00] =	vst v63  }
0x8b: {  	_ =	swait.ge [sflag:s28], $0x1F40  }
0x8c: {  	[sflag:s28] =	ssyncset.done $0x0  }
0x8d: {  	s18 =	simm.s32 $0x4F00;
	[sflag:s28] =	ssyncadd.s32 $0xFFFFE0C0  }
0x8e: {  	[spmem:s2] =	stream.indirect.scatter.add.f32 [tilespmem:s21], [sflag:$0x7], $0x40, s18, s16, $0xb8;
	[tilespmem:$0x18B00] =	vst v63  }
0x8f: {  	_ =	swait.ge [sflag:s29], $0x1F40  }
0x90: {  	[sflag:s29] =	ssyncset.done $0x0  }
0x91: {  	s20 =	simm.s32 $0x4F80;
	[sflag:s29] =	ssyncadd.s32 $0xFFFFE0C0  }
0x92: {  	[spmem:s2] =	stream.indirect.scatter.add.f32 [tilespmem:s23], [sflag:$0x8], $0x40, s20, s16, $0xb8;
	[tilespmem:$0x18B00] =	vst v63  }
0x93: {  	_ =	swait.ge [sflag:s30], $0x1F40  }
0x94: {  	[sflag:s30] =	ssyncset.done $0x0  }
0x95: {  	[sflag:s30] =	ssyncadd.s32 $0xFFFFE0C0  }
0x96: {  	_ =	swait.ge [sflag:s31], $0x1F40  }
0x97: {  	[sflag:s31] =	ssyncset.done $0x0  }
0x98: {  	[sflag:s31] =	ssyncadd.s32 $0xFFFFE0C0  }
0x99: {  	_ =	swait.ge [sflag:s1], $0x1F40  }
0x9a: {  	[sflag:s1] =	ssyncset.done $0x0  }
0x9b: {  	[sflag:s1] =	ssyncadd.s32 $0xFFFFE0C0  }
0x9c: {  	s22 =	stileid.u32;
	_ =	swait.ge [sflag:s0], $0x1F40  }
0x9d: {  	s15 =	sadd.s32 $0x1, s15;
	s3 =	sshll.u32 s22, $0x6;
	[sflag:s0] =	ssyncset.done $0x0  }
0x9e: {  	p0 =	sne.s32 s15, s11;
	s3 =	sor.u32 $0x1C09, s3;
	[sflag:s0] =	ssyncadd.s32 $0xFFFFE0C0  }
.Ltmp2:
0x9f: {  	s18 =	sshrl.u32 s5, $0x3;
	[bflag:$0x0] =	sbarrier.arrive $0xFFFF;
	(pc) =	sbr.rel @p0 .LBB2_1-.Ltmp2, $4  }
0xa0: {  	[hbm:s24], [sflag:s3] =	dma.local [spmem:s18], $0x13C0  }
0xa1: {  	_ =	swait.ge [sflag:s13], $0x13C0  }
0xa2: {  	[sflag:s13] =	ssyncset.done $0x0  }
0xa3: {  	[sflag:s13] =	ssyncadd.s32 $0xFFFFEC40  }
0xa4: {  	_ =	sfence.sel $0x180000  }
0xa5: {  	[bflag:$0x0] =	sbarrier.arrive $0xFFFF  }
0xa6: {  	_ =	strace $0x9000004D  }
0xa7: {  	s0 =	stileid.u32;
	[bflag:$0x2] =	sbarrier.arrive $0xFFFF  }
0xa8: {  	p0 =	sne.s32 s0, $0x0;
	s0 =	rddreg [dreg:$0x2]  }
0xa9: {  	s0 =	sadd.s32 @!p0 $0x100000, s0  }
0xaa: {  	[sflag:s0] =	ssyncadd.tile.s32 @!p0 $0x1;
	_ =	shalt  }
.Lfunc_end2:
_tile_overlayer_lowered:
.L_overlay_start_2:
0xab: {  	(tag) =	ssettag $0x2  }
0xac: {  	s0 =	rddreg [dreg:$0x0];
	s2 =	stileid.u32  }
0xad: {  	s1 =	rddreg [dreg:$0x1];
	p0 =	sne.s32 s2, $0x0  }
0xae: {  	s3 =	rddreg [dreg:$0x2];
	[bflag:$0x3] =	sbarrier.arrive $0xFFFF;
	s2 =	simm.s32 @!p0 $0x1C09  }
0xaf: {  	[timem:s3], [sflag:s2] =	dma.local @!p0 [hbm:s0], s1  }
0xb0: {  	s0 =	simm.s32 @!p0 $0x9  }
0xb1: {  	_ =	swait.ge @!p0 [sflag:s0], s1  }
0xb2: {  	s1 =	ssub.s32 @!p0 $0x0, s1;
	[sflag:s0] =	ssyncset.done @!p0 $0x0  }
0xb3: {  	[sflag:s0] =	ssyncadd.s32 @!p0 s1  }
0xb4: {  	[bflag:$0x3] =	sbarrier.arrive $0xFFFF  }
0xb5: {  	_ =	shalt  }

// kernel: kernel.23.cloned.1.call-start
scs
__scs_entry_jumppad:
0x0: {  	(pc) =	sbr.rel $0x88, $3  }
0x1: {  	(tag) =	ssettag $0x0;
	lr =	simm.s32 $0x1  }
0x2: {  	[smem:$0x3F96] =	sst lr;
	_ =	strace $0xD0000000  }
0x3: {  	_ = 	snop  }
0x4: {  	_ = 	snop  }
0x5: {  	_ = 	snop  }
0x6: {  	_ = 	snop  }
0x7: {  	_ = 	snop  }
__scs_overlays_trampoline_lowered:
0x8: {  	[smem:$0x3FA5] =	sst s0  }
0x9: {  	[smem:$0x3FA6] =	sst s1  }
0xa: {  	[smem:$0x3FA7] =	sst s2  }
0xb: {  	[smem:$0x3FA8] =	sst s3  }
0xc: {  	[smem:$0x3FA9] =	sst s4  }
0xd: {  	[smem:$0x3FAA] =	sst s5  }
0xe: {  	[smem:$0x3FAB] =	sst s6  }
0xf: {  	[smem:$0x3FAC] =	sst s7  }
0x10: {  	[smem:$0x3FAD] =	sst s8  }
0x11: {  	[smem:$0x3FAE] =	sst s9;
	s0 =	simm.s32 @!p0 $0x0  }
0x12: {  	s1 =	sld [smem:$0x3F94];
	s0 =	simm.s32 @p0 $0x1  }
0x13: {  	[smem:$0x3FAF] =	sst s0;
	s0 =	simm.s32 @!p1 $0x0  }
0x14: {  	s2 =	sld [smem:$0x3F93];
	s0 =	simm.s32 @p1 $0x1  }
0x15: {  	[smem:$0x3FB0] =	sst s0;
	s0 =	simm.s32 @!p2 $0x0  }
0x16: {  	s3 =	sld [smem:$0x3FDB];
	s0 =	simm.s32 @p2 $0x1  }
0x17: {  	s4 =	simm.s32 $0x1BF5;
	[smem:$0x3FB2] =	sst s0  }
0x18: {  	s0 =	sld [smem:$0x3F95];
	_ =	swait.ge [sflag:s4], $0x0  }
0x19: {  	s7 =	sld [smem:$0x3F96]  }
0x1a: {  	s8 =	sadd.s32 $0xFFFFE003, lr  }
0x1b: {  	s9 =	sadd.s32 $0xFFFFFEF7, lr;
	s5 =	simm.s32 $0xFFFFFFFF;
	p2 =	slt.u32 s8, $0xFFFFF086  }
0x1c: {  	p1 =	slt.u32 s9, $0xF7A;
	s5 =	simm.s32 @!p2 $0x0  }
0x1d: {  	s5 =	simm.s32 @p1 $0x1;
	p0 =	seq.s32 s7, s2  }
0x1e: {  	s7 =	smul.u32 @!p0 $0xF7A, s2;
	p2 =	seq.s32 @!p0 s5, $0x0  }
0x1f: {  	s9 =	smul.u32 $0xF7A, s1;
	s8 =	simm.s32 @!p0 $0x1BF5;
	p2 =	por !p2, p0  }
0x20: {  	[sflag:s8] =	ssyncset.s32 @!p0 $0xFFFFF086;
	s6 =	sadd.s32 @!p0 s3, s7;
	s7 =	simm.s32 @!p0 $0x108  }
0x21: {  	s3 =	sadd.s32 s3, s9;
	s6 =	sadd.s32 @!p0 $0x88, s6;
	s7 =	simm.s32 @p2 $0x1082  }
0x22: {  	[simem:s7], [sflag:s8] =	dma.local @!p0 [hbm:s6], $0xF7A  }
0x23: {  	s9 =	sor.u32 $0xD0000000, s2;
	s6 =	simm.s32 $0x108;
	_ =	swait.ge @!p0 [sflag:s8], $0x0  }
0x24: {  	s3 =	sadd.s32 $0x88, s3;
	s6 =	simm.s32 @!p1 $0x1082;
	[sflag:s4] =	ssyncset.s32 $0xFFFFF086  }
0x25: {  	[simem:s6], [sflag:s4] =	dma.local [hbm:s3], $0xF7A  }
0x26: {  	[smem:$0x3F96] =	sst s1;
	(tag) =	ssettag s2;
	_ =	strace s9  }
0x27: {  	s1 =	sld [smem:$0x3FA6]  }
0x28: {  	s2 =	sld [smem:$0x3FA7]  }
0x29: {  	s4 =	sld [smem:$0x3FA9]  }
0x2a: {  	p0 =	seq.s32 s5, $0x0;
	s5 =	sld [smem:$0x3FAA]  }
0x2b: {  	s6 =	sld [smem:$0x3FAB]  }
0x2c: {  	s7 =	sld [smem:$0x3FAC]  }
0x2d: {  	s3 =	simm.s32 $0x108;
	s8 =	sld [smem:$0x3FAD]  }
0x2e: {  	s3 =	simm.s32 @!p0 $0x1082;
	s9 =	sld [smem:$0x3FAE]  }
0x2f: {  	lr =	sadd.s32 s0, s3;
	s0 =	sld [smem:$0x3FA5]  }
0x30: {  	s3 =	sld [smem:$0x3FA8]  }
0x31: {  	[smem:$0x3FB1] =	sst s10  }
0x32: {  	s10 =	sld [smem:$0x3FAF];
	_ =	sdelay $0x3  }
0x33: {  	p0 =	seq.s32 s10, $0x1;
	s10 =	sld [smem:$0x3FB1];
	_ =	sdelay $0x3  }
0x34: {  	[smem:$0x3FB1] =	sst s10  }
0x35: {  	s10 =	sld [smem:$0x3FB0];
	_ =	sdelay $0x3  }
0x36: {  	p1 =	seq.s32 s10, $0x1;
	s10 =	sld [smem:$0x3FB1];
	_ =	sdelay $0x3  }
0x37: {  	[smem:$0x3FB1] =	sst s10  }
0x38: {  	s10 =	sld [smem:$0x3FB2]  }
0x39: {  	_ = 	snop;
	(pc) =	sbr.ind lr, $3  }
0x3a: {  	_ = 	snop  }
0x3b: {  	_ = 	snop  }
0x3c: {  	p2 =	seq.s32 s10, $0x1;
	s10 =	sld [smem:$0x3FB1]  }
0x3d: {  	_ =	shalt  }
0x3e: {  	_ =	shalt  }
0x3f: {  	_ =	shalt  }
0x40: {  	_ =	shalt  }
0x41: {  	_ =	shalt  }
0x42: {  	_ =	shalt  }
0x43: {  	_ =	shalt  }
0x44: {  	_ =	shalt  }
0x45: {  	_ =	shalt  }
0x46: {  	_ =	shalt  }
0x47: {  	_ =	shalt  }
0x48: {  	_ =	shalt  }
0x49: {  	_ =	shalt  }
0x4a: {  	_ =	shalt  }
0x4b: {  	_ =	shalt  }
0x4c: {  	_ =	shalt  }
0x4d: {  	_ =	shalt  }
0x4e: {  	_ =	shalt  }
0x4f: {  	_ =	shalt  }
0x50: {  	_ =	shalt  }
0x51: {  	_ =	shalt  }
0x52: {  	_ =	shalt  }
0x53: {  	_ =	shalt  }
0x54: {  	_ =	shalt  }
0x55: {  	_ =	shalt  }
0x56: {  	_ =	shalt  }
0x57: {  	_ =	shalt  }
0x58: {  	_ =	shalt  }
0x59: {  	_ =	shalt  }
0x5a: {  	_ =	shalt  }
0x5b: {  	_ =	shalt  }
0x5c: {  	_ =	shalt  }
0x5d: {  	_ =	shalt  }
0x5e: {  	_ =	shalt  }
0x5f: {  	_ =	shalt  }
0x60: {  	_ =	shalt  }
0x61: {  	_ =	shalt  }
0x62: {  	_ =	shalt  }
0x63: {  	_ =	shalt  }
0x64: {  	_ =	shalt  }
0x65: {  	_ =	shalt  }
0x66: {  	_ =	shalt  }
0x67: {  	_ =	shalt  }
0x68: {  	_ =	shalt  }
0x69: {  	_ =	shalt  }
0x6a: {  	_ =	shalt  }
0x6b: {  	_ =	shalt  }
0x6c: {  	_ =	shalt  }
0x6d: {  	_ =	shalt  }
0x6e: {  	_ =	shalt  }
0x6f: {  	_ =	shalt  }
0x70: {  	_ =	shalt  }
0x71: {  	_ =	shalt  }
0x72: {  	_ =	shalt  }
0x73: {  	_ =	shalt  }
0x74: {  	_ =	shalt  }
0x75: {  	_ =	shalt  }
0x76: {  	_ =	shalt  }
0x77: {  	_ =	shalt  }
0x78: {  	_ =	shalt  }
0x79: {  	_ =	shalt  }
0x7a: {  	_ =	shalt  }
0x7b: {  	_ =	shalt  }
0x7c: {  	_ =	shalt  }
0x7d: {  	_ =	shalt  }
0x7e: {  	_ =	shalt  }
0x7f: {  	_ =	shalt  }
0x80: {  	_ =	shalt  }
0x81: {  	_ =	shalt  }
0x82: {  	_ =	shalt  }
0x83: {  	_ =	shalt  }
0x84: {  	_ =	shalt  }
0x85: {  	_ =	shalt  }
0x86: {  	_ =	shalt  }
0x87: {  	_ =	shalt  }
.Lfunc_end0:
.L_simem_size_0:
called_computation.4_lowered:
.L_overlay_start_0:
0x88: {  	s2 =	sld [smem:$0x3FD9]  }
0x89: {  	s3 =	sld [smem:$0x3FFE];
	_ =	sdelay $0x1  }
0x8a: {  	s1 =	srdreg.scid  }
0x8b: {  	s0 =	sand.u32 $0x1, s1  }
0x8c: {  	s17 =	sshll.u32 s0, $0xA;
	s2 =	sadd.s32 s3, s2  }
0x8d: {  	s2 =	sadd.s32 s2, s17  }
0x8e: {  	[smem:$0x3FBD] =	sst s2  }
0x8f: {  	_ = 	snop  }
0x90: {  	s2 =	sld [smem:$0x3FD0];
	(tm) =	ssettm $0x1  }
0x91: {  	s18 =	sld [smem:$0x3FFB];
	_ =	sdelay $0x3  }
0x92: {  	_ =	strace s18  }
0x93: {  	s3 =	sld [smem:$0x3FFC];
	_ =	sdelay $0x3  }
0x94: {  	_ =	strace s3  }
0x95: {  	s3 =	sld [smem:$0x3FFD];
	_ =	sdelay $0x3  }
0x96: {  	_ =	strace s3  }
0x97: {  	_ =	strace $0x8FFFFFFF  }
0x98: {  	s19 =	sld [smem:$0x3FDB];
	_ =	sdelay $0x1  }
0x99: {  	s4 =	simm.s32 $_scs_section_size  }
0x9a: {  	s5 =	simm.s32 $_size__tile_overlayer_lowered;
	s6 =	simm.s32 $_tile_overlayer_lowered  }
0x9b: {  	s22 =	simm.s32 $0x1BFF;
	s21 =	sshll.u32 s6, $0x1;
	s3 =	sadd.s32 s4, s19  }
0x9c: {  	s7 =	simm.s32 $0x0;
	s20 =	sshll.u32 s5, $0x1;
	s5 =	sadd.s32 s21, s3  }
0x9d: {  	[timem:s7], [sflag:s22] =	dma.local [hbm:s5], s20  }
0x9e: {  	_ =	swait.ge [sflag:s22], s20  }
0x9f: {  	s4 =	ssub.s32 $0x0, s20;
	[sflag:s22] =	ssyncset.done $0x0  }
0xa0: {  	[sflag:s22] =	ssyncadd.s32 s4;
	_ =	sdelay $0x1  }
0xa1: {  	s23 =	simm.s32 $0x1B8B  }
0xa2: {  	_ =	swait.ge [sflag:s23], $0x1  }
0xa3: {  	[sflag:s23] =	ssyncset.done $0x0  }
0xa4: {  	s25 =	simm.s32 $0x1B8E;
	s24 =	sld [smem:$0x3FFE];
	[sflag:s23] =	ssyncadd.s32 $0xFFFFFFFF  }
0xa5: {  	s26 =	simm.s32 $execute0_lowered;
	[smem:$0x3FD2] =	sst s25  }
0xa6: {  	s5 =	sshll.u32 s26, $0x1;
	_ =	strace $0x80000052;
	[dreg:$0x1] =	wrdreg $0xFFFFFFFF  }
0xa7: {  	s28 =	simm.s32 $_size_execute0_lowered;
	s3 =	sadd.s32 s3, s5;
	[dreg:$0x0] =	wrdreg $0x0  }
0xa8: {  	s5 =	sshll.u32 s28, $0x1;
	[dreg:$0x2] =	wrdreg s3  }
0xa9: {  	[dreg:$0x3] =	wrdreg s5  }
0xaa: {  	[dreg:$0x4] =	wrdreg $0xC0  }
0xab: {  	_ =	task [dreg:s7], $0x5FFFF  }
0xac: {  	[dreg:$0x1] =	wrdreg $0xFFFFFFFF  }
0xad: {  	[dreg:$0x0] =	wrdreg $0x60  }
0xae: {  	[dreg:$0x2] =	wrdreg s2  }
0xaf: {  	[dreg:$0x3] =	wrdreg s24  }
0xb0: {  	[dreg:$0x4] =	wrdreg $0xED000  }
0xb1: {  	[dreg:$0x5] =	wrdreg $0x9  }
0xb2: {  	_ =	task.clear_ibuf [dreg:s7], $0x6FFFF;
	_ =	strace $0x90000052  }
0xb3: {  	s29 =	simm.s32 $0x9;
	_ =	strace $0x80000054  }
0xb4: {  	_ =	swait.ge [sflag:s29], $0x1  }
0xb5: {  	[sflag:s29] =	ssyncadd.s32 $0xFFFFFFFF  }
0xb6: {  	_ =	strace $0x90000054  }
0xb7: {  	_ =	sfence  }
0xb8: {  	s30 =	sld [smem:$0x0];
	_ =	sdelay $0x2  }
0xb9: {  	s31 =	sshll.u32 s1, $0xD;
	s1 =	sshrl.u32 s1, $0x2  }
0xba: {  	s3 =	sand.u32 $0x4000, s31;
	s1 =	sadd.s32 s1, s30  }
0xbb: {  	s0 =	sor.u32 s3, s0;
	s1 =	sshll.u32 s1, $0x11  }
0xbc: {  	s0 =	sor.u32 s1, s0  }
0xbd: {  	s0 =	sadd.s32 $0x8F2B, s0  }
0xbe: {  	[sflag:s0] =	ssyncadd.remote.s32 $0x1  }
0xbf: {  	_ =	sfence.sel $0xFFFF  }
0xc0: {  	[dreg:$0x0] =	wrdreg $0xFFFFFFFF;
	(pc) =	sbr.abs _section_cstart, $3  }
0xc1: {  	[dreg:$0x1] =	wrdreg $0xFFFFFFFF  }
0xc2: {  	_ =	task.clear_ibuf [dreg:s7], $0x2FFFF;
	_ =	strace $0x9FFFFFFF  }
0xc3: {  	(tm) =	ssettm $0x7FFFFFFF  }
tec
execute0_lowered:
.L_overlay_start_1:
0x0: {  	(tag) =	ssettag $0x1  }
0x1: {  	s1 =	rddreg [dreg:$0x0]  }
0x2: {  	s0 =	rddreg [dreg:$0x1];
	s2 =	srdreg.scid  }
0x3: {  	s4 =	stileid.u32;
	s3 =	rddreg [dreg:$0x2]  }
0x4: {  	s6 =	simm.s32 $0x0;
	s13 =	simm.s32 $0x9;
	s16 =	simm.s32 $0x7D  }
0x5: {  	s17 =	simm.s32 $0x5000;
	s19 =	simm.s32 $0x6F40;
	s21 =	simm.s32 $0x8E80  }
0x6: {  	s23 =	simm.s32 $0xADC0;
	s28 =	simm.s32 $0x3;
	s29 =	simm.s32 $0x4  }
0x7: {  	s30 =	simm.s32 $0x5;
	s31 =	simm.s32 $0x6;
	s25 =	smul.u32 $0x27800, s4  }
0x8: {  	s2 =	sand.u32 $0x1, s2;
	s5 =	sshll.u32 s4, $0x1;
	s11 =	smul.u32 $0x9E00, s4  }
0x9: {  	[smem:$0x7FF] =	sst s6;
	s5 =	sor.u32 s2, s5;
	s26 =	smul.u32 $0x13C00, s2  }
0xa: {  	_ =	strace $0x80000053;
	s2 =	ssub.s32 $0x2, s2;
	s14 =	smul.u32 $0x500, s5  }
0xb: {  	s7 =	sshrl.u32 s2, $0x1;
	s5 =	sshrl.u32 s25, $0x2;
	s18 =	sshrl.u32 s11, $0x3  }
0xc: {  	s25 =	simm.s32 $0x1;
	s12 =	sadd.s32 s26, s0;
	s2 =	ssub.s32 s2, s7  }
0xd: {  	s9 =	sadd.s32 s5, s3;
	s5 =	sadd.s32 s11, s3;
	s26 =	simm.s32 $0x2  }
0xe: {  	s10 =	sadd.s32 s14, s0;
	s6 =	sadd.s32 $0x2000, s9;
	s7 =	sadd.s32 $0x4000, s9  }
0xf: {  	s8 =	sadd.s32 $0x6000, s9;
	s9 =	sadd.s32 $0x8000, s9;
	s0 =	sadd.s32 $0xD400, s0  }
0x10: {  	s15 =	sadd.s32 $0x17400, s12;
	s11 =	smax.u32 s2, $0x1;
	s12 =	simm.s32 $0xCD00  }
0x11: {  	s2 =	simm.s32 $0x7;
	s10 =	sadd.s32 $0x3400, s10;
	s14 =	sadd.s32 s14, s0  }
0x12: {  	v0 =	vimm.f32 $0.0e+00;
	s24 =	sadd.s32 s18, s15;
	s0 =	simm.s32 $0x8;
	s15 =	simm.s32 $0x0  }
.LBB2_1:
0x13: {  	s4 =	simm.s32 $0x0  }
0x14: {  	s18 =	sand.u32 $0x7F00, s4  }
0x15: {  	s20 =	sand.u32 $0x30, s4;
	s22 =	sshrl.u32 s18, $0x2  }
0x16: {  	s18 =	simm.s32 $0x40;
	s22 =	sor.u32 s20, s22;
	s20 =	simm.s32 $0x0  }
.LBB2_2:
0x17: {  	p0 =	sne.s32 s18, $0x7FC0  }
0x18: {  	[tilespmem:s22+$0xCD00] =	vst v0;
	s20 =	sadd.s32 $0x10, s20;
	s22 =	smov.u32 s18;
	s18 =	sadd.s32 $0x40, s18  }
.Ltmp0:
0x19: {  	(pc) =	sbr.rel @p0 .LBB2_2-.Ltmp0, $4  }
0x1a: {  	_ = 	snop  }
0x1b: {  	s22 =	sand.u32 $0x7F00, s22  }
0x1c: {  	s4 =	sand.u32 $0x30, s20;
	s22 =	sshrl.u32 s22, $0x2  }
0x1d: {  	s22 =	sor.u32 s4, s22  }
0x1e: {  	[tilespmem:s22+$0xCD00] =	vst v0  }
0x1f: {  	[spmem:s5] =	stream.linear.scatter [tilespmem:s12], [sflag:$0x9], $0x2000, $0x38;
	[tilespmem:$0x18B00] =	vst v63  }
0x20: {  	_ =	swait.ge [sflag:s13], $0x2000  }
0x21: {  	[sflag:s13] =	ssyncset.done $0x0  }
0x22: {  	[sflag:s13] =	ssyncadd.s32 $0xFFFFE000  }
0x23: {  	[spmem:s6] =	stream.linear.scatter [tilespmem:s12], [sflag:$0x9], $0x2000, $0x38;
	[tilespmem:$0x18B00] =	vst v63  }
0x24: {  	_ =	swait.ge [sflag:s13], $0x2000  }
0x25: {  	[sflag:s13] =	ssyncset.done $0x0  }
0x26: {  	[sflag:s13] =	ssyncadd.s32 $0xFFFFE000  }
0x27: {  	[spmem:s7] =	stream.linear.scatter [tilespmem:s12], [sflag:$0x9], $0x2000, $0x38;
	[tilespmem:$0x18B00] =	vst v63  }
0x28: {  	_ =	swait.ge [sflag:s13], $0x2000  }
0x29: {  	[sflag:s13] =	ssyncset.done $0x0  }
0x2a: {  	[sflag:s13] =	ssyncadd.s32 $0xFFFFE000  }
0x2b: {  	[spmem:s8] =	stream.linear.scatter [tilespmem:s12], [sflag:$0x9], $0x2000, $0x38;
	[tilespmem:$0x18B00] =	vst v63  }
0x2c: {  	_ =	swait.ge [sflag:s13], $0x2000  }
0x2d: {  	[sflag:s13] =	ssyncset.done $0x0  }
0x2e: {  	[sflag:s13] =	ssyncadd.s32 $0xFFFFE000  }
0x2f: {  	[spmem:s9] =	stream.linear.scatter [tilespmem:s12], [sflag:$0x9], $0x1E00, $0x38;
	[tilespmem:$0x18B00] =	vst v63  }
0x30: {  	_ =	swait.ge [sflag:s13], $0x1E00  }
0x31: {  	[sflag:s13] =	ssyncset.done $0x0  }
0x32: {  	[sflag:s13] =	ssyncadd.s32 $0xFFFFE200  }
0x33: {  	s4 =	simm.s32 $0x0;
	[bflag:$0x0] =	sbarrier.arrive $0xFFFF  }
0x34: {  	[tilespmem:s4], [sflag:$0x9] =	stream.linear.gather [hbm4b:s10+s4], $0x2800, $0x38;
	[tilespmem:$0x18B00] =	vst v63  }
0x35: {  	_ =	swait.ge [sflag:s13], $0x2800  }
0x36: {  	[sflag:s13] =	ssyncset.done $0x0  }
0x37: {  	s18 =	simm.s32 $0x2800;
	[sflag:s13] =	ssyncadd.s32 $0xFFFFD800  }
0x38: {  	[tilespmem:s18], [sflag:$0x9] =	stream.linear.gather [hbm4b:s14+s4], $0x2800, $0x38;
	[tilespmem:$0x18B00] =	vst v63  }
0x39: {  	_ =	swait.ge [sflag:s13], $0x2800  }
0x3a: {  	[sflag:s13] =	ssyncset.done $0x0  }
0x3b: {  	[sflag:s13] =	ssyncadd.s32 $0xFFFFD800  }
0x3c: {  	[tilespmem:s17], [sflag:$0x1] =	stream.indirect.gather [hbm4b:s1+s16], $0x40, s4, s16, $0xb8;
	[tilespmem:$0x18B00] =	vst v63  }
0x3d: {  	s22 =	simm.s32 $0x80  }
0x3e: {  	[tilespmem:s19], [sflag:$0x2] =	stream.indirect.gather [hbm4b:s1+s16], $0x40, s22, s16, $0xb8;
	[tilespmem:$0x18B00] =	vst v63  }
0x3f: {  	s18 =	simm.s32 $0x100  }
0x40: {  	[tilespmem:s21], [sflag:$0x3] =	stream.indirect.gather [hbm4b:s1+s16], $0x40, s18, s16, $0xb8;
	[tilespmem:$0x18B00] =	vst v63  }
0x41: {  	s20 =	simm.s32 $0x180  }
0x42: {  	[tilespmem:s23], [sflag:$0x4] =	stream.indirect.gather [hbm4b:s1+s16], $0x40, s20, s16, $0xb8;
	[tilespmem:$0x18B00] =	vst v63  }
0x43: {  	_ =	swait.ge [sflag:s25], $0x1F40  }
0x44: {  	[sflag:s25] =	ssyncset.done $0x0  }
0x45: {  	s22 =	simm.s32 $0x2800;
	[sflag:s25] =	ssyncadd.s32 $0xFFFFE0C0  }
0x46: {  	[spmem:s3] =	stream.indirect.scatter.add.f32 [tilespmem:s17], [sflag:$0x5], $0x40, s22, s16, $0xb8;
	[tilespmem:$0x18B00] =	vst v63  }
0x47: {  	_ =	swait.ge [sflag:s26], $0x1F40  }
0x48: {  	[sflag:s26] =	ssyncset.done $0x0  }
0x49: {  	s18 =	simm.s32 $0x2880;
	[sflag:s26] =	ssyncadd.s32 $0xFFFFE0C0  }
0x4a: {  	[spmem:s3] =	stream.indirect.scatter.add.f32 [tilespmem:s19], [sflag:$0x6], $0x40, s18, s16, $0xb8;
	[tilespmem:$0x18B00] =	vst v63  }
0x4b: {  	_ =	swait.ge [sflag:s28], $0x1F40  }
0x4c: {  	[sflag:s28] =	ssyncset.done $0x0  }
0x4d: {  	s20 =	simm.s32 $0x2900;
	[sflag:s28] =	ssyncadd.s32 $0xFFFFE0C0  }
0x4e: {  	[spmem:s3] =	stream.indirect.scatter.add.f32 [tilespmem:s21], [sflag:$0x7], $0x40, s20, s16, $0xb8;
	[tilespmem:$0x18B00] =	vst v63  }
0x4f: {  	_ =	swait.ge [sflag:s29], $0x1F40  }
0x50: {  	[sflag:s29] =	ssyncset.done $0x0  }
0x51: {  	s22 =	simm.s32 $0x2980;
	[sflag:s29] =	ssyncadd.s32 $0xFFFFE0C0  }
0x52: {  	[spmem:s3] =	stream.indirect.scatter.add.f32 [tilespmem:s23], [sflag:$0x8], $0x40, s22, s16, $0xb8;
	[tilespmem:$0x18B00] =	vst v63  }
0x53: {  	_ =	swait.ge [sflag:s30], $0x1F40  }
0x54: {  	[sflag:s30] =	ssyncset.done $0x0  }
0x55: {  	s18 =	simm.s32 $0x200;
	[sflag:s30] =	ssyncadd.s32 $0xFFFFE0C0  }
0x56: {  	[tilespmem:s17], [sflag:$0x1] =	stream.indirect.gather [hbm4b:s1+s16], $0x40, s18, s16, $0xb8;
	[tilespmem:$0x18B00] =	vst v63  }
0x57: {  	_ =	swait.ge [sflag:s31], $0x1F40  }
0x58: {  	[sflag:s31] =	ssyncset.done $0x0  }
0x59: {  	s20 =	simm.s32 $0x280;
	[sflag:s31] =	ssyncadd.s32 $0xFFFFE0C0  }
0x5a: {  	[tilespmem:s19], [sflag:$0x2] =	stream.indirect.gather [hbm4b:s1+s16], $0x40, s20, s16, $0xb8;
	[tilespmem:$0x18B00] =	vst v63  }
0x5b: {  	_ =	swait.ge [sflag:s2], $0x1F40  }
0x5c: {  	[sflag:s2] =	ssyncset.done $0x0  }
0x5d: {  	s22 =	simm.s32 $0x300;
	[sflag:s2] =	ssyncadd.s32 $0xFFFFE0C0  }
0x5e: {  	[tilespmem:s21], [sflag:$0x3] =	stream.indirect.gather [hbm4b:s1+s16], $0x40, s22, s16, $0xb8;
	[tilespmem:$0x18B00] =	vst v63  }
0x5f: {  	_ =	swait.ge [sflag:s0], $0x1F40  }
0x60: {  	[sflag:s0] =	ssyncset.done $0x0  }
0x61: {  	s18 =	simm.s32 $0x800;
	s20 =	simm.s32 $0x380;
	[sflag:s0] =	ssyncadd.s32 $0xFFFFE0C0  }
.LBB2_4:
0x62: {  	[tilespmem:s23], [sflag:$0x4] =	stream.indirect.gather [hbm4b:s1+s16], $0x40, s20, s16, $0xb8;
	[tilespmem:$0x18B00] =	vst v63  }
0x63: {  	s4 =	smov.u32 s18  }
0x64: {  	p0 =	sne.s32 s18, $0x9000;
	s18 =	sadd.s32 $0x800, s18;
	_ =	swait.ge [sflag:s25], $0x1F40  }
0x65: {  	s20 =	sshra.s32 s4, $0x2;
	[sflag:s25] =	ssyncset.done $0x0  }
0x66: {  	s4 =	sadd.s32 $0x2800, s20;
	[sflag:s25] =	ssyncadd.s32 $0xFFFFE0C0  }
0x67: {  	[spmem:s3] =	stream.indirect.scatter.add.f32 [tilespmem:s17], [sflag:$0x5], $0x40, s4, s16, $0xb8;
	[tilespmem:$0x18B00] =	vst v63  }
0x68: {  	_ =	swait.ge [sflag:s26], $0x1F40  }
0x69: {  	[sflag:s26] =	ssyncset.done $0x0  }
0x6a: {  	s4 =	sadd.s32 $0x2880, s20;
	[sflag:s26] =	ssyncadd.s32 $0xFFFFE0C0  }
0x6b: {  	[spmem:s3] =	stream.indirect.scatter.add.f32 [tilespmem:s19], [sflag:$0x6], $0x40, s4, s16, $0xb8;
	[tilespmem:$0x18B00] =	vst v63  }
0x6c: {  	_ =	swait.ge [sflag:s28], $0x1F40  }
0x6d: {  	[sflag:s28] =	ssyncset.done $0x0  }
0x6e: {  	s4 =	sadd.s32 $0x2900, s20;
	[sflag:s28] =	ssyncadd.s32 $0xFFFFE0C0  }
0x6f: {  	[spmem:s3] =	stream.indirect.scatter.add.f32 [tilespmem:s21], [sflag:$0x7], $0x40, s4, s16, $0xb8;
	[tilespmem:$0x18B00] =	vst v63  }
0x70: {  	_ =	swait.ge [sflag:s29], $0x1F40  }
0x71: {  	[sflag:s29] =	ssyncset.done $0x0  }
0x72: {  	s4 =	sadd.s32 $0x2980, s20;
	[sflag:s29] =	ssyncadd.s32 $0xFFFFE0C0  }
0x73: {  	[spmem:s3] =	stream.indirect.scatter.add.f32 [tilespmem:s23], [sflag:$0x8], $0x40, s4, s16, $0xb8;
	[tilespmem:$0x18B00] =	vst v63  }
0x74: {  	_ =	swait.ge [sflag:s30], $0x1F40  }
0x75: {  	[sflag:s30] =	ssyncset.done $0x0  }
0x76: {  	s4 =	sadd.s32 $0x200, s20;
	[sflag:s30] =	ssyncadd.s32 $0xFFFFE0C0  }
0x77: {  	[tilespmem:s17], [sflag:$0x1] =	stream.indirect.gather [hbm4b:s1+s16], $0x40, s4, s16, $0xb8;
	[tilespmem:$0x18B00] =	vst v63  }
0x78: {  	_ =	swait.ge [sflag:s31], $0x1F40  }
0x79: {  	[sflag:s31] =	ssyncset.done $0x0  }
0x7a: {  	s4 =	sadd.s32 $0x280, s20;
	[sflag:s31] =	ssyncadd.s32 $0xFFFFE0C0  }
0x7b: {  	[tilespmem:s19], [sflag:$0x2] =	stream.indirect.gather [hbm4b:s1+s16], $0x40, s4, s16, $0xb8;
	[tilespmem:$0x18B00] =	vst v63  }
0x7c: {  	_ =	swait.ge [sflag:s2], $0x1F40  }
0x7d: {  	[sflag:s2] =	ssyncset.done $0x0  }
.Ltmp1:
0x7e: {  	s4 =	sadd.s32 $0x300, s20;
	[sflag:s2] =	ssyncadd.s32 $0xFFFFE0C0;
	(pc) =	sbr.rel @p0 .LBB2_4-.Ltmp1, $4  }
0x7f: {  	[tilespmem:s21], [sflag:$0x3] =	stream.indirect.gather [hbm4b:s1+s16], $0x40, s4, s16, $0xb8;
	[tilespmem:$0x18B00] =	vst v63  }
0x80: {  	_ =	swait.ge [sflag:s0], $0x1F40  }
0x81: {  	[sflag:s0] =	ssyncset.done $0x0  }
0x82: {  	s20 =	sadd.s32 $0x380, s20;
	[sflag:s0] =	ssyncadd.s32 $0xFFFFE0C0  }
0x83: {  	[tilespmem:s23], [sflag:$0x4] =	stream.indirect.gather [hbm4b:s1+s16], $0x40, s20, s16, $0xb8;
	[tilespmem:$0x18B00] =	vst v63  }
0x84: {  	_ =	swait.ge [sflag:s25], $0x1F40  }
0x85: {  	[sflag:s25] =	ssyncset.done $0x0  }
0x86: {  	s4 =	simm.s32 $0x4E00;
	[sflag:s25] =	ssyncadd.s32 $0xFFFFE0C0  }
0x87: {  	[spmem:s3] =	stream.indirect.scatter.add.f32 [tilespmem:s17], [sflag:$0x5], $0x40, s4, s16, $0xb8;
	[tilespmem:$0x18B00] =	vst v63  }
0x88: {  	_ =	swait.ge [sflag:s26], $0x1F40  }
0x89: {  	[sflag:s26] =	ssyncset.done $0x0  }
0x8a: {  	s22 =	simm.s32 $0x4E80;
	[sflag:s26] =	ssyncadd.s32 $0xFFFFE0C0  }
0x8b: {  	[spmem:s3] =	stream.indirect.scatter.add.f32 [tilespmem:s19], [sflag:$0x6], $0x40, s22, s16, $0xb8;
	[tilespmem:$0x18B00] =	vst v63  }
0x8c: {  	_ =	swait.ge [sflag:s28], $0x1F40  }
0x8d: {  	[sflag:s28] =	ssyncset.done $0x0  }
0x8e: {  	s18 =	simm.s32 $0x4F00;
	[sflag:s28] =	ssyncadd.s32 $0xFFFFE0C0  }
0x8f: {  	[spmem:s3] =	stream.indirect.scatter.add.f32 [tilespmem:s21], [sflag:$0x7], $0x40, s18, s16, $0xb8;
	[tilespmem:$0x18B00] =	vst v63  }
0x90: {  	_ =	swait.ge [sflag:s29], $0x1F40  }
0x91: {  	[sflag:s29] =	ssyncset.done $0x0  }
0x92: {  	s20 =	simm.s32 $0x4F80;
	[sflag:s29] =	ssyncadd.s32 $0xFFFFE0C0  }
0x93: {  	[spmem:s3] =	stream.indirect.scatter.add.f32 [tilespmem:s23], [sflag:$0x8], $0x40, s20, s16, $0xb8;
	[tilespmem:$0x18B00] =	vst v63  }
0x94: {  	_ =	swait.ge [sflag:s30], $0x1F40  }
0x95: {  	[sflag:s30] =	ssyncset.done $0x0  }
0x96: {  	[sflag:s30] =	ssyncadd.s32 $0xFFFFE0C0  }
0x97: {  	_ =	swait.ge [sflag:s31], $0x1F40  }
0x98: {  	[sflag:s31] =	ssyncset.done $0x0  }
0x99: {  	[sflag:s31] =	ssyncadd.s32 $0xFFFFE0C0  }
0x9a: {  	_ =	swait.ge [sflag:s2], $0x1F40  }
0x9b: {  	[sflag:s2] =	ssyncset.done $0x0  }
0x9c: {  	[sflag:s2] =	ssyncadd.s32 $0xFFFFE0C0  }
0x9d: {  	s22 =	stileid.u32;
	_ =	swait.ge [sflag:s0], $0x1F40  }
0x9e: {  	s15 =	sadd.s32 $0x1, s15;
	s4 =	sshll.u32 s22, $0x6;
	[sflag:s0] =	ssyncset.done $0x0  }
0x9f: {  	p0 =	sne.s32 s15, s11;
	s4 =	sor.u32 $0x1C09, s4;
	[sflag:s0] =	ssyncadd.s32 $0xFFFFE0C0  }
.Ltmp2:
0xa0: {  	s18 =	sshrl.u32 s5, $0x3;
	[bflag:$0x0] =	sbarrier.arrive $0xFFFF;
	(pc) =	sbr.rel @p0 .LBB2_1-.Ltmp2, $4  }
0xa1: {  	[hbm:s24], [sflag:s4] =	dma.local [spmem:s18], $0x13C0  }
0xa2: {  	_ =	swait.ge [sflag:s13], $0x13C0  }
0xa3: {  	[sflag:s13] =	ssyncset.done $0x0  }
0xa4: {  	[sflag:s13] =	ssyncadd.s32 $0xFFFFEC40  }
0xa5: {  	_ =	sfence.sel $0x180000  }
0xa6: {  	[bflag:$0x0] =	sbarrier.arrive $0xFFFF  }
0xa7: {  	_ =	strace $0x90000053  }
0xa8: {  	s0 =	stileid.u32;
	[bflag:$0x2] =	sbarrier.arrive $0xFFFF  }
0xa9: {  	p0 =	sne.s32 s0, $0x0;
	s0 =	rddreg [dreg:$0x3]  }
0xaa: {  	s0 =	sadd.s32 @!p0 $0x100000, s0  }
0xab: {  	[sflag:s0] =	ssyncadd.tile.s32 @!p0 $0x1;
	_ =	shalt  }
.Lfunc_end2:
_tile_overlayer_lowered:
.L_overlay_start_2:
0xac: {  	(tag) =	ssettag $0x2  }
0xad: {  	s0 =	rddreg [dreg:$0x0];
	s2 =	stileid.u32  }
0xae: {  	s1 =	rddreg [dreg:$0x1];
	p0 =	sne.s32 s2, $0x0  }
0xaf: {  	s3 =	rddreg [dreg:$0x2];
	[bflag:$0x3] =	sbarrier.arrive $0xFFFF;
	s2 =	simm.s32 @!p0 $0x1C09  }
0xb0: {  	[timem:s3], [sflag:s2] =	dma.local @!p0 [hbm:s0], s1  }
0xb1: {  	s0 =	simm.s32 @!p0 $0x9  }
0xb2: {  	_ =	swait.ge @!p0 [sflag:s0], s1  }
0xb3: {  	s1 =	ssub.s32 @!p0 $0x0, s1;
	[sflag:s0] =	ssyncset.done @!p0 $0x0  }
0xb4: {  	[sflag:s0] =	ssyncadd.s32 @!p0 s1  }
0xb5: {  	[bflag:$0x3] =	sbarrier.arrive $0xFFFF  }
0xb6: {  	_ =	shalt  }

</sc_bundles>
